<compile_context>
chip_gen: v7x
topology: tpu7x:2x2x1
jax: 0.10.2.dev20260603
libtpu: 0.0.44.dev20260713+nightly
codegen_flags: <defaults>
</compile_context>

<pallas_src>
import functools

import jax
import jax.numpy as jnp
from jax import lax
from jax.experimental import pallas as pl
from jax.experimental.pallas import tpu as pltpu
from jax.experimental.pallas import tpu_sc as plsc

N = 100000
NP = 100096
E = 6400000
G = 16
CHN = NP // 16
W = 2000
WZ = 400

_MESH = plsc.VectorSubcoreMesh(core_axis_name="c", subcore_axis_name="s")


def _deg_body(dst_hbm, ones_hbm, zeros_hbm, out0_hbm, out1_hbm,
              idx_v, ones_v, bz_v, deg_sh, sem):
    cid = lax.axis_index("c")
    sid = lax.axis_index("s")
    pltpu.sync_copy(zeros_hbm.at[pl.ds(sid * CHN, CHN)], bz_v)
    pltpu.sync_copy(bz_v, deg_sh.at[pl.ds(sid * CHN, CHN)])
    pltpu.sync_copy(ones_hbm, ones_v)
    plsc.subcore_barrier()

    chunk = E // 32
    base0 = cid * (E // 2) + sid * chunk

    def wbody(w, _):
        base = base0 + w * W
        pltpu.sync_copy(dst_hbm.at[pl.ds(base, W)], idx_v)
        pltpu.sync_copy(ones_v, deg_sh.at[idx_v], add=True)
        return 0

    lax.fori_loop(0, chunk // W, wbody, 0)
    plsc.subcore_barrier()

    pltpu.sync_copy(deg_sh.at[pl.ds(sid * CHN, CHN)], bz_v)

    @pl.when(cid == 0)
    def _():
        pltpu.sync_copy(bz_v, out0_hbm.at[pl.ds(sid * CHN, CHN)])

    @pl.when(cid == 1)
    def _():
        pltpu.sync_copy(bz_v, out1_hbm.at[pl.ds(sid * CHN, CHN)])


_deg_call = functools.partial(
    pl.kernel, _deg_body,
    out_type=(jax.ShapeDtypeStruct((NP,), jnp.float32),
              jax.ShapeDtypeStruct((NP,), jnp.float32)),
    mesh=_MESH,
    compiler_params=pltpu.CompilerParams(use_tc_tiling_on_sc=False),
    scratch_types=[
        pltpu.VMEM((W,), jnp.int32),
        pltpu.VMEM((W,), jnp.float32),
        pltpu.VMEM((CHN,), jnp.float32),
        pltpu.VMEM_SHARED((NP,), jnp.float32),
        pltpu.SemaphoreType.DMA,
    ],
)


def _tacc_body(src_hbm, dst_hbm, dinv_hbm, cns_hbm, zeros_hbm, out0_hbm, out1_hbm,
               sidx_v, didx_v, dval_v, cval_v, idx2_v, bzf_v, bdf_v, bdi_v,
               dinv_sh, cns_sh, t_sh, sem1, sem2):
    cid = lax.axis_index("c")
    sid = lax.axis_index("s")
    pltpu.sync_copy(dinv_hbm.at[pl.ds(sid * CHN, CHN)], bdf_v)
    pltpu.sync_copy(bdf_v, dinv_sh.at[pl.ds(sid * CHN, CHN)])
    pltpu.sync_copy(cns_hbm.at[pl.ds(sid * CHN, CHN)], bdi_v)
    pltpu.sync_copy(bdi_v, cns_sh.at[pl.ds(sid * CHN, CHN)])
    pltpu.sync_copy(zeros_hbm.at[pl.ds(0, CHN)], bzf_v)
    for k in range(9):
        pltpu.sync_copy(bzf_v, t_sh.at[pl.ds(sid * (CHN * 9) + k * CHN, CHN)])
    plsc.subcore_barrier()

    chunk = E // 32
    base0 = cid * (E // 2) + sid * chunk

    def wbody(w, _):
        base = base0 + w * W
        pltpu.sync_copy(src_hbm.at[pl.ds(base, W)], sidx_v)
        pltpu.sync_copy(dst_hbm.at[pl.ds(base, W)], didx_v)
        g1 = pltpu.async_copy(dinv_sh.at[sidx_v], dval_v, sem1)
        g2 = pltpu.async_copy(cns_sh.at[sidx_v], cval_v, sem2)
        g1.wait()
        g2.wait()

        def jbody(j, _):
            sl = pl.ds(j * 16, 16)
            idx2_v[sl] = didx_v[sl] * 9 + cval_v[sl]
            return 0

        lax.fori_loop(0, W // 16, jbody, 0)
        pltpu.sync_copy(dval_v, t_sh.at[idx2_v], add=True)
        return 0

    lax.fori_loop(0, chunk // W, wbody, 0)
    plsc.subcore_barrier()

    for k in range(9):
        off = sid * (CHN * 9) + k * CHN
        pltpu.sync_copy(t_sh.at[pl.ds(off, CHN)], bzf_v)

        @pl.when(cid == 0)
        def _():
            pltpu.sync_copy(bzf_v, out0_hbm.at[pl.ds(off, CHN)])

        @pl.when(cid == 1)
        def _():
            pltpu.sync_copy(bzf_v, out1_hbm.at[pl.ds(off, CHN)])


_tacc_call = functools.partial(
    pl.kernel, _tacc_body,
    out_type=(jax.ShapeDtypeStruct((NP * 9,), jnp.float32),
              jax.ShapeDtypeStruct((NP * 9,), jnp.float32)),
    mesh=_MESH,
    compiler_params=pltpu.CompilerParams(use_tc_tiling_on_sc=False),
    scratch_types=[
        pltpu.VMEM((W,), jnp.int32),
        pltpu.VMEM((W,), jnp.int32),
        pltpu.VMEM((W,), jnp.float32),
        pltpu.VMEM((W,), jnp.int32),
        pltpu.VMEM((W,), jnp.int32),
        pltpu.VMEM((CHN,), jnp.float32),
        pltpu.VMEM((CHN,), jnp.float32),
        pltpu.VMEM((CHN,), jnp.int32),
        pltpu.VMEM_SHARED((NP,), jnp.float32),
        pltpu.VMEM_SHARED((NP,), jnp.int32),
        pltpu.VMEM_SHARED((NP * 9,), jnp.float32),
        pltpu.SemaphoreType.DMA,
        pltpu.SemaphoreType.DMA,
    ],
)


def _zacc_body(src_hbm, dst_hbm, qL_hbm, qR_hbm, zeros_hbm, outL_hbm, outR_hbm,
               sidx0_v, didx0_v, sidx1_v, didx1_v, rows0_v, rows1_v, bq_v,
               z_sh, sem0, sem1):
    cid = lax.axis_index("c")
    sid = lax.axis_index("s")
    ZB = CHN // 16
    pltpu.sync_copy(zeros_hbm, bq_v)
    for k in range(16):
        off = sid * CHN + k * ZB
        pltpu.sync_copy(bq_v, z_sh.at[pl.ds(off, ZB)])
    plsc.subcore_barrier()

    chunk = E // 16
    base0 = sid * chunk
    npairs = chunk // (2 * WZ)

    def run(q_hbm):
        pltpu.sync_copy(src_hbm.at[pl.ds(base0, WZ)], sidx0_v)
        pltpu.sync_copy(dst_hbm.at[pl.ds(base0, WZ)], didx0_v)
        pltpu.async_copy(q_hbm.at[sidx0_v], rows0_v, sem0)

        def pbody(p, _):
            base_b = base0 + (2 * p + 1) * WZ
            pltpu.sync_copy(src_hbm.at[pl.ds(base_b, WZ)], sidx1_v)
            pltpu.sync_copy(dst_hbm.at[pl.ds(base_b, WZ)], didx1_v)
            pltpu.async_copy(q_hbm.at[sidx1_v], rows1_v, sem1)

            pltpu.make_async_copy(q_hbm.at[sidx0_v], rows0_v, sem0).wait()
            pltpu.sync_copy(rows0_v, z_sh.at[didx0_v], add=True)

            @pl.when(p < npairs - 1)
            def _():
                base_a = base0 + (2 * p + 2) * WZ
                pltpu.sync_copy(src_hbm.at[pl.ds(base_a, WZ)], sidx0_v)
                pltpu.sync_copy(dst_hbm.at[pl.ds(base_a, WZ)], didx0_v)
                pltpu.async_copy(q_hbm.at[sidx0_v], rows0_v, sem0)

            pltpu.make_async_copy(q_hbm.at[sidx1_v], rows1_v, sem1).wait()
            pltpu.sync_copy(rows1_v, z_sh.at[didx1_v], add=True)
            return 0

        lax.fori_loop(0, npairs, pbody, 0)

    @pl.when(cid == 0)
    def _():
        run(qL_hbm)

    @pl.when(cid == 1)
    def _():
        run(qR_hbm)

    plsc.subcore_barrier()

    for k in range(16):
        off = sid * CHN + k * ZB
        pltpu.sync_copy(z_sh.at[pl.ds(off, ZB)], bq_v)

        @pl.when(cid == 0)
        def _():
            pltpu.sync_copy(bq_v, outL_hbm.at[pl.ds(off, ZB)])

        @pl.when(cid == 1)
        def _():
            pltpu.sync_copy(bq_v, outR_hbm.at[pl.ds(off, ZB)])


_zacc_call = functools.partial(
    pl.kernel, _zacc_body,
    out_type=(jax.ShapeDtypeStruct((NP, 16), jnp.float32),
              jax.ShapeDtypeStruct((NP, 16), jnp.float32)),
    mesh=_MESH,
    compiler_params=pltpu.CompilerParams(use_tc_tiling_on_sc=False),
    scratch_types=[
        pltpu.VMEM((WZ,), jnp.int32),
        pltpu.VMEM((WZ,), jnp.int32),
        pltpu.VMEM((WZ,), jnp.int32),
        pltpu.VMEM((WZ,), jnp.int32),
        pltpu.VMEM((WZ, 16), jnp.float32),
        pltpu.VMEM((WZ, 16), jnp.float32),
        pltpu.VMEM((CHN // 16, 16), jnp.float32),
        pltpu.VMEM_SHARED((NP, 16), jnp.float32),
        pltpu.SemaphoreType.DMA,
        pltpu.SemaphoreType.DMA,
    ],
)


def _prep_body(deg0_ref, deg1_ref, nt_ref, ninv_ref, dinv_ref, cns_ref):
    deg = deg0_ref[...] + deg1_ref[...] + 1.0
    dinv_ref[...] = lax.rsqrt(deg)
    cns_ref[...] = nt_ref[...] * 3 + ninv_ref[...]


def _h1q_body(t0_ref, t1_ref, dinv_ref, cns_ref, A_ref, b1_ref,
              h1_ref, ql_ref, qr_ref):
    dinv = dinv_ref[...]
    t = t0_ref[...] + t1_ref[...]
    onehot = (lax.broadcasted_iota(jnp.int32, t.shape, 1) == cns_ref[...]
              ).astype(jnp.float32)
    T9 = dinv * t + (dinv * dinv) * onehot
    T = jnp.concatenate([T9, jnp.zeros((T9.shape[0], 7), jnp.float32)], axis=1)
    h1 = jax.nn.relu(jnp.dot(T, A_ref[...], preferred_element_type=jnp.float32)
                     + b1_ref[...])
    h1_ref[...] = h1
    q = h1 * dinv
    ql_ref[...] = q[:, 0:16]
    qr_ref[...] = q[:, 16:32]


def _pool_body(zl_ref, zr_ref, h1_ref, dinv_ref, batch_ref,
               W2_ref, b2_ref, aig_ref, sum_acc, cnt_acc, max_acc):
    i = pl.program_id(0)

    @pl.when(i == 0)
    def _():
        sum_acc[...] = jnp.zeros_like(sum_acc)
        cnt_acc[...] = jnp.zeros_like(cnt_acc)
        max_acc[...] = jnp.full_like(max_acc, -jnp.inf)

    dinv = dinv_ref[...]
    h1 = h1_ref[...]
    z = jnp.concatenate([zl_ref[...], zr_ref[...]], axis=1)
    u = dinv * z + (dinv * dinv) * h1
    h2 = jnp.dot(u, W2_ref[...], preferred_element_type=jnp.float32) + b2_ref[...]
    b = batch_ref[...]
    onehot = (lax.broadcasted_iota(jnp.int32, (h2.shape[0], G), 1) == b
              ).astype(jnp.float32)
    sum_acc[...] += jax.lax.dot_general(
        onehot, h2, (((0,), (0,)), ((), ())), preferred_element_type=jnp.float32)
    cnt_acc[...] += jnp.sum(onehot, axis=0)[:, None]
    for g in range(G):
        m = jnp.where(b == g, h2, -jnp.inf)
        max_acc[g, :] = jnp.maximum(max_acc[g, :], jnp.max(m, axis=0))

    @pl.when(i == pl.num_programs(0) - 1)
    def _():
        mean = sum_acc[...] / jnp.maximum(cnt_acc[...], 1.0)
        aig = jnp.concatenate([mean, max_acc[...]], axis=1)
        aig_ref[...] = jnp.round(aig * 1000.0) / 1000.0


def _head_body(final_ref, Wd_ref, bd_ref, Wp1_ref, bp1_ref, Wp2_ref, bp2_ref,
               Wv1_ref, bv1_ref, Wv2_ref, bv2_ref,
               logits_ref, policy_ref, value_ref):
    final = final_ref[...]
    hfc = jax.nn.leaky_relu(final @ Wd_ref[...] + bd_ref[...])
    p1 = jax.nn.leaky_relu(hfc @ Wp1_ref[...] + bp1_ref[...])
    v1 = jax.nn.leaky_relu(hfc @ Wv1_ref[...] + bv1_ref[...])
    logits = p1 @ Wp2_ref[...] + bp2_ref[...]
    logits_ref[...] = logits
    policy_ref[...] = jax.nn.softmax(logits, axis=1)
    value_ref[...] = jnp.tanh(v1 @ Wv2_ref[...] + bv2_ref[...])


def kernel(node_type, num_inverted_predecessors, edge_index, batch, seq_embedding,
           emb_table, W1, b1, W2, b2, Wd, bd, Wp1, bp1, Wp2, bp2, Wv1, bv1, Wv2, bv2):
    src = edge_index[0]
    dst = edge_index[1]
    pad = NP - N
    ntp = jnp.pad(node_type, (0, pad))
    ninvp = jnp.pad(num_inverted_predecessors, (0, pad))
    batchp = jnp.pad(batch, (0, pad), constant_values=G)

    zeros_n = jnp.zeros((NP,), jnp.float32)
    zeros_zb = jnp.zeros((CHN // 16, 16), jnp.float32)
    ones_w = jnp.ones((W,), jnp.float32)

    k9 = jnp.arange(9)
    table9 = jnp.concatenate(
        [emb_table[k9 // 3], (k9 % 3).astype(jnp.float32)[:, None]], axis=1)
    A16 = jnp.zeros((16, 32), jnp.float32).at[:9].set(table9 @ W1)

    deg0, deg1 = _deg_call()(dst, ones_w, zeros_n)

    R = NP // 128
    dinv2d, cns2d = pl.pallas_call(
        _prep_body,
        out_shape=(jax.ShapeDtypeStruct((R, 128), jnp.float32),
                   jax.ShapeDtypeStruct((R, 128), jnp.int32)),
    )(deg0.reshape(R, 128), deg1.reshape(R, 128),
      ntp.reshape(R, 128), ninvp.reshape(R, 128))
    dinv = dinv2d.reshape(NP)
    cns = cns2d.reshape(NP)

    t0, t1 = _tacc_call()(src, dst, dinv, cns, zeros_n)

    BLK = 2176
    nblk = NP // BLK
    dinv_c = dinv.reshape(NP, 1)
    cns_c = cns.reshape(NP, 1)
    h1, ql, qr = pl.pallas_call(
        _h1q_body,
        grid=(nblk,),
        in_specs=[
            pl.BlockSpec((BLK, 9), lambda i: (i, 0)),
            pl.BlockSpec((BLK, 9), lambda i: (i, 0)),
            pl.BlockSpec((BLK, 1), lambda i: (i, 0)),
            pl.BlockSpec((BLK, 1), lambda i: (i, 0)),
            pl.BlockSpec((16, 32), lambda i: (0, 0)),
            pl.BlockSpec((1, 32), lambda i: (0, 0)),
        ],
        out_specs=[
            pl.BlockSpec((BLK, 32), lambda i: (i, 0)),
            pl.BlockSpec((BLK, 16), lambda i: (i, 0)),
            pl.BlockSpec((BLK, 16), lambda i: (i, 0)),
        ],
        out_shape=(jax.ShapeDtypeStruct((NP, 32), jnp.float32),
                   jax.ShapeDtypeStruct((NP, 16), jnp.float32),
                   jax.ShapeDtypeStruct((NP, 16), jnp.float32)),
    )(t0.reshape(NP, 9), t1.reshape(NP, 9), dinv_c, cns_c,
      A16, b1.reshape(1, 32))

    zl, zr = _zacc_call()(src, dst, ql, qr, zeros_zb)

    aig = pl.pallas_call(
        _pool_body,
        grid=(nblk,),
        in_specs=[
            pl.BlockSpec((BLK, 16), lambda i: (i, 0)),
            pl.BlockSpec((BLK, 16), lambda i: (i, 0)),
            pl.BlockSpec((BLK, 32), lambda i: (i, 0)),
            pl.BlockSpec((BLK, 1), lambda i: (i, 0)),
            pl.BlockSpec((BLK, 1), lambda i: (i, 0)),
            pl.BlockSpec((32, 32), lambda i: (0, 0)),
            pl.BlockSpec((1, 32), lambda i: (0, 0)),
        ],
        out_specs=pl.BlockSpec((G, 64), lambda i: (0, 0)),
        out_shape=jax.ShapeDtypeStruct((G, 64), jnp.float32),
        scratch_shapes=[
            pltpu.VMEM((G, 32), jnp.float32),
            pltpu.VMEM((G, 32), jnp.float32),
            pltpu.VMEM((G, 32), jnp.float32),
        ],
    )(zl, zr, h1, dinv_c, batchp.reshape(NP, 1), W2, b2.reshape(1, 32))

    final = jnp.concatenate([aig, seq_embedding], axis=1)

    logits, policy, value = pl.pallas_call(
        _head_body,
        out_shape=(
            jax.ShapeDtypeStruct((G, 7), jnp.float32),
            jax.ShapeDtypeStruct((G, 7), jnp.float32),
            jax.ShapeDtypeStruct((G, 1), jnp.float32),
        ),
    )(final, Wd, bd, Wp1, bp1, Wp2, bp2, Wv1, bv1, Wv2, bv2)
    return (logits, policy, value.reshape(-1), final, aig)

# --- scband reference (transcript-rebuilt; emitter-appended) ---
"""Pipeline reference for scband-logic-synthesis-policy-18743237280081 (READ-ONLY COPY).

The authoritative reference and input builder live on the scoring server;
editing this copy changes nothing except your own understanding.
"""

import jax, jax.numpy as jnp
import numpy as np

N = 100000
E = 6400000
G = 16

def _lin(k, fi, fo):
    kw, kb = jax.random.split(k)
    s = 1.0 / np.sqrt(fi)
    W = jax.random.uniform(kw, (fi, fo), minval=-s, maxval=s, dtype=jnp.float32)
    b = jax.random.uniform(kb, (fo,), minval=-s, maxval=s, dtype=jnp.float32)
    return W, b

def setup_inputs(seed: int = 0):
    key = jax.random.key(seed)
    ks = jax.random.split(key, 16)
    inp = {}
    inp['node_type'] = jax.random.randint(ks[0], (N,), 0, 3, dtype=jnp.int32)
    inp['num_inverted_predecessors'] = jax.random.randint(ks[1], (N,), 0, 3, dtype=jnp.int32)
    inp['edge_index'] = jax.random.randint(ks[2], (2, E), 0, N, dtype=jnp.int32)
    inp['batch'] = jnp.sort(jax.random.randint(ks[3], (N,), 0, G, dtype=jnp.int32))
    inp['seq_embedding'] = jax.random.normal(ks[4], (G, 768), dtype=jnp.float32)
    inp['emb_table'] = jax.random.normal(ks[5], (3, 3), dtype=jnp.float32)
    inp['W1'], inp['b1'] = _lin(ks[6], 4, 32)
    inp['W2'], inp['b2'] = _lin(ks[7], 32, 32)
    inp['Wd'], inp['bd'] = _lin(ks[8], 832, 256)
    inp['Wp1'], inp['bp1'] = _lin(ks[9], 256, 256)
    inp['Wp2'], inp['bp2'] = _lin(ks[10], 256, 7)
    inp['Wv1'], inp['bv1'] = _lin(ks[11], 256, 256)
    inp['Wv2'], inp['bv2'] = _lin(ks[12], 256, 1)
    return inp

def _gcn_conv(x, W, b, src, dst):
    # PyG GCNConv with add_self_loops=True, symmetric gcn_norm; aggregation dst <- src (adj.t())
    xw = x @ W
    deg = jnp.zeros((N,), jnp.float32).at[dst].add(1.0) + 1.0
    dinv = jax.lax.rsqrt(deg)
    coef = dinv[src] * dinv[dst]
    out = jnp.zeros((N, W.shape[1]), jnp.float32).at[dst].add(xw[src] * coef[:, None])
    out = out + xw * (dinv * dinv)[:, None]
    return out + b

def reference(node_type, num_inverted_predecessors, edge_index, batch, seq_embedding,
              emb_table, W1, b1, W2, b2, Wd, bd, Wp1, bp1, Wp2, bp2, Wv1, bv1, Wv2, bv2):
    src = edge_index[0]
    dst = edge_index[1]
    # NodeEncoder: embedding of node_type concat num_inverted_predecessors as float col
    h = jnp.concatenate([emb_table[node_type], num_inverted_predecessors.astype(jnp.float32)[:, None]], axis=1)
    # layer 0 (not final, final_layer_readout=True -> no readout, norms unused in original forward)
    h = jax.nn.relu(_gcn_conv(h, W1, b1, src, dst))
    # layer 1 (final)
    h = _gcn_conv(h, W2, b2, src, dst)
    counts = jax.ops.segment_sum(jnp.ones((N,), jnp.float32), batch, num_segments=G)
    mean_pool = jax.ops.segment_sum(h, batch, num_segments=G) / jnp.maximum(counts, 1.0)[:, None]
    max_pool = jax.ops.segment_max(h, batch, num_segments=G)
    aig = jnp.concatenate([mean_pool, max_pool], axis=1)
    aig = jnp.round(aig * 1000.0) / 1000.0
    final = jnp.concatenate([aig, seq_embedding], axis=1)
    hfc = jax.nn.leaky_relu(final @ Wd + bd)
    p1 = jax.nn.leaky_relu(hfc @ Wp1 + bp1)
    v1 = jax.nn.leaky_relu(hfc @ Wv1 + bv1)
    logits = p1 @ Wp2 + bp2
    policy = jax.nn.softmax(logits, axis=1)
    value = jnp.tanh(v1 @ Wv2 + bv2).reshape(-1)
    return (logits, policy, value, final, aig)

if __name__ == "__main__":
    import jax
    _d = setup_inputs()
    print(jax.jit(kernel)(*tuple(_d.values())))

</pallas_src>

<mosaic_0001>
#map = affine_map<(d0, d1) -> (0)>
#map1 = affine_map<(d0, d1) -> (0, 0)>
module attributes {stable_mosaic.version = 14 : i64} {
  func.func @_zacc_body(%arg0: i32, %arg1: i32, %arg2: memref<6400000xi32, #tpu.memory_space<hbm>>, %arg3: memref<6400000xi32, #tpu.memory_space<hbm>>, %arg4: memref<100096x16xf32, #tpu.memory_space<hbm>>, %arg5: memref<100096x16xf32, #tpu.memory_space<hbm>>, %arg6: memref<391x16xf32, #tpu.memory_space<hbm>>, %arg7: memref<100096x16xf32, #tpu.memory_space<hbm>>, %arg8: memref<100096x16xf32, #tpu.memory_space<hbm>>, %arg9: memref<400xi32, #tpu.memory_space<vmem>>, %arg10: memref<400xi32, #tpu.memory_space<vmem>>, %arg11: memref<400xi32, #tpu.memory_space<vmem>>, %arg12: memref<400xi32, #tpu.memory_space<vmem>>, %arg13: memref<400x16xf32, #tpu.memory_space<vmem>>, %arg14: memref<400x16xf32, #tpu.memory_space<vmem>>, %arg15: memref<391x16xf32, #tpu.memory_space<vmem>>, %arg16: memref<100096x16xf32, #tpu.memory_space<vmem_shared>>, %arg17: memref<!tpu.dma_semaphore, #tpu.memory_space<semaphore_mem>>, %arg18: memref<!tpu.dma_semaphore, #tpu.memory_space<semaphore_mem>>) attributes {dimension_semantics = [#tpu.dimension_semantics<core_parallel>, #tpu.dimension_semantics<subcore_parallel>], iteration_bounds = array<i64: 2, 16>, scalar_prefetch = 0 : i64, scratch_operands = 10 : i64, tpu.core_type = #tpu.core_type<sc_vector_subcore>, window_params = [{transform_indices = #map}, {transform_indices = #map}, {transform_indices = #map1}, {transform_indices = #map1}, {transform_indices = #map1}, {transform_indices = #map1}, {transform_indices = #map1}]} {
    "tpu.region"() ({
      %run_scoped3A = tpu.sem_alloc : memref<!tpu.dma_semaphore, #tpu.memory_space<semaphore_mem>>
      tpu.enqueue_dma source(%arg6 : memref<391x16xf32, #tpu.memory_space<hbm>>) target(%arg15 : memref<391x16xf32, #tpu.memory_space<vmem>>) target_semaphore(%run_scoped3A : memref<!tpu.dma_semaphore, #tpu.memory_space<semaphore_mem>>)
      tpu.wait_dma2 semaphore(%run_scoped3A : memref<!tpu.dma_semaphore, #tpu.memory_space<semaphore_mem>>) src(%arg6 : memref<391x16xf32, #tpu.memory_space<hbm>>) dst(%arg15 : memref<391x16xf32, #tpu.memory_space<vmem>>)
      tpu.yield
    }) : () -> ()
    %mul3A = arith.constant 6256 : i32
    %mul3A_0 = arith.muli %arg1, %mul3A : i32
    %add3A = arith.constant 0 : i32
    %add3A_1 = arith.addi %mul3A_0, %add3A : i32
    "tpu.region"() ({
      %run_scoped3A = tpu.sem_alloc : memref<!tpu.dma_semaphore, #tpu.memory_space<semaphore_mem>>
      %dma_start3A = arith.constant 0 : i32
      %dma_start3A_296 = tpu.memref_slice %arg16[%add3A_1, %dma_start3A] : memref<100096x16xf32, #tpu.memory_space<vmem_shared>> -> memref<391x16xf32, #tpu.memory_space<vmem_shared>>
      %dma_start3A_297 = arith.constant 0 : i32
      %dma_start3A_298 = tpu.memref_slice %arg16[%add3A_1, %dma_start3A_297] : memref<100096x16xf32, #tpu.memory_space<vmem_shared>> -> memref<391x16xf32, #tpu.memory_space<vmem_shared>>
      tpu.enqueue_dma source(%arg15 : memref<391x16xf32, #tpu.memory_space<vmem>>) target(%dma_start3A_298 : memref<391x16xf32, #tpu.memory_space<vmem_shared>>) target_semaphore(%run_scoped3A : memref<!tpu.dma_semaphore, #tpu.memory_space<semaphore_mem>>)
      %dma_wait3A = arith.constant 0 : i32
      %dma_wait3A_299 = tpu.memref_slice %arg16[%add3A_1, %dma_wait3A] : memref<100096x16xf32, #tpu.memory_space<vmem_shared>> -> memref<391x16xf32, #tpu.memory_space<vmem_shared>>
      %dma_wait3A_300 = arith.constant 0 : i32
      %dma_wait3A_301 = tpu.memref_slice %arg16[%add3A_1, %dma_wait3A_300] : memref<100096x16xf32, #tpu.memory_space<vmem_shared>> -> memref<391x16xf32, #tpu.memory_space<vmem_shared>>
      tpu.wait_dma2 semaphore(%run_scoped3A : memref<!tpu.dma_semaphore, #tpu.memory_space<semaphore_mem>>) src(%arg15 : memref<391x16xf32, #tpu.memory_space<vmem>>) dst(%dma_wait3A_301 : memref<391x16xf32, #tpu.memory_space<vmem_shared>>)
      tpu.yield
    }) : () -> ()
    %mul3A_2 = arith.constant 6256 : i32
    %mul3A_3 = arith.muli %arg1, %mul3A_2 : i32
    %add3A_4 = arith.constant 391 : i32
    %add3A_5 = arith.addi %mul3A_3, %add3A_4 : i32
    "tpu.region"() ({
      %run_scoped3A = tpu.sem_alloc : memref<!tpu.dma_semaphore, #tpu.memory_space<semaphore_mem>>
      %dma_start3A = arith.constant 0 : i32
      %dma_start3A_296 = tpu.memref_slice %arg16[%add3A_5, %dma_start3A] : memref<100096x16xf32, #tpu.memory_space<vmem_shared>> -> memref<391x16xf32, #tpu.memory_space<vmem_shared>>
      %dma_start3A_297 = arith.constant 0 : i32
      %dma_start3A_298 = tpu.memref_slice %arg16[%add3A_5, %dma_start3A_297] : memref<100096x16xf32, #tpu.memory_space<vmem_shared>> -> memref<391x16xf32, #tpu.memory_space<vmem_shared>>
      tpu.enqueue_dma source(%arg15 : memref<391x16xf32, #tpu.memory_space<vmem>>) target(%dma_start3A_298 : memref<391x16xf32, #tpu.memory_space<vmem_shared>>) target_semaphore(%run_scoped3A : memref<!tpu.dma_semaphore, #tpu.memory_space<semaphore_mem>>)
      %dma_wait3A = arith.constant 0 : i32
      %dma_wait3A_299 = tpu.memref_slice %arg16[%add3A_5, %dma_wait3A] : memref<100096x16xf32, #tpu.memory_space<vmem_shared>> -> memref<391x16xf32, #tpu.memory_space<vmem_shared>>
      %dma_wait3A_300 = arith.constant 0 : i32
      %dma_wait3A_301 = tpu.memref_slice %arg16[%add3A_5, %dma_wait3A_300] : memref<100096x16xf32, #tpu.memory_space<vmem_shared>> -> memref<391x16xf32, #tpu.memory_space<vmem_shared>>
      tpu.wait_dma2 semaphore(%run_scoped3A : memref<!tpu.dma_semaphore, #tpu.memory_space<semaphore_mem>>) src(%arg15 : memref<391x16xf32, #tpu.memory_space<vmem>>) dst(%dma_wait3A_301 : memref<391x16xf32, #tpu.memory_space<vmem_shared>>)
      tpu.yield
    }) : () -> ()
    %mul3A_6 = arith.constant 6256 : i32
    %mul3A_7 = arith.muli %arg1, %mul3A_6 : i32
    %add3A_8 = arith.constant 782 : i32
    %add3A_9 = arith.addi %mul3A_7, %add3A_8 : i32
    "tpu.region"() ({
      %run_scoped3A = tpu.sem_alloc : memref<!tpu.dma_semaphore, #tpu.memory_space<semaphore_mem>>
      %dma_start3A = arith.constant 0 : i32
      %dma_start3A_296 = tpu.memref_slice %arg16[%add3A_9, %dma_start3A] : memref<100096x16xf32, #tpu.memory_space<vmem_shared>> -> memref<391x16xf32, #tpu.memory_space<vmem_shared>>
      %dma_start3A_297 = arith.constant 0 : i32
      %dma_start3A_298 = tpu.memref_slice %arg16[%add3A_9, %dma_start3A_297] : memref<100096x16xf32, #tpu.memory_space<vmem_shared>> -> memref<391x16xf32, #tpu.memory_space<vmem_shared>>
      tpu.enqueue_dma source(%arg15 : memref<391x16xf32, #tpu.memory_space<vmem>>) target(%dma_start3A_298 : memref<391x16xf32, #tpu.memory_space<vmem_shared>>) target_semaphore(%run_scoped3A : memref<!tpu.dma_semaphore, #tpu.memory_space<semaphore_mem>>)
      %dma_wait3A = arith.constant 0 : i32
      %dma_wait3A_299 = tpu.memref_slice %arg16[%add3A_9, %dma_wait3A] : memref<100096x16xf32, #tpu.memory_space<vmem_shared>> -> memref<391x16xf32, #tpu.memory_space<vmem_shared>>
      %dma_wait3A_300 = arith.constant 0 : i32
      %dma_wait3A_301 = tpu.memref_slice %arg16[%add3A_9, %dma_wait3A_300] : memref<100096x16xf32, #tpu.memory_space<vmem_shared>> -> memref<391x16xf32, #tpu.memory_space<vmem_shared>>
      tpu.wait_dma2 semaphore(%run_scoped3A : memref<!tpu.dma_semaphore, #tpu.memory_space<semaphore_mem>>) src(%arg15 : memref<391x16xf32, #tpu.memory_space<vmem>>) dst(%dma_wait3A_301 : memref<391x16xf32, #tpu.memory_space<vmem_shared>>)
      tpu.yield
    }) : () -> ()
    %mul3A_10 = arith.constant 6256 : i32
    %mul3A_11 = arith.muli %arg1, %mul3A_10 : i32
    %add3A_12 = arith.constant 1173 : i32
    %add3A_13 = arith.addi %mul3A_11, %add3A_12 : i32
    "tpu.region"() ({
      %run_scoped3A = tpu.sem_alloc : memref<!tpu.dma_semaphore, #tpu.memory_space<semaphore_mem>>
      %dma_start3A = arith.constant 0 : i32
      %dma_start3A_296 = tpu.memref_slice %arg16[%add3A_13, %dma_start3A] : memref<100096x16xf32, #tpu.memory_space<vmem_shared>> -> memref<391x16xf32, #tpu.memory_space<vmem_shared>>
      %dma_start3A_297 = arith.constant 0 : i32
      %dma_start3A_298 = tpu.memref_slice %arg16[%add3A_13, %dma_start3A_297] : memref<100096x16xf32, #tpu.memory_space<vmem_shared>> -> memref<391x16xf32, #tpu.memory_space<vmem_shared>>
      tpu.enqueue_dma source(%arg15 : memref<391x16xf32, #tpu.memory_space<vmem>>) target(%dma_start3A_298 : memref<391x16xf32, #tpu.memory_space<vmem_shared>>) target_semaphore(%run_scoped3A : memref<!tpu.dma_semaphore, #tpu.memory_space<semaphore_mem>>)
      %dma_wait3A = arith.constant 0 : i32
      %dma_wait3A_299 = tpu.memref_slice %arg16[%add3A_13, %dma_wait3A] : memref<100096x16xf32, #tpu.memory_space<vmem_shared>> -> memref<391x16xf32, #tpu.memory_space<vmem_shared>>
      %dma_wait3A_300 = arith.constant 0 : i32
      %dma_wait3A_301 = tpu.memref_slice %arg16[%add3A_13, %dma_wait3A_300] : memref<100096x16xf32, #tpu.memory_space<vmem_shared>> -> memref<391x16xf32, #tpu.memory_space<vmem_shared>>
      tpu.wait_dma2 semaphore(%run_scoped3A : memref<!tpu.dma_semaphore, #tpu.memory_space<semaphore_mem>>) src(%arg15 : memref<391x16xf32, #tpu.memory_space<vmem>>) dst(%dma_wait3A_301 : memref<391x16xf32, #tpu.memory_space<vmem_shared>>)
      tpu.yield
    }) : () -> ()
    %mul3A_14 = arith.constant 6256 : i32
    %mul3A_15 = arith.muli %arg1, %mul3A_14 : i32
    %add3A_16 = arith.constant 1564 : i32
    %add3A_17 = arith.addi %mul3A_15, %add3A_16 : i32
    "tpu.region"() ({
      %run_scoped3A = tpu.sem_alloc : memref<!tpu.dma_semaphore, #tpu.memory_space<semaphore_mem>>
      %dma_start3A = arith.constant 0 : i32
      %dma_start3A_296 = tpu.memref_slice %arg16[%add3A_17, %dma_start3A] : memref<100096x16xf32, #tpu.memory_space<vmem_shared>> -> memref<391x16xf32, #tpu.memory_space<vmem_shared>>
      %dma_start3A_297 = arith.constant 0 : i32
      %dma_start3A_298 = tpu.memref_slice %arg16[%add3A_17, %dma_start3A_297] : memref<100096x16xf32, #tpu.memory_space<vmem_shared>> -> memref<391x16xf32, #tpu.memory_space<vmem_shared>>
      tpu.enqueue_dma source(%arg15 : memref<391x16xf32, #tpu.memory_space<vmem>>) target(%dma_start3A_298 : memref<391x16xf32, #tpu.memory_space<vmem_shared>>) target_semaphore(%run_scoped3A : memref<!tpu.dma_semaphore, #tpu.memory_space<semaphore_mem>>)
      %dma_wait3A = arith.constant 0 : i32
      %dma_wait3A_299 = tpu.memref_slice %arg16[%add3A_17, %dma_wait3A] : memref<100096x16xf32, #tpu.memory_space<vmem_shared>> -> memref<391x16xf32, #tpu.memory_space<vmem_shared>>
      %dma_wait3A_300 = arith.constant 0 : i32
      %dma_wait3A_301 = tpu.memref_slice %arg16[%add3A_17, %dma_wait3A_300] : memref<100096x16xf32, #tpu.memory_space<vmem_shared>> -> memref<391x16xf32, #tpu.memory_space<vmem_shared>>
      tpu.wait_dma2 semaphore(%run_scoped3A : memref<!tpu.dma_semaphore, #tpu.memory_space<semaphore_mem>>) src(%arg15 : memref<391x16xf32, #tpu.memory_space<vmem>>) dst(%dma_wait3A_301 : memref<391x16xf32, #tpu.memory_space<vmem_shared>>)
      tpu.yield
    }) : () -> ()
    %mul3A_18 = arith.constant 6256 : i32
    %mul3A_19 = arith.muli %arg1, %mul3A_18 : i32
    %add3A_20 = arith.constant 1955 : i32
    %add3A_21 = arith.addi %mul3A_19, %add3A_20 : i32
    "tpu.region"() ({
      %run_scoped3A = tpu.sem_alloc : memref<!tpu.dma_semaphore, #tpu.memory_space<semaphore_mem>>
      %dma_start3A = arith.constant 0 : i32
      %dma_start3A_296 = tpu.memref_slice %arg16[%add3A_21, %dma_start3A] : memref<100096x16xf32, #tpu.memory_space<vmem_shared>> -> memref<391x16xf32, #tpu.memory_space<vmem_shared>>
      %dma_start3A_297 = arith.constant 0 : i32
      %dma_start3A_298 = tpu.memref_slice %arg16[%add3A_21, %dma_start3A_297] : memref<100096x16xf32, #tpu.memory_space<vmem_shared>> -> memref<391x16xf32, #tpu.memory_space<vmem_shared>>
      tpu.enqueue_dma source(%arg15 : memref<391x16xf32, #tpu.memory_space<vmem>>) target(%dma_start3A_298 : memref<391x16xf32, #tpu.memory_space<vmem_shared>>) target_semaphore(%run_scoped3A : memref<!tpu.dma_semaphore, #tpu.memory_space<semaphore_mem>>)
      %dma_wait3A = arith.constant 0 : i32
      %dma_wait3A_299 = tpu.memref_slice %arg16[%add3A_21, %dma_wait3A] : memref<100096x16xf32, #tpu.memory_space<vmem_shared>> -> memref<391x16xf32, #tpu.memory_space<vmem_shared>>
      %dma_wait3A_300 = arith.constant 0 : i32
      %dma_wait3A_301 = tpu.memref_slice %arg16[%add3A_21, %dma_wait3A_300] : memref<100096x16xf32, #tpu.memory_space<vmem_shared>> -> memref<391x16xf32, #tpu.memory_space<vmem_shared>>
      tpu.wait_dma2 semaphore(%run_scoped3A : memref<!tpu.dma_semaphore, #tpu.memory_space<semaphore_mem>>) src(%arg15 : memref<391x16xf32, #tpu.memory_space<vmem>>) dst(%dma_wait3A_301 : memref<391x16xf32, #tpu.memory_space<vmem_shared>>)
      tpu.yield
    }) : () -> ()
    %mul3A_22 = arith.constant 6256 : i32
    %mul3A_23 = arith.muli %arg1, %mul3A_22 : i32
    %add3A_24 = arith.constant 2346 : i32
    %add3A_25 = arith.addi %mul3A_23, %add3A_24 : i32
    "tpu.region"() ({
      %run_scoped3A = tpu.sem_alloc : memref<!tpu.dma_semaphore, #tpu.memory_space<semaphore_mem>>
      %dma_start3A = arith.constant 0 : i32
      %dma_start3A_296 = tpu.memref_slice %arg16[%add3A_25, %dma_start3A] : memref<100096x16xf32, #tpu.memory_space<vmem_shared>> -> memref<391x16xf32, #tpu.memory_space<vmem_shared>>
      %dma_start3A_297 = arith.constant 0 : i32
      %dma_start3A_298 = tpu.memref_slice %arg16[%add3A_25, %dma_start3A_297] : memref<100096x16xf32, #tpu.memory_space<vmem_shared>> -> memref<391x16xf32, #tpu.memory_space<vmem_shared>>
      tpu.enqueue_dma source(%arg15 : memref<391x16xf32, #tpu.memory_space<vmem>>) target(%dma_start3A_298 : memref<391x16xf32, #tpu.memory_space<vmem_shared>>) target_semaphore(%run_scoped3A : memref<!tpu.dma_semaphore, #tpu.memory_space<semaphore_mem>>)
      %dma_wait3A = arith.constant 0 : i32
      %dma_wait3A_299 = tpu.memref_slice %arg16[%add3A_25, %dma_wait3A] : memref<100096x16xf32, #tpu.memory_space<vmem_shared>> -> memref<391x16xf32, #tpu.memory_space<vmem_shared>>
      %dma_wait3A_300 = arith.constant 0 : i32
      %dma_wait3A_301 = tpu.memref_slice %arg16[%add3A_25, %dma_wait3A_300] : memref<100096x16xf32, #tpu.memory_space<vmem_shared>> -> memref<391x16xf32, #tpu.memory_space<vmem_shared>>
      tpu.wait_dma2 semaphore(%run_scoped3A : memref<!tpu.dma_semaphore, #tpu.memory_space<semaphore_mem>>) src(%arg15 : memref<391x16xf32, #tpu.memory_space<vmem>>) dst(%dma_wait3A_301 : memref<391x16xf32, #tpu.memory_space<vmem_shared>>)
      tpu.yield
    }) : () -> ()
    %mul3A_26 = arith.constant 6256 : i32
    %mul3A_27 = arith.muli %arg1, %mul3A_26 : i32
    %add3A_28 = arith.constant 2737 : i32
    %add3A_29 = arith.addi %mul3A_27, %add3A_28 : i32
    "tpu.region"() ({
      %run_scoped3A = tpu.sem_alloc : memref<!tpu.dma_semaphore, #tpu.memory_space<semaphore_mem>>
      %dma_start3A = arith.constant 0 : i32
      %dma_start3A_296 = tpu.memref_slice %arg16[%add3A_29, %dma_start3A] : memref<100096x16xf32, #tpu.memory_space<vmem_shared>> -> memref<391x16xf32, #tpu.memory_space<vmem_shared>>
      %dma_start3A_297 = arith.constant 0 : i32
      %dma_start3A_298 = tpu.memref_slice %arg16[%add3A_29, %dma_start3A_297] : memref<100096x16xf32, #tpu.memory_space<vmem_shared>> -> memref<391x16xf32, #tpu.memory_space<vmem_shared>>
      tpu.enqueue_dma source(%arg15 : memref<391x16xf32, #tpu.memory_space<vmem>>) target(%dma_start3A_298 : memref<391x16xf32, #tpu.memory_space<vmem_shared>>) target_semaphore(%run_scoped3A : memref<!tpu.dma_semaphore, #tpu.memory_space<semaphore_mem>>)
      %dma_wait3A = arith.constant 0 : i32
      %dma_wait3A_299 = tpu.memref_slice %arg16[%add3A_29, %dma_wait3A] : memref<100096x16xf32, #tpu.memory_space<vmem_shared>> -> memref<391x16xf32, #tpu.memory_space<vmem_shared>>
      %dma_wait3A_300 = arith.constant 0 : i32
      %dma_wait3A_301 = tpu.memref_slice %arg16[%add3A_29, %dma_wait3A_300] : memref<100096x16xf32, #tpu.memory_space<vmem_shared>> -> memref<391x16xf32, #tpu.memory_space<vmem_shared>>
      tpu.wait_dma2 semaphore(%run_scoped3A : memref<!tpu.dma_semaphore, #tpu.memory_space<semaphore_mem>>) src(%arg15 : memref<391x16xf32, #tpu.memory_space<vmem>>) dst(%dma_wait3A_301 : memref<391x16xf32, #tpu.memory_space<vmem_shared>>)
      tpu.yield
    }) : () -> ()
    %mul3A_30 = arith.constant 6256 : i32
    %mul3A_31 = arith.muli %arg1, %mul3A_30 : i32
    %add3A_32 = arith.constant 3128 : i32
    %add3A_33 = arith.addi %mul3A_31, %add3A_32 : i32
    "tpu.region"() ({
      %run_scoped3A = tpu.sem_alloc : memref<!tpu.dma_semaphore, #tpu.memory_space<semaphore_mem>>
      %dma_start3A = arith.constant 0 : i32
      %dma_start3A_296 = tpu.memref_slice %arg16[%add3A_33, %dma_start3A] : memref<100096x16xf32, #tpu.memory_space<vmem_shared>> -> memref<391x16xf32, #tpu.memory_space<vmem_shared>>
      %dma_start3A_297 = arith.constant 0 : i32
      %dma_start3A_298 = tpu.memref_slice %arg16[%add3A_33, %dma_start3A_297] : memref<100096x16xf32, #tpu.memory_space<vmem_shared>> -> memref<391x16xf32, #tpu.memory_space<vmem_shared>>
      tpu.enqueue_dma source(%arg15 : memref<391x16xf32, #tpu.memory_space<vmem>>) target(%dma_start3A_298 : memref<391x16xf32, #tpu.memory_space<vmem_shared>>) target_semaphore(%run_scoped3A : memref<!tpu.dma_semaphore, #tpu.memory_space<semaphore_mem>>)
      %dma_wait3A = arith.constant 0 : i32
      %dma_wait3A_299 = tpu.memref_slice %arg16[%add3A_33, %dma_wait3A] : memref<100096x16xf32, #tpu.memory_space<vmem_shared>> -> memref<391x16xf32, #tpu.memory_space<vmem_shared>>
      %dma_wait3A_300 = arith.constant 0 : i32
      %dma_wait3A_301 = tpu.memref_slice %arg16[%add3A_33, %dma_wait3A_300] : memref<100096x16xf32, #tpu.memory_space<vmem_shared>> -> memref<391x16xf32, #tpu.memory_space<vmem_shared>>
      tpu.wait_dma2 semaphore(%run_scoped3A : memref<!tpu.dma_semaphore, #tpu.memory_space<semaphore_mem>>) src(%arg15 : memref<391x16xf32, #tpu.memory_space<vmem>>) dst(%dma_wait3A_301 : memref<391x16xf32, #tpu.memory_space<vmem_shared>>)
      tpu.yield
    }) : () -> ()
    %mul3A_34 = arith.constant 6256 : i32
    %mul3A_35 = arith.muli %arg1, %mul3A_34 : i32
    %add3A_36 = arith.constant 3519 : i32
    %add3A_37 = arith.addi %mul3A_35, %add3A_36 : i32
    "tpu.region"() ({
      %run_scoped3A = tpu.sem_alloc : memref<!tpu.dma_semaphore, #tpu.memory_space<semaphore_mem>>
      %dma_start3A = arith.constant 0 : i32
      %dma_start3A_296 = tpu.memref_slice %arg16[%add3A_37, %dma_start3A] : memref<100096x16xf32, #tpu.memory_space<vmem_shared>> -> memref<391x16xf32, #tpu.memory_space<vmem_shared>>
      %dma_start3A_297 = arith.constant 0 : i32
      %dma_start3A_298 = tpu.memref_slice %arg16[%add3A_37, %dma_start3A_297] : memref<100096x16xf32, #tpu.memory_space<vmem_shared>> -> memref<391x16xf32, #tpu.memory_space<vmem_shared>>
      tpu.enqueue_dma source(%arg15 : memref<391x16xf32, #tpu.memory_space<vmem>>) target(%dma_start3A_298 : memref<391x16xf32, #tpu.memory_space<vmem_shared>>) target_semaphore(%run_scoped3A : memref<!tpu.dma_semaphore, #tpu.memory_space<semaphore_mem>>)
      %dma_wait3A = arith.constant 0 : i32
      %dma_wait3A_299 = tpu.memref_slice %arg16[%add3A_37, %dma_wait3A] : memref<100096x16xf32, #tpu.memory_space<vmem_shared>> -> memref<391x16xf32, #tpu.memory_space<vmem_shared>>
      %dma_wait3A_300 = arith.constant 0 : i32
      %dma_wait3A_301 = tpu.memref_slice %arg16[%add3A_37, %dma_wait3A_300] : memref<100096x16xf32, #tpu.memory_space<vmem_shared>> -> memref<391x16xf32, #tpu.memory_space<vmem_shared>>
      tpu.wait_dma2 semaphore(%run_scoped3A : memref<!tpu.dma_semaphore, #tpu.memory_space<semaphore_mem>>) src(%arg15 : memref<391x16xf32, #tpu.memory_space<vmem>>) dst(%dma_wait3A_301 : memref<391x16xf32, #tpu.memory_space<vmem_shared>>)
      tpu.yield
    }) : () -> ()
    %mul3A_38 = arith.constant 6256 : i32
    %mul3A_39 = arith.muli %arg1, %mul3A_38 : i32
    %add3A_40 = arith.constant 3910 : i32
    %add3A_41 = arith.addi %mul3A_39, %add3A_40 : i32
    "tpu.region"() ({
      %run_scoped3A = tpu.sem_alloc : memref<!tpu.dma_semaphore, #tpu.memory_space<semaphore_mem>>
      %dma_start3A = arith.constant 0 : i32
      %dma_start3A_296 = tpu.memref_slice %arg16[%add3A_41, %dma_start3A] : memref<100096x16xf32, #tpu.memory_space<vmem_shared>> -> memref<391x16xf32, #tpu.memory_space<vmem_shared>>
      %dma_start3A_297 = arith.constant 0 : i32
      %dma_start3A_298 = tpu.memref_slice %arg16[%add3A_41, %dma_start3A_297] : memref<100096x16xf32, #tpu.memory_space<vmem_shared>> -> memref<391x16xf32, #tpu.memory_space<vmem_shared>>
      tpu.enqueue_dma source(%arg15 : memref<391x16xf32, #tpu.memory_space<vmem>>) target(%dma_start3A_298 : memref<391x16xf32, #tpu.memory_space<vmem_shared>>) target_semaphore(%run_scoped3A : memref<!tpu.dma_semaphore, #tpu.memory_space<semaphore_mem>>)
      %dma_wait3A = arith.constant 0 : i32
      %dma_wait3A_299 = tpu.memref_slice %arg16[%add3A_41, %dma_wait3A] : memref<100096x16xf32, #tpu.memory_space<vmem_shared>> -> memref<391x16xf32, #tpu.memory_space<vmem_shared>>
      %dma_wait3A_300 = arith.constant 0 : i32
      %dma_wait3A_301 = tpu.memref_slice %arg16[%add3A_41, %dma_wait3A_300] : memref<100096x16xf32, #tpu.memory_space<vmem_shared>> -> memref<391x16xf32, #tpu.memory_space<vmem_shared>>
      tpu.wait_dma2 semaphore(%run_scoped3A : memref<!tpu.dma_semaphore, #tpu.memory_space<semaphore_mem>>) src(%arg15 : memref<391x16xf32, #tpu.memory_space<vmem>>) dst(%dma_wait3A_301 : memref<391x16xf32, #tpu.memory_space<vmem_shared>>)
      tpu.yield
    }) : () -> ()
    %mul3A_42 = arith.constant 6256 : i32
    %mul3A_43 = arith.muli %arg1, %mul3A_42 : i32
    %add3A_44 = arith.constant 4301 : i32
    %add3A_45 = arith.addi %mul3A_43, %add3A_44 : i32
    "tpu.region"() ({
      %run_scoped3A = tpu.sem_alloc : memref<!tpu.dma_semaphore, #tpu.memory_space<semaphore_mem>>
      %dma_start3A = arith.constant 0 : i32
      %dma_start3A_296 = tpu.memref_slice %arg16[%add3A_45, %dma_start3A] : memref<100096x16xf32, #tpu.memory_space<vmem_shared>> -> memref<391x16xf32, #tpu.memory_space<vmem_shared>>
      %dma_start3A_297 = arith.constant 0 : i32
      %dma_start3A_298 = tpu.memref_slice %arg16[%add3A_45, %dma_start3A_297] : memref<100096x16xf32, #tpu.memory_space<vmem_shared>> -> memref<391x16xf32, #tpu.memory_space<vmem_shared>>
      tpu.enqueue_dma source(%arg15 : memref<391x16xf32, #tpu.memory_space<vmem>>) target(%dma_start3A_298 : memref<391x16xf32, #tpu.memory_space<vmem_shared>>) target_semaphore(%run_scoped3A : memref<!tpu.dma_semaphore, #tpu.memory_space<semaphore_mem>>)
      %dma_wait3A = arith.constant 0 : i32
      %dma_wait3A_299 = tpu.memref_slice %arg16[%add3A_45, %dma_wait3A] : memref<100096x16xf32, #tpu.memory_space<vmem_shared>> -> memref<391x16xf32, #tpu.memory_space<vmem_shared>>
      %dma_wait3A_300 = arith.constant 0 : i32
      %dma_wait3A_301 = tpu.memref_slice %arg16[%add3A_45, %dma_wait3A_300] : memref<100096x16xf32, #tpu.memory_space<vmem_shared>> -> memref<391x16xf32, #tpu.memory_space<vmem_shared>>
      tpu.wait_dma2 semaphore(%run_scoped3A : memref<!tpu.dma_semaphore, #tpu.memory_space<semaphore_mem>>) src(%arg15 : memref<391x16xf32, #tpu.memory_space<vmem>>) dst(%dma_wait3A_301 : memref<391x16xf32, #tpu.memory_space<vmem_shared>>)
      tpu.yield
    }) : () -> ()
    %mul3A_46 = arith.constant 6256 : i32
    %mul3A_47 = arith.muli %arg1, %mul3A_46 : i32
    %add3A_48 = arith.constant 4692 : i32
    %add3A_49 = arith.addi %mul3A_47, %add3A_48 : i32
    "tpu.region"() ({
      %run_scoped3A = tpu.sem_alloc : memref<!tpu.dma_semaphore, #tpu.memory_space<semaphore_mem>>
      %dma_start3A = arith.constant 0 : i32
      %dma_start3A_296 = tpu.memref_slice %arg16[%add3A_49, %dma_start3A] : memref<100096x16xf32, #tpu.memory_space<vmem_shared>> -> memref<391x16xf32, #tpu.memory_space<vmem_shared>>
      %dma_start3A_297 = arith.constant 0 : i32
      %dma_start3A_298 = tpu.memref_slice %arg16[%add3A_49, %dma_start3A_297] : memref<100096x16xf32, #tpu.memory_space<vmem_shared>> -> memref<391x16xf32, #tpu.memory_space<vmem_shared>>
      tpu.enqueue_dma source(%arg15 : memref<391x16xf32, #tpu.memory_space<vmem>>) target(%dma_start3A_298 : memref<391x16xf32, #tpu.memory_space<vmem_shared>>) target_semaphore(%run_scoped3A : memref<!tpu.dma_semaphore, #tpu.memory_space<semaphore_mem>>)
      %dma_wait3A = arith.constant 0 : i32
      %dma_wait3A_299 = tpu.memref_slice %arg16[%add3A_49, %dma_wait3A] : memref<100096x16xf32, #tpu.memory_space<vmem_shared>> -> memref<391x16xf32, #tpu.memory_space<vmem_shared>>
      %dma_wait3A_300 = arith.constant 0 : i32
      %dma_wait3A_301 = tpu.memref_slice %arg16[%add3A_49, %dma_wait3A_300] : memref<100096x16xf32, #tpu.memory_space<vmem_shared>> -> memref<391x16xf32, #tpu.memory_space<vmem_shared>>
      tpu.wait_dma2 semaphore(%run_scoped3A : memref<!tpu.dma_semaphore, #tpu.memory_space<semaphore_mem>>) src(%arg15 : memref<391x16xf32, #tpu.memory_space<vmem>>) dst(%dma_wait3A_301 : memref<391x16xf32, #tpu.memory_space<vmem_shared>>)
      tpu.yield
    }) : () -> ()
    %mul3A_50 = arith.constant 6256 : i32
    %mul3A_51 = arith.muli %arg1, %mul3A_50 : i32
    %add3A_52 = arith.constant 5083 : i32
    %add3A_53 = arith.addi %mul3A_51, %add3A_52 : i32
    "tpu.region"() ({
      %run_scoped3A = tpu.sem_alloc : memref<!tpu.dma_semaphore, #tpu.memory_space<semaphore_mem>>
      %dma_start3A = arith.constant 0 : i32
      %dma_start3A_296 = tpu.memref_slice %arg16[%add3A_53, %dma_start3A] : memref<100096x16xf32, #tpu.memory_space<vmem_shared>> -> memref<391x16xf32, #tpu.memory_space<vmem_shared>>
      %dma_start3A_297 = arith.constant 0 : i32
      %dma_start3A_298 = tpu.memref_slice %arg16[%add3A_53, %dma_start3A_297] : memref<100096x16xf32, #tpu.memory_space<vmem_shared>> -> memref<391x16xf32, #tpu.memory_space<vmem_shared>>
      tpu.enqueue_dma source(%arg15 : memref<391x16xf32, #tpu.memory_space<vmem>>) target(%dma_start3A_298 : memref<391x16xf32, #tpu.memory_space<vmem_shared>>) target_semaphore(%run_scoped3A : memref<!tpu.dma_semaphore, #tpu.memory_space<semaphore_mem>>)
      %dma_wait3A = arith.constant 0 : i32
      %dma_wait3A_299 = tpu.memref_slice %arg16[%add3A_53, %dma_wait3A] : memref<100096x16xf32, #tpu.memory_space<vmem_shared>> -> memref<391x16xf32, #tpu.memory_space<vmem_shared>>
      %dma_wait3A_300 = arith.constant 0 : i32
      %dma_wait3A_301 = tpu.memref_slice %arg16[%add3A_53, %dma_wait3A_300] : memref<100096x16xf32, #tpu.memory_space<vmem_shared>> -> memref<391x16xf32, #tpu.memory_space<vmem_shared>>
      tpu.wait_dma2 semaphore(%run_scoped3A : memref<!tpu.dma_semaphore, #tpu.memory_space<semaphore_mem>>) src(%arg15 : memref<391x16xf32, #tpu.memory_space<vmem>>) dst(%dma_wait3A_301 : memref<391x16xf32, #tpu.memory_space<vmem_shared>>)
      tpu.yield
    }) : () -> ()
    %mul3A_54 = arith.constant 6256 : i32
    %mul3A_55 = arith.muli %arg1, %mul3A_54 : i32
    %add3A_56 = arith.constant 5474 : i32
    %add3A_57 = arith.addi %mul3A_55, %add3A_56 : i32
    "tpu.region"() ({
      %run_scoped3A = tpu.sem_alloc : memref<!tpu.dma_semaphore, #tpu.memory_space<semaphore_mem>>
      %dma_start3A = arith.constant 0 : i32
      %dma_start3A_296 = tpu.memref_slice %arg16[%add3A_57, %dma_start3A] : memref<100096x16xf32, #tpu.memory_space<vmem_shared>> -> memref<391x16xf32, #tpu.memory_space<vmem_shared>>
      %dma_start3A_297 = arith.constant 0 : i32
      %dma_start3A_298 = tpu.memref_slice %arg16[%add3A_57, %dma_start3A_297] : memref<100096x16xf32, #tpu.memory_space<vmem_shared>> -> memref<391x16xf32, #tpu.memory_space<vmem_shared>>
      tpu.enqueue_dma source(%arg15 : memref<391x16xf32, #tpu.memory_space<vmem>>) target(%dma_start3A_298 : memref<391x16xf32, #tpu.memory_space<vmem_shared>>) target_semaphore(%run_scoped3A : memref<!tpu.dma_semaphore, #tpu.memory_space<semaphore_mem>>)
      %dma_wait3A = arith.constant 0 : i32
      %dma_wait3A_299 = tpu.memref_slice %arg16[%add3A_57, %dma_wait3A] : memref<100096x16xf32, #tpu.memory_space<vmem_shared>> -> memref<391x16xf32, #tpu.memory_space<vmem_shared>>
      %dma_wait3A_300 = arith.constant 0 : i32
      %dma_wait3A_301 = tpu.memref_slice %arg16[%add3A_57, %dma_wait3A_300] : memref<100096x16xf32, #tpu.memory_space<vmem_shared>> -> memref<391x16xf32, #tpu.memory_space<vmem_shared>>
      tpu.wait_dma2 semaphore(%run_scoped3A : memref<!tpu.dma_semaphore, #tpu.memory_space<semaphore_mem>>) src(%arg15 : memref<391x16xf32, #tpu.memory_space<vmem>>) dst(%dma_wait3A_301 : memref<391x16xf32, #tpu.memory_space<vmem_shared>>)
      tpu.yield
    }) : () -> ()
    %mul3A_58 = arith.constant 6256 : i32
    %mul3A_59 = arith.muli %arg1, %mul3A_58 : i32
    %add3A_60 = arith.constant 5865 : i32
    %add3A_61 = arith.addi %mul3A_59, %add3A_60 : i32
    "tpu.region"() ({
      %run_scoped3A = tpu.sem_alloc : memref<!tpu.dma_semaphore, #tpu.memory_space<semaphore_mem>>
      %dma_start3A = arith.constant 0 : i32
      %dma_start3A_296 = tpu.memref_slice %arg16[%add3A_61, %dma_start3A] : memref<100096x16xf32, #tpu.memory_space<vmem_shared>> -> memref<391x16xf32, #tpu.memory_space<vmem_shared>>
      %dma_start3A_297 = arith.constant 0 : i32
      %dma_start3A_298 = tpu.memref_slice %arg16[%add3A_61, %dma_start3A_297] : memref<100096x16xf32, #tpu.memory_space<vmem_shared>> -> memref<391x16xf32, #tpu.memory_space<vmem_shared>>
      tpu.enqueue_dma source(%arg15 : memref<391x16xf32, #tpu.memory_space<vmem>>) target(%dma_start3A_298 : memref<391x16xf32, #tpu.memory_space<vmem_shared>>) target_semaphore(%run_scoped3A : memref<!tpu.dma_semaphore, #tpu.memory_space<semaphore_mem>>)
      %dma_wait3A = arith.constant 0 : i32
      %dma_wait3A_299 = tpu.memref_slice %arg16[%add3A_61, %dma_wait3A] : memref<100096x16xf32, #tpu.memory_space<vmem_shared>> -> memref<391x16xf32, #tpu.memory_space<vmem_shared>>
      %dma_wait3A_300 = arith.constant 0 : i32
      %dma_wait3A_301 = tpu.memref_slice %arg16[%add3A_61, %dma_wait3A_300] : memref<100096x16xf32, #tpu.memory_space<vmem_shared>> -> memref<391x16xf32, #tpu.memory_space<vmem_shared>>
      tpu.wait_dma2 semaphore(%run_scoped3A : memref<!tpu.dma_semaphore, #tpu.memory_space<semaphore_mem>>) src(%arg15 : memref<391x16xf32, #tpu.memory_space<vmem>>) dst(%dma_wait3A_301 : memref<391x16xf32, #tpu.memory_space<vmem_shared>>)
      tpu.yield
    }) : () -> ()
    %barrier3A = arith.constant 0 : index
    tpu.barrier barrier_id(%barrier3A)
    %mul3A_62 = arith.constant 400000 : i32
    %mul3A_63 = arith.muli %arg1, %mul3A_62 : i32
    %eq3A = arith.constant 0 : i32
    %eq3A_64 = arith.cmpi eq, %arg0, %eq3A : i32
    %convert_element_type3A = arith.extui %eq3A_64 : i1 to i32
    %cond3A = arith.constant 0 : i32
    %cond3A_65 = arith.cmpi ne, %convert_element_type3A, %cond3A : i32
    scf.if %cond3A_65 {
      "tpu.region"() ({
        %run_scoped3A = tpu.sem_alloc : memref<!tpu.dma_semaphore, #tpu.memory_space<semaphore_mem>>
        %dma_start3A_304 = tpu.memref_slice %arg2[%mul3A_63] : memref<6400000xi32, #tpu.memory_space<hbm>> -> memref<400xi32, #tpu.memory_space<hbm>>
        %dma_start3A_305 = tpu.memref_slice %arg2[%mul3A_63] : memref<6400000xi32, #tpu.memory_space<hbm>> -> memref<400xi32, #tpu.memory_space<hbm>>
        tpu.enqueue_dma source(%dma_start3A_305 : memref<400xi32, #tpu.memory_space<hbm>>) target(%arg9 : memref<400xi32, #tpu.memory_space<vmem>>) target_semaphore(%run_scoped3A : memref<!tpu.dma_semaphore, #tpu.memory_space<semaphore_mem>>)
        %dma_wait3A = tpu.memref_slice %arg2[%mul3A_63] : memref<6400000xi32, #tpu.memory_space<hbm>> -> memref<400xi32, #tpu.memory_space<hbm>>
        %dma_wait3A_306 = tpu.memref_slice %arg2[%mul3A_63] : memref<6400000xi32, #tpu.memory_space<hbm>> -> memref<400xi32, #tpu.memory_space<hbm>>
        tpu.wait_dma2 semaphore(%run_scoped3A : memref<!tpu.dma_semaphore, #tpu.memory_space<semaphore_mem>>) src(%dma_wait3A_306 : memref<400xi32, #tpu.memory_space<hbm>>) dst(%arg9 : memref<400xi32, #tpu.memory_space<vmem>>)
        tpu.yield
      }) : () -> ()
      "tpu.region"() ({
        %run_scoped3A = tpu.sem_alloc : memref<!tpu.dma_semaphore, #tpu.memory_space<semaphore_mem>>
        %dma_start3A_304 = tpu.memref_slice %arg3[%mul3A_63] : memref<6400000xi32, #tpu.memory_space<hbm>> -> memref<400xi32, #tpu.memory_space<hbm>>
        %dma_start3A_305 = tpu.memref_slice %arg3[%mul3A_63] : memref<6400000xi32, #tpu.memory_space<hbm>> -> memref<400xi32, #tpu.memory_space<hbm>>
        tpu.enqueue_dma source(%dma_start3A_305 : memref<400xi32, #tpu.memory_space<hbm>>) target(%arg10 : memref<400xi32, #tpu.memory_space<vmem>>) target_semaphore(%run_scoped3A : memref<!tpu.dma_semaphore, #tpu.memory_space<semaphore_mem>>)
        %dma_wait3A = tpu.memref_slice %arg3[%mul3A_63] : memref<6400000xi32, #tpu.memory_space<hbm>> -> memref<400xi32, #tpu.memory_space<hbm>>
        %dma_wait3A_306 = tpu.memref_slice %arg3[%mul3A_63] : memref<6400000xi32, #tpu.memory_space<hbm>> -> memref<400xi32, #tpu.memory_space<hbm>>
        tpu.wait_dma2 semaphore(%run_scoped3A : memref<!tpu.dma_semaphore, #tpu.memory_space<semaphore_mem>>) src(%dma_wait3A_306 : memref<400xi32, #tpu.memory_space<hbm>>) dst(%arg10 : memref<400xi32, #tpu.memory_space<vmem>>)
        tpu.yield
      }) : () -> ()
      %dma_start3A = arith.constant 0 : i32
      %dma_start3A_296 = arith.constant 0 : i32
      %dma_start3A_297 = tpu.memref_slice %arg4[%dma_start3A, %dma_start3A_296] : memref<100096x16xf32, #tpu.memory_space<hbm>> -> memref<100096x16xf32, #tpu.memory_space<hbm>>
      tpu.enqueue_indirect_dma source(%dma_start3A_297 : memref<100096x16xf32, #tpu.memory_space<hbm>>) target(%arg13 : memref<400x16xf32, #tpu.memory_space<vmem>>) offsets(%arg9 : memref<400xi32, #tpu.memory_space<vmem>>) semaphore(%arg17 : memref<!tpu.dma_semaphore, #tpu.memory_space<semaphore_mem>>)
      %scan3A = arith.constant 0 : i32
      %scan3A_298 = arith.constant 0 : i32
      %scan3A_299 = arith.constant 500 : i32
      %scan3A_300 = arith.addi %scan3A_298, %scan3A_299 : i32
      %scan3A_301 = arith.constant 1 : i32
      %scan3A_302 = scf.for %scan3A_304 = %scan3A_298 to %scan3A_300 step %scan3A_301 iter_args(%scan3A_305 = %scan3A) -> (i32)  : i32 {
        %mul3A_306 = arith.constant 2 : i32
        %mul3A_307 = arith.muli %mul3A_306, %scan3A_304 : i32
        %add3A_308 = arith.constant 1 : i32
        %add3A_309 = arith.addi %mul3A_307, %add3A_308 : i32
        %mul3A_310 = arith.constant 400 : i32
        %mul3A_311 = arith.muli %add3A_309, %mul3A_310 : i32
        %add3A_312 = arith.addi %mul3A_63, %mul3A_311 : i32
        "tpu.region"() ({
          %run_scoped3A = tpu.sem_alloc : memref<!tpu.dma_semaphore, #tpu.memory_space<semaphore_mem>>
          %dma_start3A_326 = tpu.memref_slice %arg2[%add3A_312] : memref<6400000xi32, #tpu.memory_space<hbm>> -> memref<400xi32, #tpu.memory_space<hbm>>
          %dma_start3A_327 = tpu.memref_slice %arg2[%add3A_312] : memref<6400000xi32, #tpu.memory_space<hbm>> -> memref<400xi32, #tpu.memory_space<hbm>>
          tpu.enqueue_dma source(%dma_start3A_327 : memref<400xi32, #tpu.memory_space<hbm>>) target(%arg11 : memref<400xi32, #tpu.memory_space<vmem>>) target_semaphore(%run_scoped3A : memref<!tpu.dma_semaphore, #tpu.memory_space<semaphore_mem>>)
          %dma_wait3A_328 = tpu.memref_slice %arg2[%add3A_312] : memref<6400000xi32, #tpu.memory_space<hbm>> -> memref<400xi32, #tpu.memory_space<hbm>>
          %dma_wait3A_329 = tpu.memref_slice %arg2[%add3A_312] : memref<6400000xi32, #tpu.memory_space<hbm>> -> memref<400xi32, #tpu.memory_space<hbm>>
          tpu.wait_dma2 semaphore(%run_scoped3A : memref<!tpu.dma_semaphore, #tpu.memory_space<semaphore_mem>>) src(%dma_wait3A_329 : memref<400xi32, #tpu.memory_space<hbm>>) dst(%arg11 : memref<400xi32, #tpu.memory_space<vmem>>)
          tpu.yield
        }) : () -> ()
        "tpu.region"() ({
          %run_scoped3A = tpu.sem_alloc : memref<!tpu.dma_semaphore, #tpu.memory_space<semaphore_mem>>
          %dma_start3A_326 = tpu.memref_slice %arg3[%add3A_312] : memref<6400000xi32, #tpu.memory_space<hbm>> -> memref<400xi32, #tpu.memory_space<hbm>>
          %dma_start3A_327 = tpu.memref_slice %arg3[%add3A_312] : memref<6400000xi32, #tpu.memory_space<hbm>> -> memref<400xi32, #tpu.memory_space<hbm>>
          tpu.enqueue_dma source(%dma_start3A_327 : memref<400xi32, #tpu.memory_space<hbm>>) target(%arg12 : memref<400xi32, #tpu.memory_space<vmem>>) target_semaphore(%run_scoped3A : memref<!tpu.dma_semaphore, #tpu.memory_space<semaphore_mem>>)
          %dma_wait3A_328 = tpu.memref_slice %arg3[%add3A_312] : memref<6400000xi32, #tpu.memory_space<hbm>> -> memref<400xi32, #tpu.memory_space<hbm>>
          %dma_wait3A_329 = tpu.memref_slice %arg3[%add3A_312] : memref<6400000xi32, #tpu.memory_space<hbm>> -> memref<400xi32, #tpu.memory_space<hbm>>
          tpu.wait_dma2 semaphore(%run_scoped3A : memref<!tpu.dma_semaphore, #tpu.memory_space<semaphore_mem>>) src(%dma_wait3A_329 : memref<400xi32, #tpu.memory_space<hbm>>) dst(%arg12 : memref<400xi32, #tpu.memory_space<vmem>>)
          tpu.yield
        }) : () -> ()
        %dma_start3A_313 = arith.constant 0 : i32
        %dma_start3A_314 = arith.constant 0 : i32
        %dma_start3A_315 = tpu.memref_slice %arg4[%dma_start3A_313, %dma_start3A_314] : memref<100096x16xf32, #tpu.memory_space<hbm>> -> memref<100096x16xf32, #tpu.memory_space<hbm>>
        tpu.enqueue_indirect_dma source(%dma_start3A_315 : memref<100096x16xf32, #tpu.memory_space<hbm>>) target(%arg14 : memref<400x16xf32, #tpu.memory_space<vmem>>) offsets(%arg11 : memref<400xi32, #tpu.memory_space<vmem>>) semaphore(%arg18 : memref<!tpu.dma_semaphore, #tpu.memory_space<semaphore_mem>>)
        %dma_wait3A = arith.constant 0 : i32
        %dma_wait3A_316 = arith.constant 0 : i32
        %dma_wait3A_317 = tpu.memref_slice %arg4[%dma_wait3A, %dma_wait3A_316] : memref<100096x16xf32, #tpu.memory_space<hbm>> -> memref<100096x16xf32, #tpu.memory_space<hbm>>
        tpu.wait_indirect_dma semaphore(%arg17 : memref<!tpu.dma_semaphore, #tpu.memory_space<semaphore_mem>>) src(%dma_wait3A_317 : memref<100096x16xf32, #tpu.memory_space<hbm>>) dst(%arg13 : memref<400x16xf32, #tpu.memory_space<vmem>>)
        "tpu.region"() ({
          %run_scoped3A = tpu.sem_alloc : memref<!tpu.dma_semaphore, #tpu.memory_space<semaphore_mem>>
          %dma_start3A_326 = arith.constant 0 : i32
          %dma_start3A_327 = arith.constant 0 : i32
          %dma_start3A_328 = tpu.memref_slice %arg16[%dma_start3A_326, %dma_start3A_327] : memref<100096x16xf32, #tpu.memory_space<vmem_shared>> -> memref<100096x16xf32, #tpu.memory_space<vmem_shared>>
          tpu.enqueue_indirect_dma source(%arg13 : memref<400x16xf32, #tpu.memory_space<vmem>>) target(%dma_start3A_328 : memref<100096x16xf32, #tpu.memory_space<vmem_shared>>) offsets(%arg10 : memref<400xi32, #tpu.memory_space<vmem>>) semaphore(%run_scoped3A : memref<!tpu.dma_semaphore, #tpu.memory_space<semaphore_mem>>) {add = true}
          %dma_wait3A_329 = arith.constant 0 : i32
          %dma_wait3A_330 = arith.constant 0 : i32
          %dma_wait3A_331 = tpu.memref_slice %arg16[%dma_wait3A_329, %dma_wait3A_330] : memref<100096x16xf32, #tpu.memory_space<vmem_shared>> -> memref<100096x16xf32, #tpu.memory_space<vmem_shared>>
          tpu.wait_indirect_dma semaphore(%run_scoped3A : memref<!tpu.dma_semaphore, #tpu.memory_space<semaphore_mem>>) src(%arg13 : memref<400x16xf32, #tpu.memory_space<vmem>>) dst(%dma_wait3A_331 : memref<100096x16xf32, #tpu.memory_space<vmem_shared>>)
          tpu.yield
        }) : () -> ()
        %lt3A = arith.constant 499 : i32
        %lt3A_318 = arith.cmpi slt, %scan3A_304, %lt3A : i32
        %convert_element_type3A_319 = arith.extui %lt3A_318 : i1 to i32
        %cond3A_320 = arith.constant 0 : i32
        %cond3A_321 = arith.cmpi ne, %convert_element_type3A_319, %cond3A_320 : i32
        scf.if %cond3A_321 {
          %mul3A_326 = arith.constant 2 : i32
          %mul3A_327 = arith.muli %mul3A_326, %scan3A_304 : i32
          %add3A_328 = arith.constant 2 : i32
          %add3A_329 = arith.addi %mul3A_327, %add3A_328 : i32
          %mul3A_330 = arith.constant 400 : i32
          %mul3A_331 = arith.muli %add3A_329, %mul3A_330 : i32
          %add3A_332 = arith.addi %mul3A_63, %mul3A_331 : i32
          "tpu.region"() ({
            %run_scoped3A = tpu.sem_alloc : memref<!tpu.dma_semaphore, #tpu.memory_space<semaphore_mem>>
            %dma_start3A_336 = tpu.memref_slice %arg2[%add3A_332] : memref<6400000xi32, #tpu.memory_space<hbm>> -> memref<400xi32, #tpu.memory_space<hbm>>
            %dma_start3A_337 = tpu.memref_slice %arg2[%add3A_332] : memref<6400000xi32, #tpu.memory_space<hbm>> -> memref<400xi32, #tpu.memory_space<hbm>>
            tpu.enqueue_dma source(%dma_start3A_337 : memref<400xi32, #tpu.memory_space<hbm>>) target(%arg9 : memref<400xi32, #tpu.memory_space<vmem>>) target_semaphore(%run_scoped3A : memref<!tpu.dma_semaphore, #tpu.memory_space<semaphore_mem>>)
            %dma_wait3A_338 = tpu.memref_slice %arg2[%add3A_332] : memref<6400000xi32, #tpu.memory_space<hbm>> -> memref<400xi32, #tpu.memory_space<hbm>>
            %dma_wait3A_339 = tpu.memref_slice %arg2[%add3A_332] : memref<6400000xi32, #tpu.memory_space<hbm>> -> memref<400xi32, #tpu.memory_space<hbm>>
            tpu.wait_dma2 semaphore(%run_scoped3A : memref<!tpu.dma_semaphore, #tpu.memory_space<semaphore_mem>>) src(%dma_wait3A_339 : memref<400xi32, #tpu.memory_space<hbm>>) dst(%arg9 : memref<400xi32, #tpu.memory_space<vmem>>)
            tpu.yield
          }) : () -> ()
          "tpu.region"() ({
            %run_scoped3A = tpu.sem_alloc : memref<!tpu.dma_semaphore, #tpu.memory_space<semaphore_mem>>
            %dma_start3A_336 = tpu.memref_slice %arg3[%add3A_332] : memref<6400000xi32, #tpu.memory_space<hbm>> -> memref<400xi32, #tpu.memory_space<hbm>>
            %dma_start3A_337 = tpu.memref_slice %arg3[%add3A_332] : memref<6400000xi32, #tpu.memory_space<hbm>> -> memref<400xi32, #tpu.memory_space<hbm>>
            tpu.enqueue_dma source(%dma_start3A_337 : memref<400xi32, #tpu.memory_space<hbm>>) target(%arg10 : memref<400xi32, #tpu.memory_space<vmem>>) target_semaphore(%run_scoped3A : memref<!tpu.dma_semaphore, #tpu.memory_space<semaphore_mem>>)
            %dma_wait3A_338 = tpu.memref_slice %arg3[%add3A_332] : memref<6400000xi32, #tpu.memory_space<hbm>> -> memref<400xi32, #tpu.memory_space<hbm>>
            %dma_wait3A_339 = tpu.memref_slice %arg3[%add3A_332] : memref<6400000xi32, #tpu.memory_space<hbm>> -> memref<400xi32, #tpu.memory_space<hbm>>
            tpu.wait_dma2 semaphore(%run_scoped3A : memref<!tpu.dma_semaphore, #tpu.memory_space<semaphore_mem>>) src(%dma_wait3A_339 : memref<400xi32, #tpu.memory_space<hbm>>) dst(%arg10 : memref<400xi32, #tpu.memory_space<vmem>>)
            tpu.yield
          }) : () -> ()
          %dma_start3A_333 = arith.constant 0 : i32
          %dma_start3A_334 = arith.constant 0 : i32
          %dma_start3A_335 = tpu.memref_slice %arg4[%dma_start3A_333, %dma_start3A_334] : memref<100096x16xf32, #tpu.memory_space<hbm>> -> memref<100096x16xf32, #tpu.memory_space<hbm>>
          tpu.enqueue_indirect_dma source(%dma_start3A_335 : memref<100096x16xf32, #tpu.memory_space<hbm>>) target(%arg13 : memref<400x16xf32, #tpu.memory_space<vmem>>) offsets(%arg9 : memref<400xi32, #tpu.memory_space<vmem>>) semaphore(%arg17 : memref<!tpu.dma_semaphore, #tpu.memory_space<semaphore_mem>>)
        } else {
        }
        %dma_wait3A_322 = arith.constant 0 : i32
        %dma_wait3A_323 = arith.constant 0 : i32
        %dma_wait3A_324 = tpu.memref_slice %arg4[%dma_wait3A_322, %dma_wait3A_323] : memref<100096x16xf32, #tpu.memory_space<hbm>> -> memref<100096x16xf32, #tpu.memory_space<hbm>>
        tpu.wait_indirect_dma semaphore(%arg18 : memref<!tpu.dma_semaphore, #tpu.memory_space<semaphore_mem>>) src(%dma_wait3A_324 : memref<100096x16xf32, #tpu.memory_space<hbm>>) dst(%arg14 : memref<400x16xf32, #tpu.memory_space<vmem>>)
        "tpu.region"() ({
          %run_scoped3A = tpu.sem_alloc : memref<!tpu.dma_semaphore, #tpu.memory_space<semaphore_mem>>
          %dma_start3A_326 = arith.constant 0 : i32
          %dma_start3A_327 = arith.constant 0 : i32
          %dma_start3A_328 = tpu.memref_slice %arg16[%dma_start3A_326, %dma_start3A_327] : memref<100096x16xf32, #tpu.memory_space<vmem_shared>> -> memref<100096x16xf32, #tpu.memory_space<vmem_shared>>
          tpu.enqueue_indirect_dma source(%arg14 : memref<400x16xf32, #tpu.memory_space<vmem>>) target(%dma_start3A_328 : memref<100096x16xf32, #tpu.memory_space<vmem_shared>>) offsets(%arg12 : memref<400xi32, #tpu.memory_space<vmem>>) semaphore(%run_scoped3A : memref<!tpu.dma_semaphore, #tpu.memory_space<semaphore_mem>>) {add = true}
          %dma_wait3A_329 = arith.constant 0 : i32
          %dma_wait3A_330 = arith.constant 0 : i32
          %dma_wait3A_331 = tpu.memref_slice %arg16[%dma_wait3A_329, %dma_wait3A_330] : memref<100096x16xf32, #tpu.memory_space<vmem_shared>> -> memref<100096x16xf32, #tpu.memory_space<vmem_shared>>
          tpu.wait_indirect_dma semaphore(%run_scoped3A : memref<!tpu.dma_semaphore, #tpu.memory_space<semaphore_mem>>) src(%arg14 : memref<400x16xf32, #tpu.memory_space<vmem>>) dst(%dma_wait3A_331 : memref<100096x16xf32, #tpu.memory_space<vmem_shared>>)
          tpu.yield
        }) : () -> ()
        %scan3A_325 = arith.constant 0 : i32
        scf.yield %scan3A_325 : i32
      }
      %scan3A_303 = arith.constant 500 : i32
    } else {
    }
    %eq3A_66 = arith.constant 1 : i32
    %eq3A_67 = arith.cmpi eq, %arg0, %eq3A_66 : i32
    %convert_element_type3A_68 = arith.extui %eq3A_67 : i1 to i32
    %cond3A_69 = arith.constant 0 : i32
    %cond3A_70 = arith.cmpi ne, %convert_element_type3A_68, %cond3A_69 : i32
    scf.if %cond3A_70 {
      "tpu.region"() ({
        %run_scoped3A = tpu.sem_alloc : memref<!tpu.dma_semaphore, #tpu.memory_space<semaphore_mem>>
        %dma_start3A_304 = tpu.memref_slice %arg2[%mul3A_63] : memref<6400000xi32, #tpu.memory_space<hbm>> -> memref<400xi32, #tpu.memory_space<hbm>>
        %dma_start3A_305 = tpu.memref_slice %arg2[%mul3A_63] : memref<6400000xi32, #tpu.memory_space<hbm>> -> memref<400xi32, #tpu.memory_space<hbm>>
        tpu.enqueue_dma source(%dma_start3A_305 : memref<400xi32, #tpu.memory_space<hbm>>) target(%arg9 : memref<400xi32, #tpu.memory_space<vmem>>) target_semaphore(%run_scoped3A : memref<!tpu.dma_semaphore, #tpu.memory_space<semaphore_mem>>)
        %dma_wait3A = tpu.memref_slice %arg2[%mul3A_63] : memref<6400000xi32, #tpu.memory_space<hbm>> -> memref<400xi32, #tpu.memory_space<hbm>>
        %dma_wait3A_306 = tpu.memref_slice %arg2[%mul3A_63] : memref<6400000xi32, #tpu.memory_space<hbm>> -> memref<400xi32, #tpu.memory_space<hbm>>
        tpu.wait_dma2 semaphore(%run_scoped3A : memref<!tpu.dma_semaphore, #tpu.memory_space<semaphore_mem>>) src(%dma_wait3A_306 : memref<400xi32, #tpu.memory_space<hbm>>) dst(%arg9 : memref<400xi32, #tpu.memory_space<vmem>>)
        tpu.yield
      }) : () -> ()
      "tpu.region"() ({
        %run_scoped3A = tpu.sem_alloc : memref<!tpu.dma_semaphore, #tpu.memory_space<semaphore_mem>>
        %dma_start3A_304 = tpu.memref_slice %arg3[%mul3A_63] : memref<6400000xi32, #tpu.memory_space<hbm>> -> memref<400xi32, #tpu.memory_space<hbm>>
        %dma_start3A_305 = tpu.memref_slice %arg3[%mul3A_63] : memref<6400000xi32, #tpu.memory_space<hbm>> -> memref<400xi32, #tpu.memory_space<hbm>>
        tpu.enqueue_dma source(%dma_start3A_305 : memref<400xi32, #tpu.memory_space<hbm>>) target(%arg10 : memref<400xi32, #tpu.memory_space<vmem>>) target_semaphore(%run_scoped3A : memref<!tpu.dma_semaphore, #tpu.memory_space<semaphore_mem>>)
        %dma_wait3A = tpu.memref_slice %arg3[%mul3A_63] : memref<6400000xi32, #tpu.memory_space<hbm>> -> memref<400xi32, #tpu.memory_space<hbm>>
        %dma_wait3A_306 = tpu.memref_slice %arg3[%mul3A_63] : memref<6400000xi32, #tpu.memory_space<hbm>> -> memref<400xi32, #tpu.memory_space<hbm>>
        tpu.wait_dma2 semaphore(%run_scoped3A : memref<!tpu.dma_semaphore, #tpu.memory_space<semaphore_mem>>) src(%dma_wait3A_306 : memref<400xi32, #tpu.memory_space<hbm>>) dst(%arg10 : memref<400xi32, #tpu.memory_space<vmem>>)
        tpu.yield
      }) : () -> ()
      %dma_start3A = arith.constant 0 : i32
      %dma_start3A_296 = arith.constant 0 : i32
      %dma_start3A_297 = tpu.memref_slice %arg5[%dma_start3A, %dma_start3A_296] : memref<100096x16xf32, #tpu.memory_space<hbm>> -> memref<100096x16xf32, #tpu.memory_space<hbm>>
      tpu.enqueue_indirect_dma source(%dma_start3A_297 : memref<100096x16xf32, #tpu.memory_space<hbm>>) target(%arg13 : memref<400x16xf32, #tpu.memory_space<vmem>>) offsets(%arg9 : memref<400xi32, #tpu.memory_space<vmem>>) semaphore(%arg17 : memref<!tpu.dma_semaphore, #tpu.memory_space<semaphore_mem>>)
      %scan3A = arith.constant 0 : i32
      %scan3A_298 = arith.constant 0 : i32
      %scan3A_299 = arith.constant 500 : i32
      %scan3A_300 = arith.addi %scan3A_298, %scan3A_299 : i32
      %scan3A_301 = arith.constant 1 : i32
      %scan3A_302 = scf.for %scan3A_304 = %scan3A_298 to %scan3A_300 step %scan3A_301 iter_args(%scan3A_305 = %scan3A) -> (i32)  : i32 {
        %mul3A_306 = arith.constant 2 : i32
        %mul3A_307 = arith.muli %mul3A_306, %scan3A_304 : i32
        %add3A_308 = arith.constant 1 : i32
        %add3A_309 = arith.addi %mul3A_307, %add3A_308 : i32
        %mul3A_310 = arith.constant 400 : i32
        %mul3A_311 = arith.muli %add3A_309, %mul3A_310 : i32
        %add3A_312 = arith.addi %mul3A_63, %mul3A_311 : i32
        "tpu.region"() ({
          %run_scoped3A = tpu.sem_alloc : memref<!tpu.dma_semaphore, #tpu.memory_space<semaphore_mem>>
          %dma_start3A_326 = tpu.memref_slice %arg2[%add3A_312] : memref<6400000xi32, #tpu.memory_space<hbm>> -> memref<400xi32, #tpu.memory_space<hbm>>
          %dma_start3A_327 = tpu.memref_slice %arg2[%add3A_312] : memref<6400000xi32, #tpu.memory_space<hbm>> -> memref<400xi32, #tpu.memory_space<hbm>>
          tpu.enqueue_dma source(%dma_start3A_327 : memref<400xi32, #tpu.memory_space<hbm>>) target(%arg11 : memref<400xi32, #tpu.memory_space<vmem>>) target_semaphore(%run_scoped3A : memref<!tpu.dma_semaphore, #tpu.memory_space<semaphore_mem>>)
          %dma_wait3A_328 = tpu.memref_slice %arg2[%add3A_312] : memref<6400000xi32, #tpu.memory_space<hbm>> -> memref<400xi32, #tpu.memory_space<hbm>>
          %dma_wait3A_329 = tpu.memref_slice %arg2[%add3A_312] : memref<6400000xi32, #tpu.memory_space<hbm>> -> memref<400xi32, #tpu.memory_space<hbm>>
          tpu.wait_dma2 semaphore(%run_scoped3A : memref<!tpu.dma_semaphore, #tpu.memory_space<semaphore_mem>>) src(%dma_wait3A_329 : memref<400xi32, #tpu.memory_space<hbm>>) dst(%arg11 : memref<400xi32, #tpu.memory_space<vmem>>)
          tpu.yield
        }) : () -> ()
        "tpu.region"() ({
          %run_scoped3A = tpu.sem_alloc : memref<!tpu.dma_semaphore, #tpu.memory_space<semaphore_mem>>
          %dma_start3A_326 = tpu.memref_slice %arg3[%add3A_312] : memref<6400000xi32, #tpu.memory_space<hbm>> -> memref<400xi32, #tpu.memory_space<hbm>>
          %dma_start3A_327 = tpu.memref_slice %arg3[%add3A_312] : memref<6400000xi32, #tpu.memory_space<hbm>> -> memref<400xi32, #tpu.memory_space<hbm>>
          tpu.enqueue_dma source(%dma_start3A_327 : memref<400xi32, #tpu.memory_space<hbm>>) target(%arg12 : memref<400xi32, #tpu.memory_space<vmem>>) target_semaphore(%run_scoped3A : memref<!tpu.dma_semaphore, #tpu.memory_space<semaphore_mem>>)
          %dma_wait3A_328 = tpu.memref_slice %arg3[%add3A_312] : memref<6400000xi32, #tpu.memory_space<hbm>> -> memref<400xi32, #tpu.memory_space<hbm>>
          %dma_wait3A_329 = tpu.memref_slice %arg3[%add3A_312] : memref<6400000xi32, #tpu.memory_space<hbm>> -> memref<400xi32, #tpu.memory_space<hbm>>
          tpu.wait_dma2 semaphore(%run_scoped3A : memref<!tpu.dma_semaphore, #tpu.memory_space<semaphore_mem>>) src(%dma_wait3A_329 : memref<400xi32, #tpu.memory_space<hbm>>) dst(%arg12 : memref<400xi32, #tpu.memory_space<vmem>>)
          tpu.yield
        }) : () -> ()
        %dma_start3A_313 = arith.constant 0 : i32
        %dma_start3A_314 = arith.constant 0 : i32
        %dma_start3A_315 = tpu.memref_slice %arg5[%dma_start3A_313, %dma_start3A_314] : memref<100096x16xf32, #tpu.memory_space<hbm>> -> memref<100096x16xf32, #tpu.memory_space<hbm>>
        tpu.enqueue_indirect_dma source(%dma_start3A_315 : memref<100096x16xf32, #tpu.memory_space<hbm>>) target(%arg14 : memref<400x16xf32, #tpu.memory_space<vmem>>) offsets(%arg11 : memref<400xi32, #tpu.memory_space<vmem>>) semaphore(%arg18 : memref<!tpu.dma_semaphore, #tpu.memory_space<semaphore_mem>>)
        %dma_wait3A = arith.constant 0 : i32
        %dma_wait3A_316 = arith.constant 0 : i32
        %dma_wait3A_317 = tpu.memref_slice %arg5[%dma_wait3A, %dma_wait3A_316] : memref<100096x16xf32, #tpu.memory_space<hbm>> -> memref<100096x16xf32, #tpu.memory_space<hbm>>
        tpu.wait_indirect_dma semaphore(%arg17 : memref<!tpu.dma_semaphore, #tpu.memory_space<semaphore_mem>>) src(%dma_wait3A_317 : memref<100096x16xf32, #tpu.memory_space<hbm>>) dst(%arg13 : memref<400x16xf32, #tpu.memory_space<vmem>>)
        "tpu.region"() ({
          %run_scoped3A = tpu.sem_alloc : memref<!tpu.dma_semaphore, #tpu.memory_space<semaphore_mem>>
          %dma_start3A_326 = arith.constant 0 : i32
          %dma_start3A_327 = arith.constant 0 : i32
          %dma_start3A_328 = tpu.memref_slice %arg16[%dma_start3A_326, %dma_start3A_327] : memref<100096x16xf32, #tpu.memory_space<vmem_shared>> -> memref<100096x16xf32, #tpu.memory_space<vmem_shared>>
          tpu.enqueue_indirect_dma source(%arg13 : memref<400x16xf32, #tpu.memory_space<vmem>>) target(%dma_start3A_328 : memref<100096x16xf32, #tpu.memory_space<vmem_shared>>) offsets(%arg10 : memref<400xi32, #tpu.memory_space<vmem>>) semaphore(%run_scoped3A : memref<!tpu.dma_semaphore, #tpu.memory_space<semaphore_mem>>) {add = true}
          %dma_wait3A_329 = arith.constant 0 : i32
          %dma_wait3A_330 = arith.constant 0 : i32
          %dma_wait3A_331 = tpu.memref_slice %arg16[%dma_wait3A_329, %dma_wait3A_330] : memref<100096x16xf32, #tpu.memory_space<vmem_shared>> -> memref<100096x16xf32, #tpu.memory_space<vmem_shared>>
          tpu.wait_indirect_dma semaphore(%run_scoped3A : memref<!tpu.dma_semaphore, #tpu.memory_space<semaphore_mem>>) src(%arg13 : memref<400x16xf32, #tpu.memory_space<vmem>>) dst(%dma_wait3A_331 : memref<100096x16xf32, #tpu.memory_space<vmem_shared>>)
          tpu.yield
        }) : () -> ()
        %lt3A = arith.constant 499 : i32
        %lt3A_318 = arith.cmpi slt, %scan3A_304, %lt3A : i32
        %convert_element_type3A_319 = arith.extui %lt3A_318 : i1 to i32
        %cond3A_320 = arith.constant 0 : i32
        %cond3A_321 = arith.cmpi ne, %convert_element_type3A_319, %cond3A_320 : i32
        scf.if %cond3A_321 {
          %mul3A_326 = arith.constant 2 : i32
          %mul3A_327 = arith.muli %mul3A_326, %scan3A_304 : i32
          %add3A_328 = arith.constant 2 : i32
          %add3A_329 = arith.addi %mul3A_327, %add3A_328 : i32
          %mul3A_330 = arith.constant 400 : i32
          %mul3A_331 = arith.muli %add3A_329, %mul3A_330 : i32
          %add3A_332 = arith.addi %mul3A_63, %mul3A_331 : i32
          "tpu.region"() ({
            %run_scoped3A = tpu.sem_alloc : memref<!tpu.dma_semaphore, #tpu.memory_space<semaphore_mem>>
            %dma_start3A_336 = tpu.memref_slice %arg2[%add3A_332] : memref<6400000xi32, #tpu.memory_space<hbm>> -> memref<400xi32, #tpu.memory_space<hbm>>
            %dma_start3A_337 = tpu.memref_slice %arg2[%add3A_332] : memref<6400000xi32, #tpu.memory_space<hbm>> -> memref<400xi32, #tpu.memory_space<hbm>>
            tpu.enqueue_dma source(%dma_start3A_337 : memref<400xi32, #tpu.memory_space<hbm>>) target(%arg9 : memref<400xi32, #tpu.memory_space<vmem>>) target_semaphore(%run_scoped3A : memref<!tpu.dma_semaphore, #tpu.memory_space<semaphore_mem>>)
            %dma_wait3A_338 = tpu.memref_slice %arg2[%add3A_332] : memref<6400000xi32, #tpu.memory_space<hbm>> -> memref<400xi32, #tpu.memory_space<hbm>>
            %dma_wait3A_339 = tpu.memref_slice %arg2[%add3A_332] : memref<6400000xi32, #tpu.memory_space<hbm>> -> memref<400xi32, #tpu.memory_space<hbm>>
            tpu.wait_dma2 semaphore(%run_scoped3A : memref<!tpu.dma_semaphore, #tpu.memory_space<semaphore_mem>>) src(%dma_wait3A_339 : memref<400xi32, #tpu.memory_space<hbm>>) dst(%arg9 : memref<400xi32, #tpu.memory_space<vmem>>)
            tpu.yield
          }) : () -> ()
          "tpu.region"() ({
            %run_scoped3A = tpu.sem_alloc : memref<!tpu.dma_semaphore, #tpu.memory_space<semaphore_mem>>
            %dma_start3A_336 = tpu.memref_slice %arg3[%add3A_332] : memref<6400000xi32, #tpu.memory_space<hbm>> -> memref<400xi32, #tpu.memory_space<hbm>>
            %dma_start3A_337 = tpu.memref_slice %arg3[%add3A_332] : memref<6400000xi32, #tpu.memory_space<hbm>> -> memref<400xi32, #tpu.memory_space<hbm>>
            tpu.enqueue_dma source(%dma_start3A_337 : memref<400xi32, #tpu.memory_space<hbm>>) target(%arg10 : memref<400xi32, #tpu.memory_space<vmem>>) target_semaphore(%run_scoped3A : memref<!tpu.dma_semaphore, #tpu.memory_space<semaphore_mem>>)
            %dma_wait3A_338 = tpu.memref_slice %arg3[%add3A_332] : memref<6400000xi32, #tpu.memory_space<hbm>> -> memref<400xi32, #tpu.memory_space<hbm>>
            %dma_wait3A_339 = tpu.memref_slice %arg3[%add3A_332] : memref<6400000xi32, #tpu.memory_space<hbm>> -> memref<400xi32, #tpu.memory_space<hbm>>
            tpu.wait_dma2 semaphore(%run_scoped3A : memref<!tpu.dma_semaphore, #tpu.memory_space<semaphore_mem>>) src(%dma_wait3A_339 : memref<400xi32, #tpu.memory_space<hbm>>) dst(%arg10 : memref<400xi32, #tpu.memory_space<vmem>>)
            tpu.yield
          }) : () -> ()
          %dma_start3A_333 = arith.constant 0 : i32
          %dma_start3A_334 = arith.constant 0 : i32
          %dma_start3A_335 = tpu.memref_slice %arg5[%dma_start3A_333, %dma_start3A_334] : memref<100096x16xf32, #tpu.memory_space<hbm>> -> memref<100096x16xf32, #tpu.memory_space<hbm>>
          tpu.enqueue_indirect_dma source(%dma_start3A_335 : memref<100096x16xf32, #tpu.memory_space<hbm>>) target(%arg13 : memref<400x16xf32, #tpu.memory_space<vmem>>) offsets(%arg9 : memref<400xi32, #tpu.memory_space<vmem>>) semaphore(%arg17 : memref<!tpu.dma_semaphore, #tpu.memory_space<semaphore_mem>>)
        } else {
        }
        %dma_wait3A_322 = arith.constant 0 : i32
        %dma_wait3A_323 = arith.constant 0 : i32
        %dma_wait3A_324 = tpu.memref_slice %arg5[%dma_wait3A_322, %dma_wait3A_323] : memref<100096x16xf32, #tpu.memory_space<hbm>> -> memref<100096x16xf32, #tpu.memory_space<hbm>>
        tpu.wait_indirect_dma semaphore(%arg18 : memref<!tpu.dma_semaphore, #tpu.memory_space<semaphore_mem>>) src(%dma_wait3A_324 : memref<100096x16xf32, #tpu.memory_space<hbm>>) dst(%arg14 : memref<400x16xf32, #tpu.memory_space<vmem>>)
        "tpu.region"() ({
          %run_scoped3A = tpu.sem_alloc : memref<!tpu.dma_semaphore, #tpu.memory_space<semaphore_mem>>
          %dma_start3A_326 = arith.constant 0 : i32
          %dma_start3A_327 = arith.constant 0 : i32
          %dma_start3A_328 = tpu.memref_slice %arg16[%dma_start3A_326, %dma_start3A_327] : memref<100096x16xf32, #tpu.memory_space<vmem_shared>> -> memref<100096x16xf32, #tpu.memory_space<vmem_shared>>
          tpu.enqueue_indirect_dma source(%arg14 : memref<400x16xf32, #tpu.memory_space<vmem>>) target(%dma_start3A_328 : memref<100096x16xf32, #tpu.memory_space<vmem_shared>>) offsets(%arg12 : memref<400xi32, #tpu.memory_space<vmem>>) semaphore(%run_scoped3A : memref<!tpu.dma_semaphore, #tpu.memory_space<semaphore_mem>>) {add = true}
          %dma_wait3A_329 = arith.constant 0 : i32
          %dma_wait3A_330 = arith.constant 0 : i32
          %dma_wait3A_331 = tpu.memref_slice %arg16[%dma_wait3A_329, %dma_wait3A_330] : memref<100096x16xf32, #tpu.memory_space<vmem_shared>> -> memref<100096x16xf32, #tpu.memory_space<vmem_shared>>
          tpu.wait_indirect_dma semaphore(%run_scoped3A : memref<!tpu.dma_semaphore, #tpu.memory_space<semaphore_mem>>) src(%arg14 : memref<400x16xf32, #tpu.memory_space<vmem>>) dst(%dma_wait3A_331 : memref<100096x16xf32, #tpu.memory_space<vmem_shared>>)
          tpu.yield
        }) : () -> ()
        %scan3A_325 = arith.constant 0 : i32
        scf.yield %scan3A_325 : i32
      }
      %scan3A_303 = arith.constant 500 : i32
    } else {
    }
    %barrier3A_71 = arith.constant 0 : index
    tpu.barrier barrier_id(%barrier3A_71)
    %mul3A_72 = arith.constant 6256 : i32
    %mul3A_73 = arith.muli %arg1, %mul3A_72 : i32
    %add3A_74 = arith.constant 0 : i32
    %add3A_75 = arith.addi %mul3A_73, %add3A_74 : i32
    "tpu.region"() ({
      %run_scoped3A = tpu.sem_alloc : memref<!tpu.dma_semaphore, #tpu.memory_space<semaphore_mem>>
      %dma_start3A = arith.constant 0 : i32
      %dma_start3A_296 = tpu.memref_slice %arg16[%add3A_75, %dma_start3A] : memref<100096x16xf32, #tpu.memory_space<vmem_shared>> -> memref<391x16xf32, #tpu.memory_space<vmem_shared>>
      %dma_start3A_297 = arith.constant 0 : i32
      %dma_start3A_298 = tpu.memref_slice %arg16[%add3A_75, %dma_start3A_297] : memref<100096x16xf32, #tpu.memory_space<vmem_shared>> -> memref<391x16xf32, #tpu.memory_space<vmem_shared>>
      tpu.enqueue_dma source(%dma_start3A_298 : memref<391x16xf32, #tpu.memory_space<vmem_shared>>) target(%arg15 : memref<391x16xf32, #tpu.memory_space<vmem>>) target_semaphore(%run_scoped3A : memref<!tpu.dma_semaphore, #tpu.memory_space<semaphore_mem>>)
      %dma_wait3A = arith.constant 0 : i32
      %dma_wait3A_299 = tpu.memref_slice %arg16[%add3A_75, %dma_wait3A] : memref<100096x16xf32, #tpu.memory_space<vmem_shared>> -> memref<391x16xf32, #tpu.memory_space<vmem_shared>>
      %dma_wait3A_300 = arith.constant 0 : i32
      %dma_wait3A_301 = tpu.memref_slice %arg16[%add3A_75, %dma_wait3A_300] : memref<100096x16xf32, #tpu.memory_space<vmem_shared>> -> memref<391x16xf32, #tpu.memory_space<vmem_shared>>
      tpu.wait_dma2 semaphore(%run_scoped3A : memref<!tpu.dma_semaphore, #tpu.memory_space<semaphore_mem>>) src(%dma_wait3A_301 : memref<391x16xf32, #tpu.memory_space<vmem_shared>>) dst(%arg15 : memref<391x16xf32, #tpu.memory_space<vmem>>)
      tpu.yield
    }) : () -> ()
    %eq3A_76 = arith.constant 0 : i32
    %eq3A_77 = arith.cmpi eq, %arg0, %eq3A_76 : i32
    %convert_element_type3A_78 = arith.extui %eq3A_77 : i1 to i32
    %cond3A_79 = arith.constant 0 : i32
    %cond3A_80 = arith.cmpi ne, %convert_element_type3A_78, %cond3A_79 : i32
    scf.if %cond3A_80 {
      "tpu.region"() ({
        %run_scoped3A = tpu.sem_alloc : memref<!tpu.dma_semaphore, #tpu.memory_space<semaphore_mem>>
        %dma_start3A = arith.constant 0 : i32
        %dma_start3A_296 = tpu.memref_slice %arg7[%add3A_75, %dma_start3A] : memref<100096x16xf32, #tpu.memory_space<hbm>> -> memref<391x16xf32, #tpu.memory_space<hbm>>
        %dma_start3A_297 = arith.constant 0 : i32
        %dma_start3A_298 = tpu.memref_slice %arg7[%add3A_75, %dma_start3A_297] : memref<100096x16xf32, #tpu.memory_space<hbm>> -> memref<391x16xf32, #tpu.memory_space<hbm>>
        tpu.enqueue_dma source(%arg15 : memref<391x16xf32, #tpu.memory_space<vmem>>) target(%dma_start3A_298 : memref<391x16xf32, #tpu.memory_space<hbm>>) target_semaphore(%run_scoped3A : memref<!tpu.dma_semaphore, #tpu.memory_space<semaphore_mem>>)
        %dma_wait3A = arith.constant 0 : i32
        %dma_wait3A_299 = tpu.memref_slice %arg7[%add3A_75, %dma_wait3A] : memref<100096x16xf32, #tpu.memory_space<hbm>> -> memref<391x16xf32, #tpu.memory_space<hbm>>
        %dma_wait3A_300 = arith.constant 0 : i32
        %dma_wait3A_301 = tpu.memref_slice %arg7[%add3A_75, %dma_wait3A_300] : memref<100096x16xf32, #tpu.memory_space<hbm>> -> memref<391x16xf32, #tpu.memory_space<hbm>>
        tpu.wait_dma2 semaphore(%run_scoped3A : memref<!tpu.dma_semaphore, #tpu.memory_space<semaphore_mem>>) src(%arg15 : memref<391x16xf32, #tpu.memory_space<vmem>>) dst(%dma_wait3A_301 : memref<391x16xf32, #tpu.memory_space<hbm>>)
        tpu.yield
      }) : () -> ()
    } else {
    }
    %eq3A_81 = arith.constant 1 : i32
    %eq3A_82 = arith.cmpi eq, %arg0, %eq3A_81 : i32
    %convert_element_type3A_83 = arith.extui %eq3A_82 : i1 to i32
    %cond3A_84 = arith.constant 0 : i32
    %cond3A_85 = arith.cmpi ne, %convert_element_type3A_83, %cond3A_84 : i32
    scf.if %cond3A_85 {
      "tpu.region"() ({
        %run_scoped3A = tpu.sem_alloc : memref<!tpu.dma_semaphore, #tpu.memory_space<semaphore_mem>>
        %dma_start3A = arith.constant 0 : i32
        %dma_start3A_296 = tpu.memref_slice %arg8[%add3A_75, %dma_start3A] : memref<100096x16xf32, #tpu.memory_space<hbm>> -> memref<391x16xf32, #tpu.memory_space<hbm>>
        %dma_start3A_297 = arith.constant 0 : i32
        %dma_start3A_298 = tpu.memref_slice %arg8[%add3A_75, %dma_start3A_297] : memref<100096x16xf32, #tpu.memory_space<hbm>> -> memref<391x16xf32, #tpu.memory_space<hbm>>
        tpu.enqueue_dma source(%arg15 : memref<391x16xf32, #tpu.memory_space<vmem>>) target(%dma_start3A_298 : memref<391x16xf32, #tpu.memory_space<hbm>>) target_semaphore(%run_scoped3A : memref<!tpu.dma_semaphore, #tpu.memory_space<semaphore_mem>>)
        %dma_wait3A = arith.constant 0 : i32
        %dma_wait3A_299 = tpu.memref_slice %arg8[%add3A_75, %dma_wait3A] : memref<100096x16xf32, #tpu.memory_space<hbm>> -> memref<391x16xf32, #tpu.memory_space<hbm>>
        %dma_wait3A_300 = arith.constant 0 : i32
        %dma_wait3A_301 = tpu.memref_slice %arg8[%add3A_75, %dma_wait3A_300] : memref<100096x16xf32, #tpu.memory_space<hbm>> -> memref<391x16xf32, #tpu.memory_space<hbm>>
        tpu.wait_dma2 semaphore(%run_scoped3A : memref<!tpu.dma_semaphore, #tpu.memory_space<semaphore_mem>>) src(%arg15 : memref<391x16xf32, #tpu.memory_space<vmem>>) dst(%dma_wait3A_301 : memref<391x16xf32, #tpu.memory_space<hbm>>)
        tpu.yield
      }) : () -> ()
    } else {
    }
    %mul3A_86 = arith.constant 6256 : i32
    %mul3A_87 = arith.muli %arg1, %mul3A_86 : i32
    %add3A_88 = arith.constant 391 : i32
    %add3A_89 = arith.addi %mul3A_87, %add3A_88 : i32
    "tpu.region"() ({
      %run_scoped3A = tpu.sem_alloc : memref<!tpu.dma_semaphore, #tpu.memory_space<semaphore_mem>>
      %dma_start3A = arith.constant 0 : i32
      %dma_start3A_296 = tpu.memref_slice %arg16[%add3A_89, %dma_start3A] : memref<100096x16xf32, #tpu.memory_space<vmem_shared>> -> memref<391x16xf32, #tpu.memory_space<vmem_shared>>
      %dma_start3A_297 = arith.constant 0 : i32
      %dma_start3A_298 = tpu.memref_slice %arg16[%add3A_89, %dma_start3A_297] : memref<100096x16xf32, #tpu.memory_space<vmem_shared>> -> memref<391x16xf32, #tpu.memory_space<vmem_shared>>
      tpu.enqueue_dma source(%dma_start3A_298 : memref<391x16xf32, #tpu.memory_space<vmem_shared>>) target(%arg15 : memref<391x16xf32, #tpu.memory_space<vmem>>) target_semaphore(%run_scoped3A : memref<!tpu.dma_semaphore, #tpu.memory_space<semaphore_mem>>)
      %dma_wait3A = arith.constant 0 : i32
      %dma_wait3A_299 = tpu.memref_slice %arg16[%add3A_89, %dma_wait3A] : memref<100096x16xf32, #tpu.memory_space<vmem_shared>> -> memref<391x16xf32, #tpu.memory_space<vmem_shared>>
      %dma_wait3A_300 = arith.constant 0 : i32
      %dma_wait3A_301 = tpu.memref_slice %arg16[%add3A_89, %dma_wait3A_300] : memref<100096x16xf32, #tpu.memory_space<vmem_shared>> -> memref<391x16xf32, #tpu.memory_space<vmem_shared>>
      tpu.wait_dma2 semaphore(%run_scoped3A : memref<!tpu.dma_semaphore, #tpu.memory_space<semaphore_mem>>) src(%dma_wait3A_301 : memref<391x16xf32, #tpu.memory_space<vmem_shared>>) dst(%arg15 : memref<391x16xf32, #tpu.memory_space<vmem>>)
      tpu.yield
    }) : () -> ()
    %eq3A_90 = arith.constant 0 : i32
    %eq3A_91 = arith.cmpi eq, %arg0, %eq3A_90 : i32
    %convert_element_type3A_92 = arith.extui %eq3A_91 : i1 to i32
    %cond3A_93 = arith.constant 0 : i32
    %cond3A_94 = arith.cmpi ne, %convert_element_type3A_92, %cond3A_93 : i32
    scf.if %cond3A_94 {
      "tpu.region"() ({
        %run_scoped3A = tpu.sem_alloc : memref<!tpu.dma_semaphore, #tpu.memory_space<semaphore_mem>>
        %dma_start3A = arith.constant 0 : i32
        %dma_start3A_296 = tpu.memref_slice %arg7[%add3A_89, %dma_start3A] : memref<100096x16xf32, #tpu.memory_space<hbm>> -> memref<391x16xf32, #tpu.memory_space<hbm>>
        %dma_start3A_297 = arith.constant 0 : i32
        %dma_start3A_298 = tpu.memref_slice %arg7[%add3A_89, %dma_start3A_297] : memref<100096x16xf32, #tpu.memory_space<hbm>> -> memref<391x16xf32, #tpu.memory_space<hbm>>
        tpu.enqueue_dma source(%arg15 : memref<391x16xf32, #tpu.memory_space<vmem>>) target(%dma_start3A_298 : memref<391x16xf32, #tpu.memory_space<hbm>>) target_semaphore(%run_scoped3A : memref<!tpu.dma_semaphore, #tpu.memory_space<semaphore_mem>>)
        %dma_wait3A = arith.constant 0 : i32
        %dma_wait3A_299 = tpu.memref_slice %arg7[%add3A_89, %dma_wait3A] : memref<100096x16xf32, #tpu.memory_space<hbm>> -> memref<391x16xf32, #tpu.memory_space<hbm>>
        %dma_wait3A_300 = arith.constant 0 : i32
        %dma_wait3A_301 = tpu.memref_slice %arg7[%add3A_89, %dma_wait3A_300] : memref<100096x16xf32, #tpu.memory_space<hbm>> -> memref<391x16xf32, #tpu.memory_space<hbm>>
        tpu.wait_dma2 semaphore(%run_scoped3A : memref<!tpu.dma_semaphore, #tpu.memory_space<semaphore_mem>>) src(%arg15 : memref<391x16xf32, #tpu.memory_space<vmem>>) dst(%dma_wait3A_301 : memref<391x16xf32, #tpu.memory_space<hbm>>)
        tpu.yield
      }) : () -> ()
    } else {
    }
    %eq3A_95 = arith.constant 1 : i32
    %eq3A_96 = arith.cmpi eq, %arg0, %eq3A_95 : i32
    %convert_element_type3A_97 = arith.extui %eq3A_96 : i1 to i32
    %cond3A_98 = arith.constant 0 : i32
    %cond3A_99 = arith.cmpi ne, %convert_element_type3A_97, %cond3A_98 : i32
    scf.if %cond3A_99 {
      "tpu.region"() ({
        %run_scoped3A = tpu.sem_alloc : memref<!tpu.dma_semaphore, #tpu.memory_space<semaphore_mem>>
        %dma_start3A = arith.constant 0 : i32
        %dma_start3A_296 = tpu.memref_slice %arg8[%add3A_89, %dma_start3A] : memref<100096x16xf32, #tpu.memory_space<hbm>> -> memref<391x16xf32, #tpu.memory_space<hbm>>
        %dma_start3A_297 = arith.constant 0 : i32
        %dma_start3A_298 = tpu.memref_slice %arg8[%add3A_89, %dma_start3A_297] : memref<100096x16xf32, #tpu.memory_space<hbm>> -> memref<391x16xf32, #tpu.memory_space<hbm>>
        tpu.enqueue_dma source(%arg15 : memref<391x16xf32, #tpu.memory_space<vmem>>) target(%dma_start3A_298 : memref<391x16xf32, #tpu.memory_space<hbm>>) target_semaphore(%run_scoped3A : memref<!tpu.dma_semaphore, #tpu.memory_space<semaphore_mem>>)
        %dma_wait3A = arith.constant 0 : i32
        %dma_wait3A_299 = tpu.memref_slice %arg8[%add3A_89, %dma_wait3A] : memref<100096x16xf32, #tpu.memory_space<hbm>> -> memref<391x16xf32, #tpu.memory_space<hbm>>
        %dma_wait3A_300 = arith.constant 0 : i32
        %dma_wait3A_301 = tpu.memref_slice %arg8[%add3A_89, %dma_wait3A_300] : memref<100096x16xf32, #tpu.memory_space<hbm>> -> memref<391x16xf32, #tpu.memory_space<hbm>>
        tpu.wait_dma2 semaphore(%run_scoped3A : memref<!tpu.dma_semaphore, #tpu.memory_space<semaphore_mem>>) src(%arg15 : memref<391x16xf32, #tpu.memory_space<vmem>>) dst(%dma_wait3A_301 : memref<391x16xf32, #tpu.memory_space<hbm>>)
        tpu.yield
      }) : () -> ()
    } else {
    }
    %mul3A_100 = arith.constant 6256 : i32
    %mul3A_101 = arith.muli %arg1, %mul3A_100 : i32
    %add3A_102 = arith.constant 782 : i32
    %add3A_103 = arith.addi %mul3A_101, %add3A_102 : i32
    "tpu.region"() ({
      %run_scoped3A = tpu.sem_alloc : memref<!tpu.dma_semaphore, #tpu.memory_space<semaphore_mem>>
      %dma_start3A = arith.constant 0 : i32
      %dma_start3A_296 = tpu.memref_slice %arg16[%add3A_103, %dma_start3A] : memref<100096x16xf32, #tpu.memory_space<vmem_shared>> -> memref<391x16xf32, #tpu.memory_space<vmem_shared>>
      %dma_start3A_297 = arith.constant 0 : i32
      %dma_start3A_298 = tpu.memref_slice %arg16[%add3A_103, %dma_start3A_297] : memref<100096x16xf32, #tpu.memory_space<vmem_shared>> -> memref<391x16xf32, #tpu.memory_space<vmem_shared>>
      tpu.enqueue_dma source(%dma_start3A_298 : memref<391x16xf32, #tpu.memory_space<vmem_shared>>) target(%arg15 : memref<391x16xf32, #tpu.memory_space<vmem>>) target_semaphore(%run_scoped3A : memref<!tpu.dma_semaphore, #tpu.memory_space<semaphore_mem>>)
      %dma_wait3A = arith.constant 0 : i32
      %dma_wait3A_299 = tpu.memref_slice %arg16[%add3A_103, %dma_wait3A] : memref<100096x16xf32, #tpu.memory_space<vmem_shared>> -> memref<391x16xf32, #tpu.memory_space<vmem_shared>>
      %dma_wait3A_300 = arith.constant 0 : i32
      %dma_wait3A_301 = tpu.memref_slice %arg16[%add3A_103, %dma_wait3A_300] : memref<100096x16xf32, #tpu.memory_space<vmem_shared>> -> memref<391x16xf32, #tpu.memory_space<vmem_shared>>
      tpu.wait_dma2 semaphore(%run_scoped3A : memref<!tpu.dma_semaphore, #tpu.memory_space<semaphore_mem>>) src(%dma_wait3A_301 : memref<391x16xf32, #tpu.memory_space<vmem_shared>>) dst(%arg15 : memref<391x16xf32, #tpu.memory_space<vmem>>)
      tpu.yield
    }) : () -> ()
    %eq3A_104 = arith.constant 0 : i32
    %eq3A_105 = arith.cmpi eq, %arg0, %eq3A_104 : i32
    %convert_element_type3A_106 = arith.extui %eq3A_105 : i1 to i32
    %cond3A_107 = arith.constant 0 : i32
    %cond3A_108 = arith.cmpi ne, %convert_element_type3A_106, %cond3A_107 : i32
    scf.if %cond3A_108 {
      "tpu.region"() ({
        %run_scoped3A = tpu.sem_alloc : memref<!tpu.dma_semaphore, #tpu.memory_space<semaphore_mem>>
        %dma_start3A = arith.constant 0 : i32
        %dma_start3A_296 = tpu.memref_slice %arg7[%add3A_103, %dma_start3A] : memref<100096x16xf32, #tpu.memory_space<hbm>> -> memref<391x16xf32, #tpu.memory_space<hbm>>
        %dma_start3A_297 = arith.constant 0 : i32
        %dma_start3A_298 = tpu.memref_slice %arg7[%add3A_103, %dma_start3A_297] : memref<100096x16xf32, #tpu.memory_space<hbm>> -> memref<391x16xf32, #tpu.memory_space<hbm>>
        tpu.enqueue_dma source(%arg15 : memref<391x16xf32, #tpu.memory_space<vmem>>) target(%dma_start3A_298 : memref<391x16xf32, #tpu.memory_space<hbm>>) target_semaphore(%run_scoped3A : memref<!tpu.dma_semaphore, #tpu.memory_space<semaphore_mem>>)
        %dma_wait3A = arith.constant 0 : i32
        %dma_wait3A_299 = tpu.memref_slice %arg7[%add3A_103, %dma_wait3A] : memref<100096x16xf32, #tpu.memory_space<hbm>> -> memref<391x16xf32, #tpu.memory_space<hbm>>
        %dma_wait3A_300 = arith.constant 0 : i32
        %dma_wait3A_301 = tpu.memref_slice %arg7[%add3A_103, %dma_wait3A_300] : memref<100096x16xf32, #tpu.memory_space<hbm>> -> memref<391x16xf32, #tpu.memory_space<hbm>>
        tpu.wait_dma2 semaphore(%run_scoped3A : memref<!tpu.dma_semaphore, #tpu.memory_space<semaphore_mem>>) src(%arg15 : memref<391x16xf32, #tpu.memory_space<vmem>>) dst(%dma_wait3A_301 : memref<391x16xf32, #tpu.memory_space<hbm>>)
        tpu.yield
      }) : () -> ()
    } else {
    }
    %eq3A_109 = arith.constant 1 : i32
    %eq3A_110 = arith.cmpi eq, %arg0, %eq3A_109 : i32
    %convert_element_type3A_111 = arith.extui %eq3A_110 : i1 to i32
    %cond3A_112 = arith.constant 0 : i32
    %cond3A_113 = arith.cmpi ne, %convert_element_type3A_111, %cond3A_112 : i32
    scf.if %cond3A_113 {
      "tpu.region"() ({
        %run_scoped3A = tpu.sem_alloc : memref<!tpu.dma_semaphore, #tpu.memory_space<semaphore_mem>>
        %dma_start3A = arith.constant 0 : i32
        %dma_start3A_296 = tpu.memref_slice %arg8[%add3A_103, %dma_start3A] : memref<100096x16xf32, #tpu.memory_space<hbm>> -> memref<391x16xf32, #tpu.memory_space<hbm>>
        %dma_start3A_297 = arith.constant 0 : i32
        %dma_start3A_298 = tpu.memref_slice %arg8[%add3A_103, %dma_start3A_297] : memref<100096x16xf32, #tpu.memory_space<hbm>> -> memref<391x16xf32, #tpu.memory_space<hbm>>
        tpu.enqueue_dma source(%arg15 : memref<391x16xf32, #tpu.memory_space<vmem>>) target(%dma_start3A_298 : memref<391x16xf32, #tpu.memory_space<hbm>>) target_semaphore(%run_scoped3A : memref<!tpu.dma_semaphore, #tpu.memory_space<semaphore_mem>>)
        %dma_wait3A = arith.constant 0 : i32
        %dma_wait3A_299 = tpu.memref_slice %arg8[%add3A_103, %dma_wait3A] : memref<100096x16xf32, #tpu.memory_space<hbm>> -> memref<391x16xf32, #tpu.memory_space<hbm>>
        %dma_wait3A_300 = arith.constant 0 : i32
        %dma_wait3A_301 = tpu.memref_slice %arg8[%add3A_103, %dma_wait3A_300] : memref<100096x16xf32, #tpu.memory_space<hbm>> -> memref<391x16xf32, #tpu.memory_space<hbm>>
        tpu.wait_dma2 semaphore(%run_scoped3A : memref<!tpu.dma_semaphore, #tpu.memory_space<semaphore_mem>>) src(%arg15 : memref<391x16xf32, #tpu.memory_space<vmem>>) dst(%dma_wait3A_301 : memref<391x16xf32, #tpu.memory_space<hbm>>)
        tpu.yield
      }) : () -> ()
    } else {
    }
    %mul3A_114 = arith.constant 6256 : i32
    %mul3A_115 = arith.muli %arg1, %mul3A_114 : i32
    %add3A_116 = arith.constant 1173 : i32
    %add3A_117 = arith.addi %mul3A_115, %add3A_116 : i32
    "tpu.region"() ({
      %run_scoped3A = tpu.sem_alloc : memref<!tpu.dma_semaphore, #tpu.memory_space<semaphore_mem>>
      %dma_start3A = arith.constant 0 : i32
      %dma_start3A_296 = tpu.memref_slice %arg16[%add3A_117, %dma_start3A] : memref<100096x16xf32, #tpu.memory_space<vmem_shared>> -> memref<391x16xf32, #tpu.memory_space<vmem_shared>>
      %dma_start3A_297 = arith.constant 0 : i32
      %dma_start3A_298 = tpu.memref_slice %arg16[%add3A_117, %dma_start3A_297] : memref<100096x16xf32, #tpu.memory_space<vmem_shared>> -> memref<391x16xf32, #tpu.memory_space<vmem_shared>>
      tpu.enqueue_dma source(%dma_start3A_298 : memref<391x16xf32, #tpu.memory_space<vmem_shared>>) target(%arg15 : memref<391x16xf32, #tpu.memory_space<vmem>>) target_semaphore(%run_scoped3A : memref<!tpu.dma_semaphore, #tpu.memory_space<semaphore_mem>>)
      %dma_wait3A = arith.constant 0 : i32
      %dma_wait3A_299 = tpu.memref_slice %arg16[%add3A_117, %dma_wait3A] : memref<100096x16xf32, #tpu.memory_space<vmem_shared>> -> memref<391x16xf32, #tpu.memory_space<vmem_shared>>
      %dma_wait3A_300 = arith.constant 0 : i32
      %dma_wait3A_301 = tpu.memref_slice %arg16[%add3A_117, %dma_wait3A_300] : memref<100096x16xf32, #tpu.memory_space<vmem_shared>> -> memref<391x16xf32, #tpu.memory_space<vmem_shared>>
      tpu.wait_dma2 semaphore(%run_scoped3A : memref<!tpu.dma_semaphore, #tpu.memory_space<semaphore_mem>>) src(%dma_wait3A_301 : memref<391x16xf32, #tpu.memory_space<vmem_shared>>) dst(%arg15 : memref<391x16xf32, #tpu.memory_space<vmem>>)
      tpu.yield
    }) : () -> ()
    %eq3A_118 = arith.constant 0 : i32
    %eq3A_119 = arith.cmpi eq, %arg0, %eq3A_118 : i32
    %convert_element_type3A_120 = arith.extui %eq3A_119 : i1 to i32
    %cond3A_121 = arith.constant 0 : i32
    %cond3A_122 = arith.cmpi ne, %convert_element_type3A_120, %cond3A_121 : i32
    scf.if %cond3A_122 {
      "tpu.region"() ({
        %run_scoped3A = tpu.sem_alloc : memref<!tpu.dma_semaphore, #tpu.memory_space<semaphore_mem>>
        %dma_start3A = arith.constant 0 : i32
        %dma_start3A_296 = tpu.memref_slice %arg7[%add3A_117, %dma_start3A] : memref<100096x16xf32, #tpu.memory_space<hbm>> -> memref<391x16xf32, #tpu.memory_space<hbm>>
        %dma_start3A_297 = arith.constant 0 : i32
        %dma_start3A_298 = tpu.memref_slice %arg7[%add3A_117, %dma_start3A_297] : memref<100096x16xf32, #tpu.memory_space<hbm>> -> memref<391x16xf32, #tpu.memory_space<hbm>>
        tpu.enqueue_dma source(%arg15 : memref<391x16xf32, #tpu.memory_space<vmem>>) target(%dma_start3A_298 : memref<391x16xf32, #tpu.memory_space<hbm>>) target_semaphore(%run_scoped3A : memref<!tpu.dma_semaphore, #tpu.memory_space<semaphore_mem>>)
        %dma_wait3A = arith.constant 0 : i32
        %dma_wait3A_299 = tpu.memref_slice %arg7[%add3A_117, %dma_wait3A] : memref<100096x16xf32, #tpu.memory_space<hbm>> -> memref<391x16xf32, #tpu.memory_space<hbm>>
        %dma_wait3A_300 = arith.constant 0 : i32
        %dma_wait3A_301 = tpu.memref_slice %arg7[%add3A_117, %dma_wait3A_300] : memref<100096x16xf32, #tpu.memory_space<hbm>> -> memref<391x16xf32, #tpu.memory_space<hbm>>
        tpu.wait_dma2 semaphore(%run_scoped3A : memref<!tpu.dma_semaphore, #tpu.memory_space<semaphore_mem>>) src(%arg15 : memref<391x16xf32, #tpu.memory_space<vmem>>) dst(%dma_wait3A_301 : memref<391x16xf32, #tpu.memory_space<hbm>>)
        tpu.yield
      }) : () -> ()
    } else {
    }
    %eq3A_123 = arith.constant 1 : i32
    %eq3A_124 = arith.cmpi eq, %arg0, %eq3A_123 : i32
    %convert_element_type3A_125 = arith.extui %eq3A_124 : i1 to i32
    %cond3A_126 = arith.constant 0 : i32
    %cond3A_127 = arith.cmpi ne, %convert_element_type3A_125, %cond3A_126 : i32
    scf.if %cond3A_127 {
      "tpu.region"() ({
        %run_scoped3A = tpu.sem_alloc : memref<!tpu.dma_semaphore, #tpu.memory_space<semaphore_mem>>
        %dma_start3A = arith.constant 0 : i32
        %dma_start3A_296 = tpu.memref_slice %arg8[%add3A_117, %dma_start3A] : memref<100096x16xf32, #tpu.memory_space<hbm>> -> memref<391x16xf32, #tpu.memory_space<hbm>>
        %dma_start3A_297 = arith.constant 0 : i32
        %dma_start3A_298 = tpu.memref_slice %arg8[%add3A_117, %dma_start3A_297] : memref<100096x16xf32, #tpu.memory_space<hbm>> -> memref<391x16xf32, #tpu.memory_space<hbm>>
        tpu.enqueue_dma source(%arg15 : memref<391x16xf32, #tpu.memory_space<vmem>>) target(%dma_start3A_298 : memref<391x16xf32, #tpu.memory_space<hbm>>) target_semaphore(%run_scoped3A : memref<!tpu.dma_semaphore, #tpu.memory_space<semaphore_mem>>)
        %dma_wait3A = arith.constant 0 : i32
        %dma_wait3A_299 = tpu.memref_slice %arg8[%add3A_117, %dma_wait3A] : memref<100096x16xf32, #tpu.memory_space<hbm>> -> memref<391x16xf32, #tpu.memory_space<hbm>>
        %dma_wait3A_300 = arith.constant 0 : i32
        %dma_wait3A_301 = tpu.memref_slice %arg8[%add3A_117, %dma_wait3A_300] : memref<100096x16xf32, #tpu.memory_space<hbm>> -> memref<391x16xf32, #tpu.memory_space<hbm>>
        tpu.wait_dma2 semaphore(%run_scoped3A : memref<!tpu.dma_semaphore, #tpu.memory_space<semaphore_mem>>) src(%arg15 : memref<391x16xf32, #tpu.memory_space<vmem>>) dst(%dma_wait3A_301 : memref<391x16xf32, #tpu.memory_space<hbm>>)
        tpu.yield
      }) : () -> ()
    } else {
    }
    %mul3A_128 = arith.constant 6256 : i32
    %mul3A_129 = arith.muli %arg1, %mul3A_128 : i32
    %add3A_130 = arith.constant 1564 : i32
    %add3A_131 = arith.addi %mul3A_129, %add3A_130 : i32
    "tpu.region"() ({
      %run_scoped3A = tpu.sem_alloc : memref<!tpu.dma_semaphore, #tpu.memory_space<semaphore_mem>>
      %dma_start3A = arith.constant 0 : i32
      %dma_start3A_296 = tpu.memref_slice %arg16[%add3A_131, %dma_start3A] : memref<100096x16xf32, #tpu.memory_space<vmem_shared>> -> memref<391x16xf32, #tpu.memory_space<vmem_shared>>
      %dma_start3A_297 = arith.constant 0 : i32
      %dma_start3A_298 = tpu.memref_slice %arg16[%add3A_131, %dma_start3A_297] : memref<100096x16xf32, #tpu.memory_space<vmem_shared>> -> memref<391x16xf32, #tpu.memory_space<vmem_shared>>
      tpu.enqueue_dma source(%dma_start3A_298 : memref<391x16xf32, #tpu.memory_space<vmem_shared>>) target(%arg15 : memref<391x16xf32, #tpu.memory_space<vmem>>) target_semaphore(%run_scoped3A : memref<!tpu.dma_semaphore, #tpu.memory_space<semaphore_mem>>)
      %dma_wait3A = arith.constant 0 : i32
      %dma_wait3A_299 = tpu.memref_slice %arg16[%add3A_131, %dma_wait3A] : memref<100096x16xf32, #tpu.memory_space<vmem_shared>> -> memref<391x16xf32, #tpu.memory_space<vmem_shared>>
      %dma_wait3A_300 = arith.constant 0 : i32
      %dma_wait3A_301 = tpu.memref_slice %arg16[%add3A_131, %dma_wait3A_300] : memref<100096x16xf32, #tpu.memory_space<vmem_shared>> -> memref<391x16xf32, #tpu.memory_space<vmem_shared>>
      tpu.wait_dma2 semaphore(%run_scoped3A : memref<!tpu.dma_semaphore, #tpu.memory_space<semaphore_mem>>) src(%dma_wait3A_301 : memref<391x16xf32, #tpu.memory_space<vmem_shared>>) dst(%arg15 : memref<391x16xf32, #tpu.memory_space<vmem>>)
      tpu.yield
    }) : () -> ()
    %eq3A_132 = arith.constant 0 : i32
    %eq3A_133 = arith.cmpi eq, %arg0, %eq3A_132 : i32
    %convert_element_type3A_134 = arith.extui %eq3A_133 : i1 to i32
    %cond3A_135 = arith.constant 0 : i32
    %cond3A_136 = arith.cmpi ne, %convert_element_type3A_134, %cond3A_135 : i32
    scf.if %cond3A_136 {
      "tpu.region"() ({
        %run_scoped3A = tpu.sem_alloc : memref<!tpu.dma_semaphore, #tpu.memory_space<semaphore_mem>>
        %dma_start3A = arith.constant 0 : i32
        %dma_start3A_296 = tpu.memref_slice %arg7[%add3A_131, %dma_start3A] : memref<100096x16xf32, #tpu.memory_space<hbm>> -> memref<391x16xf32, #tpu.memory_space<hbm>>
        %dma_start3A_297 = arith.constant 0 : i32
        %dma_start3A_298 = tpu.memref_slice %arg7[%add3A_131, %dma_start3A_297] : memref<100096x16xf32, #tpu.memory_space<hbm>> -> memref<391x16xf32, #tpu.memory_space<hbm>>
        tpu.enqueue_dma source(%arg15 : memref<391x16xf32, #tpu.memory_space<vmem>>) target(%dma_start3A_298 : memref<391x16xf32, #tpu.memory_space<hbm>>) target_semaphore(%run_scoped3A : memref<!tpu.dma_semaphore, #tpu.memory_space<semaphore_mem>>)
        %dma_wait3A = arith.constant 0 : i32
        %dma_wait3A_299 = tpu.memref_slice %arg7[%add3A_131, %dma_wait3A] : memref<100096x16xf32, #tpu.memory_space<hbm>> -> memref<391x16xf32, #tpu.memory_space<hbm>>
        %dma_wait3A_300 = arith.constant 0 : i32
        %dma_wait3A_301 = tpu.memref_slice %arg7[%add3A_131, %dma_wait3A_300] : memref<100096x16xf32, #tpu.memory_space<hbm>> -> memref<391x16xf32, #tpu.memory_space<hbm>>
        tpu.wait_dma2 semaphore(%run_scoped3A : memref<!tpu.dma_semaphore, #tpu.memory_space<semaphore_mem>>) src(%arg15 : memref<391x16xf32, #tpu.memory_space<vmem>>) dst(%dma_wait3A_301 : memref<391x16xf32, #tpu.memory_space<hbm>>)
        tpu.yield
      }) : () -> ()
    } else {
    }
    %eq3A_137 = arith.constant 1 : i32
    %eq3A_138 = arith.cmpi eq, %arg0, %eq3A_137 : i32
    %convert_element_type3A_139 = arith.extui %eq3A_138 : i1 to i32
    %cond3A_140 = arith.constant 0 : i32
    %cond3A_141 = arith.cmpi ne, %convert_element_type3A_139, %cond3A_140 : i32
    scf.if %cond3A_141 {
      "tpu.region"() ({
        %run_scoped3A = tpu.sem_alloc : memref<!tpu.dma_semaphore, #tpu.memory_space<semaphore_mem>>
        %dma_start3A = arith.constant 0 : i32
        %dma_start3A_296 = tpu.memref_slice %arg8[%add3A_131, %dma_start3A] : memref<100096x16xf32, #tpu.memory_space<hbm>> -> memref<391x16xf32, #tpu.memory_space<hbm>>
        %dma_start3A_297 = arith.constant 0 : i32
        %dma_start3A_298 = tpu.memref_slice %arg8[%add3A_131, %dma_start3A_297] : memref<100096x16xf32, #tpu.memory_space<hbm>> -> memref<391x16xf32, #tpu.memory_space<hbm>>
        tpu.enqueue_dma source(%arg15 : memref<391x16xf32, #tpu.memory_space<vmem>>) target(%dma_start3A_298 : memref<391x16xf32, #tpu.memory_space<hbm>>) target_semaphore(%run_scoped3A : memref<!tpu.dma_semaphore, #tpu.memory_space<semaphore_mem>>)
        %dma_wait3A = arith.constant 0 : i32
        %dma_wait3A_299 = tpu.memref_slice %arg8[%add3A_131, %dma_wait3A] : memref<100096x16xf32, #tpu.memory_space<hbm>> -> memref<391x16xf32, #tpu.memory_space<hbm>>
        %dma_wait3A_300 = arith.constant 0 : i32
        %dma_wait3A_301 = tpu.memref_slice %arg8[%add3A_131, %dma_wait3A_300] : memref<100096x16xf32, #tpu.memory_space<hbm>> -> memref<391x16xf32, #tpu.memory_space<hbm>>
        tpu.wait_dma2 semaphore(%run_scoped3A : memref<!tpu.dma_semaphore, #tpu.memory_space<semaphore_mem>>) src(%arg15 : memref<391x16xf32, #tpu.memory_space<vmem>>) dst(%dma_wait3A_301 : memref<391x16xf32, #tpu.memory_space<hbm>>)
        tpu.yield
      }) : () -> ()
    } else {
    }
    %mul3A_142 = arith.constant 6256 : i32
    %mul3A_143 = arith.muli %arg1, %mul3A_142 : i32
    %add3A_144 = arith.constant 1955 : i32
    %add3A_145 = arith.addi %mul3A_143, %add3A_144 : i32
    "tpu.region"() ({
      %run_scoped3A = tpu.sem_alloc : memref<!tpu.dma_semaphore, #tpu.memory_space<semaphore_mem>>
      %dma_start3A = arith.constant 0 : i32
      %dma_start3A_296 = tpu.memref_slice %arg16[%add3A_145, %dma_start3A] : memref<100096x16xf32, #tpu.memory_space<vmem_shared>> -> memref<391x16xf32, #tpu.memory_space<vmem_shared>>
      %dma_start3A_297 = arith.constant 0 : i32
      %dma_start3A_298 = tpu.memref_slice %arg16[%add3A_145, %dma_start3A_297] : memref<100096x16xf32, #tpu.memory_space<vmem_shared>> -> memref<391x16xf32, #tpu.memory_space<vmem_shared>>
      tpu.enqueue_dma source(%dma_start3A_298 : memref<391x16xf32, #tpu.memory_space<vmem_shared>>) target(%arg15 : memref<391x16xf32, #tpu.memory_space<vmem>>) target_semaphore(%run_scoped3A : memref<!tpu.dma_semaphore, #tpu.memory_space<semaphore_mem>>)
      %dma_wait3A = arith.constant 0 : i32
      %dma_wait3A_299 = tpu.memref_slice %arg16[%add3A_145, %dma_wait3A] : memref<100096x16xf32, #tpu.memory_space<vmem_shared>> -> memref<391x16xf32, #tpu.memory_space<vmem_shared>>
      %dma_wait3A_300 = arith.constant 0 : i32
      %dma_wait3A_301 = tpu.memref_slice %arg16[%add3A_145, %dma_wait3A_300] : memref<100096x16xf32, #tpu.memory_space<vmem_shared>> -> memref<391x16xf32, #tpu.memory_space<vmem_shared>>
      tpu.wait_dma2 semaphore(%run_scoped3A : memref<!tpu.dma_semaphore, #tpu.memory_space<semaphore_mem>>) src(%dma_wait3A_301 : memref<391x16xf32, #tpu.memory_space<vmem_shared>>) dst(%arg15 : memref<391x16xf32, #tpu.memory_space<vmem>>)
      tpu.yield
    }) : () -> ()
    %eq3A_146 = arith.constant 0 : i32
    %eq3A_147 = arith.cmpi eq, %arg0, %eq3A_146 : i32
    %convert_element_type3A_148 = arith.extui %eq3A_147 : i1 to i32
    %cond3A_149 = arith.constant 0 : i32
    %cond3A_150 = arith.cmpi ne, %convert_element_type3A_148, %cond3A_149 : i32
    scf.if %cond3A_150 {
      "tpu.region"() ({
        %run_scoped3A = tpu.sem_alloc : memref<!tpu.dma_semaphore, #tpu.memory_space<semaphore_mem>>
        %dma_start3A = arith.constant 0 : i32
        %dma_start3A_296 = tpu.memref_slice %arg7[%add3A_145, %dma_start3A] : memref<100096x16xf32, #tpu.memory_space<hbm>> -> memref<391x16xf32, #tpu.memory_space<hbm>>
        %dma_start3A_297 = arith.constant 0 : i32
        %dma_start3A_298 = tpu.memref_slice %arg7[%add3A_145, %dma_start3A_297] : memref<100096x16xf32, #tpu.memory_space<hbm>> -> memref<391x16xf32, #tpu.memory_space<hbm>>
        tpu.enqueue_dma source(%arg15 : memref<391x16xf32, #tpu.memory_space<vmem>>) target(%dma_start3A_298 : memref<391x16xf32, #tpu.memory_space<hbm>>) target_semaphore(%run_scoped3A : memref<!tpu.dma_semaphore, #tpu.memory_space<semaphore_mem>>)
        %dma_wait3A = arith.constant 0 : i32
        %dma_wait3A_299 = tpu.memref_slice %arg7[%add3A_145, %dma_wait3A] : memref<100096x16xf32, #tpu.memory_space<hbm>> -> memref<391x16xf32, #tpu.memory_space<hbm>>
        %dma_wait3A_300 = arith.constant 0 : i32
        %dma_wait3A_301 = tpu.memref_slice %arg7[%add3A_145, %dma_wait3A_300] : memref<100096x16xf32, #tpu.memory_space<hbm>> -> memref<391x16xf32, #tpu.memory_space<hbm>>
        tpu.wait_dma2 semaphore(%run_scoped3A : memref<!tpu.dma_semaphore, #tpu.memory_space<semaphore_mem>>) src(%arg15 : memref<391x16xf32, #tpu.memory_space<vmem>>) dst(%dma_wait3A_301 : memref<391x16xf32, #tpu.memory_space<hbm>>)
        tpu.yield
      }) : () -> ()
    } else {
    }
    %eq3A_151 = arith.constant 1 : i32
    %eq3A_152 = arith.cmpi eq, %arg0, %eq3A_151 : i32
    %convert_element_type3A_153 = arith.extui %eq3A_152 : i1 to i32
    %cond3A_154 = arith.constant 0 : i32
    %cond3A_155 = arith.cmpi ne, %convert_element_type3A_153, %cond3A_154 : i32
    scf.if %cond3A_155 {
      "tpu.region"() ({
        %run_scoped3A = tpu.sem_alloc : memref<!tpu.dma_semaphore, #tpu.memory_space<semaphore_mem>>
        %dma_start3A = arith.constant 0 : i32
        %dma_start3A_296 = tpu.memref_slice %arg8[%add3A_145, %dma_start3A] : memref<100096x16xf32, #tpu.memory_space<hbm>> -> memref<391x16xf32, #tpu.memory_space<hbm>>
        %dma_start3A_297 = arith.constant 0 : i32
        %dma_start3A_298 = tpu.memref_slice %arg8[%add3A_145, %dma_start3A_297] : memref<100096x16xf32, #tpu.memory_space<hbm>> -> memref<391x16xf32, #tpu.memory_space<hbm>>
        tpu.enqueue_dma source(%arg15 : memref<391x16xf32, #tpu.memory_space<vmem>>) target(%dma_start3A_298 : memref<391x16xf32, #tpu.memory_space<hbm>>) target_semaphore(%run_scoped3A : memref<!tpu.dma_semaphore, #tpu.memory_space<semaphore_mem>>)
        %dma_wait3A = arith.constant 0 : i32
        %dma_wait3A_299 = tpu.memref_slice %arg8[%add3A_145, %dma_wait3A] : memref<100096x16xf32, #tpu.memory_space<hbm>> -> memref<391x16xf32, #tpu.memory_space<hbm>>
        %dma_wait3A_300 = arith.constant 0 : i32
        %dma_wait3A_301 = tpu.memref_slice %arg8[%add3A_145, %dma_wait3A_300] : memref<100096x16xf32, #tpu.memory_space<hbm>> -> memref<391x16xf32, #tpu.memory_space<hbm>>
        tpu.wait_dma2 semaphore(%run_scoped3A : memref<!tpu.dma_semaphore, #tpu.memory_space<semaphore_mem>>) src(%arg15 : memref<391x16xf32, #tpu.memory_space<vmem>>) dst(%dma_wait3A_301 : memref<391x16xf32, #tpu.memory_space<hbm>>)
        tpu.yield
      }) : () -> ()
    } else {
    }
    %mul3A_156 = arith.constant 6256 : i32
    %mul3A_157 = arith.muli %arg1, %mul3A_156 : i32
    %add3A_158 = arith.constant 2346 : i32
    %add3A_159 = arith.addi %mul3A_157, %add3A_158 : i32
    "tpu.region"() ({
      %run_scoped3A = tpu.sem_alloc : memref<!tpu.dma_semaphore, #tpu.memory_space<semaphore_mem>>
      %dma_start3A = arith.constant 0 : i32
      %dma_start3A_296 = tpu.memref_slice %arg16[%add3A_159, %dma_start3A] : memref<100096x16xf32, #tpu.memory_space<vmem_shared>> -> memref<391x16xf32, #tpu.memory_space<vmem_shared>>
      %dma_start3A_297 = arith.constant 0 : i32
      %dma_start3A_298 = tpu.memref_slice %arg16[%add3A_159, %dma_start3A_297] : memref<100096x16xf32, #tpu.memory_space<vmem_shared>> -> memref<391x16xf32, #tpu.memory_space<vmem_shared>>
      tpu.enqueue_dma source(%dma_start3A_298 : memref<391x16xf32, #tpu.memory_space<vmem_shared>>) target(%arg15 : memref<391x16xf32, #tpu.memory_space<vmem>>) target_semaphore(%run_scoped3A : memref<!tpu.dma_semaphore, #tpu.memory_space<semaphore_mem>>)
      %dma_wait3A = arith.constant 0 : i32
      %dma_wait3A_299 = tpu.memref_slice %arg16[%add3A_159, %dma_wait3A] : memref<100096x16xf32, #tpu.memory_space<vmem_shared>> -> memref<391x16xf32, #tpu.memory_space<vmem_shared>>
      %dma_wait3A_300 = arith.constant 0 : i32
      %dma_wait3A_301 = tpu.memref_slice %arg16[%add3A_159, %dma_wait3A_300] : memref<100096x16xf32, #tpu.memory_space<vmem_shared>> -> memref<391x16xf32, #tpu.memory_space<vmem_shared>>
      tpu.wait_dma2 semaphore(%run_scoped3A : memref<!tpu.dma_semaphore, #tpu.memory_space<semaphore_mem>>) src(%dma_wait3A_301 : memref<391x16xf32, #tpu.memory_space<vmem_shared>>) dst(%arg15 : memref<391x16xf32, #tpu.memory_space<vmem>>)
      tpu.yield
    }) : () -> ()
    %eq3A_160 = arith.constant 0 : i32
    %eq3A_161 = arith.cmpi eq, %arg0, %eq3A_160 : i32
    %convert_element_type3A_162 = arith.extui %eq3A_161 : i1 to i32
    %cond3A_163 = arith.constant 0 : i32
    %cond3A_164 = arith.cmpi ne, %convert_element_type3A_162, %cond3A_163 : i32
    scf.if %cond3A_164 {
      "tpu.region"() ({
        %run_scoped3A = tpu.sem_alloc : memref<!tpu.dma_semaphore, #tpu.memory_space<semaphore_mem>>
        %dma_start3A = arith.constant 0 : i32
        %dma_start3A_296 = tpu.memref_slice %arg7[%add3A_159, %dma_start3A] : memref<100096x16xf32, #tpu.memory_space<hbm>> -> memref<391x16xf32, #tpu.memory_space<hbm>>
        %dma_start3A_297 = arith.constant 0 : i32
        %dma_start3A_298 = tpu.memref_slice %arg7[%add3A_159, %dma_start3A_297] : memref<100096x16xf32, #tpu.memory_space<hbm>> -> memref<391x16xf32, #tpu.memory_space<hbm>>
        tpu.enqueue_dma source(%arg15 : memref<391x16xf32, #tpu.memory_space<vmem>>) target(%dma_start3A_298 : memref<391x16xf32, #tpu.memory_space<hbm>>) target_semaphore(%run_scoped3A : memref<!tpu.dma_semaphore, #tpu.memory_space<semaphore_mem>>)
        %dma_wait3A = arith.constant 0 : i32
        %dma_wait3A_299 = tpu.memref_slice %arg7[%add3A_159, %dma_wait3A] : memref<100096x16xf32, #tpu.memory_space<hbm>> -> memref<391x16xf32, #tpu.memory_space<hbm>>
        %dma_wait3A_300 = arith.constant 0 : i32
        %dma_wait3A_301 = tpu.memref_slice %arg7[%add3A_159, %dma_wait3A_300] : memref<100096x16xf32, #tpu.memory_space<hbm>> -> memref<391x16xf32, #tpu.memory_space<hbm>>
        tpu.wait_dma2 semaphore(%run_scoped3A : memref<!tpu.dma_semaphore, #tpu.memory_space<semaphore_mem>>) src(%arg15 : memref<391x16xf32, #tpu.memory_space<vmem>>) dst(%dma_wait3A_301 : memref<391x16xf32, #tpu.memory_space<hbm>>)
        tpu.yield
      }) : () -> ()
    } else {
    }
    %eq3A_165 = arith.constant 1 : i32
    %eq3A_166 = arith.cmpi eq, %arg0, %eq3A_165 : i32
    %convert_element_type3A_167 = arith.extui %eq3A_166 : i1 to i32
    %cond3A_168 = arith.constant 0 : i32
    %cond3A_169 = arith.cmpi ne, %convert_element_type3A_167, %cond3A_168 : i32
    scf.if %cond3A_169 {
      "tpu.region"() ({
        %run_scoped3A = tpu.sem_alloc : memref<!tpu.dma_semaphore, #tpu.memory_space<semaphore_mem>>
        %dma_start3A = arith.constant 0 : i32
        %dma_start3A_296 = tpu.memref_slice %arg8[%add3A_159, %dma_start3A] : memref<100096x16xf32, #tpu.memory_space<hbm>> -> memref<391x16xf32, #tpu.memory_space<hbm>>
        %dma_start3A_297 = arith.constant 0 : i32
        %dma_start3A_298 = tpu.memref_slice %arg8[%add3A_159, %dma_start3A_297] : memref<100096x16xf32, #tpu.memory_space<hbm>> -> memref<391x16xf32, #tpu.memory_space<hbm>>
        tpu.enqueue_dma source(%arg15 : memref<391x16xf32, #tpu.memory_space<vmem>>) target(%dma_start3A_298 : memref<391x16xf32, #tpu.memory_space<hbm>>) target_semaphore(%run_scoped3A : memref<!tpu.dma_semaphore, #tpu.memory_space<semaphore_mem>>)
        %dma_wait3A = arith.constant 0 : i32
        %dma_wait3A_299 = tpu.memref_slice %arg8[%add3A_159, %dma_wait3A] : memref<100096x16xf32, #tpu.memory_space<hbm>> -> memref<391x16xf32, #tpu.memory_space<hbm>>
        %dma_wait3A_300 = arith.constant 0 : i32
        %dma_wait3A_301 = tpu.memref_slice %arg8[%add3A_159, %dma_wait3A_300] : memref<100096x16xf32, #tpu.memory_space<hbm>> -> memref<391x16xf32, #tpu.memory_space<hbm>>
        tpu.wait_dma2 semaphore(%run_scoped3A : memref<!tpu.dma_semaphore, #tpu.memory_space<semaphore_mem>>) src(%arg15 : memref<391x16xf32, #tpu.memory_space<vmem>>) dst(%dma_wait3A_301 : memref<391x16xf32, #tpu.memory_space<hbm>>)
        tpu.yield
      }) : () -> ()
    } else {
    }
    %mul3A_170 = arith.constant 6256 : i32
    %mul3A_171 = arith.muli %arg1, %mul3A_170 : i32
    %add3A_172 = arith.constant 2737 : i32
    %add3A_173 = arith.addi %mul3A_171, %add3A_172 : i32
    "tpu.region"() ({
      %run_scoped3A = tpu.sem_alloc : memref<!tpu.dma_semaphore, #tpu.memory_space<semaphore_mem>>
      %dma_start3A = arith.constant 0 : i32
      %dma_start3A_296 = tpu.memref_slice %arg16[%add3A_173, %dma_start3A] : memref<100096x16xf32, #tpu.memory_space<vmem_shared>> -> memref<391x16xf32, #tpu.memory_space<vmem_shared>>
      %dma_start3A_297 = arith.constant 0 : i32
      %dma_start3A_298 = tpu.memref_slice %arg16[%add3A_173, %dma_start3A_297] : memref<100096x16xf32, #tpu.memory_space<vmem_shared>> -> memref<391x16xf32, #tpu.memory_space<vmem_shared>>
      tpu.enqueue_dma source(%dma_start3A_298 : memref<391x16xf32, #tpu.memory_space<vmem_shared>>) target(%arg15 : memref<391x16xf32, #tpu.memory_space<vmem>>) target_semaphore(%run_scoped3A : memref<!tpu.dma_semaphore, #tpu.memory_space<semaphore_mem>>)
      %dma_wait3A = arith.constant 0 : i32
      %dma_wait3A_299 = tpu.memref_slice %arg16[%add3A_173, %dma_wait3A] : memref<100096x16xf32, #tpu.memory_space<vmem_shared>> -> memref<391x16xf32, #tpu.memory_space<vmem_shared>>
      %dma_wait3A_300 = arith.constant 0 : i32
      %dma_wait3A_301 = tpu.memref_slice %arg16[%add3A_173, %dma_wait3A_300] : memref<100096x16xf32, #tpu.memory_space<vmem_shared>> -> memref<391x16xf32, #tpu.memory_space<vmem_shared>>
      tpu.wait_dma2 semaphore(%run_scoped3A : memref<!tpu.dma_semaphore, #tpu.memory_space<semaphore_mem>>) src(%dma_wait3A_301 : memref<391x16xf32, #tpu.memory_space<vmem_shared>>) dst(%arg15 : memref<391x16xf32, #tpu.memory_space<vmem>>)
      tpu.yield
    }) : () -> ()
    %eq3A_174 = arith.constant 0 : i32
    %eq3A_175 = arith.cmpi eq, %arg0, %eq3A_174 : i32
    %convert_element_type3A_176 = arith.extui %eq3A_175 : i1 to i32
    %cond3A_177 = arith.constant 0 : i32
    %cond3A_178 = arith.cmpi ne, %convert_element_type3A_176, %cond3A_177 : i32
    scf.if %cond3A_178 {
      "tpu.region"() ({
        %run_scoped3A = tpu.sem_alloc : memref<!tpu.dma_semaphore, #tpu.memory_space<semaphore_mem>>
        %dma_start3A = arith.constant 0 : i32
        %dma_start3A_296 = tpu.memref_slice %arg7[%add3A_173, %dma_start3A] : memref<100096x16xf32, #tpu.memory_space<hbm>> -> memref<391x16xf32, #tpu.memory_space<hbm>>
        %dma_start3A_297 = arith.constant 0 : i32
        %dma_start3A_298 = tpu.memref_slice %arg7[%add3A_173, %dma_start3A_297] : memref<100096x16xf32, #tpu.memory_space<hbm>> -> memref<391x16xf32, #tpu.memory_space<hbm>>
        tpu.enqueue_dma source(%arg15 : memref<391x16xf32, #tpu.memory_space<vmem>>) target(%dma_start3A_298 : memref<391x16xf32, #tpu.memory_space<hbm>>) target_semaphore(%run_scoped3A : memref<!tpu.dma_semaphore, #tpu.memory_space<semaphore_mem>>)
        %dma_wait3A = arith.constant 0 : i32
        %dma_wait3A_299 = tpu.memref_slice %arg7[%add3A_173, %dma_wait3A] : memref<100096x16xf32, #tpu.memory_space<hbm>> -> memref<391x16xf32, #tpu.memory_space<hbm>>
        %dma_wait3A_300 = arith.constant 0 : i32
        %dma_wait3A_301 = tpu.memref_slice %arg7[%add3A_173, %dma_wait3A_300] : memref<100096x16xf32, #tpu.memory_space<hbm>> -> memref<391x16xf32, #tpu.memory_space<hbm>>
        tpu.wait_dma2 semaphore(%run_scoped3A : memref<!tpu.dma_semaphore, #tpu.memory_space<semaphore_mem>>) src(%arg15 : memref<391x16xf32, #tpu.memory_space<vmem>>) dst(%dma_wait3A_301 : memref<391x16xf32, #tpu.memory_space<hbm>>)
        tpu.yield
      }) : () -> ()
    } else {
    }
    %eq3A_179 = arith.constant 1 : i32
    %eq3A_180 = arith.cmpi eq, %arg0, %eq3A_179 : i32
    %convert_element_type3A_181 = arith.extui %eq3A_180 : i1 to i32
    %cond3A_182 = arith.constant 0 : i32
    %cond3A_183 = arith.cmpi ne, %convert_element_type3A_181, %cond3A_182 : i32
    scf.if %cond3A_183 {
      "tpu.region"() ({
        %run_scoped3A = tpu.sem_alloc : memref<!tpu.dma_semaphore, #tpu.memory_space<semaphore_mem>>
        %dma_start3A = arith.constant 0 : i32
        %dma_start3A_296 = tpu.memref_slice %arg8[%add3A_173, %dma_start3A] : memref<100096x16xf32, #tpu.memory_space<hbm>> -> memref<391x16xf32, #tpu.memory_space<hbm>>
        %dma_start3A_297 = arith.constant 0 : i32
        %dma_start3A_298 = tpu.memref_slice %arg8[%add3A_173, %dma_start3A_297] : memref<100096x16xf32, #tpu.memory_space<hbm>> -> memref<391x16xf32, #tpu.memory_space<hbm>>
        tpu.enqueue_dma source(%arg15 : memref<391x16xf32, #tpu.memory_space<vmem>>) target(%dma_start3A_298 : memref<391x16xf32, #tpu.memory_space<hbm>>) target_semaphore(%run_scoped3A : memref<!tpu.dma_semaphore, #tpu.memory_space<semaphore_mem>>)
        %dma_wait3A = arith.constant 0 : i32
        %dma_wait3A_299 = tpu.memref_slice %arg8[%add3A_173, %dma_wait3A] : memref<100096x16xf32, #tpu.memory_space<hbm>> -> memref<391x16xf32, #tpu.memory_space<hbm>>
        %dma_wait3A_300 = arith.constant 0 : i32
        %dma_wait3A_301 = tpu.memref_slice %arg8[%add3A_173, %dma_wait3A_300] : memref<100096x16xf32, #tpu.memory_space<hbm>> -> memref<391x16xf32, #tpu.memory_space<hbm>>
        tpu.wait_dma2 semaphore(%run_scoped3A : memref<!tpu.dma_semaphore, #tpu.memory_space<semaphore_mem>>) src(%arg15 : memref<391x16xf32, #tpu.memory_space<vmem>>) dst(%dma_wait3A_301 : memref<391x16xf32, #tpu.memory_space<hbm>>)
        tpu.yield
      }) : () -> ()
    } else {
    }
    %mul3A_184 = arith.constant 6256 : i32
    %mul3A_185 = arith.muli %arg1, %mul3A_184 : i32
    %add3A_186 = arith.constant 3128 : i32
    %add3A_187 = arith.addi %mul3A_185, %add3A_186 : i32
    "tpu.region"() ({
      %run_scoped3A = tpu.sem_alloc : memref<!tpu.dma_semaphore, #tpu.memory_space<semaphore_mem>>
      %dma_start3A = arith.constant 0 : i32
      %dma_start3A_296 = tpu.memref_slice %arg16[%add3A_187, %dma_start3A] : memref<100096x16xf32, #tpu.memory_space<vmem_shared>> -> memref<391x16xf32, #tpu.memory_space<vmem_shared>>
      %dma_start3A_297 = arith.constant 0 : i32
      %dma_start3A_298 = tpu.memref_slice %arg16[%add3A_187, %dma_start3A_297] : memref<100096x16xf32, #tpu.memory_space<vmem_shared>> -> memref<391x16xf32, #tpu.memory_space<vmem_shared>>
      tpu.enqueue_dma source(%dma_start3A_298 : memref<391x16xf32, #tpu.memory_space<vmem_shared>>) target(%arg15 : memref<391x16xf32, #tpu.memory_space<vmem>>) target_semaphore(%run_scoped3A : memref<!tpu.dma_semaphore, #tpu.memory_space<semaphore_mem>>)
      %dma_wait3A = arith.constant 0 : i32
      %dma_wait3A_299 = tpu.memref_slice %arg16[%add3A_187, %dma_wait3A] : memref<100096x16xf32, #tpu.memory_space<vmem_shared>> -> memref<391x16xf32, #tpu.memory_space<vmem_shared>>
      %dma_wait3A_300 = arith.constant 0 : i32
      %dma_wait3A_301 = tpu.memref_slice %arg16[%add3A_187, %dma_wait3A_300] : memref<100096x16xf32, #tpu.memory_space<vmem_shared>> -> memref<391x16xf32, #tpu.memory_space<vmem_shared>>
      tpu.wait_dma2 semaphore(%run_scoped3A : memref<!tpu.dma_semaphore, #tpu.memory_space<semaphore_mem>>) src(%dma_wait3A_301 : memref<391x16xf32, #tpu.memory_space<vmem_shared>>) dst(%arg15 : memref<391x16xf32, #tpu.memory_space<vmem>>)
      tpu.yield
    }) : () -> ()
    %eq3A_188 = arith.constant 0 : i32
    %eq3A_189 = arith.cmpi eq, %arg0, %eq3A_188 : i32
    %convert_element_type3A_190 = arith.extui %eq3A_189 : i1 to i32
    %cond3A_191 = arith.constant 0 : i32
    %cond3A_192 = arith.cmpi ne, %convert_element_type3A_190, %cond3A_191 : i32
    scf.if %cond3A_192 {
      "tpu.region"() ({
        %run_scoped3A = tpu.sem_alloc : memref<!tpu.dma_semaphore, #tpu.memory_space<semaphore_mem>>
        %dma_start3A = arith.constant 0 : i32
        %dma_start3A_296 = tpu.memref_slice %arg7[%add3A_187, %dma_start3A] : memref<100096x16xf32, #tpu.memory_space<hbm>> -> memref<391x16xf32, #tpu.memory_space<hbm>>
        %dma_start3A_297 = arith.constant 0 : i32
        %dma_start3A_298 = tpu.memref_slice %arg7[%add3A_187, %dma_start3A_297] : memref<100096x16xf32, #tpu.memory_space<hbm>> -> memref<391x16xf32, #tpu.memory_space<hbm>>
        tpu.enqueue_dma source(%arg15 : memref<391x16xf32, #tpu.memory_space<vmem>>) target(%dma_start3A_298 : memref<391x16xf32, #tpu.memory_space<hbm>>) target_semaphore(%run_scoped3A : memref<!tpu.dma_semaphore, #tpu.memory_space<semaphore_mem>>)
        %dma_wait3A = arith.constant 0 : i32
        %dma_wait3A_299 = tpu.memref_slice %arg7[%add3A_187, %dma_wait3A] : memref<100096x16xf32, #tpu.memory_space<hbm>> -> memref<391x16xf32, #tpu.memory_space<hbm>>
        %dma_wait3A_300 = arith.constant 0 : i32
        %dma_wait3A_301 = tpu.memref_slice %arg7[%add3A_187, %dma_wait3A_300] : memref<100096x16xf32, #tpu.memory_space<hbm>> -> memref<391x16xf32, #tpu.memory_space<hbm>>
        tpu.wait_dma2 semaphore(%run_scoped3A : memref<!tpu.dma_semaphore, #tpu.memory_space<semaphore_mem>>) src(%arg15 : memref<391x16xf32, #tpu.memory_space<vmem>>) dst(%dma_wait3A_301 : memref<391x16xf32, #tpu.memory_space<hbm>>)
        tpu.yield
      }) : () -> ()
    } else {
    }
    %eq3A_193 = arith.constant 1 : i32
    %eq3A_194 = arith.cmpi eq, %arg0, %eq3A_193 : i32
    %convert_element_type3A_195 = arith.extui %eq3A_194 : i1 to i32
    %cond3A_196 = arith.constant 0 : i32
    %cond3A_197 = arith.cmpi ne, %convert_element_type3A_195, %cond3A_196 : i32
    scf.if %cond3A_197 {
      "tpu.region"() ({
        %run_scoped3A = tpu.sem_alloc : memref<!tpu.dma_semaphore, #tpu.memory_space<semaphore_mem>>
        %dma_start3A = arith.constant 0 : i32
        %dma_start3A_296 = tpu.memref_slice %arg8[%add3A_187, %dma_start3A] : memref<100096x16xf32, #tpu.memory_space<hbm>> -> memref<391x16xf32, #tpu.memory_space<hbm>>
        %dma_start3A_297 = arith.constant 0 : i32
        %dma_start3A_298 = tpu.memref_slice %arg8[%add3A_187, %dma_start3A_297] : memref<100096x16xf32, #tpu.memory_space<hbm>> -> memref<391x16xf32, #tpu.memory_space<hbm>>
        tpu.enqueue_dma source(%arg15 : memref<391x16xf32, #tpu.memory_space<vmem>>) target(%dma_start3A_298 : memref<391x16xf32, #tpu.memory_space<hbm>>) target_semaphore(%run_scoped3A : memref<!tpu.dma_semaphore, #tpu.memory_space<semaphore_mem>>)
        %dma_wait3A = arith.constant 0 : i32
        %dma_wait3A_299 = tpu.memref_slice %arg8[%add3A_187, %dma_wait3A] : memref<100096x16xf32, #tpu.memory_space<hbm>> -> memref<391x16xf32, #tpu.memory_space<hbm>>
        %dma_wait3A_300 = arith.constant 0 : i32
        %dma_wait3A_301 = tpu.memref_slice %arg8[%add3A_187, %dma_wait3A_300] : memref<100096x16xf32, #tpu.memory_space<hbm>> -> memref<391x16xf32, #tpu.memory_space<hbm>>
        tpu.wait_dma2 semaphore(%run_scoped3A : memref<!tpu.dma_semaphore, #tpu.memory_space<semaphore_mem>>) src(%arg15 : memref<391x16xf32, #tpu.memory_space<vmem>>) dst(%dma_wait3A_301 : memref<391x16xf32, #tpu.memory_space<hbm>>)
        tpu.yield
      }) : () -> ()
    } else {
    }
    %mul3A_198 = arith.constant 6256 : i32
    %mul3A_199 = arith.muli %arg1, %mul3A_198 : i32
    %add3A_200 = arith.constant 3519 : i32
    %add3A_201 = arith.addi %mul3A_199, %add3A_200 : i32
    "tpu.region"() ({
      %run_scoped3A = tpu.sem_alloc : memref<!tpu.dma_semaphore, #tpu.memory_space<semaphore_mem>>
      %dma_start3A = arith.constant 0 : i32
      %dma_start3A_296 = tpu.memref_slice %arg16[%add3A_201, %dma_start3A] : memref<100096x16xf32, #tpu.memory_space<vmem_shared>> -> memref<391x16xf32, #tpu.memory_space<vmem_shared>>
      %dma_start3A_297 = arith.constant 0 : i32
      %dma_start3A_298 = tpu.memref_slice %arg16[%add3A_201, %dma_start3A_297] : memref<100096x16xf32, #tpu.memory_space<vmem_shared>> -> memref<391x16xf32, #tpu.memory_space<vmem_shared>>
      tpu.enqueue_dma source(%dma_start3A_298 : memref<391x16xf32, #tpu.memory_space<vmem_shared>>) target(%arg15 : memref<391x16xf32, #tpu.memory_space<vmem>>) target_semaphore(%run_scoped3A : memref<!tpu.dma_semaphore, #tpu.memory_space<semaphore_mem>>)
      %dma_wait3A = arith.constant 0 : i32
      %dma_wait3A_299 = tpu.memref_slice %arg16[%add3A_201, %dma_wait3A] : memref<100096x16xf32, #tpu.memory_space<vmem_shared>> -> memref<391x16xf32, #tpu.memory_space<vmem_shared>>
      %dma_wait3A_300 = arith.constant 0 : i32
      %dma_wait3A_301 = tpu.memref_slice %arg16[%add3A_201, %dma_wait3A_300] : memref<100096x16xf32, #tpu.memory_space<vmem_shared>> -> memref<391x16xf32, #tpu.memory_space<vmem_shared>>
      tpu.wait_dma2 semaphore(%run_scoped3A : memref<!tpu.dma_semaphore, #tpu.memory_space<semaphore_mem>>) src(%dma_wait3A_301 : memref<391x16xf32, #tpu.memory_space<vmem_shared>>) dst(%arg15 : memref<391x16xf32, #tpu.memory_space<vmem>>)
      tpu.yield
    }) : () -> ()
    %eq3A_202 = arith.constant 0 : i32
    %eq3A_203 = arith.cmpi eq, %arg0, %eq3A_202 : i32
    %convert_element_type3A_204 = arith.extui %eq3A_203 : i1 to i32
    %cond3A_205 = arith.constant 0 : i32
    %cond3A_206 = arith.cmpi ne, %convert_element_type3A_204, %cond3A_205 : i32
    scf.if %cond3A_206 {
      "tpu.region"() ({
        %run_scoped3A = tpu.sem_alloc : memref<!tpu.dma_semaphore, #tpu.memory_space<semaphore_mem>>
        %dma_start3A = arith.constant 0 : i32
        %dma_start3A_296 = tpu.memref_slice %arg7[%add3A_201, %dma_start3A] : memref<100096x16xf32, #tpu.memory_space<hbm>> -> memref<391x16xf32, #tpu.memory_space<hbm>>
        %dma_start3A_297 = arith.constant 0 : i32
        %dma_start3A_298 = tpu.memref_slice %arg7[%add3A_201, %dma_start3A_297] : memref<100096x16xf32, #tpu.memory_space<hbm>> -> memref<391x16xf32, #tpu.memory_space<hbm>>
        tpu.enqueue_dma source(%arg15 : memref<391x16xf32, #tpu.memory_space<vmem>>) target(%dma_start3A_298 : memref<391x16xf32, #tpu.memory_space<hbm>>) target_semaphore(%run_scoped3A : memref<!tpu.dma_semaphore, #tpu.memory_space<semaphore_mem>>)
        %dma_wait3A = arith.constant 0 : i32
        %dma_wait3A_299 = tpu.memref_slice %arg7[%add3A_201, %dma_wait3A] : memref<100096x16xf32, #tpu.memory_space<hbm>> -> memref<391x16xf32, #tpu.memory_space<hbm>>
        %dma_wait3A_300 = arith.constant 0 : i32
        %dma_wait3A_301 = tpu.memref_slice %arg7[%add3A_201, %dma_wait3A_300] : memref<100096x16xf32, #tpu.memory_space<hbm>> -> memref<391x16xf32, #tpu.memory_space<hbm>>
        tpu.wait_dma2 semaphore(%run_scoped3A : memref<!tpu.dma_semaphore, #tpu.memory_space<semaphore_mem>>) src(%arg15 : memref<391x16xf32, #tpu.memory_space<vmem>>) dst(%dma_wait3A_301 : memref<391x16xf32, #tpu.memory_space<hbm>>)
        tpu.yield
      }) : () -> ()
    } else {
    }
    %eq3A_207 = arith.constant 1 : i32
    %eq3A_208 = arith.cmpi eq, %arg0, %eq3A_207 : i32
    %convert_element_type3A_209 = arith.extui %eq3A_208 : i1 to i32
    %cond3A_210 = arith.constant 0 : i32
    %cond3A_211 = arith.cmpi ne, %convert_element_type3A_209, %cond3A_210 : i32
    scf.if %cond3A_211 {
      "tpu.region"() ({
        %run_scoped3A = tpu.sem_alloc : memref<!tpu.dma_semaphore, #tpu.memory_space<semaphore_mem>>
        %dma_start3A = arith.constant 0 : i32
        %dma_start3A_296 = tpu.memref_slice %arg8[%add3A_201, %dma_start3A] : memref<100096x16xf32, #tpu.memory_space<hbm>> -> memref<391x16xf32, #tpu.memory_space<hbm>>
        %dma_start3A_297 = arith.constant 0 : i32
        %dma_start3A_298 = tpu.memref_slice %arg8[%add3A_201, %dma_start3A_297] : memref<100096x16xf32, #tpu.memory_space<hbm>> -> memref<391x16xf32, #tpu.memory_space<hbm>>
        tpu.enqueue_dma source(%arg15 : memref<391x16xf32, #tpu.memory_space<vmem>>) target(%dma_start3A_298 : memref<391x16xf32, #tpu.memory_space<hbm>>) target_semaphore(%run_scoped3A : memref<!tpu.dma_semaphore, #tpu.memory_space<semaphore_mem>>)
        %dma_wait3A = arith.constant 0 : i32
        %dma_wait3A_299 = tpu.memref_slice %arg8[%add3A_201, %dma_wait3A] : memref<100096x16xf32, #tpu.memory_space<hbm>> -> memref<391x16xf32, #tpu.memory_space<hbm>>
        %dma_wait3A_300 = arith.constant 0 : i32
        %dma_wait3A_301 = tpu.memref_slice %arg8[%add3A_201, %dma_wait3A_300] : memref<100096x16xf32, #tpu.memory_space<hbm>> -> memref<391x16xf32, #tpu.memory_space<hbm>>
        tpu.wait_dma2 semaphore(%run_scoped3A : memref<!tpu.dma_semaphore, #tpu.memory_space<semaphore_mem>>) src(%arg15 : memref<391x16xf32, #tpu.memory_space<vmem>>) dst(%dma_wait3A_301 : memref<391x16xf32, #tpu.memory_space<hbm>>)
        tpu.yield
      }) : () -> ()
    } else {
    }
    %mul3A_212 = arith.constant 6256 : i32
    %mul3A_213 = arith.muli %arg1, %mul3A_212 : i32
    %add3A_214 = arith.constant 3910 : i32
    %add3A_215 = arith.addi %mul3A_213, %add3A_214 : i32
    "tpu.region"() ({
      %run_scoped3A = tpu.sem_alloc : memref<!tpu.dma_semaphore, #tpu.memory_space<semaphore_mem>>
      %dma_start3A = arith.constant 0 : i32
      %dma_start3A_296 = tpu.memref_slice %arg16[%add3A_215, %dma_start3A] : memref<100096x16xf32, #tpu.memory_space<vmem_shared>> -> memref<391x16xf32, #tpu.memory_space<vmem_shared>>
      %dma_start3A_297 = arith.constant 0 : i32
      %dma_start3A_298 = tpu.memref_slice %arg16[%add3A_215, %dma_start3A_297] : memref<100096x16xf32, #tpu.memory_space<vmem_shared>> -> memref<391x16xf32, #tpu.memory_space<vmem_shared>>
      tpu.enqueue_dma source(%dma_start3A_298 : memref<391x16xf32, #tpu.memory_space<vmem_shared>>) target(%arg15 : memref<391x16xf32, #tpu.memory_space<vmem>>) target_semaphore(%run_scoped3A : memref<!tpu.dma_semaphore, #tpu.memory_space<semaphore_mem>>)
      %dma_wait3A = arith.constant 0 : i32
      %dma_wait3A_299 = tpu.memref_slice %arg16[%add3A_215, %dma_wait3A] : memref<100096x16xf32, #tpu.memory_space<vmem_shared>> -> memref<391x16xf32, #tpu.memory_space<vmem_shared>>
      %dma_wait3A_300 = arith.constant 0 : i32
      %dma_wait3A_301 = tpu.memref_slice %arg16[%add3A_215, %dma_wait3A_300] : memref<100096x16xf32, #tpu.memory_space<vmem_shared>> -> memref<391x16xf32, #tpu.memory_space<vmem_shared>>
      tpu.wait_dma2 semaphore(%run_scoped3A : memref<!tpu.dma_semaphore, #tpu.memory_space<semaphore_mem>>) src(%dma_wait3A_301 : memref<391x16xf32, #tpu.memory_space<vmem_shared>>) dst(%arg15 : memref<391x16xf32, #tpu.memory_space<vmem>>)
      tpu.yield
    }) : () -> ()
    %eq3A_216 = arith.constant 0 : i32
    %eq3A_217 = arith.cmpi eq, %arg0, %eq3A_216 : i32
    %convert_element_type3A_218 = arith.extui %eq3A_217 : i1 to i32
    %cond3A_219 = arith.constant 0 : i32
    %cond3A_220 = arith.cmpi ne, %convert_element_type3A_218, %cond3A_219 : i32
    scf.if %cond3A_220 {
      "tpu.region"() ({
        %run_scoped3A = tpu.sem_alloc : memref<!tpu.dma_semaphore, #tpu.memory_space<semaphore_mem>>
        %dma_start3A = arith.constant 0 : i32
        %dma_start3A_296 = tpu.memref_slice %arg7[%add3A_215, %dma_start3A] : memref<100096x16xf32, #tpu.memory_space<hbm>> -> memref<391x16xf32, #tpu.memory_space<hbm>>
        %dma_start3A_297 = arith.constant 0 : i32
        %dma_start3A_298 = tpu.memref_slice %arg7[%add3A_215, %dma_start3A_297] : memref<100096x16xf32, #tpu.memory_space<hbm>> -> memref<391x16xf32, #tpu.memory_space<hbm>>
        tpu.enqueue_dma source(%arg15 : memref<391x16xf32, #tpu.memory_space<vmem>>) target(%dma_start3A_298 : memref<391x16xf32, #tpu.memory_space<hbm>>) target_semaphore(%run_scoped3A : memref<!tpu.dma_semaphore, #tpu.memory_space<semaphore_mem>>)
        %dma_wait3A = arith.constant 0 : i32
        %dma_wait3A_299 = tpu.memref_slice %arg7[%add3A_215, %dma_wait3A] : memref<100096x16xf32, #tpu.memory_space<hbm>> -> memref<391x16xf32, #tpu.memory_space<hbm>>
        %dma_wait3A_300 = arith.constant 0 : i32
        %dma_wait3A_301 = tpu.memref_slice %arg7[%add3A_215, %dma_wait3A_300] : memref<100096x16xf32, #tpu.memory_space<hbm>> -> memref<391x16xf32, #tpu.memory_space<hbm>>
        tpu.wait_dma2 semaphore(%run_scoped3A : memref<!tpu.dma_semaphore, #tpu.memory_space<semaphore_mem>>) src(%arg15 : memref<391x16xf32, #tpu.memory_space<vmem>>) dst(%dma_wait3A_301 : memref<391x16xf32, #tpu.memory_space<hbm>>)
        tpu.yield
      }) : () -> ()
    } else {
    }
    %eq3A_221 = arith.constant 1 : i32
    %eq3A_222 = arith.cmpi eq, %arg0, %eq3A_221 : i32
    %convert_element_type3A_223 = arith.extui %eq3A_222 : i1 to i32
    %cond3A_224 = arith.constant 0 : i32
    %cond3A_225 = arith.cmpi ne, %convert_element_type3A_223, %cond3A_224 : i32
    scf.if %cond3A_225 {
      "tpu.region"() ({
        %run_scoped3A = tpu.sem_alloc : memref<!tpu.dma_semaphore, #tpu.memory_space<semaphore_mem>>
        %dma_start3A = arith.constant 0 : i32
        %dma_start3A_296 = tpu.memref_slice %arg8[%add3A_215, %dma_start3A] : memref<100096x16xf32, #tpu.memory_space<hbm>> -> memref<391x16xf32, #tpu.memory_space<hbm>>
        %dma_start3A_297 = arith.constant 0 : i32
        %dma_start3A_298 = tpu.memref_slice %arg8[%add3A_215, %dma_start3A_297] : memref<100096x16xf32, #tpu.memory_space<hbm>> -> memref<391x16xf32, #tpu.memory_space<hbm>>
        tpu.enqueue_dma source(%arg15 : memref<391x16xf32, #tpu.memory_space<vmem>>) target(%dma_start3A_298 : memref<391x16xf32, #tpu.memory_space<hbm>>) target_semaphore(%run_scoped3A : memref<!tpu.dma_semaphore, #tpu.memory_space<semaphore_mem>>)
        %dma_wait3A = arith.constant 0 : i32
        %dma_wait3A_299 = tpu.memref_slice %arg8[%add3A_215, %dma_wait3A] : memref<100096x16xf32, #tpu.memory_space<hbm>> -> memref<391x16xf32, #tpu.memory_space<hbm>>
        %dma_wait3A_300 = arith.constant 0 : i32
        %dma_wait3A_301 = tpu.memref_slice %arg8[%add3A_215, %dma_wait3A_300] : memref<100096x16xf32, #tpu.memory_space<hbm>> -> memref<391x16xf32, #tpu.memory_space<hbm>>
        tpu.wait_dma2 semaphore(%run_scoped3A : memref<!tpu.dma_semaphore, #tpu.memory_space<semaphore_mem>>) src(%arg15 : memref<391x16xf32, #tpu.memory_space<vmem>>) dst(%dma_wait3A_301 : memref<391x16xf32, #tpu.memory_space<hbm>>)
        tpu.yield
      }) : () -> ()
    } else {
    }
    %mul3A_226 = arith.constant 6256 : i32
    %mul3A_227 = arith.muli %arg1, %mul3A_226 : i32
    %add3A_228 = arith.constant 4301 : i32
    %add3A_229 = arith.addi %mul3A_227, %add3A_228 : i32
    "tpu.region"() ({
      %run_scoped3A = tpu.sem_alloc : memref<!tpu.dma_semaphore, #tpu.memory_space<semaphore_mem>>
      %dma_start3A = arith.constant 0 : i32
      %dma_start3A_296 = tpu.memref_slice %arg16[%add3A_229, %dma_start3A] : memref<100096x16xf32, #tpu.memory_space<vmem_shared>> -> memref<391x16xf32, #tpu.memory_space<vmem_shared>>
      %dma_start3A_297 = arith.constant 0 : i32
      %dma_start3A_298 = tpu.memref_slice %arg16[%add3A_229, %dma_start3A_297] : memref<100096x16xf32, #tpu.memory_space<vmem_shared>> -> memref<391x16xf32, #tpu.memory_space<vmem_shared>>
      tpu.enqueue_dma source(%dma_start3A_298 : memref<391x16xf32, #tpu.memory_space<vmem_shared>>) target(%arg15 : memref<391x16xf32, #tpu.memory_space<vmem>>) target_semaphore(%run_scoped3A : memref<!tpu.dma_semaphore, #tpu.memory_space<semaphore_mem>>)
      %dma_wait3A = arith.constant 0 : i32
      %dma_wait3A_299 = tpu.memref_slice %arg16[%add3A_229, %dma_wait3A] : memref<100096x16xf32, #tpu.memory_space<vmem_shared>> -> memref<391x16xf32, #tpu.memory_space<vmem_shared>>
      %dma_wait3A_300 = arith.constant 0 : i32
      %dma_wait3A_301 = tpu.memref_slice %arg16[%add3A_229, %dma_wait3A_300] : memref<100096x16xf32, #tpu.memory_space<vmem_shared>> -> memref<391x16xf32, #tpu.memory_space<vmem_shared>>
      tpu.wait_dma2 semaphore(%run_scoped3A : memref<!tpu.dma_semaphore, #tpu.memory_space<semaphore_mem>>) src(%dma_wait3A_301 : memref<391x16xf32, #tpu.memory_space<vmem_shared>>) dst(%arg15 : memref<391x16xf32, #tpu.memory_space<vmem>>)
      tpu.yield
    }) : () -> ()
    %eq3A_230 = arith.constant 0 : i32
    %eq3A_231 = arith.cmpi eq, %arg0, %eq3A_230 : i32
    %convert_element_type3A_232 = arith.extui %eq3A_231 : i1 to i32
    %cond3A_233 = arith.constant 0 : i32
    %cond3A_234 = arith.cmpi ne, %convert_element_type3A_232, %cond3A_233 : i32
    scf.if %cond3A_234 {
      "tpu.region"() ({
        %run_scoped3A = tpu.sem_alloc : memref<!tpu.dma_semaphore, #tpu.memory_space<semaphore_mem>>
        %dma_start3A = arith.constant 0 : i32
        %dma_start3A_296 = tpu.memref_slice %arg7[%add3A_229, %dma_start3A] : memref<100096x16xf32, #tpu.memory_space<hbm>> -> memref<391x16xf32, #tpu.memory_space<hbm>>
        %dma_start3A_297 = arith.constant 0 : i32
        %dma_start3A_298 = tpu.memref_slice %arg7[%add3A_229, %dma_start3A_297] : memref<100096x16xf32, #tpu.memory_space<hbm>> -> memref<391x16xf32, #tpu.memory_space<hbm>>
        tpu.enqueue_dma source(%arg15 : memref<391x16xf32, #tpu.memory_space<vmem>>) target(%dma_start3A_298 : memref<391x16xf32, #tpu.memory_space<hbm>>) target_semaphore(%run_scoped3A : memref<!tpu.dma_semaphore, #tpu.memory_space<semaphore_mem>>)
        %dma_wait3A = arith.constant 0 : i32
        %dma_wait3A_299 = tpu.memref_slice %arg7[%add3A_229, %dma_wait3A] : memref<100096x16xf32, #tpu.memory_space<hbm>> -> memref<391x16xf32, #tpu.memory_space<hbm>>
        %dma_wait3A_300 = arith.constant 0 : i32
        %dma_wait3A_301 = tpu.memref_slice %arg7[%add3A_229, %dma_wait3A_300] : memref<100096x16xf32, #tpu.memory_space<hbm>> -> memref<391x16xf32, #tpu.memory_space<hbm>>
        tpu.wait_dma2 semaphore(%run_scoped3A : memref<!tpu.dma_semaphore, #tpu.memory_space<semaphore_mem>>) src(%arg15 : memref<391x16xf32, #tpu.memory_space<vmem>>) dst(%dma_wait3A_301 : memref<391x16xf32, #tpu.memory_space<hbm>>)
        tpu.yield
      }) : () -> ()
    } else {
    }
    %eq3A_235 = arith.constant 1 : i32
    %eq3A_236 = arith.cmpi eq, %arg0, %eq3A_235 : i32
    %convert_element_type3A_237 = arith.extui %eq3A_236 : i1 to i32
    %cond3A_238 = arith.constant 0 : i32
    %cond3A_239 = arith.cmpi ne, %convert_element_type3A_237, %cond3A_238 : i32
    scf.if %cond3A_239 {
      "tpu.region"() ({
        %run_scoped3A = tpu.sem_alloc : memref<!tpu.dma_semaphore, #tpu.memory_space<semaphore_mem>>
        %dma_start3A = arith.constant 0 : i32
        %dma_start3A_296 = tpu.memref_slice %arg8[%add3A_229, %dma_start3A] : memref<100096x16xf32, #tpu.memory_space<hbm>> -> memref<391x16xf32, #tpu.memory_space<hbm>>
        %dma_start3A_297 = arith.constant 0 : i32
        %dma_start3A_298 = tpu.memref_slice %arg8[%add3A_229, %dma_start3A_297] : memref<100096x16xf32, #tpu.memory_space<hbm>> -> memref<391x16xf32, #tpu.memory_space<hbm>>
        tpu.enqueue_dma source(%arg15 : memref<391x16xf32, #tpu.memory_space<vmem>>) target(%dma_start3A_298 : memref<391x16xf32, #tpu.memory_space<hbm>>) target_semaphore(%run_scoped3A : memref<!tpu.dma_semaphore, #tpu.memory_space<semaphore_mem>>)
        %dma_wait3A = arith.constant 0 : i32
        %dma_wait3A_299 = tpu.memref_slice %arg8[%add3A_229, %dma_wait3A] : memref<100096x16xf32, #tpu.memory_space<hbm>> -> memref<391x16xf32, #tpu.memory_space<hbm>>
        %dma_wait3A_300 = arith.constant 0 : i32
        %dma_wait3A_301 = tpu.memref_slice %arg8[%add3A_229, %dma_wait3A_300] : memref<100096x16xf32, #tpu.memory_space<hbm>> -> memref<391x16xf32, #tpu.memory_space<hbm>>
        tpu.wait_dma2 semaphore(%run_scoped3A : memref<!tpu.dma_semaphore, #tpu.memory_space<semaphore_mem>>) src(%arg15 : memref<391x16xf32, #tpu.memory_space<vmem>>) dst(%dma_wait3A_301 : memref<391x16xf32, #tpu.memory_space<hbm>>)
        tpu.yield
      }) : () -> ()
    } else {
    }
    %mul3A_240 = arith.constant 6256 : i32
    %mul3A_241 = arith.muli %arg1, %mul3A_240 : i32
    %add3A_242 = arith.constant 4692 : i32
    %add3A_243 = arith.addi %mul3A_241, %add3A_242 : i32
    "tpu.region"() ({
      %run_scoped3A = tpu.sem_alloc : memref<!tpu.dma_semaphore, #tpu.memory_space<semaphore_mem>>
      %dma_start3A = arith.constant 0 : i32
      %dma_start3A_296 = tpu.memref_slice %arg16[%add3A_243, %dma_start3A] : memref<100096x16xf32, #tpu.memory_space<vmem_shared>> -> memref<391x16xf32, #tpu.memory_space<vmem_shared>>
      %dma_start3A_297 = arith.constant 0 : i32
      %dma_start3A_298 = tpu.memref_slice %arg16[%add3A_243, %dma_start3A_297] : memref<100096x16xf32, #tpu.memory_space<vmem_shared>> -> memref<391x16xf32, #tpu.memory_space<vmem_shared>>
      tpu.enqueue_dma source(%dma_start3A_298 : memref<391x16xf32, #tpu.memory_space<vmem_shared>>) target(%arg15 : memref<391x16xf32, #tpu.memory_space<vmem>>) target_semaphore(%run_scoped3A : memref<!tpu.dma_semaphore, #tpu.memory_space<semaphore_mem>>)
      %dma_wait3A = arith.constant 0 : i32
      %dma_wait3A_299 = tpu.memref_slice %arg16[%add3A_243, %dma_wait3A] : memref<100096x16xf32, #tpu.memory_space<vmem_shared>> -> memref<391x16xf32, #tpu.memory_space<vmem_shared>>
      %dma_wait3A_300 = arith.constant 0 : i32
      %dma_wait3A_301 = tpu.memref_slice %arg16[%add3A_243, %dma_wait3A_300] : memref<100096x16xf32, #tpu.memory_space<vmem_shared>> -> memref<391x16xf32, #tpu.memory_space<vmem_shared>>
      tpu.wait_dma2 semaphore(%run_scoped3A : memref<!tpu.dma_semaphore, #tpu.memory_space<semaphore_mem>>) src(%dma_wait3A_301 : memref<391x16xf32, #tpu.memory_space<vmem_shared>>) dst(%arg15 : memref<391x16xf32, #tpu.memory_space<vmem>>)
      tpu.yield
    }) : () -> ()
    %eq3A_244 = arith.constant 0 : i32
    %eq3A_245 = arith.cmpi eq, %arg0, %eq3A_244 : i32
    %convert_element_type3A_246 = arith.extui %eq3A_245 : i1 to i32
    %cond3A_247 = arith.constant 0 : i32
    %cond3A_248 = arith.cmpi ne, %convert_element_type3A_246, %cond3A_247 : i32
    scf.if %cond3A_248 {
      "tpu.region"() ({
        %run_scoped3A = tpu.sem_alloc : memref<!tpu.dma_semaphore, #tpu.memory_space<semaphore_mem>>
        %dma_start3A = arith.constant 0 : i32
        %dma_start3A_296 = tpu.memref_slice %arg7[%add3A_243, %dma_start3A] : memref<100096x16xf32, #tpu.memory_space<hbm>> -> memref<391x16xf32, #tpu.memory_space<hbm>>
        %dma_start3A_297 = arith.constant 0 : i32
        %dma_start3A_298 = tpu.memref_slice %arg7[%add3A_243, %dma_start3A_297] : memref<100096x16xf32, #tpu.memory_space<hbm>> -> memref<391x16xf32, #tpu.memory_space<hbm>>
        tpu.enqueue_dma source(%arg15 : memref<391x16xf32, #tpu.memory_space<vmem>>) target(%dma_start3A_298 : memref<391x16xf32, #tpu.memory_space<hbm>>) target_semaphore(%run_scoped3A : memref<!tpu.dma_semaphore, #tpu.memory_space<semaphore_mem>>)
        %dma_wait3A = arith.constant 0 : i32
        %dma_wait3A_299 = tpu.memref_slice %arg7[%add3A_243, %dma_wait3A] : memref<100096x16xf32, #tpu.memory_space<hbm>> -> memref<391x16xf32, #tpu.memory_space<hbm>>
        %dma_wait3A_300 = arith.constant 0 : i32
        %dma_wait3A_301 = tpu.memref_slice %arg7[%add3A_243, %dma_wait3A_300] : memref<100096x16xf32, #tpu.memory_space<hbm>> -> memref<391x16xf32, #tpu.memory_space<hbm>>
        tpu.wait_dma2 semaphore(%run_scoped3A : memref<!tpu.dma_semaphore, #tpu.memory_space<semaphore_mem>>) src(%arg15 : memref<391x16xf32, #tpu.memory_space<vmem>>) dst(%dma_wait3A_301 : memref<391x16xf32, #tpu.memory_space<hbm>>)
        tpu.yield
      }) : () -> ()
    } else {
    }
    %eq3A_249 = arith.constant 1 : i32
    %eq3A_250 = arith.cmpi eq, %arg0, %eq3A_249 : i32
    %convert_element_type3A_251 = arith.extui %eq3A_250 : i1 to i32
    %cond3A_252 = arith.constant 0 : i32
    %cond3A_253 = arith.cmpi ne, %convert_element_type3A_251, %cond3A_252 : i32
    scf.if %cond3A_253 {
      "tpu.region"() ({
        %run_scoped3A = tpu.sem_alloc : memref<!tpu.dma_semaphore, #tpu.memory_space<semaphore_mem>>
        %dma_start3A = arith.constant 0 : i32
        %dma_start3A_296 = tpu.memref_slice %arg8[%add3A_243, %dma_start3A] : memref<100096x16xf32, #tpu.memory_space<hbm>> -> memref<391x16xf32, #tpu.memory_space<hbm>>
        %dma_start3A_297 = arith.constant 0 : i32
        %dma_start3A_298 = tpu.memref_slice %arg8[%add3A_243, %dma_start3A_297] : memref<100096x16xf32, #tpu.memory_space<hbm>> -> memref<391x16xf32, #tpu.memory_space<hbm>>
        tpu.enqueue_dma source(%arg15 : memref<391x16xf32, #tpu.memory_space<vmem>>) target(%dma_start3A_298 : memref<391x16xf32, #tpu.memory_space<hbm>>) target_semaphore(%run_scoped3A : memref<!tpu.dma_semaphore, #tpu.memory_space<semaphore_mem>>)
        %dma_wait3A = arith.constant 0 : i32
        %dma_wait3A_299 = tpu.memref_slice %arg8[%add3A_243, %dma_wait3A] : memref<100096x16xf32, #tpu.memory_space<hbm>> -> memref<391x16xf32, #tpu.memory_space<hbm>>
        %dma_wait3A_300 = arith.constant 0 : i32
        %dma_wait3A_301 = tpu.memref_slice %arg8[%add3A_243, %dma_wait3A_300] : memref<100096x16xf32, #tpu.memory_space<hbm>> -> memref<391x16xf32, #tpu.memory_space<hbm>>
        tpu.wait_dma2 semaphore(%run_scoped3A : memref<!tpu.dma_semaphore, #tpu.memory_space<semaphore_mem>>) src(%arg15 : memref<391x16xf32, #tpu.memory_space<vmem>>) dst(%dma_wait3A_301 : memref<391x16xf32, #tpu.memory_space<hbm>>)
        tpu.yield
      }) : () -> ()
    } else {
    }
    %mul3A_254 = arith.constant 6256 : i32
    %mul3A_255 = arith.muli %arg1, %mul3A_254 : i32
    %add3A_256 = arith.constant 5083 : i32
    %add3A_257 = arith.addi %mul3A_255, %add3A_256 : i32
    "tpu.region"() ({
      %run_scoped3A = tpu.sem_alloc : memref<!tpu.dma_semaphore, #tpu.memory_space<semaphore_mem>>
      %dma_start3A = arith.constant 0 : i32
      %dma_start3A_296 = tpu.memref_slice %arg16[%add3A_257, %dma_start3A] : memref<100096x16xf32, #tpu.memory_space<vmem_shared>> -> memref<391x16xf32, #tpu.memory_space<vmem_shared>>
      %dma_start3A_297 = arith.constant 0 : i32
      %dma_start3A_298 = tpu.memref_slice %arg16[%add3A_257, %dma_start3A_297] : memref<100096x16xf32, #tpu.memory_space<vmem_shared>> -> memref<391x16xf32, #tpu.memory_space<vmem_shared>>
      tpu.enqueue_dma source(%dma_start3A_298 : memref<391x16xf32, #tpu.memory_space<vmem_shared>>) target(%arg15 : memref<391x16xf32, #tpu.memory_space<vmem>>) target_semaphore(%run_scoped3A : memref<!tpu.dma_semaphore, #tpu.memory_space<semaphore_mem>>)
      %dma_wait3A = arith.constant 0 : i32
      %dma_wait3A_299 = tpu.memref_slice %arg16[%add3A_257, %dma_wait3A] : memref<100096x16xf32, #tpu.memory_space<vmem_shared>> -> memref<391x16xf32, #tpu.memory_space<vmem_shared>>
      %dma_wait3A_300 = arith.constant 0 : i32
      %dma_wait3A_301 = tpu.memref_slice %arg16[%add3A_257, %dma_wait3A_300] : memref<100096x16xf32, #tpu.memory_space<vmem_shared>> -> memref<391x16xf32, #tpu.memory_space<vmem_shared>>
      tpu.wait_dma2 semaphore(%run_scoped3A : memref<!tpu.dma_semaphore, #tpu.memory_space<semaphore_mem>>) src(%dma_wait3A_301 : memref<391x16xf32, #tpu.memory_space<vmem_shared>>) dst(%arg15 : memref<391x16xf32, #tpu.memory_space<vmem>>)
      tpu.yield
    }) : () -> ()
    %eq3A_258 = arith.constant 0 : i32
    %eq3A_259 = arith.cmpi eq, %arg0, %eq3A_258 : i32
    %convert_element_type3A_260 = arith.extui %eq3A_259 : i1 to i32
    %cond3A_261 = arith.constant 0 : i32
    %cond3A_262 = arith.cmpi ne, %convert_element_type3A_260, %cond3A_261 : i32
    scf.if %cond3A_262 {
      "tpu.region"() ({
        %run_scoped3A = tpu.sem_alloc : memref<!tpu.dma_semaphore, #tpu.memory_space<semaphore_mem>>
        %dma_start3A = arith.constant 0 : i32
        %dma_start3A_296 = tpu.memref_slice %arg7[%add3A_257, %dma_start3A] : memref<100096x16xf32, #tpu.memory_space<hbm>> -> memref<391x16xf32, #tpu.memory_space<hbm>>
        %dma_start3A_297 = arith.constant 0 : i32
        %dma_start3A_298 = tpu.memref_slice %arg7[%add3A_257, %dma_start3A_297] : memref<100096x16xf32, #tpu.memory_space<hbm>> -> memref<391x16xf32, #tpu.memory_space<hbm>>
        tpu.enqueue_dma source(%arg15 : memref<391x16xf32, #tpu.memory_space<vmem>>) target(%dma_start3A_298 : memref<391x16xf32, #tpu.memory_space<hbm>>) target_semaphore(%run_scoped3A : memref<!tpu.dma_semaphore, #tpu.memory_space<semaphore_mem>>)
        %dma_wait3A = arith.constant 0 : i32
        %dma_wait3A_299 = tpu.memref_slice %arg7[%add3A_257, %dma_wait3A] : memref<100096x16xf32, #tpu.memory_space<hbm>> -> memref<391x16xf32, #tpu.memory_space<hbm>>
        %dma_wait3A_300 = arith.constant 0 : i32
        %dma_wait3A_301 = tpu.memref_slice %arg7[%add3A_257, %dma_wait3A_300] : memref<100096x16xf32, #tpu.memory_space<hbm>> -> memref<391x16xf32, #tpu.memory_space<hbm>>
        tpu.wait_dma2 semaphore(%run_scoped3A : memref<!tpu.dma_semaphore, #tpu.memory_space<semaphore_mem>>) src(%arg15 : memref<391x16xf32, #tpu.memory_space<vmem>>) dst(%dma_wait3A_301 : memref<391x16xf32, #tpu.memory_space<hbm>>)
        tpu.yield
      }) : () -> ()
    } else {
    }
    %eq3A_263 = arith.constant 1 : i32
    %eq3A_264 = arith.cmpi eq, %arg0, %eq3A_263 : i32
    %convert_element_type3A_265 = arith.extui %eq3A_264 : i1 to i32
    %cond3A_266 = arith.constant 0 : i32
    %cond3A_267 = arith.cmpi ne, %convert_element_type3A_265, %cond3A_266 : i32
    scf.if %cond3A_267 {
      "tpu.region"() ({
        %run_scoped3A = tpu.sem_alloc : memref<!tpu.dma_semaphore, #tpu.memory_space<semaphore_mem>>
        %dma_start3A = arith.constant 0 : i32
        %dma_start3A_296 = tpu.memref_slice %arg8[%add3A_257, %dma_start3A] : memref<100096x16xf32, #tpu.memory_space<hbm>> -> memref<391x16xf32, #tpu.memory_space<hbm>>
        %dma_start3A_297 = arith.constant 0 : i32
        %dma_start3A_298 = tpu.memref_slice %arg8[%add3A_257, %dma_start3A_297] : memref<100096x16xf32, #tpu.memory_space<hbm>> -> memref<391x16xf32, #tpu.memory_space<hbm>>
        tpu.enqueue_dma source(%arg15 : memref<391x16xf32, #tpu.memory_space<vmem>>) target(%dma_start3A_298 : memref<391x16xf32, #tpu.memory_space<hbm>>) target_semaphore(%run_scoped3A : memref<!tpu.dma_semaphore, #tpu.memory_space<semaphore_mem>>)
        %dma_wait3A = arith.constant 0 : i32
        %dma_wait3A_299 = tpu.memref_slice %arg8[%add3A_257, %dma_wait3A] : memref<100096x16xf32, #tpu.memory_space<hbm>> -> memref<391x16xf32, #tpu.memory_space<hbm>>
        %dma_wait3A_300 = arith.constant 0 : i32
        %dma_wait3A_301 = tpu.memref_slice %arg8[%add3A_257, %dma_wait3A_300] : memref<100096x16xf32, #tpu.memory_space<hbm>> -> memref<391x16xf32, #tpu.memory_space<hbm>>
        tpu.wait_dma2 semaphore(%run_scoped3A : memref<!tpu.dma_semaphore, #tpu.memory_space<semaphore_mem>>) src(%arg15 : memref<391x16xf32, #tpu.memory_space<vmem>>) dst(%dma_wait3A_301 : memref<391x16xf32, #tpu.memory_space<hbm>>)
        tpu.yield
      }) : () -> ()
    } else {
    }
    %mul3A_268 = arith.constant 6256 : i32
    %mul3A_269 = arith.muli %arg1, %mul3A_268 : i32
    %add3A_270 = arith.constant 5474 : i32
    %add3A_271 = arith.addi %mul3A_269, %add3A_270 : i32
    "tpu.region"() ({
      %run_scoped3A = tpu.sem_alloc : memref<!tpu.dma_semaphore, #tpu.memory_space<semaphore_mem>>
      %dma_start3A = arith.constant 0 : i32
      %dma_start3A_296 = tpu.memref_slice %arg16[%add3A_271, %dma_start3A] : memref<100096x16xf32, #tpu.memory_space<vmem_shared>> -> memref<391x16xf32, #tpu.memory_space<vmem_shared>>
      %dma_start3A_297 = arith.constant 0 : i32
      %dma_start3A_298 = tpu.memref_slice %arg16[%add3A_271, %dma_start3A_297] : memref<100096x16xf32, #tpu.memory_space<vmem_shared>> -> memref<391x16xf32, #tpu.memory_space<vmem_shared>>
      tpu.enqueue_dma source(%dma_start3A_298 : memref<391x16xf32, #tpu.memory_space<vmem_shared>>) target(%arg15 : memref<391x16xf32, #tpu.memory_space<vmem>>) target_semaphore(%run_scoped3A : memref<!tpu.dma_semaphore, #tpu.memory_space<semaphore_mem>>)
      %dma_wait3A = arith.constant 0 : i32
      %dma_wait3A_299 = tpu.memref_slice %arg16[%add3A_271, %dma_wait3A] : memref<100096x16xf32, #tpu.memory_space<vmem_shared>> -> memref<391x16xf32, #tpu.memory_space<vmem_shared>>
      %dma_wait3A_300 = arith.constant 0 : i32
      %dma_wait3A_301 = tpu.memref_slice %arg16[%add3A_271, %dma_wait3A_300] : memref<100096x16xf32, #tpu.memory_space<vmem_shared>> -> memref<391x16xf32, #tpu.memory_space<vmem_shared>>
      tpu.wait_dma2 semaphore(%run_scoped3A : memref<!tpu.dma_semaphore, #tpu.memory_space<semaphore_mem>>) src(%dma_wait3A_301 : memref<391x16xf32, #tpu.memory_space<vmem_shared>>) dst(%arg15 : memref<391x16xf32, #tpu.memory_space<vmem>>)
      tpu.yield
    }) : () -> ()
    %eq3A_272 = arith.constant 0 : i32
    %eq3A_273 = arith.cmpi eq, %arg0, %eq3A_272 : i32
    %convert_element_type3A_274 = arith.extui %eq3A_273 : i1 to i32
    %cond3A_275 = arith.constant 0 : i32
    %cond3A_276 = arith.cmpi ne, %convert_element_type3A_274, %cond3A_275 : i32
    scf.if %cond3A_276 {
      "tpu.region"() ({
        %run_scoped3A = tpu.sem_alloc : memref<!tpu.dma_semaphore, #tpu.memory_space<semaphore_mem>>
        %dma_start3A = arith.constant 0 : i32
        %dma_start3A_296 = tpu.memref_slice %arg7[%add3A_271, %dma_start3A] : memref<100096x16xf32, #tpu.memory_space<hbm>> -> memref<391x16xf32, #tpu.memory_space<hbm>>
        %dma_start3A_297 = arith.constant 0 : i32
        %dma_start3A_298 = tpu.memref_slice %arg7[%add3A_271, %dma_start3A_297] : memref<100096x16xf32, #tpu.memory_space<hbm>> -> memref<391x16xf32, #tpu.memory_space<hbm>>
        tpu.enqueue_dma source(%arg15 : memref<391x16xf32, #tpu.memory_space<vmem>>) target(%dma_start3A_298 : memref<391x16xf32, #tpu.memory_space<hbm>>) target_semaphore(%run_scoped3A : memref<!tpu.dma_semaphore, #tpu.memory_space<semaphore_mem>>)
        %dma_wait3A = arith.constant 0 : i32
        %dma_wait3A_299 = tpu.memref_slice %arg7[%add3A_271, %dma_wait3A] : memref<100096x16xf32, #tpu.memory_space<hbm>> -> memref<391x16xf32, #tpu.memory_space<hbm>>
        %dma_wait3A_300 = arith.constant 0 : i32
        %dma_wait3A_301 = tpu.memref_slice %arg7[%add3A_271, %dma_wait3A_300] : memref<100096x16xf32, #tpu.memory_space<hbm>> -> memref<391x16xf32, #tpu.memory_space<hbm>>
        tpu.wait_dma2 semaphore(%run_scoped3A : memref<!tpu.dma_semaphore, #tpu.memory_space<semaphore_mem>>) src(%arg15 : memref<391x16xf32, #tpu.memory_space<vmem>>) dst(%dma_wait3A_301 : memref<391x16xf32, #tpu.memory_space<hbm>>)
        tpu.yield
      }) : () -> ()
    } else {
    }
    %eq3A_277 = arith.constant 1 : i32
    %eq3A_278 = arith.cmpi eq, %arg0, %eq3A_277 : i32
    %convert_element_type3A_279 = arith.extui %eq3A_278 : i1 to i32
    %cond3A_280 = arith.constant 0 : i32
    %cond3A_281 = arith.cmpi ne, %convert_element_type3A_279, %cond3A_280 : i32
    scf.if %cond3A_281 {
      "tpu.region"() ({
        %run_scoped3A = tpu.sem_alloc : memref<!tpu.dma_semaphore, #tpu.memory_space<semaphore_mem>>
        %dma_start3A = arith.constant 0 : i32
        %dma_start3A_296 = tpu.memref_slice %arg8[%add3A_271, %dma_start3A] : memref<100096x16xf32, #tpu.memory_space<hbm>> -> memref<391x16xf32, #tpu.memory_space<hbm>>
        %dma_start3A_297 = arith.constant 0 : i32
        %dma_start3A_298 = tpu.memref_slice %arg8[%add3A_271, %dma_start3A_297] : memref<100096x16xf32, #tpu.memory_space<hbm>> -> memref<391x16xf32, #tpu.memory_space<hbm>>
        tpu.enqueue_dma source(%arg15 : memref<391x16xf32, #tpu.memory_space<vmem>>) target(%dma_start3A_298 : memref<391x16xf32, #tpu.memory_space<hbm>>) target_semaphore(%run_scoped3A : memref<!tpu.dma_semaphore, #tpu.memory_space<semaphore_mem>>)
        %dma_wait3A = arith.constant 0 : i32
        %dma_wait3A_299 = tpu.memref_slice %arg8[%add3A_271, %dma_wait3A] : memref<100096x16xf32, #tpu.memory_space<hbm>> -> memref<391x16xf32, #tpu.memory_space<hbm>>
        %dma_wait3A_300 = arith.constant 0 : i32
        %dma_wait3A_301 = tpu.memref_slice %arg8[%add3A_271, %dma_wait3A_300] : memref<100096x16xf32, #tpu.memory_space<hbm>> -> memref<391x16xf32, #tpu.memory_space<hbm>>
        tpu.wait_dma2 semaphore(%run_scoped3A : memref<!tpu.dma_semaphore, #tpu.memory_space<semaphore_mem>>) src(%arg15 : memref<391x16xf32, #tpu.memory_space<vmem>>) dst(%dma_wait3A_301 : memref<391x16xf32, #tpu.memory_space<hbm>>)
        tpu.yield
      }) : () -> ()
    } else {
    }
    %mul3A_282 = arith.constant 6256 : i32
    %mul3A_283 = arith.muli %arg1, %mul3A_282 : i32
    %add3A_284 = arith.constant 5865 : i32
    %add3A_285 = arith.addi %mul3A_283, %add3A_284 : i32
    "tpu.region"() ({
      %run_scoped3A = tpu.sem_alloc : memref<!tpu.dma_semaphore, #tpu.memory_space<semaphore_mem>>
      %dma_start3A = arith.constant 0 : i32
      %dma_start3A_296 = tpu.memref_slice %arg16[%add3A_285, %dma_start3A] : memref<100096x16xf32, #tpu.memory_space<vmem_shared>> -> memref<391x16xf32, #tpu.memory_space<vmem_shared>>
      %dma_start3A_297 = arith.constant 0 : i32
      %dma_start3A_298 = tpu.memref_slice %arg16[%add3A_285, %dma_start3A_297] : memref<100096x16xf32, #tpu.memory_space<vmem_shared>> -> memref<391x16xf32, #tpu.memory_space<vmem_shared>>
      tpu.enqueue_dma source(%dma_start3A_298 : memref<391x16xf32, #tpu.memory_space<vmem_shared>>) target(%arg15 : memref<391x16xf32, #tpu.memory_space<vmem>>) target_semaphore(%run_scoped3A : memref<!tpu.dma_semaphore, #tpu.memory_space<semaphore_mem>>)
      %dma_wait3A = arith.constant 0 : i32
      %dma_wait3A_299 = tpu.memref_slice %arg16[%add3A_285, %dma_wait3A] : memref<100096x16xf32, #tpu.memory_space<vmem_shared>> -> memref<391x16xf32, #tpu.memory_space<vmem_shared>>
      %dma_wait3A_300 = arith.constant 0 : i32
      %dma_wait3A_301 = tpu.memref_slice %arg16[%add3A_285, %dma_wait3A_300] : memref<100096x16xf32, #tpu.memory_space<vmem_shared>> -> memref<391x16xf32, #tpu.memory_space<vmem_shared>>
      tpu.wait_dma2 semaphore(%run_scoped3A : memref<!tpu.dma_semaphore, #tpu.memory_space<semaphore_mem>>) src(%dma_wait3A_301 : memref<391x16xf32, #tpu.memory_space<vmem_shared>>) dst(%arg15 : memref<391x16xf32, #tpu.memory_space<vmem>>)
      tpu.yield
    }) : () -> ()
    %eq3A_286 = arith.constant 0 : i32
    %eq3A_287 = arith.cmpi eq, %arg0, %eq3A_286 : i32
    %convert_element_type3A_288 = arith.extui %eq3A_287 : i1 to i32
    %cond3A_289 = arith.constant 0 : i32
    %cond3A_290 = arith.cmpi ne, %convert_element_type3A_288, %cond3A_289 : i32
    scf.if %cond3A_290 {
      "tpu.region"() ({
        %run_scoped3A = tpu.sem_alloc : memref<!tpu.dma_semaphore, #tpu.memory_space<semaphore_mem>>
        %dma_start3A = arith.constant 0 : i32
        %dma_start3A_296 = tpu.memref_slice %arg7[%add3A_285, %dma_start3A] : memref<100096x16xf32, #tpu.memory_space<hbm>> -> memref<391x16xf32, #tpu.memory_space<hbm>>
        %dma_start3A_297 = arith.constant 0 : i32
        %dma_start3A_298 = tpu.memref_slice %arg7[%add3A_285, %dma_start3A_297] : memref<100096x16xf32, #tpu.memory_space<hbm>> -> memref<391x16xf32, #tpu.memory_space<hbm>>
        tpu.enqueue_dma source(%arg15 : memref<391x16xf32, #tpu.memory_space<vmem>>) target(%dma_start3A_298 : memref<391x16xf32, #tpu.memory_space<hbm>>) target_semaphore(%run_scoped3A : memref<!tpu.dma_semaphore, #tpu.memory_space<semaphore_mem>>)
        %dma_wait3A = arith.constant 0 : i32
        %dma_wait3A_299 = tpu.memref_slice %arg7[%add3A_285, %dma_wait3A] : memref<100096x16xf32, #tpu.memory_space<hbm>> -> memref<391x16xf32, #tpu.memory_space<hbm>>
        %dma_wait3A_300 = arith.constant 0 : i32
        %dma_wait3A_301 = tpu.memref_slice %arg7[%add3A_285, %dma_wait3A_300] : memref<100096x16xf32, #tpu.memory_space<hbm>> -> memref<391x16xf32, #tpu.memory_space<hbm>>
        tpu.wait_dma2 semaphore(%run_scoped3A : memref<!tpu.dma_semaphore, #tpu.memory_space<semaphore_mem>>) src(%arg15 : memref<391x16xf32, #tpu.memory_space<vmem>>) dst(%dma_wait3A_301 : memref<391x16xf32, #tpu.memory_space<hbm>>)
        tpu.yield
      }) : () -> ()
    } else {
    }
    %eq3A_291 = arith.constant 1 : i32
    %eq3A_292 = arith.cmpi eq, %arg0, %eq3A_291 : i32
    %convert_element_type3A_293 = arith.extui %eq3A_292 : i1 to i32
    %cond3A_294 = arith.constant 0 : i32
    %cond3A_295 = arith.cmpi ne, %convert_element_type3A_293, %cond3A_294 : i32
    scf.if %cond3A_295 {
      "tpu.region"() ({
        %run_scoped3A = tpu.sem_alloc : memref<!tpu.dma_semaphore, #tpu.memory_space<semaphore_mem>>
        %dma_start3A = arith.constant 0 : i32
        %dma_start3A_296 = tpu.memref_slice %arg8[%add3A_285, %dma_start3A] : memref<100096x16xf32, #tpu.memory_space<hbm>> -> memref<391x16xf32, #tpu.memory_space<hbm>>
        %dma_start3A_297 = arith.constant 0 : i32
        %dma_start3A_298 = tpu.memref_slice %arg8[%add3A_285, %dma_start3A_297] : memref<100096x16xf32, #tpu.memory_space<hbm>> -> memref<391x16xf32, #tpu.memory_space<hbm>>
        tpu.enqueue_dma source(%arg15 : memref<391x16xf32, #tpu.memory_space<vmem>>) target(%dma_start3A_298 : memref<391x16xf32, #tpu.memory_space<hbm>>) target_semaphore(%run_scoped3A : memref<!tpu.dma_semaphore, #tpu.memory_space<semaphore_mem>>)
        %dma_wait3A = arith.constant 0 : i32
        %dma_wait3A_299 = tpu.memref_slice %arg8[%add3A_285, %dma_wait3A] : memref<100096x16xf32, #tpu.memory_space<hbm>> -> memref<391x16xf32, #tpu.memory_space<hbm>>
        %dma_wait3A_300 = arith.constant 0 : i32
        %dma_wait3A_301 = tpu.memref_slice %arg8[%add3A_285, %dma_wait3A_300] : memref<100096x16xf32, #tpu.memory_space<hbm>> -> memref<391x16xf32, #tpu.memory_space<hbm>>
        tpu.wait_dma2 semaphore(%run_scoped3A : memref<!tpu.dma_semaphore, #tpu.memory_space<semaphore_mem>>) src(%arg15 : memref<391x16xf32, #tpu.memory_space<vmem>>) dst(%dma_wait3A_301 : memref<391x16xf32, #tpu.memory_space<hbm>>)
        tpu.yield
      }) : () -> ()
    } else {
    }
    return
  }
}

#map = affine_map<(d0, d1) -> (0)>
module attributes {stable_mosaic.version = 14 : i64} {
  func.func @_tacc_body(%arg0: i32, %arg1: i32, %arg2: memref<6400000xi32, #tpu.memory_space<hbm>>, %arg3: memref<6400000xi32, #tpu.memory_space<hbm>>, %arg4: memref<100096xf32, #tpu.memory_space<hbm>>, %arg5: memref<100096xi32, #tpu.memory_space<hbm>>, %arg6: memref<100096xf32, #tpu.memory_space<hbm>>, %arg7: memref<900864xf32, #tpu.memory_space<hbm>>, %arg8: memref<900864xf32, #tpu.memory_space<hbm>>, %arg9: memref<2000xi32, #tpu.memory_space<vmem>>, %arg10: memref<2000xi32, #tpu.memory_space<vmem>>, %arg11: memref<2000xf32, #tpu.memory_space<vmem>>, %arg12: memref<2000xi32, #tpu.memory_space<vmem>>, %arg13: memref<2000xi32, #tpu.memory_space<vmem>>, %arg14: memref<6256xf32, #tpu.memory_space<vmem>>, %arg15: memref<6256xf32, #tpu.memory_space<vmem>>, %arg16: memref<6256xi32, #tpu.memory_space<vmem>>, %arg17: memref<100096xf32, #tpu.memory_space<vmem_shared>>, %arg18: memref<100096xi32, #tpu.memory_space<vmem_shared>>, %arg19: memref<900864xf32, #tpu.memory_space<vmem_shared>>, %arg20: memref<!tpu.dma_semaphore, #tpu.memory_space<semaphore_mem>>, %arg21: memref<!tpu.dma_semaphore, #tpu.memory_space<semaphore_mem>>) attributes {dimension_semantics = [#tpu.dimension_semantics<core_parallel>, #tpu.dimension_semantics<subcore_parallel>], iteration_bounds = array<i64: 2, 16>, scalar_prefetch = 0 : i64, scratch_operands = 13 : i64, tpu.core_type = #tpu.core_type<sc_vector_subcore>, window_params = [{transform_indices = #map}, {transform_indices = #map}, {transform_indices = #map}, {transform_indices = #map}, {transform_indices = #map}, {transform_indices = #map}, {transform_indices = #map}]} {
    %mul3A = arith.constant 6256 : i32
    %mul3A_0 = arith.muli %arg1, %mul3A : i32
    "tpu.region"() ({
      %run_scoped3A = tpu.sem_alloc : memref<!tpu.dma_semaphore, #tpu.memory_space<semaphore_mem>>
      %dma_start3A = tpu.memref_slice %arg4[%mul3A_0] : memref<100096xf32, #tpu.memory_space<hbm>> -> memref<6256xf32, #tpu.memory_space<hbm>>
      %dma_start3A_177 = tpu.memref_slice %arg4[%mul3A_0] : memref<100096xf32, #tpu.memory_space<hbm>> -> memref<6256xf32, #tpu.memory_space<hbm>>
      tpu.enqueue_dma source(%dma_start3A_177 : memref<6256xf32, #tpu.memory_space<hbm>>) target(%arg15 : memref<6256xf32, #tpu.memory_space<vmem>>) target_semaphore(%run_scoped3A : memref<!tpu.dma_semaphore, #tpu.memory_space<semaphore_mem>>)
      %dma_wait3A = tpu.memref_slice %arg4[%mul3A_0] : memref<100096xf32, #tpu.memory_space<hbm>> -> memref<6256xf32, #tpu.memory_space<hbm>>
      %dma_wait3A_178 = tpu.memref_slice %arg4[%mul3A_0] : memref<100096xf32, #tpu.memory_space<hbm>> -> memref<6256xf32, #tpu.memory_space<hbm>>
      tpu.wait_dma2 semaphore(%run_scoped3A : memref<!tpu.dma_semaphore, #tpu.memory_space<semaphore_mem>>) src(%dma_wait3A_178 : memref<6256xf32, #tpu.memory_space<hbm>>) dst(%arg15 : memref<6256xf32, #tpu.memory_space<vmem>>)
      tpu.yield
    }) : () -> ()
    %mul3A_1 = arith.constant 6256 : i32
    %mul3A_2 = arith.muli %arg1, %mul3A_1 : i32
    "tpu.region"() ({
      %run_scoped3A = tpu.sem_alloc : memref<!tpu.dma_semaphore, #tpu.memory_space<semaphore_mem>>
      %dma_start3A = tpu.memref_slice %arg17[%mul3A_2] : memref<100096xf32, #tpu.memory_space<vmem_shared>> -> memref<6256xf32, #tpu.memory_space<vmem_shared>>
      %dma_start3A_177 = tpu.memref_slice %arg17[%mul3A_2] : memref<100096xf32, #tpu.memory_space<vmem_shared>> -> memref<6256xf32, #tpu.memory_space<vmem_shared>>
      tpu.enqueue_dma source(%arg15 : memref<6256xf32, #tpu.memory_space<vmem>>) target(%dma_start3A_177 : memref<6256xf32, #tpu.memory_space<vmem_shared>>) target_semaphore(%run_scoped3A : memref<!tpu.dma_semaphore, #tpu.memory_space<semaphore_mem>>)
      %dma_wait3A = tpu.memref_slice %arg17[%mul3A_2] : memref<100096xf32, #tpu.memory_space<vmem_shared>> -> memref<6256xf32, #tpu.memory_space<vmem_shared>>
      %dma_wait3A_178 = tpu.memref_slice %arg17[%mul3A_2] : memref<100096xf32, #tpu.memory_space<vmem_shared>> -> memref<6256xf32, #tpu.memory_space<vmem_shared>>
      tpu.wait_dma2 semaphore(%run_scoped3A : memref<!tpu.dma_semaphore, #tpu.memory_space<semaphore_mem>>) src(%arg15 : memref<6256xf32, #tpu.memory_space<vmem>>) dst(%dma_wait3A_178 : memref<6256xf32, #tpu.memory_space<vmem_shared>>)
      tpu.yield
    }) : () -> ()
    %mul3A_3 = arith.constant 6256 : i32
    %mul3A_4 = arith.muli %arg1, %mul3A_3 : i32
    "tpu.region"() ({
      %run_scoped3A = tpu.sem_alloc : memref<!tpu.dma_semaphore, #tpu.memory_space<semaphore_mem>>
      %dma_start3A = tpu.memref_slice %arg5[%mul3A_4] : memref<100096xi32, #tpu.memory_space<hbm>> -> memref<6256xi32, #tpu.memory_space<hbm>>
      %dma_start3A_177 = tpu.memref_slice %arg5[%mul3A_4] : memref<100096xi32, #tpu.memory_space<hbm>> -> memref<6256xi32, #tpu.memory_space<hbm>>
      tpu.enqueue_dma source(%dma_start3A_177 : memref<6256xi32, #tpu.memory_space<hbm>>) target(%arg16 : memref<6256xi32, #tpu.memory_space<vmem>>) target_semaphore(%run_scoped3A : memref<!tpu.dma_semaphore, #tpu.memory_space<semaphore_mem>>)
      %dma_wait3A = tpu.memref_slice %arg5[%mul3A_4] : memref<100096xi32, #tpu.memory_space<hbm>> -> memref<6256xi32, #tpu.memory_space<hbm>>
      %dma_wait3A_178 = tpu.memref_slice %arg5[%mul3A_4] : memref<100096xi32, #tpu.memory_space<hbm>> -> memref<6256xi32, #tpu.memory_space<hbm>>
      tpu.wait_dma2 semaphore(%run_scoped3A : memref<!tpu.dma_semaphore, #tpu.memory_space<semaphore_mem>>) src(%dma_wait3A_178 : memref<6256xi32, #tpu.memory_space<hbm>>) dst(%arg16 : memref<6256xi32, #tpu.memory_space<vmem>>)
      tpu.yield
    }) : () -> ()
    %mul3A_5 = arith.constant 6256 : i32
    %mul3A_6 = arith.muli %arg1, %mul3A_5 : i32
    "tpu.region"() ({
      %run_scoped3A = tpu.sem_alloc : memref<!tpu.dma_semaphore, #tpu.memory_space<semaphore_mem>>
      %dma_start3A = tpu.memref_slice %arg18[%mul3A_6] : memref<100096xi32, #tpu.memory_space<vmem_shared>> -> memref<6256xi32, #tpu.memory_space<vmem_shared>>
      %dma_start3A_177 = tpu.memref_slice %arg18[%mul3A_6] : memref<100096xi32, #tpu.memory_space<vmem_shared>> -> memref<6256xi32, #tpu.memory_space<vmem_shared>>
      tpu.enqueue_dma source(%arg16 : memref<6256xi32, #tpu.memory_space<vmem>>) target(%dma_start3A_177 : memref<6256xi32, #tpu.memory_space<vmem_shared>>) target_semaphore(%run_scoped3A : memref<!tpu.dma_semaphore, #tpu.memory_space<semaphore_mem>>)
      %dma_wait3A = tpu.memref_slice %arg18[%mul3A_6] : memref<100096xi32, #tpu.memory_space<vmem_shared>> -> memref<6256xi32, #tpu.memory_space<vmem_shared>>
      %dma_wait3A_178 = tpu.memref_slice %arg18[%mul3A_6] : memref<100096xi32, #tpu.memory_space<vmem_shared>> -> memref<6256xi32, #tpu.memory_space<vmem_shared>>
      tpu.wait_dma2 semaphore(%run_scoped3A : memref<!tpu.dma_semaphore, #tpu.memory_space<semaphore_mem>>) src(%arg16 : memref<6256xi32, #tpu.memory_space<vmem>>) dst(%dma_wait3A_178 : memref<6256xi32, #tpu.memory_space<vmem_shared>>)
      tpu.yield
    }) : () -> ()
    "tpu.region"() ({
      %run_scoped3A = tpu.sem_alloc : memref<!tpu.dma_semaphore, #tpu.memory_space<semaphore_mem>>
      %dma_start3A = arith.constant 0 : i32
      %dma_start3A_177 = tpu.memref_slice %arg6[%dma_start3A] : memref<100096xf32, #tpu.memory_space<hbm>> -> memref<6256xf32, #tpu.memory_space<hbm>>
      %dma_start3A_178 = arith.constant 0 : i32
      %dma_start3A_179 = tpu.memref_slice %arg6[%dma_start3A_178] : memref<100096xf32, #tpu.memory_space<hbm>> -> memref<6256xf32, #tpu.memory_space<hbm>>
      tpu.enqueue_dma source(%dma_start3A_179 : memref<6256xf32, #tpu.memory_space<hbm>>) target(%arg14 : memref<6256xf32, #tpu.memory_space<vmem>>) target_semaphore(%run_scoped3A : memref<!tpu.dma_semaphore, #tpu.memory_space<semaphore_mem>>)
      %dma_wait3A = arith.constant 0 : i32
      %dma_wait3A_180 = tpu.memref_slice %arg6[%dma_wait3A] : memref<100096xf32, #tpu.memory_space<hbm>> -> memref<6256xf32, #tpu.memory_space<hbm>>
      %dma_wait3A_181 = arith.constant 0 : i32
      %dma_wait3A_182 = tpu.memref_slice %arg6[%dma_wait3A_181] : memref<100096xf32, #tpu.memory_space<hbm>> -> memref<6256xf32, #tpu.memory_space<hbm>>
      tpu.wait_dma2 semaphore(%run_scoped3A : memref<!tpu.dma_semaphore, #tpu.memory_space<semaphore_mem>>) src(%dma_wait3A_182 : memref<6256xf32, #tpu.memory_space<hbm>>) dst(%arg14 : memref<6256xf32, #tpu.memory_space<vmem>>)
      tpu.yield
    }) : () -> ()
    %mul3A_7 = arith.constant 56304 : i32
    %mul3A_8 = arith.muli %arg1, %mul3A_7 : i32
    %add3A = arith.constant 0 : i32
    %add3A_9 = arith.addi %mul3A_8, %add3A : i32
    "tpu.region"() ({
      %run_scoped3A = tpu.sem_alloc : memref<!tpu.dma_semaphore, #tpu.memory_space<semaphore_mem>>
      %dma_start3A = tpu.memref_slice %arg19[%add3A_9] : memref<900864xf32, #tpu.memory_space<vmem_shared>> -> memref<6256xf32, #tpu.memory_space<vmem_shared>>
      %dma_start3A_177 = tpu.memref_slice %arg19[%add3A_9] : memref<900864xf32, #tpu.memory_space<vmem_shared>> -> memref<6256xf32, #tpu.memory_space<vmem_shared>>
      tpu.enqueue_dma source(%arg14 : memref<6256xf32, #tpu.memory_space<vmem>>) target(%dma_start3A_177 : memref<6256xf32, #tpu.memory_space<vmem_shared>>) target_semaphore(%run_scoped3A : memref<!tpu.dma_semaphore, #tpu.memory_space<semaphore_mem>>)
      %dma_wait3A = tpu.memref_slice %arg19[%add3A_9] : memref<900864xf32, #tpu.memory_space<vmem_shared>> -> memref<6256xf32, #tpu.memory_space<vmem_shared>>
      %dma_wait3A_178 = tpu.memref_slice %arg19[%add3A_9] : memref<900864xf32, #tpu.memory_space<vmem_shared>> -> memref<6256xf32, #tpu.memory_space<vmem_shared>>
      tpu.wait_dma2 semaphore(%run_scoped3A : memref<!tpu.dma_semaphore, #tpu.memory_space<semaphore_mem>>) src(%arg14 : memref<6256xf32, #tpu.memory_space<vmem>>) dst(%dma_wait3A_178 : memref<6256xf32, #tpu.memory_space<vmem_shared>>)
      tpu.yield
    }) : () -> ()
    %mul3A_10 = arith.constant 56304 : i32
    %mul3A_11 = arith.muli %arg1, %mul3A_10 : i32
    %add3A_12 = arith.constant 6256 : i32
    %add3A_13 = arith.addi %mul3A_11, %add3A_12 : i32
    "tpu.region"() ({
      %run_scoped3A = tpu.sem_alloc : memref<!tpu.dma_semaphore, #tpu.memory_space<semaphore_mem>>
      %dma_start3A = tpu.memref_slice %arg19[%add3A_13] : memref<900864xf32, #tpu.memory_space<vmem_shared>> -> memref<6256xf32, #tpu.memory_space<vmem_shared>>
      %dma_start3A_177 = tpu.memref_slice %arg19[%add3A_13] : memref<900864xf32, #tpu.memory_space<vmem_shared>> -> memref<6256xf32, #tpu.memory_space<vmem_shared>>
      tpu.enqueue_dma source(%arg14 : memref<6256xf32, #tpu.memory_space<vmem>>) target(%dma_start3A_177 : memref<6256xf32, #tpu.memory_space<vmem_shared>>) target_semaphore(%run_scoped3A : memref<!tpu.dma_semaphore, #tpu.memory_space<semaphore_mem>>)
      %dma_wait3A = tpu.memref_slice %arg19[%add3A_13] : memref<900864xf32, #tpu.memory_space<vmem_shared>> -> memref<6256xf32, #tpu.memory_space<vmem_shared>>
      %dma_wait3A_178 = tpu.memref_slice %arg19[%add3A_13] : memref<900864xf32, #tpu.memory_space<vmem_shared>> -> memref<6256xf32, #tpu.memory_space<vmem_shared>>
      tpu.wait_dma2 semaphore(%run_scoped3A : memref<!tpu.dma_semaphore, #tpu.memory_space<semaphore_mem>>) src(%arg14 : memref<6256xf32, #tpu.memory_space<vmem>>) dst(%dma_wait3A_178 : memref<6256xf32, #tpu.memory_space<vmem_shared>>)
      tpu.yield
    }) : () -> ()
    %mul3A_14 = arith.constant 56304 : i32
    %mul3A_15 = arith.muli %arg1, %mul3A_14 : i32
    %add3A_16 = arith.constant 12512 : i32
    %add3A_17 = arith.addi %mul3A_15, %add3A_16 : i32
    "tpu.region"() ({
      %run_scoped3A = tpu.sem_alloc : memref<!tpu.dma_semaphore, #tpu.memory_space<semaphore_mem>>
      %dma_start3A = tpu.memref_slice %arg19[%add3A_17] : memref<900864xf32, #tpu.memory_space<vmem_shared>> -> memref<6256xf32, #tpu.memory_space<vmem_shared>>
      %dma_start3A_177 = tpu.memref_slice %arg19[%add3A_17] : memref<900864xf32, #tpu.memory_space<vmem_shared>> -> memref<6256xf32, #tpu.memory_space<vmem_shared>>
      tpu.enqueue_dma source(%arg14 : memref<6256xf32, #tpu.memory_space<vmem>>) target(%dma_start3A_177 : memref<6256xf32, #tpu.memory_space<vmem_shared>>) target_semaphore(%run_scoped3A : memref<!tpu.dma_semaphore, #tpu.memory_space<semaphore_mem>>)
      %dma_wait3A = tpu.memref_slice %arg19[%add3A_17] : memref<900864xf32, #tpu.memory_space<vmem_shared>> -> memref<6256xf32, #tpu.memory_space<vmem_shared>>
      %dma_wait3A_178 = tpu.memref_slice %arg19[%add3A_17] : memref<900864xf32, #tpu.memory_space<vmem_shared>> -> memref<6256xf32, #tpu.memory_space<vmem_shared>>
      tpu.wait_dma2 semaphore(%run_scoped3A : memref<!tpu.dma_semaphore, #tpu.memory_space<semaphore_mem>>) src(%arg14 : memref<6256xf32, #tpu.memory_space<vmem>>) dst(%dma_wait3A_178 : memref<6256xf32, #tpu.memory_space<vmem_shared>>)
      tpu.yield
    }) : () -> ()
    %mul3A_18 = arith.constant 56304 : i32
    %mul3A_19 = arith.muli %arg1, %mul3A_18 : i32
    %add3A_20 = arith.constant 18768 : i32
    %add3A_21 = arith.addi %mul3A_19, %add3A_20 : i32
    "tpu.region"() ({
      %run_scoped3A = tpu.sem_alloc : memref<!tpu.dma_semaphore, #tpu.memory_space<semaphore_mem>>
      %dma_start3A = tpu.memref_slice %arg19[%add3A_21] : memref<900864xf32, #tpu.memory_space<vmem_shared>> -> memref<6256xf32, #tpu.memory_space<vmem_shared>>
      %dma_start3A_177 = tpu.memref_slice %arg19[%add3A_21] : memref<900864xf32, #tpu.memory_space<vmem_shared>> -> memref<6256xf32, #tpu.memory_space<vmem_shared>>
      tpu.enqueue_dma source(%arg14 : memref<6256xf32, #tpu.memory_space<vmem>>) target(%dma_start3A_177 : memref<6256xf32, #tpu.memory_space<vmem_shared>>) target_semaphore(%run_scoped3A : memref<!tpu.dma_semaphore, #tpu.memory_space<semaphore_mem>>)
      %dma_wait3A = tpu.memref_slice %arg19[%add3A_21] : memref<900864xf32, #tpu.memory_space<vmem_shared>> -> memref<6256xf32, #tpu.memory_space<vmem_shared>>
      %dma_wait3A_178 = tpu.memref_slice %arg19[%add3A_21] : memref<900864xf32, #tpu.memory_space<vmem_shared>> -> memref<6256xf32, #tpu.memory_space<vmem_shared>>
      tpu.wait_dma2 semaphore(%run_scoped3A : memref<!tpu.dma_semaphore, #tpu.memory_space<semaphore_mem>>) src(%arg14 : memref<6256xf32, #tpu.memory_space<vmem>>) dst(%dma_wait3A_178 : memref<6256xf32, #tpu.memory_space<vmem_shared>>)
      tpu.yield
    }) : () -> ()
    %mul3A_22 = arith.constant 56304 : i32
    %mul3A_23 = arith.muli %arg1, %mul3A_22 : i32
    %add3A_24 = arith.constant 25024 : i32
    %add3A_25 = arith.addi %mul3A_23, %add3A_24 : i32
    "tpu.region"() ({
      %run_scoped3A = tpu.sem_alloc : memref<!tpu.dma_semaphore, #tpu.memory_space<semaphore_mem>>
      %dma_start3A = tpu.memref_slice %arg19[%add3A_25] : memref<900864xf32, #tpu.memory_space<vmem_shared>> -> memref<6256xf32, #tpu.memory_space<vmem_shared>>
      %dma_start3A_177 = tpu.memref_slice %arg19[%add3A_25] : memref<900864xf32, #tpu.memory_space<vmem_shared>> -> memref<6256xf32, #tpu.memory_space<vmem_shared>>
      tpu.enqueue_dma source(%arg14 : memref<6256xf32, #tpu.memory_space<vmem>>) target(%dma_start3A_177 : memref<6256xf32, #tpu.memory_space<vmem_shared>>) target_semaphore(%run_scoped3A : memref<!tpu.dma_semaphore, #tpu.memory_space<semaphore_mem>>)
      %dma_wait3A = tpu.memref_slice %arg19[%add3A_25] : memref<900864xf32, #tpu.memory_space<vmem_shared>> -> memref<6256xf32, #tpu.memory_space<vmem_shared>>
      %dma_wait3A_178 = tpu.memref_slice %arg19[%add3A_25] : memref<900864xf32, #tpu.memory_space<vmem_shared>> -> memref<6256xf32, #tpu.memory_space<vmem_shared>>
      tpu.wait_dma2 semaphore(%run_scoped3A : memref<!tpu.dma_semaphore, #tpu.memory_space<semaphore_mem>>) src(%arg14 : memref<6256xf32, #tpu.memory_space<vmem>>) dst(%dma_wait3A_178 : memref<6256xf32, #tpu.memory_space<vmem_shared>>)
      tpu.yield
    }) : () -> ()
    %mul3A_26 = arith.constant 56304 : i32
    %mul3A_27 = arith.muli %arg1, %mul3A_26 : i32
    %add3A_28 = arith.constant 31280 : i32
    %add3A_29 = arith.addi %mul3A_27, %add3A_28 : i32
    "tpu.region"() ({
      %run_scoped3A = tpu.sem_alloc : memref<!tpu.dma_semaphore, #tpu.memory_space<semaphore_mem>>
      %dma_start3A = tpu.memref_slice %arg19[%add3A_29] : memref<900864xf32, #tpu.memory_space<vmem_shared>> -> memref<6256xf32, #tpu.memory_space<vmem_shared>>
      %dma_start3A_177 = tpu.memref_slice %arg19[%add3A_29] : memref<900864xf32, #tpu.memory_space<vmem_shared>> -> memref<6256xf32, #tpu.memory_space<vmem_shared>>
      tpu.enqueue_dma source(%arg14 : memref<6256xf32, #tpu.memory_space<vmem>>) target(%dma_start3A_177 : memref<6256xf32, #tpu.memory_space<vmem_shared>>) target_semaphore(%run_scoped3A : memref<!tpu.dma_semaphore, #tpu.memory_space<semaphore_mem>>)
      %dma_wait3A = tpu.memref_slice %arg19[%add3A_29] : memref<900864xf32, #tpu.memory_space<vmem_shared>> -> memref<6256xf32, #tpu.memory_space<vmem_shared>>
      %dma_wait3A_178 = tpu.memref_slice %arg19[%add3A_29] : memref<900864xf32, #tpu.memory_space<vmem_shared>> -> memref<6256xf32, #tpu.memory_space<vmem_shared>>
      tpu.wait_dma2 semaphore(%run_scoped3A : memref<!tpu.dma_semaphore, #tpu.memory_space<semaphore_mem>>) src(%arg14 : memref<6256xf32, #tpu.memory_space<vmem>>) dst(%dma_wait3A_178 : memref<6256xf32, #tpu.memory_space<vmem_shared>>)
      tpu.yield
    }) : () -> ()
    %mul3A_30 = arith.constant 56304 : i32
    %mul3A_31 = arith.muli %arg1, %mul3A_30 : i32
    %add3A_32 = arith.constant 37536 : i32
    %add3A_33 = arith.addi %mul3A_31, %add3A_32 : i32
    "tpu.region"() ({
      %run_scoped3A = tpu.sem_alloc : memref<!tpu.dma_semaphore, #tpu.memory_space<semaphore_mem>>
      %dma_start3A = tpu.memref_slice %arg19[%add3A_33] : memref<900864xf32, #tpu.memory_space<vmem_shared>> -> memref<6256xf32, #tpu.memory_space<vmem_shared>>
      %dma_start3A_177 = tpu.memref_slice %arg19[%add3A_33] : memref<900864xf32, #tpu.memory_space<vmem_shared>> -> memref<6256xf32, #tpu.memory_space<vmem_shared>>
      tpu.enqueue_dma source(%arg14 : memref<6256xf32, #tpu.memory_space<vmem>>) target(%dma_start3A_177 : memref<6256xf32, #tpu.memory_space<vmem_shared>>) target_semaphore(%run_scoped3A : memref<!tpu.dma_semaphore, #tpu.memory_space<semaphore_mem>>)
      %dma_wait3A = tpu.memref_slice %arg19[%add3A_33] : memref<900864xf32, #tpu.memory_space<vmem_shared>> -> memref<6256xf32, #tpu.memory_space<vmem_shared>>
      %dma_wait3A_178 = tpu.memref_slice %arg19[%add3A_33] : memref<900864xf32, #tpu.memory_space<vmem_shared>> -> memref<6256xf32, #tpu.memory_space<vmem_shared>>
      tpu.wait_dma2 semaphore(%run_scoped3A : memref<!tpu.dma_semaphore, #tpu.memory_space<semaphore_mem>>) src(%arg14 : memref<6256xf32, #tpu.memory_space<vmem>>) dst(%dma_wait3A_178 : memref<6256xf32, #tpu.memory_space<vmem_shared>>)
      tpu.yield
    }) : () -> ()
    %mul3A_34 = arith.constant 56304 : i32
    %mul3A_35 = arith.muli %arg1, %mul3A_34 : i32
    %add3A_36 = arith.constant 43792 : i32
    %add3A_37 = arith.addi %mul3A_35, %add3A_36 : i32
    "tpu.region"() ({
      %run_scoped3A = tpu.sem_alloc : memref<!tpu.dma_semaphore, #tpu.memory_space<semaphore_mem>>
      %dma_start3A = tpu.memref_slice %arg19[%add3A_37] : memref<900864xf32, #tpu.memory_space<vmem_shared>> -> memref<6256xf32, #tpu.memory_space<vmem_shared>>
      %dma_start3A_177 = tpu.memref_slice %arg19[%add3A_37] : memref<900864xf32, #tpu.memory_space<vmem_shared>> -> memref<6256xf32, #tpu.memory_space<vmem_shared>>
      tpu.enqueue_dma source(%arg14 : memref<6256xf32, #tpu.memory_space<vmem>>) target(%dma_start3A_177 : memref<6256xf32, #tpu.memory_space<vmem_shared>>) target_semaphore(%run_scoped3A : memref<!tpu.dma_semaphore, #tpu.memory_space<semaphore_mem>>)
      %dma_wait3A = tpu.memref_slice %arg19[%add3A_37] : memref<900864xf32, #tpu.memory_space<vmem_shared>> -> memref<6256xf32, #tpu.memory_space<vmem_shared>>
      %dma_wait3A_178 = tpu.memref_slice %arg19[%add3A_37] : memref<900864xf32, #tpu.memory_space<vmem_shared>> -> memref<6256xf32, #tpu.memory_space<vmem_shared>>
      tpu.wait_dma2 semaphore(%run_scoped3A : memref<!tpu.dma_semaphore, #tpu.memory_space<semaphore_mem>>) src(%arg14 : memref<6256xf32, #tpu.memory_space<vmem>>) dst(%dma_wait3A_178 : memref<6256xf32, #tpu.memory_space<vmem_shared>>)
      tpu.yield
    }) : () -> ()
    %mul3A_38 = arith.constant 56304 : i32
    %mul3A_39 = arith.muli %arg1, %mul3A_38 : i32
    %add3A_40 = arith.constant 50048 : i32
    %add3A_41 = arith.addi %mul3A_39, %add3A_40 : i32
    "tpu.region"() ({
      %run_scoped3A = tpu.sem_alloc : memref<!tpu.dma_semaphore, #tpu.memory_space<semaphore_mem>>
      %dma_start3A = tpu.memref_slice %arg19[%add3A_41] : memref<900864xf32, #tpu.memory_space<vmem_shared>> -> memref<6256xf32, #tpu.memory_space<vmem_shared>>
      %dma_start3A_177 = tpu.memref_slice %arg19[%add3A_41] : memref<900864xf32, #tpu.memory_space<vmem_shared>> -> memref<6256xf32, #tpu.memory_space<vmem_shared>>
      tpu.enqueue_dma source(%arg14 : memref<6256xf32, #tpu.memory_space<vmem>>) target(%dma_start3A_177 : memref<6256xf32, #tpu.memory_space<vmem_shared>>) target_semaphore(%run_scoped3A : memref<!tpu.dma_semaphore, #tpu.memory_space<semaphore_mem>>)
      %dma_wait3A = tpu.memref_slice %arg19[%add3A_41] : memref<900864xf32, #tpu.memory_space<vmem_shared>> -> memref<6256xf32, #tpu.memory_space<vmem_shared>>
      %dma_wait3A_178 = tpu.memref_slice %arg19[%add3A_41] : memref<900864xf32, #tpu.memory_space<vmem_shared>> -> memref<6256xf32, #tpu.memory_space<vmem_shared>>
      tpu.wait_dma2 semaphore(%run_scoped3A : memref<!tpu.dma_semaphore, #tpu.memory_space<semaphore_mem>>) src(%arg14 : memref<6256xf32, #tpu.memory_space<vmem>>) dst(%dma_wait3A_178 : memref<6256xf32, #tpu.memory_space<vmem_shared>>)
      tpu.yield
    }) : () -> ()
    %barrier3A = arith.constant 0 : index
    tpu.barrier barrier_id(%barrier3A)
    %mul3A_42 = arith.constant 3200000 : i32
    %mul3A_43 = arith.muli %arg0, %mul3A_42 : i32
    %mul3A_44 = arith.constant 200000 : i32
    %mul3A_45 = arith.muli %arg1, %mul3A_44 : i32
    %add3A_46 = arith.addi %mul3A_43, %mul3A_45 : i32
    %scan3A = arith.constant 0 : i32
    %scan3A_47 = arith.constant 0 : i32
    %scan3A_48 = arith.constant 100 : i32
    %scan3A_49 = arith.addi %scan3A_47, %scan3A_48 : i32
    %scan3A_50 = arith.constant 1 : i32
    %scan3A_51 = scf.for %scan3A_177 = %scan3A_47 to %scan3A_49 step %scan3A_50 iter_args(%scan3A_178 = %scan3A) -> (i32)  : i32 {
      %mul3A_179 = arith.constant 2000 : i32
      %mul3A_180 = arith.muli %scan3A_177, %mul3A_179 : i32
      %add3A_181 = arith.addi %add3A_46, %mul3A_180 : i32
      "tpu.region"() ({
        %run_scoped3A = tpu.sem_alloc : memref<!tpu.dma_semaphore, #tpu.memory_space<semaphore_mem>>
        %dma_start3A_196 = tpu.memref_slice %arg2[%add3A_181] : memref<6400000xi32, #tpu.memory_space<hbm>> -> memref<2000xi32, #tpu.memory_space<hbm>>
        %dma_start3A_197 = tpu.memref_slice %arg2[%add3A_181] : memref<6400000xi32, #tpu.memory_space<hbm>> -> memref<2000xi32, #tpu.memory_space<hbm>>
        tpu.enqueue_dma source(%dma_start3A_197 : memref<2000xi32, #tpu.memory_space<hbm>>) target(%arg9 : memref<2000xi32, #tpu.memory_space<vmem>>) target_semaphore(%run_scoped3A : memref<!tpu.dma_semaphore, #tpu.memory_space<semaphore_mem>>)
        %dma_wait3A_198 = tpu.memref_slice %arg2[%add3A_181] : memref<6400000xi32, #tpu.memory_space<hbm>> -> memref<2000xi32, #tpu.memory_space<hbm>>
        %dma_wait3A_199 = tpu.memref_slice %arg2[%add3A_181] : memref<6400000xi32, #tpu.memory_space<hbm>> -> memref<2000xi32, #tpu.memory_space<hbm>>
        tpu.wait_dma2 semaphore(%run_scoped3A : memref<!tpu.dma_semaphore, #tpu.memory_space<semaphore_mem>>) src(%dma_wait3A_199 : memref<2000xi32, #tpu.memory_space<hbm>>) dst(%arg9 : memref<2000xi32, #tpu.memory_space<vmem>>)
        tpu.yield
      }) : () -> ()
      "tpu.region"() ({
        %run_scoped3A = tpu.sem_alloc : memref<!tpu.dma_semaphore, #tpu.memory_space<semaphore_mem>>
        %dma_start3A_196 = tpu.memref_slice %arg3[%add3A_181] : memref<6400000xi32, #tpu.memory_space<hbm>> -> memref<2000xi32, #tpu.memory_space<hbm>>
        %dma_start3A_197 = tpu.memref_slice %arg3[%add3A_181] : memref<6400000xi32, #tpu.memory_space<hbm>> -> memref<2000xi32, #tpu.memory_space<hbm>>
        tpu.enqueue_dma source(%dma_start3A_197 : memref<2000xi32, #tpu.memory_space<hbm>>) target(%arg10 : memref<2000xi32, #tpu.memory_space<vmem>>) target_semaphore(%run_scoped3A : memref<!tpu.dma_semaphore, #tpu.memory_space<semaphore_mem>>)
        %dma_wait3A_198 = tpu.memref_slice %arg3[%add3A_181] : memref<6400000xi32, #tpu.memory_space<hbm>> -> memref<2000xi32, #tpu.memory_space<hbm>>
        %dma_wait3A_199 = tpu.memref_slice %arg3[%add3A_181] : memref<6400000xi32, #tpu.memory_space<hbm>> -> memref<2000xi32, #tpu.memory_space<hbm>>
        tpu.wait_dma2 semaphore(%run_scoped3A : memref<!tpu.dma_semaphore, #tpu.memory_space<semaphore_mem>>) src(%dma_wait3A_199 : memref<2000xi32, #tpu.memory_space<hbm>>) dst(%arg10 : memref<2000xi32, #tpu.memory_space<vmem>>)
        tpu.yield
      }) : () -> ()
      %dma_start3A = arith.constant 0 : i32
      %dma_start3A_182 = tpu.memref_slice %arg17[%dma_start3A] : memref<100096xf32, #tpu.memory_space<vmem_shared>> -> memref<100096xf32, #tpu.memory_space<vmem_shared>>
      tpu.enqueue_indirect_dma source(%dma_start3A_182 : memref<100096xf32, #tpu.memory_space<vmem_shared>>) target(%arg11 : memref<2000xf32, #tpu.memory_space<vmem>>) offsets(%arg9 : memref<2000xi32, #tpu.memory_space<vmem>>) semaphore(%arg20 : memref<!tpu.dma_semaphore, #tpu.memory_space<semaphore_mem>>)
      %dma_start3A_183 = arith.constant 0 : i32
      %dma_start3A_184 = tpu.memref_slice %arg18[%dma_start3A_183] : memref<100096xi32, #tpu.memory_space<vmem_shared>> -> memref<100096xi32, #tpu.memory_space<vmem_shared>>
      tpu.enqueue_indirect_dma source(%dma_start3A_184 : memref<100096xi32, #tpu.memory_space<vmem_shared>>) target(%arg12 : memref<2000xi32, #tpu.memory_space<vmem>>) offsets(%arg9 : memref<2000xi32, #tpu.memory_space<vmem>>) semaphore(%arg21 : memref<!tpu.dma_semaphore, #tpu.memory_space<semaphore_mem>>)
      %dma_wait3A = arith.constant 0 : i32
      %dma_wait3A_185 = tpu.memref_slice %arg17[%dma_wait3A] : memref<100096xf32, #tpu.memory_space<vmem_shared>> -> memref<100096xf32, #tpu.memory_space<vmem_shared>>
      tpu.wait_indirect_dma semaphore(%arg20 : memref<!tpu.dma_semaphore, #tpu.memory_space<semaphore_mem>>) src(%dma_wait3A_185 : memref<100096xf32, #tpu.memory_space<vmem_shared>>) dst(%arg11 : memref<2000xf32, #tpu.memory_space<vmem>>)
      %dma_wait3A_186 = arith.constant 0 : i32
      %dma_wait3A_187 = tpu.memref_slice %arg18[%dma_wait3A_186] : memref<100096xi32, #tpu.memory_space<vmem_shared>> -> memref<100096xi32, #tpu.memory_space<vmem_shared>>
      tpu.wait_indirect_dma semaphore(%arg21 : memref<!tpu.dma_semaphore, #tpu.memory_space<semaphore_mem>>) src(%dma_wait3A_187 : memref<100096xi32, #tpu.memory_space<vmem_shared>>) dst(%arg12 : memref<2000xi32, #tpu.memory_space<vmem>>)
      %scan3A_188 = arith.constant 0 : i32
      %scan3A_189 = arith.constant 0 : i32
      %scan3A_190 = arith.constant 125 : i32
      %scan3A_191 = arith.addi %scan3A_189, %scan3A_190 : i32
      %scan3A_192 = arith.constant 1 : i32
      %scan3A_193 = scf.for %scan3A_196 = %scan3A_189 to %scan3A_191 step %scan3A_192 iter_args(%scan3A_197 = %scan3A_188) -> (i32)  : i32 {
        %mul3A_198 = arith.constant 16 : i32
        %mul3A_199 = arith.muli %scan3A_196, %mul3A_198 : i32
        %get3A = arith.index_cast %mul3A_199 : i32 to index
        %get3A_200 = tpu.vector_load %arg10[%get3A] {strides = array<i32>} : memref<2000xi32, #tpu.memory_space<vmem>>, vector<16xi32>,
        %get3A_201 = vector.shape_cast %get3A_200 : vector<16xi32> to vector<16xi32>
        %mul3A_202 = arith.constant 9 : i32
        %mul3A_203 = vector.broadcast %mul3A_202 : i32 to vector<16xi32>
        %mul3A_204 = arith.muli %get3A_201, %mul3A_203 : vector<16xi32>
        %get3A_205 = arith.index_cast %mul3A_199 : i32 to index
        %get3A_206 = tpu.vector_load %arg12[%get3A_205] {strides = array<i32>} : memref<2000xi32, #tpu.memory_space<vmem>>, vector<16xi32>,
        %get3A_207 = vector.shape_cast %get3A_206 : vector<16xi32> to vector<16xi32>
        %add3A_208 = arith.addi %mul3A_204, %get3A_207 : vector<16xi32>
        %swap3A = arith.index_cast %mul3A_199 : i32 to index
        %swap3A_209 = tpu.vector_load %arg13[%swap3A] {strides = array<i32>} : memref<2000xi32, #tpu.memory_space<vmem>>, vector<16xi32>,
        %swap3A_210 = vector.shape_cast %swap3A_209 : vector<16xi32> to vector<16xi32>
        %swap3A_211 = vector.shape_cast %add3A_208 : vector<16xi32> to vector<16xi32>
        tpu.vector_store %arg13[%swap3A], %swap3A_211 {strides = array<i32>} : memref<2000xi32, #tpu.memory_space<vmem>>, vector<16xi32>,
        %scan3A_212 = arith.constant 0 : i32
        scf.yield %scan3A_212 : i32
      }
      %scan3A_194 = arith.constant 125 : i32
      "tpu.region"() ({
        %run_scoped3A = tpu.sem_alloc : memref<!tpu.dma_semaphore, #tpu.memory_space<semaphore_mem>>
        %dma_start3A_196 = arith.constant 0 : i32
        %dma_start3A_197 = tpu.memref_slice %arg19[%dma_start3A_196] : memref<900864xf32, #tpu.memory_space<vmem_shared>> -> memref<900864xf32, #tpu.memory_space<vmem_shared>>
        tpu.enqueue_indirect_dma source(%arg11 : memref<2000xf32, #tpu.memory_space<vmem>>) target(%dma_start3A_197 : memref<900864xf32, #tpu.memory_space<vmem_shared>>) offsets(%arg13 : memref<2000xi32, #tpu.memory_space<vmem>>) semaphore(%run_scoped3A : memref<!tpu.dma_semaphore, #tpu.memory_space<semaphore_mem>>) {add = true}
        %dma_wait3A_198 = arith.constant 0 : i32
        %dma_wait3A_199 = tpu.memref_slice %arg19[%dma_wait3A_198] : memref<900864xf32, #tpu.memory_space<vmem_shared>> -> memref<900864xf32, #tpu.memory_space<vmem_shared>>
        tpu.wait_indirect_dma semaphore(%run_scoped3A : memref<!tpu.dma_semaphore, #tpu.memory_space<semaphore_mem>>) src(%arg11 : memref<2000xf32, #tpu.memory_space<vmem>>) dst(%dma_wait3A_199 : memref<900864xf32, #tpu.memory_space<vmem_shared>>)
        tpu.yield
      }) : () -> ()
      %scan3A_195 = arith.constant 0 : i32
      scf.yield %scan3A_195 : i32
    }
    %scan3A_52 = arith.constant 100 : i32
    %barrier3A_53 = arith.constant 0 : index
    tpu.barrier barrier_id(%barrier3A_53)
    %mul3A_54 = arith.constant 56304 : i32
    %mul3A_55 = arith.muli %arg1, %mul3A_54 : i32
    %add3A_56 = arith.constant 0 : i32
    %add3A_57 = arith.addi %mul3A_55, %add3A_56 : i32
    "tpu.region"() ({
      %run_scoped3A = tpu.sem_alloc : memref<!tpu.dma_semaphore, #tpu.memory_space<semaphore_mem>>
      %dma_start3A = tpu.memref_slice %arg19[%add3A_57] : memref<900864xf32, #tpu.memory_space<vmem_shared>> -> memref<6256xf32, #tpu.memory_space<vmem_shared>>
      %dma_start3A_177 = tpu.memref_slice %arg19[%add3A_57] : memref<900864xf32, #tpu.memory_space<vmem_shared>> -> memref<6256xf32, #tpu.memory_space<vmem_shared>>
      tpu.enqueue_dma source(%dma_start3A_177 : memref<6256xf32, #tpu.memory_space<vmem_shared>>) target(%arg14 : memref<6256xf32, #tpu.memory_space<vmem>>) target_semaphore(%run_scoped3A : memref<!tpu.dma_semaphore, #tpu.memory_space<semaphore_mem>>)
      %dma_wait3A = tpu.memref_slice %arg19[%add3A_57] : memref<900864xf32, #tpu.memory_space<vmem_shared>> -> memref<6256xf32, #tpu.memory_space<vmem_shared>>
      %dma_wait3A_178 = tpu.memref_slice %arg19[%add3A_57] : memref<900864xf32, #tpu.memory_space<vmem_shared>> -> memref<6256xf32, #tpu.memory_space<vmem_shared>>
      tpu.wait_dma2 semaphore(%run_scoped3A : memref<!tpu.dma_semaphore, #tpu.memory_space<semaphore_mem>>) src(%dma_wait3A_178 : memref<6256xf32, #tpu.memory_space<vmem_shared>>) dst(%arg14 : memref<6256xf32, #tpu.memory_space<vmem>>)
      tpu.yield
    }) : () -> ()
    %eq3A = arith.constant 0 : i32
    %eq3A_58 = arith.cmpi eq, %arg0, %eq3A : i32
    %convert_element_type3A = arith.extui %eq3A_58 : i1 to i32
    %cond3A = arith.constant 0 : i32
    %cond3A_59 = arith.cmpi ne, %convert_element_type3A, %cond3A : i32
    scf.if %cond3A_59 {
      "tpu.region"() ({
        %run_scoped3A = tpu.sem_alloc : memref<!tpu.dma_semaphore, #tpu.memory_space<semaphore_mem>>
        %dma_start3A = tpu.memref_slice %arg7[%add3A_57] : memref<900864xf32, #tpu.memory_space<hbm>> -> memref<6256xf32, #tpu.memory_space<hbm>>
        %dma_start3A_177 = tpu.memref_slice %arg7[%add3A_57] : memref<900864xf32, #tpu.memory_space<hbm>> -> memref<6256xf32, #tpu.memory_space<hbm>>
        tpu.enqueue_dma source(%arg14 : memref<6256xf32, #tpu.memory_space<vmem>>) target(%dma_start3A_177 : memref<6256xf32, #tpu.memory_space<hbm>>) target_semaphore(%run_scoped3A : memref<!tpu.dma_semaphore, #tpu.memory_space<semaphore_mem>>)
        %dma_wait3A = tpu.memref_slice %arg7[%add3A_57] : memref<900864xf32, #tpu.memory_space<hbm>> -> memref<6256xf32, #tpu.memory_space<hbm>>
        %dma_wait3A_178 = tpu.memref_slice %arg7[%add3A_57] : memref<900864xf32, #tpu.memory_space<hbm>> -> memref<6256xf32, #tpu.memory_space<hbm>>
        tpu.wait_dma2 semaphore(%run_scoped3A : memref<!tpu.dma_semaphore, #tpu.memory_space<semaphore_mem>>) src(%arg14 : memref<6256xf32, #tpu.memory_space<vmem>>) dst(%dma_wait3A_178 : memref<6256xf32, #tpu.memory_space<hbm>>)
        tpu.yield
      }) : () -> ()
    } else {
    }
    %eq3A_60 = arith.constant 1 : i32
    %eq3A_61 = arith.cmpi eq, %arg0, %eq3A_60 : i32
    %convert_element_type3A_62 = arith.extui %eq3A_61 : i1 to i32
    %cond3A_63 = arith.constant 0 : i32
    %cond3A_64 = arith.cmpi ne, %convert_element_type3A_62, %cond3A_63 : i32
    scf.if %cond3A_64 {
      "tpu.region"() ({
        %run_scoped3A = tpu.sem_alloc : memref<!tpu.dma_semaphore, #tpu.memory_space<semaphore_mem>>
        %dma_start3A = tpu.memref_slice %arg8[%add3A_57] : memref<900864xf32, #tpu.memory_space<hbm>> -> memref<6256xf32, #tpu.memory_space<hbm>>
        %dma_start3A_177 = tpu.memref_slice %arg8[%add3A_57] : memref<900864xf32, #tpu.memory_space<hbm>> -> memref<6256xf32, #tpu.memory_space<hbm>>
        tpu.enqueue_dma source(%arg14 : memref<6256xf32, #tpu.memory_space<vmem>>) target(%dma_start3A_177 : memref<6256xf32, #tpu.memory_space<hbm>>) target_semaphore(%run_scoped3A : memref<!tpu.dma_semaphore, #tpu.memory_space<semaphore_mem>>)
        %dma_wait3A = tpu.memref_slice %arg8[%add3A_57] : memref<900864xf32, #tpu.memory_space<hbm>> -> memref<6256xf32, #tpu.memory_space<hbm>>
        %dma_wait3A_178 = tpu.memref_slice %arg8[%add3A_57] : memref<900864xf32, #tpu.memory_space<hbm>> -> memref<6256xf32, #tpu.memory_space<hbm>>
        tpu.wait_dma2 semaphore(%run_scoped3A : memref<!tpu.dma_semaphore, #tpu.memory_space<semaphore_mem>>) src(%arg14 : memref<6256xf32, #tpu.memory_space<vmem>>) dst(%dma_wait3A_178 : memref<6256xf32, #tpu.memory_space<hbm>>)
        tpu.yield
      }) : () -> ()
    } else {
    }
    %mul3A_65 = arith.constant 56304 : i32
    %mul3A_66 = arith.muli %arg1, %mul3A_65 : i32
    %add3A_67 = arith.constant 6256 : i32
    %add3A_68 = arith.addi %mul3A_66, %add3A_67 : i32
    "tpu.region"() ({
      %run_scoped3A = tpu.sem_alloc : memref<!tpu.dma_semaphore, #tpu.memory_space<semaphore_mem>>
      %dma_start3A = tpu.memref_slice %arg19[%add3A_68] : memref<900864xf32, #tpu.memory_space<vmem_shared>> -> memref<6256xf32, #tpu.memory_space<vmem_shared>>
      %dma_start3A_177 = tpu.memref_slice %arg19[%add3A_68] : memref<900864xf32, #tpu.memory_space<vmem_shared>> -> memref<6256xf32, #tpu.memory_space<vmem_shared>>
      tpu.enqueue_dma source(%dma_start3A_177 : memref<6256xf32, #tpu.memory_space<vmem_shared>>) target(%arg14 : memref<6256xf32, #tpu.memory_space<vmem>>) target_semaphore(%run_scoped3A : memref<!tpu.dma_semaphore, #tpu.memory_space<semaphore_mem>>)
      %dma_wait3A = tpu.memref_slice %arg19[%add3A_68] : memref<900864xf32, #tpu.memory_space<vmem_shared>> -> memref<6256xf32, #tpu.memory_space<vmem_shared>>
      %dma_wait3A_178 = tpu.memref_slice %arg19[%add3A_68] : memref<900864xf32, #tpu.memory_space<vmem_shared>> -> memref<6256xf32, #tpu.memory_space<vmem_shared>>
      tpu.wait_dma2 semaphore(%run_scoped3A : memref<!tpu.dma_semaphore, #tpu.memory_space<semaphore_mem>>) src(%dma_wait3A_178 : memref<6256xf32, #tpu.memory_space<vmem_shared>>) dst(%arg14 : memref<6256xf32, #tpu.memory_space<vmem>>)
      tpu.yield
    }) : () -> ()
    %eq3A_69 = arith.constant 0 : i32
    %eq3A_70 = arith.cmpi eq, %arg0, %eq3A_69 : i32
    %convert_element_type3A_71 = arith.extui %eq3A_70 : i1 to i32
    %cond3A_72 = arith.constant 0 : i32
    %cond3A_73 = arith.cmpi ne, %convert_element_type3A_71, %cond3A_72 : i32
    scf.if %cond3A_73 {
      "tpu.region"() ({
        %run_scoped3A = tpu.sem_alloc : memref<!tpu.dma_semaphore, #tpu.memory_space<semaphore_mem>>
        %dma_start3A = tpu.memref_slice %arg7[%add3A_68] : memref<900864xf32, #tpu.memory_space<hbm>> -> memref<6256xf32, #tpu.memory_space<hbm>>
        %dma_start3A_177 = tpu.memref_slice %arg7[%add3A_68] : memref<900864xf32, #tpu.memory_space<hbm>> -> memref<6256xf32, #tpu.memory_space<hbm>>
        tpu.enqueue_dma source(%arg14 : memref<6256xf32, #tpu.memory_space<vmem>>) target(%dma_start3A_177 : memref<6256xf32, #tpu.memory_space<hbm>>) target_semaphore(%run_scoped3A : memref<!tpu.dma_semaphore, #tpu.memory_space<semaphore_mem>>)
        %dma_wait3A = tpu.memref_slice %arg7[%add3A_68] : memref<900864xf32, #tpu.memory_space<hbm>> -> memref<6256xf32, #tpu.memory_space<hbm>>
        %dma_wait3A_178 = tpu.memref_slice %arg7[%add3A_68] : memref<900864xf32, #tpu.memory_space<hbm>> -> memref<6256xf32, #tpu.memory_space<hbm>>
        tpu.wait_dma2 semaphore(%run_scoped3A : memref<!tpu.dma_semaphore, #tpu.memory_space<semaphore_mem>>) src(%arg14 : memref<6256xf32, #tpu.memory_space<vmem>>) dst(%dma_wait3A_178 : memref<6256xf32, #tpu.memory_space<hbm>>)
        tpu.yield
      }) : () -> ()
    } else {
    }
    %eq3A_74 = arith.constant 1 : i32
    %eq3A_75 = arith.cmpi eq, %arg0, %eq3A_74 : i32
    %convert_element_type3A_76 = arith.extui %eq3A_75 : i1 to i32
    %cond3A_77 = arith.constant 0 : i32
    %cond3A_78 = arith.cmpi ne, %convert_element_type3A_76, %cond3A_77 : i32
    scf.if %cond3A_78 {
      "tpu.region"() ({
        %run_scoped3A = tpu.sem_alloc : memref<!tpu.dma_semaphore, #tpu.memory_space<semaphore_mem>>
        %dma_start3A = tpu.memref_slice %arg8[%add3A_68] : memref<900864xf32, #tpu.memory_space<hbm>> -> memref<6256xf32, #tpu.memory_space<hbm>>
        %dma_start3A_177 = tpu.memref_slice %arg8[%add3A_68] : memref<900864xf32, #tpu.memory_space<hbm>> -> memref<6256xf32, #tpu.memory_space<hbm>>
        tpu.enqueue_dma source(%arg14 : memref<6256xf32, #tpu.memory_space<vmem>>) target(%dma_start3A_177 : memref<6256xf32, #tpu.memory_space<hbm>>) target_semaphore(%run_scoped3A : memref<!tpu.dma_semaphore, #tpu.memory_space<semaphore_mem>>)
        %dma_wait3A = tpu.memref_slice %arg8[%add3A_68] : memref<900864xf32, #tpu.memory_space<hbm>> -> memref<6256xf32, #tpu.memory_space<hbm>>
        %dma_wait3A_178 = tpu.memref_slice %arg8[%add3A_68] : memref<900864xf32, #tpu.memory_space<hbm>> -> memref<6256xf32, #tpu.memory_space<hbm>>
        tpu.wait_dma2 semaphore(%run_scoped3A : memref<!tpu.dma_semaphore, #tpu.memory_space<semaphore_mem>>) src(%arg14 : memref<6256xf32, #tpu.memory_space<vmem>>) dst(%dma_wait3A_178 : memref<6256xf32, #tpu.memory_space<hbm>>)
        tpu.yield
      }) : () -> ()
    } else {
    }
    %mul3A_79 = arith.constant 56304 : i32
    %mul3A_80 = arith.muli %arg1, %mul3A_79 : i32
    %add3A_81 = arith.constant 12512 : i32
    %add3A_82 = arith.addi %mul3A_80, %add3A_81 : i32
    "tpu.region"() ({
      %run_scoped3A = tpu.sem_alloc : memref<!tpu.dma_semaphore, #tpu.memory_space<semaphore_mem>>
      %dma_start3A = tpu.memref_slice %arg19[%add3A_82] : memref<900864xf32, #tpu.memory_space<vmem_shared>> -> memref<6256xf32, #tpu.memory_space<vmem_shared>>
      %dma_start3A_177 = tpu.memref_slice %arg19[%add3A_82] : memref<900864xf32, #tpu.memory_space<vmem_shared>> -> memref<6256xf32, #tpu.memory_space<vmem_shared>>
      tpu.enqueue_dma source(%dma_start3A_177 : memref<6256xf32, #tpu.memory_space<vmem_shared>>) target(%arg14 : memref<6256xf32, #tpu.memory_space<vmem>>) target_semaphore(%run_scoped3A : memref<!tpu.dma_semaphore, #tpu.memory_space<semaphore_mem>>)
      %dma_wait3A = tpu.memref_slice %arg19[%add3A_82] : memref<900864xf32, #tpu.memory_space<vmem_shared>> -> memref<6256xf32, #tpu.memory_space<vmem_shared>>
      %dma_wait3A_178 = tpu.memref_slice %arg19[%add3A_82] : memref<900864xf32, #tpu.memory_space<vmem_shared>> -> memref<6256xf32, #tpu.memory_space<vmem_shared>>
      tpu.wait_dma2 semaphore(%run_scoped3A : memref<!tpu.dma_semaphore, #tpu.memory_space<semaphore_mem>>) src(%dma_wait3A_178 : memref<6256xf32, #tpu.memory_space<vmem_shared>>) dst(%arg14 : memref<6256xf32, #tpu.memory_space<vmem>>)
      tpu.yield
    }) : () -> ()
    %eq3A_83 = arith.constant 0 : i32
    %eq3A_84 = arith.cmpi eq, %arg0, %eq3A_83 : i32
    %convert_element_type3A_85 = arith.extui %eq3A_84 : i1 to i32
    %cond3A_86 = arith.constant 0 : i32
    %cond3A_87 = arith.cmpi ne, %convert_element_type3A_85, %cond3A_86 : i32
    scf.if %cond3A_87 {
      "tpu.region"() ({
        %run_scoped3A = tpu.sem_alloc : memref<!tpu.dma_semaphore, #tpu.memory_space<semaphore_mem>>
        %dma_start3A = tpu.memref_slice %arg7[%add3A_82] : memref<900864xf32, #tpu.memory_space<hbm>> -> memref<6256xf32, #tpu.memory_space<hbm>>
        %dma_start3A_177 = tpu.memref_slice %arg7[%add3A_82] : memref<900864xf32, #tpu.memory_space<hbm>> -> memref<6256xf32, #tpu.memory_space<hbm>>
        tpu.enqueue_dma source(%arg14 : memref<6256xf32, #tpu.memory_space<vmem>>) target(%dma_start3A_177 : memref<6256xf32, #tpu.memory_space<hbm>>) target_semaphore(%run_scoped3A : memref<!tpu.dma_semaphore, #tpu.memory_space<semaphore_mem>>)
        %dma_wait3A = tpu.memref_slice %arg7[%add3A_82] : memref<900864xf32, #tpu.memory_space<hbm>> -> memref<6256xf32, #tpu.memory_space<hbm>>
        %dma_wait3A_178 = tpu.memref_slice %arg7[%add3A_82] : memref<900864xf32, #tpu.memory_space<hbm>> -> memref<6256xf32, #tpu.memory_space<hbm>>
        tpu.wait_dma2 semaphore(%run_scoped3A : memref<!tpu.dma_semaphore, #tpu.memory_space<semaphore_mem>>) src(%arg14 : memref<6256xf32, #tpu.memory_space<vmem>>) dst(%dma_wait3A_178 : memref<6256xf32, #tpu.memory_space<hbm>>)
        tpu.yield
      }) : () -> ()
    } else {
    }
    %eq3A_88 = arith.constant 1 : i32
    %eq3A_89 = arith.cmpi eq, %arg0, %eq3A_88 : i32
    %convert_element_type3A_90 = arith.extui %eq3A_89 : i1 to i32
    %cond3A_91 = arith.constant 0 : i32
    %cond3A_92 = arith.cmpi ne, %convert_element_type3A_90, %cond3A_91 : i32
    scf.if %cond3A_92 {
      "tpu.region"() ({
        %run_scoped3A = tpu.sem_alloc : memref<!tpu.dma_semaphore, #tpu.memory_space<semaphore_mem>>
        %dma_start3A = tpu.memref_slice %arg8[%add3A_82] : memref<900864xf32, #tpu.memory_space<hbm>> -> memref<6256xf32, #tpu.memory_space<hbm>>
        %dma_start3A_177 = tpu.memref_slice %arg8[%add3A_82] : memref<900864xf32, #tpu.memory_space<hbm>> -> memref<6256xf32, #tpu.memory_space<hbm>>
        tpu.enqueue_dma source(%arg14 : memref<6256xf32, #tpu.memory_space<vmem>>) target(%dma_start3A_177 : memref<6256xf32, #tpu.memory_space<hbm>>) target_semaphore(%run_scoped3A : memref<!tpu.dma_semaphore, #tpu.memory_space<semaphore_mem>>)
        %dma_wait3A = tpu.memref_slice %arg8[%add3A_82] : memref<900864xf32, #tpu.memory_space<hbm>> -> memref<6256xf32, #tpu.memory_space<hbm>>
        %dma_wait3A_178 = tpu.memref_slice %arg8[%add3A_82] : memref<900864xf32, #tpu.memory_space<hbm>> -> memref<6256xf32, #tpu.memory_space<hbm>>
        tpu.wait_dma2 semaphore(%run_scoped3A : memref<!tpu.dma_semaphore, #tpu.memory_space<semaphore_mem>>) src(%arg14 : memref<6256xf32, #tpu.memory_space<vmem>>) dst(%dma_wait3A_178 : memref<6256xf32, #tpu.memory_space<hbm>>)
        tpu.yield
      }) : () -> ()
    } else {
    }
    %mul3A_93 = arith.constant 56304 : i32
    %mul3A_94 = arith.muli %arg1, %mul3A_93 : i32
    %add3A_95 = arith.constant 18768 : i32
    %add3A_96 = arith.addi %mul3A_94, %add3A_95 : i32
    "tpu.region"() ({
      %run_scoped3A = tpu.sem_alloc : memref<!tpu.dma_semaphore, #tpu.memory_space<semaphore_mem>>
      %dma_start3A = tpu.memref_slice %arg19[%add3A_96] : memref<900864xf32, #tpu.memory_space<vmem_shared>> -> memref<6256xf32, #tpu.memory_space<vmem_shared>>
      %dma_start3A_177 = tpu.memref_slice %arg19[%add3A_96] : memref<900864xf32, #tpu.memory_space<vmem_shared>> -> memref<6256xf32, #tpu.memory_space<vmem_shared>>
      tpu.enqueue_dma source(%dma_start3A_177 : memref<6256xf32, #tpu.memory_space<vmem_shared>>) target(%arg14 : memref<6256xf32, #tpu.memory_space<vmem>>) target_semaphore(%run_scoped3A : memref<!tpu.dma_semaphore, #tpu.memory_space<semaphore_mem>>)
      %dma_wait3A = tpu.memref_slice %arg19[%add3A_96] : memref<900864xf32, #tpu.memory_space<vmem_shared>> -> memref<6256xf32, #tpu.memory_space<vmem_shared>>
      %dma_wait3A_178 = tpu.memref_slice %arg19[%add3A_96] : memref<900864xf32, #tpu.memory_space<vmem_shared>> -> memref<6256xf32, #tpu.memory_space<vmem_shared>>
      tpu.wait_dma2 semaphore(%run_scoped3A : memref<!tpu.dma_semaphore, #tpu.memory_space<semaphore_mem>>) src(%dma_wait3A_178 : memref<6256xf32, #tpu.memory_space<vmem_shared>>) dst(%arg14 : memref<6256xf32, #tpu.memory_space<vmem>>)
      tpu.yield
    }) : () -> ()
    %eq3A_97 = arith.constant 0 : i32
    %eq3A_98 = arith.cmpi eq, %arg0, %eq3A_97 : i32
    %convert_element_type3A_99 = arith.extui %eq3A_98 : i1 to i32
    %cond3A_100 = arith.constant 0 : i32
    %cond3A_101 = arith.cmpi ne, %convert_element_type3A_99, %cond3A_100 : i32
    scf.if %cond3A_101 {
      "tpu.region"() ({
        %run_scoped3A = tpu.sem_alloc : memref<!tpu.dma_semaphore, #tpu.memory_space<semaphore_mem>>
        %dma_start3A = tpu.memref_slice %arg7[%add3A_96] : memref<900864xf32, #tpu.memory_space<hbm>> -> memref<6256xf32, #tpu.memory_space<hbm>>
        %dma_start3A_177 = tpu.memref_slice %arg7[%add3A_96] : memref<900864xf32, #tpu.memory_space<hbm>> -> memref<6256xf32, #tpu.memory_space<hbm>>
        tpu.enqueue_dma source(%arg14 : memref<6256xf32, #tpu.memory_space<vmem>>) target(%dma_start3A_177 : memref<6256xf32, #tpu.memory_space<hbm>>) target_semaphore(%run_scoped3A : memref<!tpu.dma_semaphore, #tpu.memory_space<semaphore_mem>>)
        %dma_wait3A = tpu.memref_slice %arg7[%add3A_96] : memref<900864xf32, #tpu.memory_space<hbm>> -> memref<6256xf32, #tpu.memory_space<hbm>>
        %dma_wait3A_178 = tpu.memref_slice %arg7[%add3A_96] : memref<900864xf32, #tpu.memory_space<hbm>> -> memref<6256xf32, #tpu.memory_space<hbm>>
        tpu.wait_dma2 semaphore(%run_scoped3A : memref<!tpu.dma_semaphore, #tpu.memory_space<semaphore_mem>>) src(%arg14 : memref<6256xf32, #tpu.memory_space<vmem>>) dst(%dma_wait3A_178 : memref<6256xf32, #tpu.memory_space<hbm>>)
        tpu.yield
      }) : () -> ()
    } else {
    }
    %eq3A_102 = arith.constant 1 : i32
    %eq3A_103 = arith.cmpi eq, %arg0, %eq3A_102 : i32
    %convert_element_type3A_104 = arith.extui %eq3A_103 : i1 to i32
    %cond3A_105 = arith.constant 0 : i32
    %cond3A_106 = arith.cmpi ne, %convert_element_type3A_104, %cond3A_105 : i32
    scf.if %cond3A_106 {
      "tpu.region"() ({
        %run_scoped3A = tpu.sem_alloc : memref<!tpu.dma_semaphore, #tpu.memory_space<semaphore_mem>>
        %dma_start3A = tpu.memref_slice %arg8[%add3A_96] : memref<900864xf32, #tpu.memory_space<hbm>> -> memref<6256xf32, #tpu.memory_space<hbm>>
        %dma_start3A_177 = tpu.memref_slice %arg8[%add3A_96] : memref<900864xf32, #tpu.memory_space<hbm>> -> memref<6256xf32, #tpu.memory_space<hbm>>
        tpu.enqueue_dma source(%arg14 : memref<6256xf32, #tpu.memory_space<vmem>>) target(%dma_start3A_177 : memref<6256xf32, #tpu.memory_space<hbm>>) target_semaphore(%run_scoped3A : memref<!tpu.dma_semaphore, #tpu.memory_space<semaphore_mem>>)
        %dma_wait3A = tpu.memref_slice %arg8[%add3A_96] : memref<900864xf32, #tpu.memory_space<hbm>> -> memref<6256xf32, #tpu.memory_space<hbm>>
        %dma_wait3A_178 = tpu.memref_slice %arg8[%add3A_96] : memref<900864xf32, #tpu.memory_space<hbm>> -> memref<6256xf32, #tpu.memory_space<hbm>>
        tpu.wait_dma2 semaphore(%run_scoped3A : memref<!tpu.dma_semaphore, #tpu.memory_space<semaphore_mem>>) src(%arg14 : memref<6256xf32, #tpu.memory_space<vmem>>) dst(%dma_wait3A_178 : memref<6256xf32, #tpu.memory_space<hbm>>)
        tpu.yield
      }) : () -> ()
    } else {
    }
    %mul3A_107 = arith.constant 56304 : i32
    %mul3A_108 = arith.muli %arg1, %mul3A_107 : i32
    %add3A_109 = arith.constant 25024 : i32
    %add3A_110 = arith.addi %mul3A_108, %add3A_109 : i32
    "tpu.region"() ({
      %run_scoped3A = tpu.sem_alloc : memref<!tpu.dma_semaphore, #tpu.memory_space<semaphore_mem>>
      %dma_start3A = tpu.memref_slice %arg19[%add3A_110] : memref<900864xf32, #tpu.memory_space<vmem_shared>> -> memref<6256xf32, #tpu.memory_space<vmem_shared>>
      %dma_start3A_177 = tpu.memref_slice %arg19[%add3A_110] : memref<900864xf32, #tpu.memory_space<vmem_shared>> -> memref<6256xf32, #tpu.memory_space<vmem_shared>>
      tpu.enqueue_dma source(%dma_start3A_177 : memref<6256xf32, #tpu.memory_space<vmem_shared>>) target(%arg14 : memref<6256xf32, #tpu.memory_space<vmem>>) target_semaphore(%run_scoped3A : memref<!tpu.dma_semaphore, #tpu.memory_space<semaphore_mem>>)
      %dma_wait3A = tpu.memref_slice %arg19[%add3A_110] : memref<900864xf32, #tpu.memory_space<vmem_shared>> -> memref<6256xf32, #tpu.memory_space<vmem_shared>>
      %dma_wait3A_178 = tpu.memref_slice %arg19[%add3A_110] : memref<900864xf32, #tpu.memory_space<vmem_shared>> -> memref<6256xf32, #tpu.memory_space<vmem_shared>>
      tpu.wait_dma2 semaphore(%run_scoped3A : memref<!tpu.dma_semaphore, #tpu.memory_space<semaphore_mem>>) src(%dma_wait3A_178 : memref<6256xf32, #tpu.memory_space<vmem_shared>>) dst(%arg14 : memref<6256xf32, #tpu.memory_space<vmem>>)
      tpu.yield
    }) : () -> ()
    %eq3A_111 = arith.constant 0 : i32
    %eq3A_112 = arith.cmpi eq, %arg0, %eq3A_111 : i32
    %convert_element_type3A_113 = arith.extui %eq3A_112 : i1 to i32
    %cond3A_114 = arith.constant 0 : i32
    %cond3A_115 = arith.cmpi ne, %convert_element_type3A_113, %cond3A_114 : i32
    scf.if %cond3A_115 {
      "tpu.region"() ({
        %run_scoped3A = tpu.sem_alloc : memref<!tpu.dma_semaphore, #tpu.memory_space<semaphore_mem>>
        %dma_start3A = tpu.memref_slice %arg7[%add3A_110] : memref<900864xf32, #tpu.memory_space<hbm>> -> memref<6256xf32, #tpu.memory_space<hbm>>
        %dma_start3A_177 = tpu.memref_slice %arg7[%add3A_110] : memref<900864xf32, #tpu.memory_space<hbm>> -> memref<6256xf32, #tpu.memory_space<hbm>>
        tpu.enqueue_dma source(%arg14 : memref<6256xf32, #tpu.memory_space<vmem>>) target(%dma_start3A_177 : memref<6256xf32, #tpu.memory_space<hbm>>) target_semaphore(%run_scoped3A : memref<!tpu.dma_semaphore, #tpu.memory_space<semaphore_mem>>)
        %dma_wait3A = tpu.memref_slice %arg7[%add3A_110] : memref<900864xf32, #tpu.memory_space<hbm>> -> memref<6256xf32, #tpu.memory_space<hbm>>
        %dma_wait3A_178 = tpu.memref_slice %arg7[%add3A_110] : memref<900864xf32, #tpu.memory_space<hbm>> -> memref<6256xf32, #tpu.memory_space<hbm>>
        tpu.wait_dma2 semaphore(%run_scoped3A : memref<!tpu.dma_semaphore, #tpu.memory_space<semaphore_mem>>) src(%arg14 : memref<6256xf32, #tpu.memory_space<vmem>>) dst(%dma_wait3A_178 : memref<6256xf32, #tpu.memory_space<hbm>>)
        tpu.yield
      }) : () -> ()
    } else {
    }
    %eq3A_116 = arith.constant 1 : i32
    %eq3A_117 = arith.cmpi eq, %arg0, %eq3A_116 : i32
    %convert_element_type3A_118 = arith.extui %eq3A_117 : i1 to i32
    %cond3A_119 = arith.constant 0 : i32
    %cond3A_120 = arith.cmpi ne, %convert_element_type3A_118, %cond3A_119 : i32
    scf.if %cond3A_120 {
      "tpu.region"() ({
        %run_scoped3A = tpu.sem_alloc : memref<!tpu.dma_semaphore, #tpu.memory_space<semaphore_mem>>
        %dma_start3A = tpu.memref_slice %arg8[%add3A_110] : memref<900864xf32, #tpu.memory_space<hbm>> -> memref<6256xf32, #tpu.memory_space<hbm>>
        %dma_start3A_177 = tpu.memref_slice %arg8[%add3A_110] : memref<900864xf32, #tpu.memory_space<hbm>> -> memref<6256xf32, #tpu.memory_space<hbm>>
        tpu.enqueue_dma source(%arg14 : memref<6256xf32, #tpu.memory_space<vmem>>) target(%dma_start3A_177 : memref<6256xf32, #tpu.memory_space<hbm>>) target_semaphore(%run_scoped3A : memref<!tpu.dma_semaphore, #tpu.memory_space<semaphore_mem>>)
        %dma_wait3A = tpu.memref_slice %arg8[%add3A_110] : memref<900864xf32, #tpu.memory_space<hbm>> -> memref<6256xf32, #tpu.memory_space<hbm>>
        %dma_wait3A_178 = tpu.memref_slice %arg8[%add3A_110] : memref<900864xf32, #tpu.memory_space<hbm>> -> memref<6256xf32, #tpu.memory_space<hbm>>
        tpu.wait_dma2 semaphore(%run_scoped3A : memref<!tpu.dma_semaphore, #tpu.memory_space<semaphore_mem>>) src(%arg14 : memref<6256xf32, #tpu.memory_space<vmem>>) dst(%dma_wait3A_178 : memref<6256xf32, #tpu.memory_space<hbm>>)
        tpu.yield
      }) : () -> ()
    } else {
    }
    %mul3A_121 = arith.constant 56304 : i32
    %mul3A_122 = arith.muli %arg1, %mul3A_121 : i32
    %add3A_123 = arith.constant 31280 : i32
    %add3A_124 = arith.addi %mul3A_122, %add3A_123 : i32
    "tpu.region"() ({
      %run_scoped3A = tpu.sem_alloc : memref<!tpu.dma_semaphore, #tpu.memory_space<semaphore_mem>>
      %dma_start3A = tpu.memref_slice %arg19[%add3A_124] : memref<900864xf32, #tpu.memory_space<vmem_shared>> -> memref<6256xf32, #tpu.memory_space<vmem_shared>>
      %dma_start3A_177 = tpu.memref_slice %arg19[%add3A_124] : memref<900864xf32, #tpu.memory_space<vmem_shared>> -> memref<6256xf32, #tpu.memory_space<vmem_shared>>
      tpu.enqueue_dma source(%dma_start3A_177 : memref<6256xf32, #tpu.memory_space<vmem_shared>>) target(%arg14 : memref<6256xf32, #tpu.memory_space<vmem>>) target_semaphore(%run_scoped3A : memref<!tpu.dma_semaphore, #tpu.memory_space<semaphore_mem>>)
      %dma_wait3A = tpu.memref_slice %arg19[%add3A_124] : memref<900864xf32, #tpu.memory_space<vmem_shared>> -> memref<6256xf32, #tpu.memory_space<vmem_shared>>
      %dma_wait3A_178 = tpu.memref_slice %arg19[%add3A_124] : memref<900864xf32, #tpu.memory_space<vmem_shared>> -> memref<6256xf32, #tpu.memory_space<vmem_shared>>
      tpu.wait_dma2 semaphore(%run_scoped3A : memref<!tpu.dma_semaphore, #tpu.memory_space<semaphore_mem>>) src(%dma_wait3A_178 : memref<6256xf32, #tpu.memory_space<vmem_shared>>) dst(%arg14 : memref<6256xf32, #tpu.memory_space<vmem>>)
      tpu.yield
    }) : () -> ()
    %eq3A_125 = arith.constant 0 : i32
    %eq3A_126 = arith.cmpi eq, %arg0, %eq3A_125 : i32
    %convert_element_type3A_127 = arith.extui %eq3A_126 : i1 to i32
    %cond3A_128 = arith.constant 0 : i32
    %cond3A_129 = arith.cmpi ne, %convert_element_type3A_127, %cond3A_128 : i32
    scf.if %cond3A_129 {
      "tpu.region"() ({
        %run_scoped3A = tpu.sem_alloc : memref<!tpu.dma_semaphore, #tpu.memory_space<semaphore_mem>>
        %dma_start3A = tpu.memref_slice %arg7[%add3A_124] : memref<900864xf32, #tpu.memory_space<hbm>> -> memref<6256xf32, #tpu.memory_space<hbm>>
        %dma_start3A_177 = tpu.memref_slice %arg7[%add3A_124] : memref<900864xf32, #tpu.memory_space<hbm>> -> memref<6256xf32, #tpu.memory_space<hbm>>
        tpu.enqueue_dma source(%arg14 : memref<6256xf32, #tpu.memory_space<vmem>>) target(%dma_start3A_177 : memref<6256xf32, #tpu.memory_space<hbm>>) target_semaphore(%run_scoped3A : memref<!tpu.dma_semaphore, #tpu.memory_space<semaphore_mem>>)
        %dma_wait3A = tpu.memref_slice %arg7[%add3A_124] : memref<900864xf32, #tpu.memory_space<hbm>> -> memref<6256xf32, #tpu.memory_space<hbm>>
        %dma_wait3A_178 = tpu.memref_slice %arg7[%add3A_124] : memref<900864xf32, #tpu.memory_space<hbm>> -> memref<6256xf32, #tpu.memory_space<hbm>>
        tpu.wait_dma2 semaphore(%run_scoped3A : memref<!tpu.dma_semaphore, #tpu.memory_space<semaphore_mem>>) src(%arg14 : memref<6256xf32, #tpu.memory_space<vmem>>) dst(%dma_wait3A_178 : memref<6256xf32, #tpu.memory_space<hbm>>)
        tpu.yield
      }) : () -> ()
    } else {
    }
    %eq3A_130 = arith.constant 1 : i32
    %eq3A_131 = arith.cmpi eq, %arg0, %eq3A_130 : i32
    %convert_element_type3A_132 = arith.extui %eq3A_131 : i1 to i32
    %cond3A_133 = arith.constant 0 : i32
    %cond3A_134 = arith.cmpi ne, %convert_element_type3A_132, %cond3A_133 : i32
    scf.if %cond3A_134 {
      "tpu.region"() ({
        %run_scoped3A = tpu.sem_alloc : memref<!tpu.dma_semaphore, #tpu.memory_space<semaphore_mem>>
        %dma_start3A = tpu.memref_slice %arg8[%add3A_124] : memref<900864xf32, #tpu.memory_space<hbm>> -> memref<6256xf32, #tpu.memory_space<hbm>>
        %dma_start3A_177 = tpu.memref_slice %arg8[%add3A_124] : memref<900864xf32, #tpu.memory_space<hbm>> -> memref<6256xf32, #tpu.memory_space<hbm>>
        tpu.enqueue_dma source(%arg14 : memref<6256xf32, #tpu.memory_space<vmem>>) target(%dma_start3A_177 : memref<6256xf32, #tpu.memory_space<hbm>>) target_semaphore(%run_scoped3A : memref<!tpu.dma_semaphore, #tpu.memory_space<semaphore_mem>>)
        %dma_wait3A = tpu.memref_slice %arg8[%add3A_124] : memref<900864xf32, #tpu.memory_space<hbm>> -> memref<6256xf32, #tpu.memory_space<hbm>>
        %dma_wait3A_178 = tpu.memref_slice %arg8[%add3A_124] : memref<900864xf32, #tpu.memory_space<hbm>> -> memref<6256xf32, #tpu.memory_space<hbm>>
        tpu.wait_dma2 semaphore(%run_scoped3A : memref<!tpu.dma_semaphore, #tpu.memory_space<semaphore_mem>>) src(%arg14 : memref<6256xf32, #tpu.memory_space<vmem>>) dst(%dma_wait3A_178 : memref<6256xf32, #tpu.memory_space<hbm>>)
        tpu.yield
      }) : () -> ()
    } else {
    }
    %mul3A_135 = arith.constant 56304 : i32
    %mul3A_136 = arith.muli %arg1, %mul3A_135 : i32
    %add3A_137 = arith.constant 37536 : i32
    %add3A_138 = arith.addi %mul3A_136, %add3A_137 : i32
    "tpu.region"() ({
      %run_scoped3A = tpu.sem_alloc : memref<!tpu.dma_semaphore, #tpu.memory_space<semaphore_mem>>
      %dma_start3A = tpu.memref_slice %arg19[%add3A_138] : memref<900864xf32, #tpu.memory_space<vmem_shared>> -> memref<6256xf32, #tpu.memory_space<vmem_shared>>
      %dma_start3A_177 = tpu.memref_slice %arg19[%add3A_138] : memref<900864xf32, #tpu.memory_space<vmem_shared>> -> memref<6256xf32, #tpu.memory_space<vmem_shared>>
      tpu.enqueue_dma source(%dma_start3A_177 : memref<6256xf32, #tpu.memory_space<vmem_shared>>) target(%arg14 : memref<6256xf32, #tpu.memory_space<vmem>>) target_semaphore(%run_scoped3A : memref<!tpu.dma_semaphore, #tpu.memory_space<semaphore_mem>>)
      %dma_wait3A = tpu.memref_slice %arg19[%add3A_138] : memref<900864xf32, #tpu.memory_space<vmem_shared>> -> memref<6256xf32, #tpu.memory_space<vmem_shared>>
      %dma_wait3A_178 = tpu.memref_slice %arg19[%add3A_138] : memref<900864xf32, #tpu.memory_space<vmem_shared>> -> memref<6256xf32, #tpu.memory_space<vmem_shared>>
      tpu.wait_dma2 semaphore(%run_scoped3A : memref<!tpu.dma_semaphore, #tpu.memory_space<semaphore_mem>>) src(%dma_wait3A_178 : memref<6256xf32, #tpu.memory_space<vmem_shared>>) dst(%arg14 : memref<6256xf32, #tpu.memory_space<vmem>>)
      tpu.yield
    }) : () -> ()
    %eq3A_139 = arith.constant 0 : i32
    %eq3A_140 = arith.cmpi eq, %arg0, %eq3A_139 : i32
    %convert_element_type3A_141 = arith.extui %eq3A_140 : i1 to i32
    %cond3A_142 = arith.constant 0 : i32
    %cond3A_143 = arith.cmpi ne, %convert_element_type3A_141, %cond3A_142 : i32
    scf.if %cond3A_143 {
      "tpu.region"() ({
        %run_scoped3A = tpu.sem_alloc : memref<!tpu.dma_semaphore, #tpu.memory_space<semaphore_mem>>
        %dma_start3A = tpu.memref_slice %arg7[%add3A_138] : memref<900864xf32, #tpu.memory_space<hbm>> -> memref<6256xf32, #tpu.memory_space<hbm>>
        %dma_start3A_177 = tpu.memref_slice %arg7[%add3A_138] : memref<900864xf32, #tpu.memory_space<hbm>> -> memref<6256xf32, #tpu.memory_space<hbm>>
        tpu.enqueue_dma source(%arg14 : memref<6256xf32, #tpu.memory_space<vmem>>) target(%dma_start3A_177 : memref<6256xf32, #tpu.memory_space<hbm>>) target_semaphore(%run_scoped3A : memref<!tpu.dma_semaphore, #tpu.memory_space<semaphore_mem>>)
        %dma_wait3A = tpu.memref_slice %arg7[%add3A_138] : memref<900864xf32, #tpu.memory_space<hbm>> -> memref<6256xf32, #tpu.memory_space<hbm>>
        %dma_wait3A_178 = tpu.memref_slice %arg7[%add3A_138] : memref<900864xf32, #tpu.memory_space<hbm>> -> memref<6256xf32, #tpu.memory_space<hbm>>
        tpu.wait_dma2 semaphore(%run_scoped3A : memref<!tpu.dma_semaphore, #tpu.memory_space<semaphore_mem>>) src(%arg14 : memref<6256xf32, #tpu.memory_space<vmem>>) dst(%dma_wait3A_178 : memref<6256xf32, #tpu.memory_space<hbm>>)
        tpu.yield
      }) : () -> ()
    } else {
    }
    %eq3A_144 = arith.constant 1 : i32
    %eq3A_145 = arith.cmpi eq, %arg0, %eq3A_144 : i32
    %convert_element_type3A_146 = arith.extui %eq3A_145 : i1 to i32
    %cond3A_147 = arith.constant 0 : i32
    %cond3A_148 = arith.cmpi ne, %convert_element_type3A_146, %cond3A_147 : i32
    scf.if %cond3A_148 {
      "tpu.region"() ({
        %run_scoped3A = tpu.sem_alloc : memref<!tpu.dma_semaphore, #tpu.memory_space<semaphore_mem>>
        %dma_start3A = tpu.memref_slice %arg8[%add3A_138] : memref<900864xf32, #tpu.memory_space<hbm>> -> memref<6256xf32, #tpu.memory_space<hbm>>
        %dma_start3A_177 = tpu.memref_slice %arg8[%add3A_138] : memref<900864xf32, #tpu.memory_space<hbm>> -> memref<6256xf32, #tpu.memory_space<hbm>>
        tpu.enqueue_dma source(%arg14 : memref<6256xf32, #tpu.memory_space<vmem>>) target(%dma_start3A_177 : memref<6256xf32, #tpu.memory_space<hbm>>) target_semaphore(%run_scoped3A : memref<!tpu.dma_semaphore, #tpu.memory_space<semaphore_mem>>)
        %dma_wait3A = tpu.memref_slice %arg8[%add3A_138] : memref<900864xf32, #tpu.memory_space<hbm>> -> memref<6256xf32, #tpu.memory_space<hbm>>
        %dma_wait3A_178 = tpu.memref_slice %arg8[%add3A_138] : memref<900864xf32, #tpu.memory_space<hbm>> -> memref<6256xf32, #tpu.memory_space<hbm>>
        tpu.wait_dma2 semaphore(%run_scoped3A : memref<!tpu.dma_semaphore, #tpu.memory_space<semaphore_mem>>) src(%arg14 : memref<6256xf32, #tpu.memory_space<vmem>>) dst(%dma_wait3A_178 : memref<6256xf32, #tpu.memory_space<hbm>>)
        tpu.yield
      }) : () -> ()
    } else {
    }
    %mul3A_149 = arith.constant 56304 : i32
    %mul3A_150 = arith.muli %arg1, %mul3A_149 : i32
    %add3A_151 = arith.constant 43792 : i32
    %add3A_152 = arith.addi %mul3A_150, %add3A_151 : i32
    "tpu.region"() ({
      %run_scoped3A = tpu.sem_alloc : memref<!tpu.dma_semaphore, #tpu.memory_space<semaphore_mem>>
      %dma_start3A = tpu.memref_slice %arg19[%add3A_152] : memref<900864xf32, #tpu.memory_space<vmem_shared>> -> memref<6256xf32, #tpu.memory_space<vmem_shared>>
      %dma_start3A_177 = tpu.memref_slice %arg19[%add3A_152] : memref<900864xf32, #tpu.memory_space<vmem_shared>> -> memref<6256xf32, #tpu.memory_space<vmem_shared>>
      tpu.enqueue_dma source(%dma_start3A_177 : memref<6256xf32, #tpu.memory_space<vmem_shared>>) target(%arg14 : memref<6256xf32, #tpu.memory_space<vmem>>) target_semaphore(%run_scoped3A : memref<!tpu.dma_semaphore, #tpu.memory_space<semaphore_mem>>)
      %dma_wait3A = tpu.memref_slice %arg19[%add3A_152] : memref<900864xf32, #tpu.memory_space<vmem_shared>> -> memref<6256xf32, #tpu.memory_space<vmem_shared>>
      %dma_wait3A_178 = tpu.memref_slice %arg19[%add3A_152] : memref<900864xf32, #tpu.memory_space<vmem_shared>> -> memref<6256xf32, #tpu.memory_space<vmem_shared>>
      tpu.wait_dma2 semaphore(%run_scoped3A : memref<!tpu.dma_semaphore, #tpu.memory_space<semaphore_mem>>) src(%dma_wait3A_178 : memref<6256xf32, #tpu.memory_space<vmem_shared>>) dst(%arg14 : memref<6256xf32, #tpu.memory_space<vmem>>)
      tpu.yield
    }) : () -> ()
    %eq3A_153 = arith.constant 0 : i32
    %eq3A_154 = arith.cmpi eq, %arg0, %eq3A_153 : i32
    %convert_element_type3A_155 = arith.extui %eq3A_154 : i1 to i32
    %cond3A_156 = arith.constant 0 : i32
    %cond3A_157 = arith.cmpi ne, %convert_element_type3A_155, %cond3A_156 : i32
    scf.if %cond3A_157 {
      "tpu.region"() ({
        %run_scoped3A = tpu.sem_alloc : memref<!tpu.dma_semaphore, #tpu.memory_space<semaphore_mem>>
        %dma_start3A = tpu.memref_slice %arg7[%add3A_152] : memref<900864xf32, #tpu.memory_space<hbm>> -> memref<6256xf32, #tpu.memory_space<hbm>>
        %dma_start3A_177 = tpu.memref_slice %arg7[%add3A_152] : memref<900864xf32, #tpu.memory_space<hbm>> -> memref<6256xf32, #tpu.memory_space<hbm>>
        tpu.enqueue_dma source(%arg14 : memref<6256xf32, #tpu.memory_space<vmem>>) target(%dma_start3A_177 : memref<6256xf32, #tpu.memory_space<hbm>>) target_semaphore(%run_scoped3A : memref<!tpu.dma_semaphore, #tpu.memory_space<semaphore_mem>>)
        %dma_wait3A = tpu.memref_slice %arg7[%add3A_152] : memref<900864xf32, #tpu.memory_space<hbm>> -> memref<6256xf32, #tpu.memory_space<hbm>>
        %dma_wait3A_178 = tpu.memref_slice %arg7[%add3A_152] : memref<900864xf32, #tpu.memory_space<hbm>> -> memref<6256xf32, #tpu.memory_space<hbm>>
        tpu.wait_dma2 semaphore(%run_scoped3A : memref<!tpu.dma_semaphore, #tpu.memory_space<semaphore_mem>>) src(%arg14 : memref<6256xf32, #tpu.memory_space<vmem>>) dst(%dma_wait3A_178 : memref<6256xf32, #tpu.memory_space<hbm>>)
        tpu.yield
      }) : () -> ()
    } else {
    }
    %eq3A_158 = arith.constant 1 : i32
    %eq3A_159 = arith.cmpi eq, %arg0, %eq3A_158 : i32
    %convert_element_type3A_160 = arith.extui %eq3A_159 : i1 to i32
    %cond3A_161 = arith.constant 0 : i32
    %cond3A_162 = arith.cmpi ne, %convert_element_type3A_160, %cond3A_161 : i32
    scf.if %cond3A_162 {
      "tpu.region"() ({
        %run_scoped3A = tpu.sem_alloc : memref<!tpu.dma_semaphore, #tpu.memory_space<semaphore_mem>>
        %dma_start3A = tpu.memref_slice %arg8[%add3A_152] : memref<900864xf32, #tpu.memory_space<hbm>> -> memref<6256xf32, #tpu.memory_space<hbm>>
        %dma_start3A_177 = tpu.memref_slice %arg8[%add3A_152] : memref<900864xf32, #tpu.memory_space<hbm>> -> memref<6256xf32, #tpu.memory_space<hbm>>
        tpu.enqueue_dma source(%arg14 : memref<6256xf32, #tpu.memory_space<vmem>>) target(%dma_start3A_177 : memref<6256xf32, #tpu.memory_space<hbm>>) target_semaphore(%run_scoped3A : memref<!tpu.dma_semaphore, #tpu.memory_space<semaphore_mem>>)
        %dma_wait3A = tpu.memref_slice %arg8[%add3A_152] : memref<900864xf32, #tpu.memory_space<hbm>> -> memref<6256xf32, #tpu.memory_space<hbm>>
        %dma_wait3A_178 = tpu.memref_slice %arg8[%add3A_152] : memref<900864xf32, #tpu.memory_space<hbm>> -> memref<6256xf32, #tpu.memory_space<hbm>>
        tpu.wait_dma2 semaphore(%run_scoped3A : memref<!tpu.dma_semaphore, #tpu.memory_space<semaphore_mem>>) src(%arg14 : memref<6256xf32, #tpu.memory_space<vmem>>) dst(%dma_wait3A_178 : memref<6256xf32, #tpu.memory_space<hbm>>)
        tpu.yield
      }) : () -> ()
    } else {
    }
    %mul3A_163 = arith.constant 56304 : i32
    %mul3A_164 = arith.muli %arg1, %mul3A_163 : i32
    %add3A_165 = arith.constant 50048 : i32
    %add3A_166 = arith.addi %mul3A_164, %add3A_165 : i32
    "tpu.region"() ({
      %run_scoped3A = tpu.sem_alloc : memref<!tpu.dma_semaphore, #tpu.memory_space<semaphore_mem>>
      %dma_start3A = tpu.memref_slice %arg19[%add3A_166] : memref<900864xf32, #tpu.memory_space<vmem_shared>> -> memref<6256xf32, #tpu.memory_space<vmem_shared>>
      %dma_start3A_177 = tpu.memref_slice %arg19[%add3A_166] : memref<900864xf32, #tpu.memory_space<vmem_shared>> -> memref<6256xf32, #tpu.memory_space<vmem_shared>>
      tpu.enqueue_dma source(%dma_start3A_177 : memref<6256xf32, #tpu.memory_space<vmem_shared>>) target(%arg14 : memref<6256xf32, #tpu.memory_space<vmem>>) target_semaphore(%run_scoped3A : memref<!tpu.dma_semaphore, #tpu.memory_space<semaphore_mem>>)
      %dma_wait3A = tpu.memref_slice %arg19[%add3A_166] : memref<900864xf32, #tpu.memory_space<vmem_shared>> -> memref<6256xf32, #tpu.memory_space<vmem_shared>>
      %dma_wait3A_178 = tpu.memref_slice %arg19[%add3A_166] : memref<900864xf32, #tpu.memory_space<vmem_shared>> -> memref<6256xf32, #tpu.memory_space<vmem_shared>>
      tpu.wait_dma2 semaphore(%run_scoped3A : memref<!tpu.dma_semaphore, #tpu.memory_space<semaphore_mem>>) src(%dma_wait3A_178 : memref<6256xf32, #tpu.memory_space<vmem_shared>>) dst(%arg14 : memref<6256xf32, #tpu.memory_space<vmem>>)
      tpu.yield
    }) : () -> ()
    %eq3A_167 = arith.constant 0 : i32
    %eq3A_168 = arith.cmpi eq, %arg0, %eq3A_167 : i32
    %convert_element_type3A_169 = arith.extui %eq3A_168 : i1 to i32
    %cond3A_170 = arith.constant 0 : i32
    %cond3A_171 = arith.cmpi ne, %convert_element_type3A_169, %cond3A_170 : i32
    scf.if %cond3A_171 {
      "tpu.region"() ({
        %run_scoped3A = tpu.sem_alloc : memref<!tpu.dma_semaphore, #tpu.memory_space<semaphore_mem>>
        %dma_start3A = tpu.memref_slice %arg7[%add3A_166] : memref<900864xf32, #tpu.memory_space<hbm>> -> memref<6256xf32, #tpu.memory_space<hbm>>
        %dma_start3A_177 = tpu.memref_slice %arg7[%add3A_166] : memref<900864xf32, #tpu.memory_space<hbm>> -> memref<6256xf32, #tpu.memory_space<hbm>>
        tpu.enqueue_dma source(%arg14 : memref<6256xf32, #tpu.memory_space<vmem>>) target(%dma_start3A_177 : memref<6256xf32, #tpu.memory_space<hbm>>) target_semaphore(%run_scoped3A : memref<!tpu.dma_semaphore, #tpu.memory_space<semaphore_mem>>)
        %dma_wait3A = tpu.memref_slice %arg7[%add3A_166] : memref<900864xf32, #tpu.memory_space<hbm>> -> memref<6256xf32, #tpu.memory_space<hbm>>
        %dma_wait3A_178 = tpu.memref_slice %arg7[%add3A_166] : memref<900864xf32, #tpu.memory_space<hbm>> -> memref<6256xf32, #tpu.memory_space<hbm>>
        tpu.wait_dma2 semaphore(%run_scoped3A : memref<!tpu.dma_semaphore, #tpu.memory_space<semaphore_mem>>) src(%arg14 : memref<6256xf32, #tpu.memory_space<vmem>>) dst(%dma_wait3A_178 : memref<6256xf32, #tpu.memory_space<hbm>>)
        tpu.yield
      }) : () -> ()
    } else {
    }
    %eq3A_172 = arith.constant 1 : i32
    %eq3A_173 = arith.cmpi eq, %arg0, %eq3A_172 : i32
    %convert_element_type3A_174 = arith.extui %eq3A_173 : i1 to i32
    %cond3A_175 = arith.constant 0 : i32
    %cond3A_176 = arith.cmpi ne, %convert_element_type3A_174, %cond3A_175 : i32
    scf.if %cond3A_176 {
      "tpu.region"() ({
        %run_scoped3A = tpu.sem_alloc : memref<!tpu.dma_semaphore, #tpu.memory_space<semaphore_mem>>
        %dma_start3A = tpu.memref_slice %arg8[%add3A_166] : memref<900864xf32, #tpu.memory_space<hbm>> -> memref<6256xf32, #tpu.memory_space<hbm>>
        %dma_start3A_177 = tpu.memref_slice %arg8[%add3A_166] : memref<900864xf32, #tpu.memory_space<hbm>> -> memref<6256xf32, #tpu.memory_space<hbm>>
        tpu.enqueue_dma source(%arg14 : memref<6256xf32, #tpu.memory_space<vmem>>) target(%dma_start3A_177 : memref<6256xf32, #tpu.memory_space<hbm>>) target_semaphore(%run_scoped3A : memref<!tpu.dma_semaphore, #tpu.memory_space<semaphore_mem>>)
        %dma_wait3A = tpu.memref_slice %arg8[%add3A_166] : memref<900864xf32, #tpu.memory_space<hbm>> -> memref<6256xf32, #tpu.memory_space<hbm>>
        %dma_wait3A_178 = tpu.memref_slice %arg8[%add3A_166] : memref<900864xf32, #tpu.memory_space<hbm>> -> memref<6256xf32, #tpu.memory_space<hbm>>
        tpu.wait_dma2 semaphore(%run_scoped3A : memref<!tpu.dma_semaphore, #tpu.memory_space<semaphore_mem>>) src(%arg14 : memref<6256xf32, #tpu.memory_space<vmem>>) dst(%dma_wait3A_178 : memref<6256xf32, #tpu.memory_space<hbm>>)
        tpu.yield
      }) : () -> ()
    } else {
    }
    return
  }
}

#map = affine_map<(d0, d1) -> (0)>
module attributes {stable_mosaic.version = 14 : i64} {
  func.func @_deg_body(%arg0: i32, %arg1: i32, %arg2: memref<6400000xi32, #tpu.memory_space<hbm>>, %arg3: memref<2000xf32, #tpu.memory_space<hbm>>, %arg4: memref<100096xf32, #tpu.memory_space<hbm>>, %arg5: memref<100096xf32, #tpu.memory_space<hbm>>, %arg6: memref<100096xf32, #tpu.memory_space<hbm>>, %arg7: memref<2000xi32, #tpu.memory_space<vmem>>, %arg8: memref<2000xf32, #tpu.memory_space<vmem>>, %arg9: memref<6256xf32, #tpu.memory_space<vmem>>, %arg10: memref<100096xf32, #tpu.memory_space<vmem_shared>>, %arg11: memref<!tpu.dma_semaphore, #tpu.memory_space<semaphore_mem>>) attributes {dimension_semantics = [#tpu.dimension_semantics<core_parallel>, #tpu.dimension_semantics<subcore_parallel>], iteration_bounds = array<i64: 2, 16>, scalar_prefetch = 0 : i64, scratch_operands = 5 : i64, tpu.core_type = #tpu.core_type<sc_vector_subcore>, window_params = [{transform_indices = #map}, {transform_indices = #map}, {transform_indices = #map}, {transform_indices = #map}, {transform_indices = #map}]} {
    %mul3A = arith.constant 6256 : i32
    %mul3A_0 = arith.muli %arg1, %mul3A : i32
    "tpu.region"() ({
      %run_scoped3A = tpu.sem_alloc : memref<!tpu.dma_semaphore, #tpu.memory_space<semaphore_mem>>
      %dma_start3A = tpu.memref_slice %arg4[%mul3A_0] : memref<100096xf32, #tpu.memory_space<hbm>> -> memref<6256xf32, #tpu.memory_space<hbm>>
      %dma_start3A_23 = tpu.memref_slice %arg4[%mul3A_0] : memref<100096xf32, #tpu.memory_space<hbm>> -> memref<6256xf32, #tpu.memory_space<hbm>>
      tpu.enqueue_dma source(%dma_start3A_23 : memref<6256xf32, #tpu.memory_space<hbm>>) target(%arg9 : memref<6256xf32, #tpu.memory_space<vmem>>) target_semaphore(%run_scoped3A : memref<!tpu.dma_semaphore, #tpu.memory_space<semaphore_mem>>)
      %dma_wait3A = tpu.memref_slice %arg4[%mul3A_0] : memref<100096xf32, #tpu.memory_space<hbm>> -> memref<6256xf32, #tpu.memory_space<hbm>>
      %dma_wait3A_24 = tpu.memref_slice %arg4[%mul3A_0] : memref<100096xf32, #tpu.memory_space<hbm>> -> memref<6256xf32, #tpu.memory_space<hbm>>
      tpu.wait_dma2 semaphore(%run_scoped3A : memref<!tpu.dma_semaphore, #tpu.memory_space<semaphore_mem>>) src(%dma_wait3A_24 : memref<6256xf32, #tpu.memory_space<hbm>>) dst(%arg9 : memref<6256xf32, #tpu.memory_space<vmem>>)
      tpu.yield
    }) : () -> ()
    %mul3A_1 = arith.constant 6256 : i32
    %mul3A_2 = arith.muli %arg1, %mul3A_1 : i32
    "tpu.region"() ({
      %run_scoped3A = tpu.sem_alloc : memref<!tpu.dma_semaphore, #tpu.memory_space<semaphore_mem>>
      %dma_start3A = tpu.memref_slice %arg10[%mul3A_2] : memref<100096xf32, #tpu.memory_space<vmem_shared>> -> memref<6256xf32, #tpu.memory_space<vmem_shared>>
      %dma_start3A_23 = tpu.memref_slice %arg10[%mul3A_2] : memref<100096xf32, #tpu.memory_space<vmem_shared>> -> memref<6256xf32, #tpu.memory_space<vmem_shared>>
      tpu.enqueue_dma source(%arg9 : memref<6256xf32, #tpu.memory_space<vmem>>) target(%dma_start3A_23 : memref<6256xf32, #tpu.memory_space<vmem_shared>>) target_semaphore(%run_scoped3A : memref<!tpu.dma_semaphore, #tpu.memory_space<semaphore_mem>>)
      %dma_wait3A = tpu.memref_slice %arg10[%mul3A_2] : memref<100096xf32, #tpu.memory_space<vmem_shared>> -> memref<6256xf32, #tpu.memory_space<vmem_shared>>
      %dma_wait3A_24 = tpu.memref_slice %arg10[%mul3A_2] : memref<100096xf32, #tpu.memory_space<vmem_shared>> -> memref<6256xf32, #tpu.memory_space<vmem_shared>>
      tpu.wait_dma2 semaphore(%run_scoped3A : memref<!tpu.dma_semaphore, #tpu.memory_space<semaphore_mem>>) src(%arg9 : memref<6256xf32, #tpu.memory_space<vmem>>) dst(%dma_wait3A_24 : memref<6256xf32, #tpu.memory_space<vmem_shared>>)
      tpu.yield
    }) : () -> ()
    "tpu.region"() ({
      %run_scoped3A = tpu.sem_alloc : memref<!tpu.dma_semaphore, #tpu.memory_space<semaphore_mem>>
      tpu.enqueue_dma source(%arg3 : memref<2000xf32, #tpu.memory_space<hbm>>) target(%arg8 : memref<2000xf32, #tpu.memory_space<vmem>>) target_semaphore(%run_scoped3A : memref<!tpu.dma_semaphore, #tpu.memory_space<semaphore_mem>>)
      tpu.wait_dma2 semaphore(%run_scoped3A : memref<!tpu.dma_semaphore, #tpu.memory_space<semaphore_mem>>) src(%arg3 : memref<2000xf32, #tpu.memory_space<hbm>>) dst(%arg8 : memref<2000xf32, #tpu.memory_space<vmem>>)
      tpu.yield
    }) : () -> ()
    %barrier3A = arith.constant 0 : index
    tpu.barrier barrier_id(%barrier3A)
    %mul3A_3 = arith.constant 3200000 : i32
    %mul3A_4 = arith.muli %arg0, %mul3A_3 : i32
    %mul3A_5 = arith.constant 200000 : i32
    %mul3A_6 = arith.muli %arg1, %mul3A_5 : i32
    %add3A = arith.addi %mul3A_4, %mul3A_6 : i32
    %scan3A = arith.constant 0 : i32
    %scan3A_7 = arith.constant 0 : i32
    %scan3A_8 = arith.constant 100 : i32
    %scan3A_9 = arith.addi %scan3A_7, %scan3A_8 : i32
    %scan3A_10 = arith.constant 1 : i32
    %scan3A_11 = scf.for %scan3A_23 = %scan3A_7 to %scan3A_9 step %scan3A_10 iter_args(%scan3A_24 = %scan3A) -> (i32)  : i32 {
      %mul3A_25 = arith.constant 2000 : i32
      %mul3A_26 = arith.muli %scan3A_23, %mul3A_25 : i32
      %add3A_27 = arith.addi %add3A, %mul3A_26 : i32
      "tpu.region"() ({
        %run_scoped3A = tpu.sem_alloc : memref<!tpu.dma_semaphore, #tpu.memory_space<semaphore_mem>>
        %dma_start3A = tpu.memref_slice %arg2[%add3A_27] : memref<6400000xi32, #tpu.memory_space<hbm>> -> memref<2000xi32, #tpu.memory_space<hbm>>
        %dma_start3A_29 = tpu.memref_slice %arg2[%add3A_27] : memref<6400000xi32, #tpu.memory_space<hbm>> -> memref<2000xi32, #tpu.memory_space<hbm>>
        tpu.enqueue_dma source(%dma_start3A_29 : memref<2000xi32, #tpu.memory_space<hbm>>) target(%arg7 : memref<2000xi32, #tpu.memory_space<vmem>>) target_semaphore(%run_scoped3A : memref<!tpu.dma_semaphore, #tpu.memory_space<semaphore_mem>>)
        %dma_wait3A = tpu.memref_slice %arg2[%add3A_27] : memref<6400000xi32, #tpu.memory_space<hbm>> -> memref<2000xi32, #tpu.memory_space<hbm>>
        %dma_wait3A_30 = tpu.memref_slice %arg2[%add3A_27] : memref<6400000xi32, #tpu.memory_space<hbm>> -> memref<2000xi32, #tpu.memory_space<hbm>>
        tpu.wait_dma2 semaphore(%run_scoped3A : memref<!tpu.dma_semaphore, #tpu.memory_space<semaphore_mem>>) src(%dma_wait3A_30 : memref<2000xi32, #tpu.memory_space<hbm>>) dst(%arg7 : memref<2000xi32, #tpu.memory_space<vmem>>)
        tpu.yield
      }) : () -> ()
      "tpu.region"() ({
        %run_scoped3A = tpu.sem_alloc : memref<!tpu.dma_semaphore, #tpu.memory_space<semaphore_mem>>
        %dma_start3A = arith.constant 0 : i32
        %dma_start3A_29 = tpu.memref_slice %arg10[%dma_start3A] : memref<100096xf32, #tpu.memory_space<vmem_shared>> -> memref<100096xf32, #tpu.memory_space<vmem_shared>>
        tpu.enqueue_indirect_dma source(%arg8 : memref<2000xf32, #tpu.memory_space<vmem>>) target(%dma_start3A_29 : memref<100096xf32, #tpu.memory_space<vmem_shared>>) offsets(%arg7 : memref<2000xi32, #tpu.memory_space<vmem>>) semaphore(%run_scoped3A : memref<!tpu.dma_semaphore, #tpu.memory_space<semaphore_mem>>) {add = true}
        %dma_wait3A = arith.constant 0 : i32
        %dma_wait3A_30 = tpu.memref_slice %arg10[%dma_wait3A] : memref<100096xf32, #tpu.memory_space<vmem_shared>> -> memref<100096xf32, #tpu.memory_space<vmem_shared>>
        tpu.wait_indirect_dma semaphore(%run_scoped3A : memref<!tpu.dma_semaphore, #tpu.memory_space<semaphore_mem>>) src(%arg8 : memref<2000xf32, #tpu.memory_space<vmem>>) dst(%dma_wait3A_30 : memref<100096xf32, #tpu.memory_space<vmem_shared>>)
        tpu.yield
      }) : () -> ()
      %scan3A_28 = arith.constant 0 : i32
      scf.yield %scan3A_28 : i32
    }
    %scan3A_12 = arith.constant 100 : i32
    %barrier3A_13 = arith.constant 0 : index
    tpu.barrier barrier_id(%barrier3A_13)
    %mul3A_14 = arith.constant 6256 : i32
    %mul3A_15 = arith.muli %arg1, %mul3A_14 : i32
    "tpu.region"() ({
      %run_scoped3A = tpu.sem_alloc : memref<!tpu.dma_semaphore, #tpu.memory_space<semaphore_mem>>
      %dma_start3A = tpu.memref_slice %arg10[%mul3A_15] : memref<100096xf32, #tpu.memory_space<vmem_shared>> -> memref<6256xf32, #tpu.memory_space<vmem_shared>>
      %dma_start3A_23 = tpu.memref_slice %arg10[%mul3A_15] : memref<100096xf32, #tpu.memory_space<vmem_shared>> -> memref<6256xf32, #tpu.memory_space<vmem_shared>>
      tpu.enqueue_dma source(%dma_start3A_23 : memref<6256xf32, #tpu.memory_space<vmem_shared>>) target(%arg9 : memref<6256xf32, #tpu.memory_space<vmem>>) target_semaphore(%run_scoped3A : memref<!tpu.dma_semaphore, #tpu.memory_space<semaphore_mem>>)
      %dma_wait3A = tpu.memref_slice %arg10[%mul3A_15] : memref<100096xf32, #tpu.memory_space<vmem_shared>> -> memref<6256xf32, #tpu.memory_space<vmem_shared>>
      %dma_wait3A_24 = tpu.memref_slice %arg10[%mul3A_15] : memref<100096xf32, #tpu.memory_space<vmem_shared>> -> memref<6256xf32, #tpu.memory_space<vmem_shared>>
      tpu.wait_dma2 semaphore(%run_scoped3A : memref<!tpu.dma_semaphore, #tpu.memory_space<semaphore_mem>>) src(%dma_wait3A_24 : memref<6256xf32, #tpu.memory_space<vmem_shared>>) dst(%arg9 : memref<6256xf32, #tpu.memory_space<vmem>>)
      tpu.yield
    }) : () -> ()
    %eq3A = arith.constant 0 : i32
    %eq3A_16 = arith.cmpi eq, %arg0, %eq3A : i32
    %convert_element_type3A = arith.extui %eq3A_16 : i1 to i32
    %cond3A = arith.constant 0 : i32
    %cond3A_17 = arith.cmpi ne, %convert_element_type3A, %cond3A : i32
    scf.if %cond3A_17 {
      %mul3A_23 = arith.constant 6256 : i32
      %mul3A_24 = arith.muli %arg1, %mul3A_23 : i32
      "tpu.region"() ({
        %run_scoped3A = tpu.sem_alloc : memref<!tpu.dma_semaphore, #tpu.memory_space<semaphore_mem>>
        %dma_start3A = tpu.memref_slice %arg5[%mul3A_24] : memref<100096xf32, #tpu.memory_space<hbm>> -> memref<6256xf32, #tpu.memory_space<hbm>>
        %dma_start3A_25 = tpu.memref_slice %arg5[%mul3A_24] : memref<100096xf32, #tpu.memory_space<hbm>> -> memref<6256xf32, #tpu.memory_space<hbm>>
        tpu.enqueue_dma source(%arg9 : memref<6256xf32, #tpu.memory_space<vmem>>) target(%dma_start3A_25 : memref<6256xf32, #tpu.memory_space<hbm>>) target_semaphore(%run_scoped3A : memref<!tpu.dma_semaphore, #tpu.memory_space<semaphore_mem>>)
        %dma_wait3A = tpu.memref_slice %arg5[%mul3A_24] : memref<100096xf32, #tpu.memory_space<hbm>> -> memref<6256xf32, #tpu.memory_space<hbm>>
        %dma_wait3A_26 = tpu.memref_slice %arg5[%mul3A_24] : memref<100096xf32, #tpu.memory_space<hbm>> -> memref<6256xf32, #tpu.memory_space<hbm>>
        tpu.wait_dma2 semaphore(%run_scoped3A : memref<!tpu.dma_semaphore, #tpu.memory_space<semaphore_mem>>) src(%arg9 : memref<6256xf32, #tpu.memory_space<vmem>>) dst(%dma_wait3A_26 : memref<6256xf32, #tpu.memory_space<hbm>>)
        tpu.yield
      }) : () -> ()
    } else {
    }
    %eq3A_18 = arith.constant 1 : i32
    %eq3A_19 = arith.cmpi eq, %arg0, %eq3A_18 : i32
    %convert_element_type3A_20 = arith.extui %eq3A_19 : i1 to i32
    %cond3A_21 = arith.constant 0 : i32
    %cond3A_22 = arith.cmpi ne, %convert_element_type3A_20, %cond3A_21 : i32
    scf.if %cond3A_22 {
      %mul3A_23 = arith.constant 6256 : i32
      %mul3A_24 = arith.muli %arg1, %mul3A_23 : i32
      "tpu.region"() ({
        %run_scoped3A = tpu.sem_alloc : memref<!tpu.dma_semaphore, #tpu.memory_space<semaphore_mem>>
        %dma_start3A = tpu.memref_slice %arg6[%mul3A_24] : memref<100096xf32, #tpu.memory_space<hbm>> -> memref<6256xf32, #tpu.memory_space<hbm>>
        %dma_start3A_25 = tpu.memref_slice %arg6[%mul3A_24] : memref<100096xf32, #tpu.memory_space<hbm>> -> memref<6256xf32, #tpu.memory_space<hbm>>
        tpu.enqueue_dma source(%arg9 : memref<6256xf32, #tpu.memory_space<vmem>>) target(%dma_start3A_25 : memref<6256xf32, #tpu.memory_space<hbm>>) target_semaphore(%run_scoped3A : memref<!tpu.dma_semaphore, #tpu.memory_space<semaphore_mem>>)
        %dma_wait3A = tpu.memref_slice %arg6[%mul3A_24] : memref<100096xf32, #tpu.memory_space<hbm>> -> memref<6256xf32, #tpu.memory_space<hbm>>
        %dma_wait3A_26 = tpu.memref_slice %arg6[%mul3A_24] : memref<100096xf32, #tpu.memory_space<hbm>> -> memref<6256xf32, #tpu.memory_space<hbm>>
        tpu.wait_dma2 semaphore(%run_scoped3A : memref<!tpu.dma_semaphore, #tpu.memory_space<semaphore_mem>>) src(%arg9 : memref<6256xf32, #tpu.memory_space<vmem>>) dst(%dma_wait3A_26 : memref<6256xf32, #tpu.memory_space<hbm>>)
        tpu.yield
      }) : () -> ()
    } else {
    }
    return
  }
}

module attributes {stable_mosaic.version = 14 : i64} {
  func.func @_prep_body(%arg0: memref<782x128xf32, #tpu.memory_space<vmem>>, %arg1: memref<782x128xf32, #tpu.memory_space<vmem>>, %arg2: memref<782x128xi32, #tpu.memory_space<vmem>>, %arg3: memref<782x128xi32, #tpu.memory_space<vmem>>, %arg4: memref<782x128xf32, #tpu.memory_space<vmem>>, %arg5: memref<782x128xi32, #tpu.memory_space<vmem>>) attributes {dimension_semantics = [], scalar_prefetch = 0 : i64, scratch_operands = 0 : i64, tpu.core_type = #tpu.core_type<tc>} {
    %get3A = arith.constant 0 : index
    %get3A_0 = arith.constant 0 : index
    %get3A_1 = vector.load %arg0[%get3A, %get3A_0] : memref<782x128xf32, #tpu.memory_space<vmem>>, vector<782x128xf32>
    %get3A_2 = arith.constant 0 : index
    %get3A_3 = arith.constant 0 : index
    %get3A_4 = vector.load %arg1[%get3A_2, %get3A_3] : memref<782x128xf32, #tpu.memory_space<vmem>>, vector<782x128xf32>
    %add3A = arith.addf %get3A_1, %get3A_4 : vector<782x128xf32>
    %add3A_5 = arith.constant 1.000000e+00 : f32
    %add3A_6 = vector.broadcast %add3A_5 : f32 to vector<782x128xf32>
    %add3A_7 = arith.addf %add3A, %add3A_6 : vector<782x128xf32>
    %rsqrt3A = math.rsqrt %add3A_7 : vector<782x128xf32>
    %swap3A = arith.constant 0 : index
    %swap3A_8 = arith.constant 0 : index
    %swap3A_9 = vector.load %arg4[%swap3A, %swap3A_8] : memref<782x128xf32, #tpu.memory_space<vmem>>, vector<782x128xf32>
    tpu.vector_store %arg4[%swap3A, %swap3A_8], %rsqrt3A {strides = array<i32>} : memref<782x128xf32, #tpu.memory_space<vmem>>, vector<782x128xf32>,
    %get3A_10 = arith.constant 0 : index
    %get3A_11 = arith.constant 0 : index
    %get3A_12 = vector.load %arg2[%get3A_10, %get3A_11] : memref<782x128xi32, #tpu.memory_space<vmem>>, vector<782x128xi32>
    %mul3A = arith.constant 3 : i32
    %mul3A_13 = vector.broadcast %mul3A : i32 to vector<782x128xi32>
    %mul3A_14 = arith.muli %get3A_12, %mul3A_13 : vector<782x128xi32>
    %get3A_15 = arith.constant 0 : index
    %get3A_16 = arith.constant 0 : index
    %get3A_17 = vector.load %arg3[%get3A_15, %get3A_16] : memref<782x128xi32, #tpu.memory_space<vmem>>, vector<782x128xi32>
    %add3A_18 = arith.addi %mul3A_14, %get3A_17 : vector<782x128xi32>
    %swap3A_19 = arith.constant 0 : index
    %swap3A_20 = arith.constant 0 : index
    %swap3A_21 = vector.load %arg5[%swap3A_19, %swap3A_20] : memref<782x128xi32, #tpu.memory_space<vmem>>, vector<782x128xi32>
    tpu.vector_store %arg5[%swap3A_19, %swap3A_20], %add3A_18 {strides = array<i32>} : memref<782x128xi32, #tpu.memory_space<vmem>>, vector<782x128xi32>,
    return
  }
}

module attributes {stable_mosaic.version = 14 : i64} {
  func.func @_h1q_body(%arg0: i32, %arg1: memref<2176x9xf32, #tpu.memory_space<vmem>>, %arg2: memref<2176x9xf32, #tpu.memory_space<vmem>>, %arg3: memref<2176x1xf32, #tpu.memory_space<vmem>>, %arg4: memref<2176x1xi32, #tpu.memory_space<vmem>>, %arg5: memref<16x32xf32, #tpu.memory_space<vmem>>, %arg6: memref<1x32xf32, #tpu.memory_space<vmem>>, %arg7: memref<2176x32xf32, #tpu.memory_space<vmem>>, %arg8: memref<2176x16xf32, #tpu.memory_space<vmem>>, %arg9: memref<2176x16xf32, #tpu.memory_space<vmem>>) attributes {dimension_semantics = [#tpu.dimension_semantics<arbitrary>], iteration_bounds = array<i64: 46>, scalar_prefetch = 0 : i64, scratch_operands = 0 : i64, tpu.core_type = #tpu.core_type<tc>, window_params = [{transform_indices = @transform_0, window_bounds = array<i64: 2176, 9>}, {transform_indices = @transform_1, window_bounds = array<i64: 2176, 9>}, {transform_indices = @transform_2, window_bounds = array<i64: 2176, 1>}, {transform_indices = @transform_3, window_bounds = array<i64: 2176, 1>}, {pipeline_mode = #tpu.pipeline_mode<synchronous>, transform_indices = @transform_4, window_bounds = array<i64: 16, 32>}, {pipeline_mode = #tpu.pipeline_mode<synchronous>, transform_indices = @transform_5, window_bounds = array<i64: 1, 32>}, {transform_indices = @transform_6, window_bounds = array<i64: 2176, 32>}, {transform_indices = @transform_7, window_bounds = array<i64: 2176, 16>}, {transform_indices = @transform_8, window_bounds = array<i64: 2176, 16>}]} {
    %get3A = arith.constant 0 : index
    %get3A_0 = arith.constant 0 : index
    %get3A_1 = vector.load %arg3[%get3A, %get3A_0] : memref<2176x1xf32, #tpu.memory_space<vmem>>, vector<2176x1xf32>
    %get3A_2 = arith.constant 0 : index
    %get3A_3 = arith.constant 0 : index
    %get3A_4 = vector.load %arg1[%get3A_2, %get3A_3] : memref<2176x9xf32, #tpu.memory_space<vmem>>, vector<2176x9xf32>
    %get3A_5 = arith.constant 0 : index
    %get3A_6 = arith.constant 0 : index
    %get3A_7 = vector.load %arg2[%get3A_5, %get3A_6] : memref<2176x9xf32, #tpu.memory_space<vmem>>, vector<2176x9xf32>
    %add3A = arith.addf %get3A_4, %get3A_7 : vector<2176x9xf32>
    %iota3A = tpu.iota {dimensions = array<i32: 1>} : vector<2176x9xi32>
    %get3A_8 = arith.constant 0 : index
    %get3A_9 = arith.constant 0 : index
    %get3A_10 = vector.load %arg4[%get3A_8, %get3A_9] : memref<2176x1xi32, #tpu.memory_space<vmem>>, vector<2176x1xi32>
    %eq3A = vector.broadcast %get3A_10 : vector<2176x1xi32> to vector<2176x9xi32>
    %eq3A_11 = arith.cmpi eq, %iota3A, %eq3A : vector<2176x9xi32>
    %convert_element_type3A = arith.extui %eq3A_11 : vector<2176x9xi1> to vector<2176x9xi32>
    %convert_element_type3A_12 = arith.sitofp %convert_element_type3A : vector<2176x9xi32> to vector<2176x9xf32>
    %mul3A = vector.broadcast %get3A_1 : vector<2176x1xf32> to vector<2176x9xf32>
    %mul3A_13 = arith.mulf %mul3A, %add3A : vector<2176x9xf32>
    %mul3A_14 = arith.mulf %get3A_1, %get3A_1 : vector<2176x1xf32>
    %mul3A_15 = vector.broadcast %mul3A_14 : vector<2176x1xf32> to vector<2176x9xf32>
    %mul3A_16 = arith.mulf %mul3A_15, %convert_element_type3A_12 : vector<2176x9xf32>
    %add3A_17 = arith.addf %mul3A_13, %mul3A_16 : vector<2176x9xf32>
    %broadcast_in_dim3A = arith.constant 0.000000e+00 : f32
    %broadcast_in_dim3A_18 = vector.broadcast %broadcast_in_dim3A : f32 to vector<2176x7xf32>
    %concatenate3A = tpu.concatenate %add3A_17, %broadcast_in_dim3A_18 in 1 : vector<2176x9xf32>, vector<2176x7xf32> -> vector<2176x16xf32>
    %get3A_19 = arith.constant 0 : index
    %get3A_20 = arith.constant 0 : index
    %get3A_21 = vector.load %arg5[%get3A_19, %get3A_20] : memref<16x32xf32, #tpu.memory_space<vmem>>, vector<16x32xf32>
    %dot_general3A = arith.constant dense<0.000000e+00> : vector<2176x32xf32>
    %dot_general3A_22 = tpu.matmul %concatenate3A, %get3A_21, %dot_general3A {dimension_numbers = #tpu.dot_dimension_numbers<[1], [0], [0], [1], [0, 0, 1, 1], [], []>, transpose_lhs_hint = false} : vector<2176x16xf32>, vector<16x32xf32>, vector<2176x32xf32> -> vector<2176x32xf32>
    %get3A_23 = arith.constant 0 : index
    %get3A_24 = arith.constant 0 : index
    %get3A_25 = vector.load %arg6[%get3A_23, %get3A_24] : memref<1x32xf32, #tpu.memory_space<vmem>>, vector<1x32xf32>
    %add3A_26 = vector.broadcast %get3A_25 : vector<1x32xf32> to vector<2176x32xf32>
    %add3A_27 = arith.addf %dot_general3A_22, %add3A_26 : vector<2176x32xf32>
    %max3A = arith.constant 0.000000e+00 : f32
    %max3A_28 = vector.broadcast %max3A : f32 to vector<2176x32xf32>
    %max3A_29 = arith.maximumf %add3A_27, %max3A_28 : vector<2176x32xf32>
    %swap3A = arith.constant 0 : index
    %swap3A_30 = arith.constant 0 : index
    %swap3A_31 = vector.load %arg7[%swap3A, %swap3A_30] : memref<2176x32xf32, #tpu.memory_space<vmem>>, vector<2176x32xf32>
    tpu.vector_store %arg7[%swap3A, %swap3A_30], %max3A_29 {strides = array<i32>} : memref<2176x32xf32, #tpu.memory_space<vmem>>, vector<2176x32xf32>,
    %mul3A_32 = vector.broadcast %get3A_1 : vector<2176x1xf32> to vector<2176x32xf32>
    %mul3A_33 = arith.mulf %max3A_29, %mul3A_32 : vector<2176x32xf32>
    %slice3A = vector.extract_strided_slice %mul3A_33 {offsets = [0, 0], sizes = [2176, 16], strides = [1, 1]} : vector<2176x32xf32> to vector<2176x16xf32>
    %swap3A_34 = arith.constant 0 : index
    %swap3A_35 = arith.constant 0 : index
    %swap3A_36 = vector.load %arg8[%swap3A_34, %swap3A_35] : memref<2176x16xf32, #tpu.memory_space<vmem>>, vector<2176x16xf32>
    tpu.vector_store %arg8[%swap3A_34, %swap3A_35], %slice3A {strides = array<i32>} : memref<2176x16xf32, #tpu.memory_space<vmem>>, vector<2176x16xf32>,
    %slice3A_37 = vector.extract_strided_slice %mul3A_33 {offsets = [0, 16], sizes = [2176, 16], strides = [1, 1]} : vector<2176x32xf32> to vector<2176x16xf32>
    %swap3A_38 = arith.constant 0 : index
    %swap3A_39 = arith.constant 0 : index
    %swap3A_40 = vector.load %arg9[%swap3A_38, %swap3A_39] : memref<2176x16xf32, #tpu.memory_space<vmem>>, vector<2176x16xf32>
    tpu.vector_store %arg9[%swap3A_38, %swap3A_39], %slice3A_37 {strides = array<i32>} : memref<2176x16xf32, #tpu.memory_space<vmem>>, vector<2176x16xf32>,
    return
  }
  func.func @transform_0(%arg0: i32) -> (i32, i32) {
    %c0_i32 = arith.constant 0 : i32
    %c0_i32_0 = arith.constant 0 : i32
    return %arg0, %c0_i32 : i32, i32
  }
  func.func @transform_1(%arg0: i32) -> (i32, i32) {
    %c0_i32 = arith.constant 0 : i32
    %c0_i32_0 = arith.constant 0 : i32
    return %arg0, %c0_i32 : i32, i32
  }
  func.func @transform_2(%arg0: i32) -> (i32, i32) {
    %c0_i32 = arith.constant 0 : i32
    %c0_i32_0 = arith.constant 0 : i32
    return %arg0, %c0_i32 : i32, i32
  }
  func.func @transform_3(%arg0: i32) -> (i32, i32) {
    %c0_i32 = arith.constant 0 : i32
    %c0_i32_0 = arith.constant 0 : i32
    return %arg0, %c0_i32 : i32, i32
  }
  func.func @transform_4(%arg0: i32) -> (i32, i32) {
    %c0_i32 = arith.constant 0 : i32
    %c0_i32_0 = arith.constant 0 : i32
    %c0_i32_1 = arith.constant 0 : i32
    return %c0_i32, %c0_i32_0 : i32, i32
  }
  func.func @transform_5(%arg0: i32) -> (i32, i32) {
    %c0_i32 = arith.constant 0 : i32
    %c0_i32_0 = arith.constant 0 : i32
    %c0_i32_1 = arith.constant 0 : i32
    return %c0_i32, %c0_i32_0 : i32, i32
  }
  func.func @transform_6(%arg0: i32) -> (i32, i32) {
    %c0_i32 = arith.constant 0 : i32
    %c0_i32_0 = arith.constant 0 : i32
    return %arg0, %c0_i32 : i32, i32
  }
  func.func @transform_7(%arg0: i32) -> (i32, i32) {
    %c0_i32 = arith.constant 0 : i32
    %c0_i32_0 = arith.constant 0 : i32
    return %arg0, %c0_i32 : i32, i32
  }
  func.func @transform_8(%arg0: i32) -> (i32, i32) {
    %c0_i32 = arith.constant 0 : i32
    %c0_i32_0 = arith.constant 0 : i32
    return %arg0, %c0_i32 : i32, i32
  }
}

module attributes {stable_mosaic.version = 14 : i64} {
  func.func @_pool_body(%arg0: i32, %arg1: memref<2176x16xf32, #tpu.memory_space<vmem>>, %arg2: memref<2176x16xf32, #tpu.memory_space<vmem>>, %arg3: memref<2176x32xf32, #tpu.memory_space<vmem>>, %arg4: memref<2176x1xf32, #tpu.memory_space<vmem>>, %arg5: memref<2176x1xi32, #tpu.memory_space<vmem>>, %arg6: memref<32x32xf32, #tpu.memory_space<vmem>>, %arg7: memref<1x32xf32, #tpu.memory_space<vmem>>, %arg8: memref<16x64xf32, #tpu.memory_space<vmem>>, %arg9: memref<16x32xf32, #tpu.memory_space<vmem>>, %arg10: memref<16x32xf32, #tpu.memory_space<vmem>>, %arg11: memref<16x32xf32, #tpu.memory_space<vmem>>) attributes {dimension_semantics = [#tpu.dimension_semantics<arbitrary>], iteration_bounds = array<i64: 46>, scalar_prefetch = 0 : i64, scratch_operands = 3 : i64, tpu.core_type = #tpu.core_type<tc>, window_params = [{transform_indices = @transform_0, window_bounds = array<i64: 2176, 16>}, {transform_indices = @transform_1, window_bounds = array<i64: 2176, 16>}, {transform_indices = @transform_2, window_bounds = array<i64: 2176, 32>}, {transform_indices = @transform_3, window_bounds = array<i64: 2176, 1>}, {transform_indices = @transform_4, window_bounds = array<i64: 2176, 1>}, {pipeline_mode = #tpu.pipeline_mode<synchronous>, transform_indices = @transform_5, window_bounds = array<i64: 32, 32>}, {pipeline_mode = #tpu.pipeline_mode<synchronous>, transform_indices = @transform_6, window_bounds = array<i64: 1, 32>}, {pipeline_mode = #tpu.pipeline_mode<synchronous>, transform_indices = @transform_7, window_bounds = array<i64: 16, 64>}]} {
    %eq3A = arith.constant 0 : i32
    %eq3A_0 = arith.cmpi eq, %arg0, %eq3A : i32
    %convert_element_type3A = arith.extui %eq3A_0 : i1 to i32
    %cond3A = arith.constant 0 : i32
    %cond3A_1 = arith.cmpi ne, %convert_element_type3A, %cond3A : i32
    scf.if %cond3A_1 {
      %broadcast_in_dim3A_371 = arith.constant 0.000000e+00 : f32
      %broadcast_in_dim3A_372 = vector.broadcast %broadcast_in_dim3A_371 : f32 to vector<16x32xf32>
      %swap3A_373 = arith.constant 0 : index
      %swap3A_374 = arith.constant 0 : index
      %swap3A_375 = vector.load %arg9[%swap3A_373, %swap3A_374] : memref<16x32xf32, #tpu.memory_space<vmem>>, vector<16x32xf32>
      tpu.vector_store %arg9[%swap3A_373, %swap3A_374], %broadcast_in_dim3A_372 {strides = array<i32>} : memref<16x32xf32, #tpu.memory_space<vmem>>, vector<16x32xf32>,
      %broadcast_in_dim3A_376 = arith.constant 0.000000e+00 : f32
      %broadcast_in_dim3A_377 = vector.broadcast %broadcast_in_dim3A_376 : f32 to vector<16x32xf32>
      %swap3A_378 = arith.constant 0 : index
      %swap3A_379 = arith.constant 0 : index
      %swap3A_380 = vector.load %arg10[%swap3A_378, %swap3A_379] : memref<16x32xf32, #tpu.memory_space<vmem>>, vector<16x32xf32>
      tpu.vector_store %arg10[%swap3A_378, %swap3A_379], %broadcast_in_dim3A_377 {strides = array<i32>} : memref<16x32xf32, #tpu.memory_space<vmem>>, vector<16x32xf32>,
      %broadcast_in_dim3A_381 = arith.constant 0xFF800000 : f32
      %broadcast_in_dim3A_382 = vector.broadcast %broadcast_in_dim3A_381 : f32 to vector<16x32xf32>
      %swap3A_383 = arith.constant 0 : index
      %swap3A_384 = arith.constant 0 : index
      %swap3A_385 = vector.load %arg11[%swap3A_383, %swap3A_384] : memref<16x32xf32, #tpu.memory_space<vmem>>, vector<16x32xf32>
      tpu.vector_store %arg11[%swap3A_383, %swap3A_384], %broadcast_in_dim3A_382 {strides = array<i32>} : memref<16x32xf32, #tpu.memory_space<vmem>>, vector<16x32xf32>,
    } else {
    }
    %get3A = arith.constant 0 : index
    %get3A_2 = arith.constant 0 : index
    %get3A_3 = vector.load %arg4[%get3A, %get3A_2] : memref<2176x1xf32, #tpu.memory_space<vmem>>, vector<2176x1xf32>
    %get3A_4 = arith.constant 0 : index
    %get3A_5 = arith.constant 0 : index
    %get3A_6 = vector.load %arg3[%get3A_4, %get3A_5] : memref<2176x32xf32, #tpu.memory_space<vmem>>, vector<2176x32xf32>
    %get3A_7 = arith.constant 0 : index
    %get3A_8 = arith.constant 0 : index
    %get3A_9 = vector.load %arg1[%get3A_7, %get3A_8] : memref<2176x16xf32, #tpu.memory_space<vmem>>, vector<2176x16xf32>
    %get3A_10 = arith.constant 0 : index
    %get3A_11 = arith.constant 0 : index
    %get3A_12 = vector.load %arg2[%get3A_10, %get3A_11] : memref<2176x16xf32, #tpu.memory_space<vmem>>, vector<2176x16xf32>
    %concatenate3A = tpu.concatenate %get3A_9, %get3A_12 in 1 : vector<2176x16xf32>, vector<2176x16xf32> -> vector<2176x32xf32>
    %mul3A = vector.broadcast %get3A_3 : vector<2176x1xf32> to vector<2176x32xf32>
    %mul3A_13 = arith.mulf %mul3A, %concatenate3A : vector<2176x32xf32>
    %mul3A_14 = arith.mulf %get3A_3, %get3A_3 : vector<2176x1xf32>
    %mul3A_15 = vector.broadcast %mul3A_14 : vector<2176x1xf32> to vector<2176x32xf32>
    %mul3A_16 = arith.mulf %mul3A_15, %get3A_6 : vector<2176x32xf32>
    %add3A = arith.addf %mul3A_13, %mul3A_16 : vector<2176x32xf32>
    %get3A_17 = arith.constant 0 : index
    %get3A_18 = arith.constant 0 : index
    %get3A_19 = vector.load %arg6[%get3A_17, %get3A_18] : memref<32x32xf32, #tpu.memory_space<vmem>>, vector<32x32xf32>
    %dot_general3A = arith.constant dense<0.000000e+00> : vector<2176x32xf32>
    %dot_general3A_20 = tpu.matmul %add3A, %get3A_19, %dot_general3A {dimension_numbers = #tpu.dot_dimension_numbers<[1], [0], [0], [1], [0, 0, 1, 1], [], []>, transpose_lhs_hint = false} : vector<2176x32xf32>, vector<32x32xf32>, vector<2176x32xf32> -> vector<2176x32xf32>
    %get3A_21 = arith.constant 0 : index
    %get3A_22 = arith.constant 0 : index
    %get3A_23 = vector.load %arg7[%get3A_21, %get3A_22] : memref<1x32xf32, #tpu.memory_space<vmem>>, vector<1x32xf32>
    %add3A_24 = vector.broadcast %get3A_23 : vector<1x32xf32> to vector<2176x32xf32>
    %add3A_25 = arith.addf %dot_general3A_20, %add3A_24 : vector<2176x32xf32>
    %get3A_26 = arith.constant 0 : index
    %get3A_27 = arith.constant 0 : index
    %get3A_28 = vector.load %arg5[%get3A_26, %get3A_27] : memref<2176x1xi32, #tpu.memory_space<vmem>>, vector<2176x1xi32>
    %iota3A = tpu.iota {dimensions = array<i32: 1>} : vector<2176x16xi32>
    %eq3A_29 = vector.broadcast %get3A_28 : vector<2176x1xi32> to vector<2176x16xi32>
    %eq3A_30 = arith.cmpi eq, %iota3A, %eq3A_29 : vector<2176x16xi32>
    %convert_element_type3A_31 = arith.extui %eq3A_30 : vector<2176x16xi1> to vector<2176x16xi32>
    %convert_element_type3A_32 = arith.sitofp %convert_element_type3A_31 : vector<2176x16xi32> to vector<2176x16xf32>
    %get3A_33 = arith.constant 0 : index
    %get3A_34 = arith.constant 0 : index
    %get3A_35 = vector.load %arg9[%get3A_33, %get3A_34] : memref<16x32xf32, #tpu.memory_space<vmem>>, vector<16x32xf32>
    %dot_general3A_36 = arith.constant dense<0.000000e+00> : vector<16x32xf32>
    %dot_general3A_37 = tpu.matmul %convert_element_type3A_32, %add3A_25, %dot_general3A_36 {dimension_numbers = #tpu.dot_dimension_numbers<[0], [0], [1], [1], [0, 1, 1, 1], [], []>, transpose_lhs_hint = false} : vector<2176x16xf32>, vector<2176x32xf32>, vector<16x32xf32> -> vector<16x32xf32>
    %add3A_38 = arith.addf %get3A_35, %dot_general3A_37 : vector<16x32xf32>
    %swap3A = arith.constant 0 : index
    %swap3A_39 = arith.constant 0 : index
    %swap3A_40 = vector.load %arg9[%swap3A, %swap3A_39] : memref<16x32xf32, #tpu.memory_space<vmem>>, vector<16x32xf32>
    tpu.vector_store %arg9[%swap3A, %swap3A_39], %add3A_38 {strides = array<i32>} : memref<16x32xf32, #tpu.memory_space<vmem>>, vector<16x32xf32>,
    %get3A_41 = arith.constant 0 : index
    %get3A_42 = arith.constant 0 : index
    %get3A_43 = vector.load %arg10[%get3A_41, %get3A_42] : memref<16x32xf32, #tpu.memory_space<vmem>>, vector<16x32xf32>
    %reduce_sum3A = arith.constant dense<0.000000e+00> : vector<16xf32>
    %reduce_sum3A_44 = vector.multi_reduction <add>, %convert_element_type3A_32, %reduce_sum3A [0] : vector<2176x16xf32> to vector<16xf32>
    %broadcast_in_dim3A = vector.shape_cast %reduce_sum3A_44 : vector<16xf32> to vector<16x1xf32>
    %add3A_45 = vector.broadcast %broadcast_in_dim3A : vector<16x1xf32> to vector<16x32xf32>
    %add3A_46 = arith.addf %get3A_43, %add3A_45 : vector<16x32xf32>
    %swap3A_47 = arith.constant 0 : index
    %swap3A_48 = arith.constant 0 : index
    %swap3A_49 = vector.load %arg10[%swap3A_47, %swap3A_48] : memref<16x32xf32, #tpu.memory_space<vmem>>, vector<16x32xf32>
    tpu.vector_store %arg10[%swap3A_47, %swap3A_48], %add3A_46 {strides = array<i32>} : memref<16x32xf32, #tpu.memory_space<vmem>>, vector<16x32xf32>,
    %eq3A_50 = arith.constant 0 : i32
    %eq3A_51 = vector.broadcast %eq3A_50 : i32 to vector<2176x1xi32>
    %eq3A_52 = arith.cmpi eq, %get3A_28, %eq3A_51 : vector<2176x1xi32>
    %jit3A = arith.constant 0xFF800000 : f32
    %broadcast_in_dim3A_53 = vector.shape_cast %eq3A_52 : vector<2176x1xi1> to vector<2176x1xi1>
    %broadcast_in_dim3A_54 = vector.broadcast %broadcast_in_dim3A_53 : vector<2176x1xi1> to vector<2176x32xi1>
    %broadcast_in_dim3A_55 = vector.broadcast %jit3A : f32 to vector<2176x32xf32>
    %select_n3A = arith.select %broadcast_in_dim3A_54, %add3A_25, %broadcast_in_dim3A_55 : vector<2176x32xi1>, vector<2176x32xf32>
    %get3A_56 = arith.constant 0 : index
    %get3A_57 = arith.constant 0 : index
    %get3A_58 = vector.load %arg11[%get3A_56, %get3A_57] : memref<16x32xf32, #tpu.memory_space<vmem>>, vector<1x32xf32>
    %get3A_59 = vector.shape_cast %get3A_58 : vector<1x32xf32> to vector<32xf32>
    %reduce_max3A = arith.constant dense<0xFF800000> : vector<32xf32>
    %reduce_max3A_60 = vector.multi_reduction <maximumf>, %select_n3A, %reduce_max3A [0] : vector<2176x32xf32> to vector<32xf32>
    %max3A = arith.maximumf %get3A_59, %reduce_max3A_60 : vector<32xf32>
    %swap3A_61 = arith.constant 0 : index
    %swap3A_62 = arith.constant 0 : index
    %swap3A_63 = vector.load %arg11[%swap3A_61, %swap3A_62] : memref<16x32xf32, #tpu.memory_space<vmem>>, vector<1x32xf32>
    %swap3A_64 = vector.shape_cast %swap3A_63 : vector<1x32xf32> to vector<32xf32>
    %swap3A_65 = vector.shape_cast %max3A : vector<32xf32> to vector<1x32xf32>
    tpu.vector_store %arg11[%swap3A_61, %swap3A_62], %swap3A_65 {strides = array<i32>} : memref<16x32xf32, #tpu.memory_space<vmem>>, vector<1x32xf32>,
    %eq3A_66 = arith.constant 1 : i32
    %eq3A_67 = vector.broadcast %eq3A_66 : i32 to vector<2176x1xi32>
    %eq3A_68 = arith.cmpi eq, %get3A_28, %eq3A_67 : vector<2176x1xi32>
    %jit3A_69 = arith.constant 0xFF800000 : f32
    %broadcast_in_dim3A_70 = vector.shape_cast %eq3A_68 : vector<2176x1xi1> to vector<2176x1xi1>
    %broadcast_in_dim3A_71 = vector.broadcast %broadcast_in_dim3A_70 : vector<2176x1xi1> to vector<2176x32xi1>
    %broadcast_in_dim3A_72 = vector.broadcast %jit3A_69 : f32 to vector<2176x32xf32>
    %select_n3A_73 = arith.select %broadcast_in_dim3A_71, %add3A_25, %broadcast_in_dim3A_72 : vector<2176x32xi1>, vector<2176x32xf32>
    %get3A_74 = arith.constant 1 : index
    %get3A_75 = arith.constant 0 : index
    %get3A_76 = vector.load %arg11[%get3A_74, %get3A_75] : memref<16x32xf32, #tpu.memory_space<vmem>>, vector<1x32xf32>
    %get3A_77 = vector.shape_cast %get3A_76 : vector<1x32xf32> to vector<32xf32>
    %reduce_max3A_78 = arith.constant dense<0xFF800000> : vector<32xf32>
    %reduce_max3A_79 = vector.multi_reduction <maximumf>, %select_n3A_73, %reduce_max3A_78 [0] : vector<2176x32xf32> to vector<32xf32>
    %max3A_80 = arith.maximumf %get3A_77, %reduce_max3A_79 : vector<32xf32>
    %swap3A_81 = arith.constant 1 : index
    %swap3A_82 = arith.constant 0 : index
    %swap3A_83 = vector.load %arg11[%swap3A_81, %swap3A_82] : memref<16x32xf32, #tpu.memory_space<vmem>>, vector<1x32xf32>
    %swap3A_84 = vector.shape_cast %swap3A_83 : vector<1x32xf32> to vector<32xf32>
    %swap3A_85 = vector.shape_cast %max3A_80 : vector<32xf32> to vector<1x32xf32>
    tpu.vector_store %arg11[%swap3A_81, %swap3A_82], %swap3A_85 {strides = array<i32>} : memref<16x32xf32, #tpu.memory_space<vmem>>, vector<1x32xf32>,
    %eq3A_86 = arith.constant 2 : i32
    %eq3A_87 = vector.broadcast %eq3A_86 : i32 to vector<2176x1xi32>
    %eq3A_88 = arith.cmpi eq, %get3A_28, %eq3A_87 : vector<2176x1xi32>
    %jit3A_89 = arith.constant 0xFF800000 : f32
    %broadcast_in_dim3A_90 = vector.shape_cast %eq3A_88 : vector<2176x1xi1> to vector<2176x1xi1>
    %broadcast_in_dim3A_91 = vector.broadcast %broadcast_in_dim3A_90 : vector<2176x1xi1> to vector<2176x32xi1>
    %broadcast_in_dim3A_92 = vector.broadcast %jit3A_89 : f32 to vector<2176x32xf32>
    %select_n3A_93 = arith.select %broadcast_in_dim3A_91, %add3A_25, %broadcast_in_dim3A_92 : vector<2176x32xi1>, vector<2176x32xf32>
    %get3A_94 = arith.constant 2 : index
    %get3A_95 = arith.constant 0 : index
    %get3A_96 = vector.load %arg11[%get3A_94, %get3A_95] : memref<16x32xf32, #tpu.memory_space<vmem>>, vector<1x32xf32>
    %get3A_97 = vector.shape_cast %get3A_96 : vector<1x32xf32> to vector<32xf32>
    %reduce_max3A_98 = arith.constant dense<0xFF800000> : vector<32xf32>
    %reduce_max3A_99 = vector.multi_reduction <maximumf>, %select_n3A_93, %reduce_max3A_98 [0] : vector<2176x32xf32> to vector<32xf32>
    %max3A_100 = arith.maximumf %get3A_97, %reduce_max3A_99 : vector<32xf32>
    %swap3A_101 = arith.constant 2 : index
    %swap3A_102 = arith.constant 0 : index
    %swap3A_103 = vector.load %arg11[%swap3A_101, %swap3A_102] : memref<16x32xf32, #tpu.memory_space<vmem>>, vector<1x32xf32>
    %swap3A_104 = vector.shape_cast %swap3A_103 : vector<1x32xf32> to vector<32xf32>
    %swap3A_105 = vector.shape_cast %max3A_100 : vector<32xf32> to vector<1x32xf32>
    tpu.vector_store %arg11[%swap3A_101, %swap3A_102], %swap3A_105 {strides = array<i32>} : memref<16x32xf32, #tpu.memory_space<vmem>>, vector<1x32xf32>,
    %eq3A_106 = arith.constant 3 : i32
    %eq3A_107 = vector.broadcast %eq3A_106 : i32 to vector<2176x1xi32>
    %eq3A_108 = arith.cmpi eq, %get3A_28, %eq3A_107 : vector<2176x1xi32>
    %jit3A_109 = arith.constant 0xFF800000 : f32
    %broadcast_in_dim3A_110 = vector.shape_cast %eq3A_108 : vector<2176x1xi1> to vector<2176x1xi1>
    %broadcast_in_dim3A_111 = vector.broadcast %broadcast_in_dim3A_110 : vector<2176x1xi1> to vector<2176x32xi1>
    %broadcast_in_dim3A_112 = vector.broadcast %jit3A_109 : f32 to vector<2176x32xf32>
    %select_n3A_113 = arith.select %broadcast_in_dim3A_111, %add3A_25, %broadcast_in_dim3A_112 : vector<2176x32xi1>, vector<2176x32xf32>
    %get3A_114 = arith.constant 3 : index
    %get3A_115 = arith.constant 0 : index
    %get3A_116 = vector.load %arg11[%get3A_114, %get3A_115] : memref<16x32xf32, #tpu.memory_space<vmem>>, vector<1x32xf32>
    %get3A_117 = vector.shape_cast %get3A_116 : vector<1x32xf32> to vector<32xf32>
    %reduce_max3A_118 = arith.constant dense<0xFF800000> : vector<32xf32>
    %reduce_max3A_119 = vector.multi_reduction <maximumf>, %select_n3A_113, %reduce_max3A_118 [0] : vector<2176x32xf32> to vector<32xf32>
    %max3A_120 = arith.maximumf %get3A_117, %reduce_max3A_119 : vector<32xf32>
    %swap3A_121 = arith.constant 3 : index
    %swap3A_122 = arith.constant 0 : index
    %swap3A_123 = vector.load %arg11[%swap3A_121, %swap3A_122] : memref<16x32xf32, #tpu.memory_space<vmem>>, vector<1x32xf32>
    %swap3A_124 = vector.shape_cast %swap3A_123 : vector<1x32xf32> to vector<32xf32>
    %swap3A_125 = vector.shape_cast %max3A_120 : vector<32xf32> to vector<1x32xf32>
    tpu.vector_store %arg11[%swap3A_121, %swap3A_122], %swap3A_125 {strides = array<i32>} : memref<16x32xf32, #tpu.memory_space<vmem>>, vector<1x32xf32>,
    %eq3A_126 = arith.constant 4 : i32
    %eq3A_127 = vector.broadcast %eq3A_126 : i32 to vector<2176x1xi32>
    %eq3A_128 = arith.cmpi eq, %get3A_28, %eq3A_127 : vector<2176x1xi32>
    %jit3A_129 = arith.constant 0xFF800000 : f32
    %broadcast_in_dim3A_130 = vector.shape_cast %eq3A_128 : vector<2176x1xi1> to vector<2176x1xi1>
    %broadcast_in_dim3A_131 = vector.broadcast %broadcast_in_dim3A_130 : vector<2176x1xi1> to vector<2176x32xi1>
    %broadcast_in_dim3A_132 = vector.broadcast %jit3A_129 : f32 to vector<2176x32xf32>
    %select_n3A_133 = arith.select %broadcast_in_dim3A_131, %add3A_25, %broadcast_in_dim3A_132 : vector<2176x32xi1>, vector<2176x32xf32>
    %get3A_134 = arith.constant 4 : index
    %get3A_135 = arith.constant 0 : index
    %get3A_136 = vector.load %arg11[%get3A_134, %get3A_135] : memref<16x32xf32, #tpu.memory_space<vmem>>, vector<1x32xf32>
    %get3A_137 = vector.shape_cast %get3A_136 : vector<1x32xf32> to vector<32xf32>
    %reduce_max3A_138 = arith.constant dense<0xFF800000> : vector<32xf32>
    %reduce_max3A_139 = vector.multi_reduction <maximumf>, %select_n3A_133, %reduce_max3A_138 [0] : vector<2176x32xf32> to vector<32xf32>
    %max3A_140 = arith.maximumf %get3A_137, %reduce_max3A_139 : vector<32xf32>
    %swap3A_141 = arith.constant 4 : index
    %swap3A_142 = arith.constant 0 : index
    %swap3A_143 = vector.load %arg11[%swap3A_141, %swap3A_142] : memref<16x32xf32, #tpu.memory_space<vmem>>, vector<1x32xf32>
    %swap3A_144 = vector.shape_cast %swap3A_143 : vector<1x32xf32> to vector<32xf32>
    %swap3A_145 = vector.shape_cast %max3A_140 : vector<32xf32> to vector<1x32xf32>
    tpu.vector_store %arg11[%swap3A_141, %swap3A_142], %swap3A_145 {strides = array<i32>} : memref<16x32xf32, #tpu.memory_space<vmem>>, vector<1x32xf32>,
    %eq3A_146 = arith.constant 5 : i32
    %eq3A_147 = vector.broadcast %eq3A_146 : i32 to vector<2176x1xi32>
    %eq3A_148 = arith.cmpi eq, %get3A_28, %eq3A_147 : vector<2176x1xi32>
    %jit3A_149 = arith.constant 0xFF800000 : f32
    %broadcast_in_dim3A_150 = vector.shape_cast %eq3A_148 : vector<2176x1xi1> to vector<2176x1xi1>
    %broadcast_in_dim3A_151 = vector.broadcast %broadcast_in_dim3A_150 : vector<2176x1xi1> to vector<2176x32xi1>
    %broadcast_in_dim3A_152 = vector.broadcast %jit3A_149 : f32 to vector<2176x32xf32>
    %select_n3A_153 = arith.select %broadcast_in_dim3A_151, %add3A_25, %broadcast_in_dim3A_152 : vector<2176x32xi1>, vector<2176x32xf32>
    %get3A_154 = arith.constant 5 : index
    %get3A_155 = arith.constant 0 : index
    %get3A_156 = vector.load %arg11[%get3A_154, %get3A_155] : memref<16x32xf32, #tpu.memory_space<vmem>>, vector<1x32xf32>
    %get3A_157 = vector.shape_cast %get3A_156 : vector<1x32xf32> to vector<32xf32>
    %reduce_max3A_158 = arith.constant dense<0xFF800000> : vector<32xf32>
    %reduce_max3A_159 = vector.multi_reduction <maximumf>, %select_n3A_153, %reduce_max3A_158 [0] : vector<2176x32xf32> to vector<32xf32>
    %max3A_160 = arith.maximumf %get3A_157, %reduce_max3A_159 : vector<32xf32>
    %swap3A_161 = arith.constant 5 : index
    %swap3A_162 = arith.constant 0 : index
    %swap3A_163 = vector.load %arg11[%swap3A_161, %swap3A_162] : memref<16x32xf32, #tpu.memory_space<vmem>>, vector<1x32xf32>
    %swap3A_164 = vector.shape_cast %swap3A_163 : vector<1x32xf32> to vector<32xf32>
    %swap3A_165 = vector.shape_cast %max3A_160 : vector<32xf32> to vector<1x32xf32>
    tpu.vector_store %arg11[%swap3A_161, %swap3A_162], %swap3A_165 {strides = array<i32>} : memref<16x32xf32, #tpu.memory_space<vmem>>, vector<1x32xf32>,
    %eq3A_166 = arith.constant 6 : i32
    %eq3A_167 = vector.broadcast %eq3A_166 : i32 to vector<2176x1xi32>
    %eq3A_168 = arith.cmpi eq, %get3A_28, %eq3A_167 : vector<2176x1xi32>
    %jit3A_169 = arith.constant 0xFF800000 : f32
    %broadcast_in_dim3A_170 = vector.shape_cast %eq3A_168 : vector<2176x1xi1> to vector<2176x1xi1>
    %broadcast_in_dim3A_171 = vector.broadcast %broadcast_in_dim3A_170 : vector<2176x1xi1> to vector<2176x32xi1>
    %broadcast_in_dim3A_172 = vector.broadcast %jit3A_169 : f32 to vector<2176x32xf32>
    %select_n3A_173 = arith.select %broadcast_in_dim3A_171, %add3A_25, %broadcast_in_dim3A_172 : vector<2176x32xi1>, vector<2176x32xf32>
    %get3A_174 = arith.constant 6 : index
    %get3A_175 = arith.constant 0 : index
    %get3A_176 = vector.load %arg11[%get3A_174, %get3A_175] : memref<16x32xf32, #tpu.memory_space<vmem>>, vector<1x32xf32>
    %get3A_177 = vector.shape_cast %get3A_176 : vector<1x32xf32> to vector<32xf32>
    %reduce_max3A_178 = arith.constant dense<0xFF800000> : vector<32xf32>
    %reduce_max3A_179 = vector.multi_reduction <maximumf>, %select_n3A_173, %reduce_max3A_178 [0] : vector<2176x32xf32> to vector<32xf32>
    %max3A_180 = arith.maximumf %get3A_177, %reduce_max3A_179 : vector<32xf32>
    %swap3A_181 = arith.constant 6 : index
    %swap3A_182 = arith.constant 0 : index
    %swap3A_183 = vector.load %arg11[%swap3A_181, %swap3A_182] : memref<16x32xf32, #tpu.memory_space<vmem>>, vector<1x32xf32>
    %swap3A_184 = vector.shape_cast %swap3A_183 : vector<1x32xf32> to vector<32xf32>
    %swap3A_185 = vector.shape_cast %max3A_180 : vector<32xf32> to vector<1x32xf32>
    tpu.vector_store %arg11[%swap3A_181, %swap3A_182], %swap3A_185 {strides = array<i32>} : memref<16x32xf32, #tpu.memory_space<vmem>>, vector<1x32xf32>,
    %eq3A_186 = arith.constant 7 : i32
    %eq3A_187 = vector.broadcast %eq3A_186 : i32 to vector<2176x1xi32>
    %eq3A_188 = arith.cmpi eq, %get3A_28, %eq3A_187 : vector<2176x1xi32>
    %jit3A_189 = arith.constant 0xFF800000 : f32
    %broadcast_in_dim3A_190 = vector.shape_cast %eq3A_188 : vector<2176x1xi1> to vector<2176x1xi1>
    %broadcast_in_dim3A_191 = vector.broadcast %broadcast_in_dim3A_190 : vector<2176x1xi1> to vector<2176x32xi1>
    %broadcast_in_dim3A_192 = vector.broadcast %jit3A_189 : f32 to vector<2176x32xf32>
    %select_n3A_193 = arith.select %broadcast_in_dim3A_191, %add3A_25, %broadcast_in_dim3A_192 : vector<2176x32xi1>, vector<2176x32xf32>
    %get3A_194 = arith.constant 7 : index
    %get3A_195 = arith.constant 0 : index
    %get3A_196 = vector.load %arg11[%get3A_194, %get3A_195] : memref<16x32xf32, #tpu.memory_space<vmem>>, vector<1x32xf32>
    %get3A_197 = vector.shape_cast %get3A_196 : vector<1x32xf32> to vector<32xf32>
    %reduce_max3A_198 = arith.constant dense<0xFF800000> : vector<32xf32>
    %reduce_max3A_199 = vector.multi_reduction <maximumf>, %select_n3A_193, %reduce_max3A_198 [0] : vector<2176x32xf32> to vector<32xf32>
    %max3A_200 = arith.maximumf %get3A_197, %reduce_max3A_199 : vector<32xf32>
    %swap3A_201 = arith.constant 7 : index
    %swap3A_202 = arith.constant 0 : index
    %swap3A_203 = vector.load %arg11[%swap3A_201, %swap3A_202] : memref<16x32xf32, #tpu.memory_space<vmem>>, vector<1x32xf32>
    %swap3A_204 = vector.shape_cast %swap3A_203 : vector<1x32xf32> to vector<32xf32>
    %swap3A_205 = vector.shape_cast %max3A_200 : vector<32xf32> to vector<1x32xf32>
    tpu.vector_store %arg11[%swap3A_201, %swap3A_202], %swap3A_205 {strides = array<i32>} : memref<16x32xf32, #tpu.memory_space<vmem>>, vector<1x32xf32>,
    %eq3A_206 = arith.constant 8 : i32
    %eq3A_207 = vector.broadcast %eq3A_206 : i32 to vector<2176x1xi32>
    %eq3A_208 = arith.cmpi eq, %get3A_28, %eq3A_207 : vector<2176x1xi32>
    %jit3A_209 = arith.constant 0xFF800000 : f32
    %broadcast_in_dim3A_210 = vector.shape_cast %eq3A_208 : vector<2176x1xi1> to vector<2176x1xi1>
    %broadcast_in_dim3A_211 = vector.broadcast %broadcast_in_dim3A_210 : vector<2176x1xi1> to vector<2176x32xi1>
    %broadcast_in_dim3A_212 = vector.broadcast %jit3A_209 : f32 to vector<2176x32xf32>
    %select_n3A_213 = arith.select %broadcast_in_dim3A_211, %add3A_25, %broadcast_in_dim3A_212 : vector<2176x32xi1>, vector<2176x32xf32>
    %get3A_214 = arith.constant 8 : index
    %get3A_215 = arith.constant 0 : index
    %get3A_216 = vector.load %arg11[%get3A_214, %get3A_215] : memref<16x32xf32, #tpu.memory_space<vmem>>, vector<1x32xf32>
    %get3A_217 = vector.shape_cast %get3A_216 : vector<1x32xf32> to vector<32xf32>
    %reduce_max3A_218 = arith.constant dense<0xFF800000> : vector<32xf32>
    %reduce_max3A_219 = vector.multi_reduction <maximumf>, %select_n3A_213, %reduce_max3A_218 [0] : vector<2176x32xf32> to vector<32xf32>
    %max3A_220 = arith.maximumf %get3A_217, %reduce_max3A_219 : vector<32xf32>
    %swap3A_221 = arith.constant 8 : index
    %swap3A_222 = arith.constant 0 : index
    %swap3A_223 = vector.load %arg11[%swap3A_221, %swap3A_222] : memref<16x32xf32, #tpu.memory_space<vmem>>, vector<1x32xf32>
    %swap3A_224 = vector.shape_cast %swap3A_223 : vector<1x32xf32> to vector<32xf32>
    %swap3A_225 = vector.shape_cast %max3A_220 : vector<32xf32> to vector<1x32xf32>
    tpu.vector_store %arg11[%swap3A_221, %swap3A_222], %swap3A_225 {strides = array<i32>} : memref<16x32xf32, #tpu.memory_space<vmem>>, vector<1x32xf32>,
    %eq3A_226 = arith.constant 9 : i32
    %eq3A_227 = vector.broadcast %eq3A_226 : i32 to vector<2176x1xi32>
    %eq3A_228 = arith.cmpi eq, %get3A_28, %eq3A_227 : vector<2176x1xi32>
    %jit3A_229 = arith.constant 0xFF800000 : f32
    %broadcast_in_dim3A_230 = vector.shape_cast %eq3A_228 : vector<2176x1xi1> to vector<2176x1xi1>
    %broadcast_in_dim3A_231 = vector.broadcast %broadcast_in_dim3A_230 : vector<2176x1xi1> to vector<2176x32xi1>
    %broadcast_in_dim3A_232 = vector.broadcast %jit3A_229 : f32 to vector<2176x32xf32>
    %select_n3A_233 = arith.select %broadcast_in_dim3A_231, %add3A_25, %broadcast_in_dim3A_232 : vector<2176x32xi1>, vector<2176x32xf32>
    %get3A_234 = arith.constant 9 : index
    %get3A_235 = arith.constant 0 : index
    %get3A_236 = vector.load %arg11[%get3A_234, %get3A_235] : memref<16x32xf32, #tpu.memory_space<vmem>>, vector<1x32xf32>
    %get3A_237 = vector.shape_cast %get3A_236 : vector<1x32xf32> to vector<32xf32>
    %reduce_max3A_238 = arith.constant dense<0xFF800000> : vector<32xf32>
    %reduce_max3A_239 = vector.multi_reduction <maximumf>, %select_n3A_233, %reduce_max3A_238 [0] : vector<2176x32xf32> to vector<32xf32>
    %max3A_240 = arith.maximumf %get3A_237, %reduce_max3A_239 : vector<32xf32>
    %swap3A_241 = arith.constant 9 : index
    %swap3A_242 = arith.constant 0 : index
    %swap3A_243 = vector.load %arg11[%swap3A_241, %swap3A_242] : memref<16x32xf32, #tpu.memory_space<vmem>>, vector<1x32xf32>
    %swap3A_244 = vector.shape_cast %swap3A_243 : vector<1x32xf32> to vector<32xf32>
    %swap3A_245 = vector.shape_cast %max3A_240 : vector<32xf32> to vector<1x32xf32>
    tpu.vector_store %arg11[%swap3A_241, %swap3A_242], %swap3A_245 {strides = array<i32>} : memref<16x32xf32, #tpu.memory_space<vmem>>, vector<1x32xf32>,
    %eq3A_246 = arith.constant 10 : i32
    %eq3A_247 = vector.broadcast %eq3A_246 : i32 to vector<2176x1xi32>
    %eq3A_248 = arith.cmpi eq, %get3A_28, %eq3A_247 : vector<2176x1xi32>
    %jit3A_249 = arith.constant 0xFF800000 : f32
    %broadcast_in_dim3A_250 = vector.shape_cast %eq3A_248 : vector<2176x1xi1> to vector<2176x1xi1>
    %broadcast_in_dim3A_251 = vector.broadcast %broadcast_in_dim3A_250 : vector<2176x1xi1> to vector<2176x32xi1>
    %broadcast_in_dim3A_252 = vector.broadcast %jit3A_249 : f32 to vector<2176x32xf32>
    %select_n3A_253 = arith.select %broadcast_in_dim3A_251, %add3A_25, %broadcast_in_dim3A_252 : vector<2176x32xi1>, vector<2176x32xf32>
    %get3A_254 = arith.constant 10 : index
    %get3A_255 = arith.constant 0 : index
    %get3A_256 = vector.load %arg11[%get3A_254, %get3A_255] : memref<16x32xf32, #tpu.memory_space<vmem>>, vector<1x32xf32>
    %get3A_257 = vector.shape_cast %get3A_256 : vector<1x32xf32> to vector<32xf32>
    %reduce_max3A_258 = arith.constant dense<0xFF800000> : vector<32xf32>
    %reduce_max3A_259 = vector.multi_reduction <maximumf>, %select_n3A_253, %reduce_max3A_258 [0] : vector<2176x32xf32> to vector<32xf32>
    %max3A_260 = arith.maximumf %get3A_257, %reduce_max3A_259 : vector<32xf32>
    %swap3A_261 = arith.constant 10 : index
    %swap3A_262 = arith.constant 0 : index
    %swap3A_263 = vector.load %arg11[%swap3A_261, %swap3A_262] : memref<16x32xf32, #tpu.memory_space<vmem>>, vector<1x32xf32>
    %swap3A_264 = vector.shape_cast %swap3A_263 : vector<1x32xf32> to vector<32xf32>
    %swap3A_265 = vector.shape_cast %max3A_260 : vector<32xf32> to vector<1x32xf32>
    tpu.vector_store %arg11[%swap3A_261, %swap3A_262], %swap3A_265 {strides = array<i32>} : memref<16x32xf32, #tpu.memory_space<vmem>>, vector<1x32xf32>,
    %eq3A_266 = arith.constant 11 : i32
    %eq3A_267 = vector.broadcast %eq3A_266 : i32 to vector<2176x1xi32>
    %eq3A_268 = arith.cmpi eq, %get3A_28, %eq3A_267 : vector<2176x1xi32>
    %jit3A_269 = arith.constant 0xFF800000 : f32
    %broadcast_in_dim3A_270 = vector.shape_cast %eq3A_268 : vector<2176x1xi1> to vector<2176x1xi1>
    %broadcast_in_dim3A_271 = vector.broadcast %broadcast_in_dim3A_270 : vector<2176x1xi1> to vector<2176x32xi1>
    %broadcast_in_dim3A_272 = vector.broadcast %jit3A_269 : f32 to vector<2176x32xf32>
    %select_n3A_273 = arith.select %broadcast_in_dim3A_271, %add3A_25, %broadcast_in_dim3A_272 : vector<2176x32xi1>, vector<2176x32xf32>
    %get3A_274 = arith.constant 11 : index
    %get3A_275 = arith.constant 0 : index
    %get3A_276 = vector.load %arg11[%get3A_274, %get3A_275] : memref<16x32xf32, #tpu.memory_space<vmem>>, vector<1x32xf32>
    %get3A_277 = vector.shape_cast %get3A_276 : vector<1x32xf32> to vector<32xf32>
    %reduce_max3A_278 = arith.constant dense<0xFF800000> : vector<32xf32>
    %reduce_max3A_279 = vector.multi_reduction <maximumf>, %select_n3A_273, %reduce_max3A_278 [0] : vector<2176x32xf32> to vector<32xf32>
    %max3A_280 = arith.maximumf %get3A_277, %reduce_max3A_279 : vector<32xf32>
    %swap3A_281 = arith.constant 11 : index
    %swap3A_282 = arith.constant 0 : index
    %swap3A_283 = vector.load %arg11[%swap3A_281, %swap3A_282] : memref<16x32xf32, #tpu.memory_space<vmem>>, vector<1x32xf32>
    %swap3A_284 = vector.shape_cast %swap3A_283 : vector<1x32xf32> to vector<32xf32>
    %swap3A_285 = vector.shape_cast %max3A_280 : vector<32xf32> to vector<1x32xf32>
    tpu.vector_store %arg11[%swap3A_281, %swap3A_282], %swap3A_285 {strides = array<i32>} : memref<16x32xf32, #tpu.memory_space<vmem>>, vector<1x32xf32>,
    %eq3A_286 = arith.constant 12 : i32
    %eq3A_287 = vector.broadcast %eq3A_286 : i32 to vector<2176x1xi32>
    %eq3A_288 = arith.cmpi eq, %get3A_28, %eq3A_287 : vector<2176x1xi32>
    %jit3A_289 = arith.constant 0xFF800000 : f32
    %broadcast_in_dim3A_290 = vector.shape_cast %eq3A_288 : vector<2176x1xi1> to vector<2176x1xi1>
    %broadcast_in_dim3A_291 = vector.broadcast %broadcast_in_dim3A_290 : vector<2176x1xi1> to vector<2176x32xi1>
    %broadcast_in_dim3A_292 = vector.broadcast %jit3A_289 : f32 to vector<2176x32xf32>
    %select_n3A_293 = arith.select %broadcast_in_dim3A_291, %add3A_25, %broadcast_in_dim3A_292 : vector<2176x32xi1>, vector<2176x32xf32>
    %get3A_294 = arith.constant 12 : index
    %get3A_295 = arith.constant 0 : index
    %get3A_296 = vector.load %arg11[%get3A_294, %get3A_295] : memref<16x32xf32, #tpu.memory_space<vmem>>, vector<1x32xf32>
    %get3A_297 = vector.shape_cast %get3A_296 : vector<1x32xf32> to vector<32xf32>
    %reduce_max3A_298 = arith.constant dense<0xFF800000> : vector<32xf32>
    %reduce_max3A_299 = vector.multi_reduction <maximumf>, %select_n3A_293, %reduce_max3A_298 [0] : vector<2176x32xf32> to vector<32xf32>
    %max3A_300 = arith.maximumf %get3A_297, %reduce_max3A_299 : vector<32xf32>
    %swap3A_301 = arith.constant 12 : index
    %swap3A_302 = arith.constant 0 : index
    %swap3A_303 = vector.load %arg11[%swap3A_301, %swap3A_302] : memref<16x32xf32, #tpu.memory_space<vmem>>, vector<1x32xf32>
    %swap3A_304 = vector.shape_cast %swap3A_303 : vector<1x32xf32> to vector<32xf32>
    %swap3A_305 = vector.shape_cast %max3A_300 : vector<32xf32> to vector<1x32xf32>
    tpu.vector_store %arg11[%swap3A_301, %swap3A_302], %swap3A_305 {strides = array<i32>} : memref<16x32xf32, #tpu.memory_space<vmem>>, vector<1x32xf32>,
    %eq3A_306 = arith.constant 13 : i32
    %eq3A_307 = vector.broadcast %eq3A_306 : i32 to vector<2176x1xi32>
    %eq3A_308 = arith.cmpi eq, %get3A_28, %eq3A_307 : vector<2176x1xi32>
    %jit3A_309 = arith.constant 0xFF800000 : f32
    %broadcast_in_dim3A_310 = vector.shape_cast %eq3A_308 : vector<2176x1xi1> to vector<2176x1xi1>
    %broadcast_in_dim3A_311 = vector.broadcast %broadcast_in_dim3A_310 : vector<2176x1xi1> to vector<2176x32xi1>
    %broadcast_in_dim3A_312 = vector.broadcast %jit3A_309 : f32 to vector<2176x32xf32>
    %select_n3A_313 = arith.select %broadcast_in_dim3A_311, %add3A_25, %broadcast_in_dim3A_312 : vector<2176x32xi1>, vector<2176x32xf32>
    %get3A_314 = arith.constant 13 : index
    %get3A_315 = arith.constant 0 : index
    %get3A_316 = vector.load %arg11[%get3A_314, %get3A_315] : memref<16x32xf32, #tpu.memory_space<vmem>>, vector<1x32xf32>
    %get3A_317 = vector.shape_cast %get3A_316 : vector<1x32xf32> to vector<32xf32>
    %reduce_max3A_318 = arith.constant dense<0xFF800000> : vector<32xf32>
    %reduce_max3A_319 = vector.multi_reduction <maximumf>, %select_n3A_313, %reduce_max3A_318 [0] : vector<2176x32xf32> to vector<32xf32>
    %max3A_320 = arith.maximumf %get3A_317, %reduce_max3A_319 : vector<32xf32>
    %swap3A_321 = arith.constant 13 : index
    %swap3A_322 = arith.constant 0 : index
    %swap3A_323 = vector.load %arg11[%swap3A_321, %swap3A_322] : memref<16x32xf32, #tpu.memory_space<vmem>>, vector<1x32xf32>
    %swap3A_324 = vector.shape_cast %swap3A_323 : vector<1x32xf32> to vector<32xf32>
    %swap3A_325 = vector.shape_cast %max3A_320 : vector<32xf32> to vector<1x32xf32>
    tpu.vector_store %arg11[%swap3A_321, %swap3A_322], %swap3A_325 {strides = array<i32>} : memref<16x32xf32, #tpu.memory_space<vmem>>, vector<1x32xf32>,
    %eq3A_326 = arith.constant 14 : i32
    %eq3A_327 = vector.broadcast %eq3A_326 : i32 to vector<2176x1xi32>
    %eq3A_328 = arith.cmpi eq, %get3A_28, %eq3A_327 : vector<2176x1xi32>
    %jit3A_329 = arith.constant 0xFF800000 : f32
    %broadcast_in_dim3A_330 = vector.shape_cast %eq3A_328 : vector<2176x1xi1> to vector<2176x1xi1>
    %broadcast_in_dim3A_331 = vector.broadcast %broadcast_in_dim3A_330 : vector<2176x1xi1> to vector<2176x32xi1>
    %broadcast_in_dim3A_332 = vector.broadcast %jit3A_329 : f32 to vector<2176x32xf32>
    %select_n3A_333 = arith.select %broadcast_in_dim3A_331, %add3A_25, %broadcast_in_dim3A_332 : vector<2176x32xi1>, vector<2176x32xf32>
    %get3A_334 = arith.constant 14 : index
    %get3A_335 = arith.constant 0 : index
    %get3A_336 = vector.load %arg11[%get3A_334, %get3A_335] : memref<16x32xf32, #tpu.memory_space<vmem>>, vector<1x32xf32>
    %get3A_337 = vector.shape_cast %get3A_336 : vector<1x32xf32> to vector<32xf32>
    %reduce_max3A_338 = arith.constant dense<0xFF800000> : vector<32xf32>
    %reduce_max3A_339 = vector.multi_reduction <maximumf>, %select_n3A_333, %reduce_max3A_338 [0] : vector<2176x32xf32> to vector<32xf32>
    %max3A_340 = arith.maximumf %get3A_337, %reduce_max3A_339 : vector<32xf32>
    %swap3A_341 = arith.constant 14 : index
    %swap3A_342 = arith.constant 0 : index
    %swap3A_343 = vector.load %arg11[%swap3A_341, %swap3A_342] : memref<16x32xf32, #tpu.memory_space<vmem>>, vector<1x32xf32>
    %swap3A_344 = vector.shape_cast %swap3A_343 : vector<1x32xf32> to vector<32xf32>
    %swap3A_345 = vector.shape_cast %max3A_340 : vector<32xf32> to vector<1x32xf32>
    tpu.vector_store %arg11[%swap3A_341, %swap3A_342], %swap3A_345 {strides = array<i32>} : memref<16x32xf32, #tpu.memory_space<vmem>>, vector<1x32xf32>,
    %eq3A_346 = arith.constant 15 : i32
    %eq3A_347 = vector.broadcast %eq3A_346 : i32 to vector<2176x1xi32>
    %eq3A_348 = arith.cmpi eq, %get3A_28, %eq3A_347 : vector<2176x1xi32>
    %jit3A_349 = arith.constant 0xFF800000 : f32
    %broadcast_in_dim3A_350 = vector.shape_cast %eq3A_348 : vector<2176x1xi1> to vector<2176x1xi1>
    %broadcast_in_dim3A_351 = vector.broadcast %broadcast_in_dim3A_350 : vector<2176x1xi1> to vector<2176x32xi1>
    %broadcast_in_dim3A_352 = vector.broadcast %jit3A_349 : f32 to vector<2176x32xf32>
    %select_n3A_353 = arith.select %broadcast_in_dim3A_351, %add3A_25, %broadcast_in_dim3A_352 : vector<2176x32xi1>, vector<2176x32xf32>
    %get3A_354 = arith.constant 15 : index
    %get3A_355 = arith.constant 0 : index
    %get3A_356 = vector.load %arg11[%get3A_354, %get3A_355] : memref<16x32xf32, #tpu.memory_space<vmem>>, vector<1x32xf32>
    %get3A_357 = vector.shape_cast %get3A_356 : vector<1x32xf32> to vector<32xf32>
    %reduce_max3A_358 = arith.constant dense<0xFF800000> : vector<32xf32>
    %reduce_max3A_359 = vector.multi_reduction <maximumf>, %select_n3A_353, %reduce_max3A_358 [0] : vector<2176x32xf32> to vector<32xf32>
    %max3A_360 = arith.maximumf %get3A_357, %reduce_max3A_359 : vector<32xf32>
    %swap3A_361 = arith.constant 15 : index
    %swap3A_362 = arith.constant 0 : index
    %swap3A_363 = vector.load %arg11[%swap3A_361, %swap3A_362] : memref<16x32xf32, #tpu.memory_space<vmem>>, vector<1x32xf32>
    %swap3A_364 = vector.shape_cast %swap3A_363 : vector<1x32xf32> to vector<32xf32>
    %swap3A_365 = vector.shape_cast %max3A_360 : vector<32xf32> to vector<1x32xf32>
    tpu.vector_store %arg11[%swap3A_361, %swap3A_362], %swap3A_365 {strides = array<i32>} : memref<16x32xf32, #tpu.memory_space<vmem>>, vector<1x32xf32>,
    %eq3A_366 = arith.constant 45 : i32
    %eq3A_367 = arith.cmpi eq, %arg0, %eq3A_366 : i32
    %convert_element_type3A_368 = arith.extui %eq3A_367 : i1 to i32
    %cond3A_369 = arith.constant 0 : i32
    %cond3A_370 = arith.cmpi ne, %convert_element_type3A_368, %cond3A_369 : i32
    scf.if %cond3A_370 {
      %get3A_371 = arith.constant 0 : index
      %get3A_372 = arith.constant 0 : index
      %get3A_373 = vector.load %arg9[%get3A_371, %get3A_372] : memref<16x32xf32, #tpu.memory_space<vmem>>, vector<16x32xf32>
      %get3A_374 = arith.constant 0 : index
      %get3A_375 = arith.constant 0 : index
      %get3A_376 = vector.load %arg10[%get3A_374, %get3A_375] : memref<16x32xf32, #tpu.memory_space<vmem>>, vector<16x32xf32>
      %max3A_377 = arith.constant 1.000000e+00 : f32
      %max3A_378 = vector.broadcast %max3A_377 : f32 to vector<16x32xf32>
      %max3A_379 = arith.maximumf %get3A_376, %max3A_378 : vector<16x32xf32>
      %div3A = arith.divf %get3A_373, %max3A_379 : vector<16x32xf32>
      %get3A_380 = arith.constant 0 : index
      %get3A_381 = arith.constant 0 : index
      %get3A_382 = vector.load %arg11[%get3A_380, %get3A_381] : memref<16x32xf32, #tpu.memory_space<vmem>>, vector<16x32xf32>
      %concatenate3A_383 = tpu.concatenate %div3A, %get3A_382 in 1 : vector<16x32xf32>, vector<16x32xf32> -> vector<16x64xf32>
      %mul3A_384 = arith.constant 1.000000e+03 : f32
      %mul3A_385 = vector.broadcast %mul3A_384 : f32 to vector<16x64xf32>
      %mul3A_386 = arith.mulf %concatenate3A_383, %mul3A_385 : vector<16x64xf32>
      %round3A = math.roundeven %mul3A_386 : vector<16x64xf32>
      %div3A_387 = arith.constant 1.000000e+03 : f32
      %div3A_388 = vector.broadcast %div3A_387 : f32 to vector<16x64xf32>
      %div3A_389 = arith.divf %round3A, %div3A_388 : vector<16x64xf32>
      %swap3A_390 = arith.constant 0 : index
      %swap3A_391 = arith.constant 0 : index
      %swap3A_392 = vector.load %arg8[%swap3A_390, %swap3A_391] : memref<16x64xf32, #tpu.memory_space<vmem>>, vector<16x64xf32>
      tpu.vector_store %arg8[%swap3A_390, %swap3A_391], %div3A_389 {strides = array<i32>} : memref<16x64xf32, #tpu.memory_space<vmem>>, vector<16x64xf32>,
    } else {
    }
    return
  }
  func.func @transform_0(%arg0: i32) -> (i32, i32) {
    %c0_i32 = arith.constant 0 : i32
    %c0_i32_0 = arith.constant 0 : i32
    return %arg0, %c0_i32 : i32, i32
  }
  func.func @transform_1(%arg0: i32) -> (i32, i32) {
    %c0_i32 = arith.constant 0 : i32
    %c0_i32_0 = arith.constant 0 : i32
    return %arg0, %c0_i32 : i32, i32
  }
  func.func @transform_2(%arg0: i32) -> (i32, i32) {
    %c0_i32 = arith.constant 0 : i32
    %c0_i32_0 = arith.constant 0 : i32
    return %arg0, %c0_i32 : i32, i32
  }
  func.func @transform_3(%arg0: i32) -> (i32, i32) {
    %c0_i32 = arith.constant 0 : i32
    %c0_i32_0 = arith.constant 0 : i32
    return %arg0, %c0_i32 : i32, i32
  }
  func.func @transform_4(%arg0: i32) -> (i32, i32) {
    %c0_i32 = arith.constant 0 : i32
    %c0_i32_0 = arith.constant 0 : i32
    return %arg0, %c0_i32 : i32, i32
  }
  func.func @transform_5(%arg0: i32) -> (i32, i32) {
    %c0_i32 = arith.constant 0 : i32
    %c0_i32_0 = arith.constant 0 : i32
    %c0_i32_1 = arith.constant 0 : i32
    return %c0_i32, %c0_i32_0 : i32, i32
  }
  func.func @transform_6(%arg0: i32) -> (i32, i32) {
    %c0_i32 = arith.constant 0 : i32
    %c0_i32_0 = arith.constant 0 : i32
    %c0_i32_1 = arith.constant 0 : i32
    return %c0_i32, %c0_i32_0 : i32, i32
  }
  func.func @transform_7(%arg0: i32) -> (i32, i32) {
    %c0_i32 = arith.constant 0 : i32
    %c0_i32_0 = arith.constant 0 : i32
    %c0_i32_1 = arith.constant 0 : i32
    return %c0_i32, %c0_i32_0 : i32, i32
  }
}

module attributes {stable_mosaic.version = 14 : i64} {
  func.func @_head_body(%arg0: memref<16x832xf32, #tpu.memory_space<vmem>>, %arg1: memref<832x256xf32, #tpu.memory_space<vmem>>, %arg2: memref<256xf32, #tpu.memory_space<vmem>>, %arg3: memref<256x256xf32, #tpu.memory_space<vmem>>, %arg4: memref<256xf32, #tpu.memory_space<vmem>>, %arg5: memref<256x7xf32, #tpu.memory_space<vmem>>, %arg6: memref<7xf32, #tpu.memory_space<vmem>>, %arg7: memref<256x256xf32, #tpu.memory_space<vmem>>, %arg8: memref<256xf32, #tpu.memory_space<vmem>>, %arg9: memref<256x1xf32, #tpu.memory_space<vmem>>, %arg10: memref<1xf32, #tpu.memory_space<vmem>>, %arg11: memref<16x7xf32, #tpu.memory_space<vmem>>, %arg12: memref<16x7xf32, #tpu.memory_space<vmem>>, %arg13: memref<16x1xf32, #tpu.memory_space<vmem>>) attributes {dimension_semantics = [], scalar_prefetch = 0 : i64, scratch_operands = 0 : i64, tpu.core_type = #tpu.core_type<tc>} {
    %get3A = arith.constant 0 : index
    %get3A_0 = arith.constant 0 : index
    %get3A_1 = vector.load %arg0[%get3A, %get3A_0] : memref<16x832xf32, #tpu.memory_space<vmem>>, vector<16x832xf32>
    %get3A_2 = arith.constant 0 : index
    %get3A_3 = arith.constant 0 : index
    %get3A_4 = vector.load %arg1[%get3A_2, %get3A_3] : memref<832x256xf32, #tpu.memory_space<vmem>>, vector<832x256xf32>
    %dot_general3A = arith.constant dense<0.000000e+00> : vector<16x256xf32>
    %dot_general3A_5 = tpu.matmul %get3A_1, %get3A_4, %dot_general3A {dimension_numbers = #tpu.dot_dimension_numbers<[1], [0], [0], [1], [0, 0, 1, 1], [], []>, transpose_lhs_hint = false} : vector<16x832xf32>, vector<832x256xf32>, vector<16x256xf32> -> vector<16x256xf32>
    %get3A_6 = arith.constant 0 : index
    %get3A_7 = vector.load %arg2[%get3A_6] : memref<256xf32, #tpu.memory_space<vmem>>, vector<256xf32>
    %broadcast_in_dim3A = vector.shape_cast %get3A_7 : vector<256xf32> to vector<1x256xf32>
    %add3A = vector.broadcast %broadcast_in_dim3A : vector<1x256xf32> to vector<16x256xf32>
    %add3A_8 = arith.addf %dot_general3A_5, %add3A : vector<16x256xf32>
    %ge3A = arith.constant 0.000000e+00 : f32
    %ge3A_9 = vector.broadcast %ge3A : f32 to vector<16x256xf32>
    %ge3A_10 = arith.cmpf oge, %add3A_8, %ge3A_9 : vector<16x256xf32>
    %mul3A = arith.constant 0.00999999977 : f32
    %mul3A_11 = vector.broadcast %mul3A : f32 to vector<16x256xf32>
    %mul3A_12 = arith.mulf %mul3A_11, %add3A_8 : vector<16x256xf32>
    %select_n3A = arith.select %ge3A_10, %add3A_8, %mul3A_12 : vector<16x256xi1>, vector<16x256xf32>
    %get3A_13 = arith.constant 0 : index
    %get3A_14 = arith.constant 0 : index
    %get3A_15 = vector.load %arg3[%get3A_13, %get3A_14] : memref<256x256xf32, #tpu.memory_space<vmem>>, vector<256x256xf32>
    %dot_general3A_16 = arith.constant dense<0.000000e+00> : vector<16x256xf32>
    %dot_general3A_17 = tpu.matmul %select_n3A, %get3A_15, %dot_general3A_16 {dimension_numbers = #tpu.dot_dimension_numbers<[1], [0], [0], [1], [0, 0, 1, 1], [], []>, transpose_lhs_hint = false} : vector<16x256xf32>, vector<256x256xf32>, vector<16x256xf32> -> vector<16x256xf32>
    %get3A_18 = arith.constant 0 : index
    %get3A_19 = vector.load %arg4[%get3A_18] : memref<256xf32, #tpu.memory_space<vmem>>, vector<256xf32>
    %broadcast_in_dim3A_20 = vector.shape_cast %get3A_19 : vector<256xf32> to vector<1x256xf32>
    %add3A_21 = vector.broadcast %broadcast_in_dim3A_20 : vector<1x256xf32> to vector<16x256xf32>
    %add3A_22 = arith.addf %dot_general3A_17, %add3A_21 : vector<16x256xf32>
    %ge3A_23 = arith.constant 0.000000e+00 : f32
    %ge3A_24 = vector.broadcast %ge3A_23 : f32 to vector<16x256xf32>
    %ge3A_25 = arith.cmpf oge, %add3A_22, %ge3A_24 : vector<16x256xf32>
    %mul3A_26 = arith.constant 0.00999999977 : f32
    %mul3A_27 = vector.broadcast %mul3A_26 : f32 to vector<16x256xf32>
    %mul3A_28 = arith.mulf %mul3A_27, %add3A_22 : vector<16x256xf32>
    %select_n3A_29 = arith.select %ge3A_25, %add3A_22, %mul3A_28 : vector<16x256xi1>, vector<16x256xf32>
    %get3A_30 = arith.constant 0 : index
    %get3A_31 = arith.constant 0 : index
    %get3A_32 = vector.load %arg7[%get3A_30, %get3A_31] : memref<256x256xf32, #tpu.memory_space<vmem>>, vector<256x256xf32>
    %dot_general3A_33 = arith.constant dense<0.000000e+00> : vector<16x256xf32>
    %dot_general3A_34 = tpu.matmul %select_n3A, %get3A_32, %dot_general3A_33 {dimension_numbers = #tpu.dot_dimension_numbers<[1], [0], [0], [1], [0, 0, 1, 1], [], []>, transpose_lhs_hint = false} : vector<16x256xf32>, vector<256x256xf32>, vector<16x256xf32> -> vector<16x256xf32>
    %get3A_35 = arith.constant 0 : index
    %get3A_36 = vector.load %arg8[%get3A_35] : memref<256xf32, #tpu.memory_space<vmem>>, vector<256xf32>
    %broadcast_in_dim3A_37 = vector.shape_cast %get3A_36 : vector<256xf32> to vector<1x256xf32>
    %add3A_38 = vector.broadcast %broadcast_in_dim3A_37 : vector<1x256xf32> to vector<16x256xf32>
    %add3A_39 = arith.addf %dot_general3A_34, %add3A_38 : vector<16x256xf32>
    %ge3A_40 = arith.constant 0.000000e+00 : f32
    %ge3A_41 = vector.broadcast %ge3A_40 : f32 to vector<16x256xf32>
    %ge3A_42 = arith.cmpf oge, %add3A_39, %ge3A_41 : vector<16x256xf32>
    %mul3A_43 = arith.constant 0.00999999977 : f32
    %mul3A_44 = vector.broadcast %mul3A_43 : f32 to vector<16x256xf32>
    %mul3A_45 = arith.mulf %mul3A_44, %add3A_39 : vector<16x256xf32>
    %select_n3A_46 = arith.select %ge3A_42, %add3A_39, %mul3A_45 : vector<16x256xi1>, vector<16x256xf32>
    %get3A_47 = arith.constant 0 : index
    %get3A_48 = arith.constant 0 : index
    %get3A_49 = vector.load %arg5[%get3A_47, %get3A_48] : memref<256x7xf32, #tpu.memory_space<vmem>>, vector<256x7xf32>
    %dot_general3A_50 = arith.constant dense<0.000000e+00> : vector<16x7xf32>
    %dot_general3A_51 = tpu.matmul %select_n3A_29, %get3A_49, %dot_general3A_50 {dimension_numbers = #tpu.dot_dimension_numbers<[1], [0], [0], [1], [0, 0, 1, 1], [], []>, transpose_lhs_hint = false} : vector<16x256xf32>, vector<256x7xf32>, vector<16x7xf32> -> vector<16x7xf32>
    %get3A_52 = arith.constant 0 : index
    %get3A_53 = vector.load %arg6[%get3A_52] : memref<7xf32, #tpu.memory_space<vmem>>, vector<7xf32>
    %broadcast_in_dim3A_54 = vector.shape_cast %get3A_53 : vector<7xf32> to vector<1x7xf32>
    %add3A_55 = vector.broadcast %broadcast_in_dim3A_54 : vector<1x7xf32> to vector<16x7xf32>
    %add3A_56 = arith.addf %dot_general3A_51, %add3A_55 : vector<16x7xf32>
    %swap3A = arith.constant 0 : index
    %swap3A_57 = arith.constant 0 : index
    %swap3A_58 = vector.load %arg11[%swap3A, %swap3A_57] : memref<16x7xf32, #tpu.memory_space<vmem>>, vector<16x7xf32>
    tpu.vector_store %arg11[%swap3A, %swap3A_57], %add3A_56 {strides = array<i32>} : memref<16x7xf32, #tpu.memory_space<vmem>>, vector<16x7xf32>,
    %reduce_max3A = arith.constant dense<0xFF800000> : vector<16xf32>
    %reduce_max3A_59 = vector.multi_reduction <maximumf>, %add3A_56, %reduce_max3A [1] : vector<16x7xf32> to vector<16xf32>
    %max3A = arith.constant 0xFF800000 : f32
    %max3A_60 = vector.broadcast %max3A : f32 to vector<16xf32>
    %max3A_61 = arith.maximumf %max3A_60, %reduce_max3A_59 : vector<16xf32>
    %broadcast_in_dim3A_62 = vector.shape_cast %max3A_61 : vector<16xf32> to vector<16x1xf32>
    %sub3A = vector.broadcast %broadcast_in_dim3A_62 : vector<16x1xf32> to vector<16x7xf32>
    %sub3A_63 = arith.subf %add3A_56, %sub3A : vector<16x7xf32>
    %exp3A = math.exp %sub3A_63 : vector<16x7xf32>
    %reduce_sum3A = arith.constant dense<0.000000e+00> : vector<16xf32>
    %reduce_sum3A_64 = vector.multi_reduction <add>, %exp3A, %reduce_sum3A [1] : vector<16x7xf32> to vector<16xf32>
    %broadcast_in_dim3A_65 = vector.shape_cast %reduce_sum3A_64 : vector<16xf32> to vector<16x1xf32>
    %div3A = vector.broadcast %broadcast_in_dim3A_65 : vector<16x1xf32> to vector<16x7xf32>
    %div3A_66 = arith.divf %exp3A, %div3A : vector<16x7xf32>
    %swap3A_67 = arith.constant 0 : index
    %swap3A_68 = arith.constant 0 : index
    %swap3A_69 = vector.load %arg12[%swap3A_67, %swap3A_68] : memref<16x7xf32, #tpu.memory_space<vmem>>, vector<16x7xf32>
    tpu.vector_store %arg12[%swap3A_67, %swap3A_68], %div3A_66 {strides = array<i32>} : memref<16x7xf32, #tpu.memory_space<vmem>>, vector<16x7xf32>,
    %get3A_70 = arith.constant 0 : index
    %get3A_71 = arith.constant 0 : index
    %get3A_72 = vector.load %arg9[%get3A_70, %get3A_71] : memref<256x1xf32, #tpu.memory_space<vmem>>, vector<256x1xf32>
    %dot_general3A_73 = arith.constant dense<0.000000e+00> : vector<16x1xf32>
    %dot_general3A_74 = tpu.matmul %select_n3A_46, %get3A_72, %dot_general3A_73 {dimension_numbers = #tpu.dot_dimension_numbers<[1], [0], [0], [1], [0, 0, 1, 1], [], []>, transpose_lhs_hint = false} : vector<16x256xf32>, vector<256x1xf32>, vector<16x1xf32> -> vector<16x1xf32>
    %get3A_75 = arith.constant 0 : index
    %get3A_76 = vector.load %arg10[%get3A_75] : memref<1xf32, #tpu.memory_space<vmem>>, vector<1xf32>
    %broadcast_in_dim3A_77 = vector.shape_cast %get3A_76 : vector<1xf32> to vector<1x1xf32>
    %add3A_78 = vector.broadcast %broadcast_in_dim3A_77 : vector<1x1xf32> to vector<16x1xf32>
    %add3A_79 = arith.addf %dot_general3A_74, %add3A_78 : vector<16x1xf32>
    %tanh3A = math.tanh %add3A_79 : vector<16x1xf32>
    %swap3A_80 = arith.constant 0 : index
    %swap3A_81 = arith.constant 0 : index
    %swap3A_82 = vector.load %arg13[%swap3A_80, %swap3A_81] : memref<16x1xf32, #tpu.memory_space<vmem>>, vector<16x1xf32>
    tpu.vector_store %arg13[%swap3A_80, %swap3A_81], %tanh3A {strides = array<i32>} : memref<16x1xf32, #tpu.memory_space<vmem>>, vector<16x1xf32>,
    return
  }
}

</mosaic_0001>

<sc_bundles>
// kernel: kernel.12.cloned.1.call-start
scs
__scs_entry_jumppad:
0x0: {  	(pc) =	sbr.rel $0x88, $3  }
0x1: {  	(tag) =	ssettag $0x0;
	lr =	simm.s32 $0x1  }
0x2: {  	[smem:$0x3F8D] =	sst lr;
	_ =	strace $0xD0000000  }
0x3: {  	_ = 	snop  }
0x4: {  	_ = 	snop  }
0x5: {  	_ = 	snop  }
0x6: {  	_ = 	snop  }
0x7: {  	_ = 	snop  }
__scs_overlays_trampoline_lowered:
0x8: {  	[smem:$0x3F9C] =	sst s0  }
0x9: {  	[smem:$0x3F9D] =	sst s1  }
0xa: {  	[smem:$0x3F9E] =	sst s2  }
0xb: {  	[smem:$0x3F9F] =	sst s3  }
0xc: {  	[smem:$0x3FA0] =	sst s4  }
0xd: {  	[smem:$0x3FA1] =	sst s5  }
0xe: {  	[smem:$0x3FA2] =	sst s6  }
0xf: {  	[smem:$0x3FA3] =	sst s7  }
0x10: {  	[smem:$0x3FA4] =	sst s8  }
0x11: {  	[smem:$0x3FA5] =	sst s9;
	s0 =	simm.s32 @!p0 $0x0  }
0x12: {  	s1 =	sld [smem:$0x3F8B];
	s0 =	simm.s32 @p0 $0x1  }
0x13: {  	[smem:$0x3FA6] =	sst s0;
	s0 =	simm.s32 @!p1 $0x0  }
0x14: {  	s2 =	sld [smem:$0x3F8A];
	s0 =	simm.s32 @p1 $0x1  }
0x15: {  	[smem:$0x3FA7] =	sst s0;
	s0 =	simm.s32 @!p2 $0x0  }
0x16: {  	s3 =	sld [smem:$0x3FDB];
	s0 =	simm.s32 @p2 $0x1  }
0x17: {  	s4 =	simm.s32 $0x1BF5;
	[smem:$0x3FA9] =	sst s0  }
0x18: {  	s0 =	sld [smem:$0x3F8C];
	_ =	swait.ge [sflag:s4], $0x0  }
0x19: {  	s7 =	sld [smem:$0x3F8D]  }
0x1a: {  	s8 =	sadd.s32 $0xFFFFE003, lr  }
0x1b: {  	s9 =	sadd.s32 $0xFFFFFEF7, lr;
	s5 =	simm.s32 $0xFFFFFFFF;
	p2 =	slt.u32 s8, $0xFFFFF086  }
0x1c: {  	p1 =	slt.u32 s9, $0xF7A;
	s5 =	simm.s32 @!p2 $0x0  }
0x1d: {  	s5 =	simm.s32 @p1 $0x1;
	p0 =	seq.s32 s7, s2  }
0x1e: {  	s7 =	smul.u32 @!p0 $0xF7A, s2;
	p2 =	seq.s32 @!p0 s5, $0x0  }
0x1f: {  	s9 =	smul.u32 $0xF7A, s1;
	s8 =	simm.s32 @!p0 $0x1BF5;
	p2 =	por !p2, p0  }
0x20: {  	[sflag:s8] =	ssyncset.s32 @!p0 $0xFFFFF086;
	s6 =	sadd.s32 @!p0 s3, s7;
	s7 =	simm.s32 @!p0 $0x108  }
0x21: {  	s3 =	sadd.s32 s3, s9;
	s6 =	sadd.s32 @!p0 $0x88, s6;
	s7 =	simm.s32 @p2 $0x1082  }
0x22: {  	[simem:s7], [sflag:s8] =	dma.local @!p0 [hbm:s6], $0xF7A  }
0x23: {  	s9 =	sor.u32 $0xD0000000, s2;
	s6 =	simm.s32 $0x108;
	_ =	swait.ge @!p0 [sflag:s8], $0x0  }
0x24: {  	s3 =	sadd.s32 $0x88, s3;
	s6 =	simm.s32 @!p1 $0x1082;
	[sflag:s4] =	ssyncset.s32 $0xFFFFF086  }
0x25: {  	[simem:s6], [sflag:s4] =	dma.local [hbm:s3], $0xF7A  }
0x26: {  	[smem:$0x3F8D] =	sst s1;
	(tag) =	ssettag s2;
	_ =	strace s9  }
0x27: {  	s1 =	sld [smem:$0x3F9D]  }
0x28: {  	s2 =	sld [smem:$0x3F9E]  }
0x29: {  	s4 =	sld [smem:$0x3FA0]  }
0x2a: {  	p0 =	seq.s32 s5, $0x0;
	s5 =	sld [smem:$0x3FA1]  }
0x2b: {  	s6 =	sld [smem:$0x3FA2]  }
0x2c: {  	s7 =	sld [smem:$0x3FA3]  }
0x2d: {  	s3 =	simm.s32 $0x108;
	s8 =	sld [smem:$0x3FA4]  }
0x2e: {  	s3 =	simm.s32 @!p0 $0x1082;
	s9 =	sld [smem:$0x3FA5]  }
0x2f: {  	lr =	sadd.s32 s0, s3;
	s0 =	sld [smem:$0x3F9C]  }
0x30: {  	s3 =	sld [smem:$0x3F9F]  }
0x31: {  	[smem:$0x3FA8] =	sst s10  }
0x32: {  	s10 =	sld [smem:$0x3FA6];
	_ =	sdelay $0x3  }
0x33: {  	p0 =	seq.s32 s10, $0x1;
	s10 =	sld [smem:$0x3FA8];
	_ =	sdelay $0x3  }
0x34: {  	[smem:$0x3FA8] =	sst s10  }
0x35: {  	s10 =	sld [smem:$0x3FA7];
	_ =	sdelay $0x3  }
0x36: {  	p1 =	seq.s32 s10, $0x1;
	s10 =	sld [smem:$0x3FA8];
	_ =	sdelay $0x3  }
0x37: {  	[smem:$0x3FA8] =	sst s10  }
0x38: {  	s10 =	sld [smem:$0x3FA9]  }
0x39: {  	_ = 	snop;
	(pc) =	sbr.ind lr, $3  }
0x3a: {  	_ = 	snop  }
0x3b: {  	_ = 	snop  }
0x3c: {  	p2 =	seq.s32 s10, $0x1;
	s10 =	sld [smem:$0x3FA8]  }
0x3d: {  	_ =	shalt  }
0x3e: {  	_ =	shalt  }
0x3f: {  	_ =	shalt  }
0x40: {  	_ =	shalt  }
0x41: {  	_ =	shalt  }
0x42: {  	_ =	shalt  }
0x43: {  	_ =	shalt  }
0x44: {  	_ =	shalt  }
0x45: {  	_ =	shalt  }
0x46: {  	_ =	shalt  }
0x47: {  	_ =	shalt  }
0x48: {  	_ =	shalt  }
0x49: {  	_ =	shalt  }
0x4a: {  	_ =	shalt  }
0x4b: {  	_ =	shalt  }
0x4c: {  	_ =	shalt  }
0x4d: {  	_ =	shalt  }
0x4e: {  	_ =	shalt  }
0x4f: {  	_ =	shalt  }
0x50: {  	_ =	shalt  }
0x51: {  	_ =	shalt  }
0x52: {  	_ =	shalt  }
0x53: {  	_ =	shalt  }
0x54: {  	_ =	shalt  }
0x55: {  	_ =	shalt  }
0x56: {  	_ =	shalt  }
0x57: {  	_ =	shalt  }
0x58: {  	_ =	shalt  }
0x59: {  	_ =	shalt  }
0x5a: {  	_ =	shalt  }
0x5b: {  	_ =	shalt  }
0x5c: {  	_ =	shalt  }
0x5d: {  	_ =	shalt  }
0x5e: {  	_ =	shalt  }
0x5f: {  	_ =	shalt  }
0x60: {  	_ =	shalt  }
0x61: {  	_ =	shalt  }
0x62: {  	_ =	shalt  }
0x63: {  	_ =	shalt  }
0x64: {  	_ =	shalt  }
0x65: {  	_ =	shalt  }
0x66: {  	_ =	shalt  }
0x67: {  	_ =	shalt  }
0x68: {  	_ =	shalt  }
0x69: {  	_ =	shalt  }
0x6a: {  	_ =	shalt  }
0x6b: {  	_ =	shalt  }
0x6c: {  	_ =	shalt  }
0x6d: {  	_ =	shalt  }
0x6e: {  	_ =	shalt  }
0x6f: {  	_ =	shalt  }
0x70: {  	_ =	shalt  }
0x71: {  	_ =	shalt  }
0x72: {  	_ =	shalt  }
0x73: {  	_ =	shalt  }
0x74: {  	_ =	shalt  }
0x75: {  	_ =	shalt  }
0x76: {  	_ =	shalt  }
0x77: {  	_ =	shalt  }
0x78: {  	_ =	shalt  }
0x79: {  	_ =	shalt  }
0x7a: {  	_ =	shalt  }
0x7b: {  	_ =	shalt  }
0x7c: {  	_ =	shalt  }
0x7d: {  	_ =	shalt  }
0x7e: {  	_ =	shalt  }
0x7f: {  	_ =	shalt  }
0x80: {  	_ =	shalt  }
0x81: {  	_ =	shalt  }
0x82: {  	_ =	shalt  }
0x83: {  	_ =	shalt  }
0x84: {  	_ =	shalt  }
0x85: {  	_ =	shalt  }
0x86: {  	_ =	shalt  }
0x87: {  	_ =	shalt  }
.Lfunc_end0:
.L_simem_size_0:
called_computation.1_lowered:
.L_overlay_start_0:
0x88: {  	s2 =	sld [smem:$0x3FD9]  }
0x89: {  	s3 =	sld [smem:$0x3FFE];
	_ =	sdelay $0x1  }
0x8a: {  	s1 =	srdreg.scid  }
0x8b: {  	s0 =	sand.u32 $0x1, s1  }
0x8c: {  	s16 =	sshll.u32 s0, $0xA;
	s2 =	sadd.s32 s3, s2  }
0x8d: {  	s2 =	sadd.s32 s2, s16  }
0x8e: {  	[smem:$0x3FB4] =	sst s2  }
0x8f: {  	_ = 	snop  }
0x90: {  	(tm) =	ssettm $0x1  }
0x91: {  	s17 =	sld [smem:$0x3FFB];
	_ =	sdelay $0x3  }
0x92: {  	_ =	strace s17  }
0x93: {  	s2 =	sld [smem:$0x3FFC];
	_ =	sdelay $0x3  }
0x94: {  	_ =	strace s2  }
0x95: {  	s2 =	sld [smem:$0x3FFD];
	_ =	sdelay $0x3  }
0x96: {  	_ =	strace s2  }
0x97: {  	_ =	strace $0x8FFFFFFF  }
0x98: {  	s18 =	sld [smem:$0x3FDB];
	_ =	sdelay $0x1  }
0x99: {  	s19 =	simm.s32 $_scs_section_size  }
0x9a: {  	s4 =	simm.s32 $_size__tile_overlayer_lowered;
	s5 =	simm.s32 $_tile_overlayer_lowered  }
0x9b: {  	s22 =	simm.s32 $0x1BFF;
	s21 =	sshll.u32 s5, $0x1;
	s2 =	sadd.s32 s19, s18  }
0x9c: {  	s6 =	simm.s32 $0x0;
	s20 =	sshll.u32 s4, $0x1;
	s4 =	sadd.s32 s21, s2  }
0x9d: {  	[timem:s6], [sflag:s22] =	dma.local [hbm:s4], s20  }
0x9e: {  	_ =	swait.ge [sflag:s22], s20  }
0x9f: {  	s3 =	ssub.s32 $0x0, s20;
	[sflag:s22] =	ssyncset.done $0x0  }
0xa0: {  	[sflag:s22] =	ssyncadd.s32 s3;
	_ =	sdelay $0x1  }
0xa1: {  	s23 =	simm.s32 $0x1B8B  }
0xa2: {  	_ =	swait.ge [sflag:s23], $0x1  }
0xa3: {  	[sflag:s23] =	ssyncset.done $0x0  }
0xa4: {  	s25 =	simm.s32 $0x1B8E;
	s24 =	sld [smem:$0x3FFE];
	[sflag:s23] =	ssyncadd.s32 $0xFFFFFFFF  }
0xa5: {  	s26 =	simm.s32 $execute0_lowered;
	[smem:$0x3FD2] =	sst s25  }
0xa6: {  	s4 =	sshll.u32 s26, $0x1;
	_ =	strace $0x80000049;
	[dreg:$0x1] =	wrdreg $0xFFFFFFFF  }
0xa7: {  	s28 =	simm.s32 $_size_execute0_lowered;
	s2 =	sadd.s32 s2, s4;
	[dreg:$0x0] =	wrdreg $0x0  }
0xa8: {  	s4 =	sshll.u32 s28, $0x1;
	[dreg:$0x2] =	wrdreg s2  }
0xa9: {  	[dreg:$0x3] =	wrdreg s4  }
0xaa: {  	[dreg:$0x4] =	wrdreg $0xC0  }
0xab: {  	_ =	task [dreg:s6], $0x5FFFF  }
0xac: {  	[dreg:$0x1] =	wrdreg $0xFFFFFFFF  }
0xad: {  	[dreg:$0x0] =	wrdreg $0x60  }
0xae: {  	[dreg:$0x2] =	wrdreg s24  }
0xaf: {  	[dreg:$0x3] =	wrdreg $0x70600  }
0xb0: {  	[dreg:$0x4] =	wrdreg $0x88D00  }
0xb1: {  	[dreg:$0x5] =	wrdreg $0xA1400  }
0xb2: {  	[dreg:$0x6] =	wrdreg $0x9  }
0xb3: {  	_ =	task.clear_ibuf [dreg:s6], $0x7FFFF;
	_ =	strace $0x90000049  }
0xb4: {  	s29 =	simm.s32 $0x9;
	_ =	strace $0x8000004B  }
0xb5: {  	_ =	swait.ge [sflag:s29], $0x1  }
0xb6: {  	[sflag:s29] =	ssyncadd.s32 $0xFFFFFFFF  }
0xb7: {  	_ =	strace $0x9000004B  }
0xb8: {  	_ =	sfence  }
0xb9: {  	s30 =	sld [smem:$0x0];
	_ =	sdelay $0x2  }
0xba: {  	s31 =	sshll.u32 s1, $0xD;
	s1 =	sshrl.u32 s1, $0x2  }
0xbb: {  	s3 =	sand.u32 $0x4000, s31;
	s1 =	sadd.s32 s1, s30  }
0xbc: {  	s0 =	sor.u32 s3, s0;
	s1 =	sshll.u32 s1, $0x11  }
0xbd: {  	s0 =	sor.u32 s1, s0  }
0xbe: {  	s0 =	sadd.s32 $0x8F2B, s0  }
0xbf: {  	[sflag:s0] =	ssyncadd.remote.s32 $0x1  }
0xc0: {  	_ =	sfence.sel $0xFFFF  }
0xc1: {  	[dreg:$0x0] =	wrdreg $0xFFFFFFFF;
	(pc) =	sbr.abs _section_cstart, $3  }
0xc2: {  	[dreg:$0x1] =	wrdreg $0xFFFFFFFF  }
0xc3: {  	_ =	task.clear_ibuf [dreg:s6], $0x2FFFF;
	_ =	strace $0x9FFFFFFF  }
0xc4: {  	(tm) =	ssettm $0x7FFFFFFF  }
0xc5: {  	_ =	shalt  }
tec
execute0_lowered:
.L_overlay_start_1:
0x0: {  	(tag) =	ssettag $0x1  }
0x1: {  	s0 =	rddreg [dreg:$0x0]  }
0x2: {  	s1 =	rddreg [dreg:$0x1]  }
0x3: {  	s3 =	rddreg [dreg:$0x2]  }
0x4: {  	s4 =	rddreg [dreg:$0x3];
	s13 =	stileid.u32  }
0x5: {  	s5 =	simm.s32 $0x0;
	s2 =	srdreg.scid;
	s7 =	smul.u32 $0x1870, s13  }
0x6: {  	[smem:$0x7FF] =	sst s5;
	s10 =	smul.u32 $0xDBF0, s13  }
0x7: {  	s2 =	sand.u32 $0x1, s2;
	s13 =	smul.u32 $0x30D40, s13;
	_ =	strace $0x8000004A  }
0x8: {  	s6 =	ssub.s32 $0x2, s2;
	s25 =	smul.u32 $0x30D400, s2;
	p0 =	seq.s32 s2, $0x0  }
0x9: {  	s8 =	sshrl.u32 s7, $0x3;
	s9 =	sshrl.u32 s6, $0x1;
	s11 =	sadd.s32 $0x1870, s10  }
0xa: {  	s12 =	sadd.s32 $0x30E0, s10;
	s14 =	sadd.s32 $0x4950, s10;
	s17 =	sadd.s32 $0x61C0, s10  }
0xb: {  	s18 =	sadd.s32 $0x7A30, s10;
	s19 =	sadd.s32 $0x92A0, s10;
	s20 =	sadd.s32 $0xAB10, s10  }
0xc: {  	s26 =	sshrl.u32 s10, $0x3;
	s8 =	sadd.s32 s8, s0;
	s9 =	ssub.s32 s6, s9  }
0xd: {  	s6 =	sadd.s32 s13, s25;
	s13 =	simm.s32 $0x195800;
	s15 =	sshrl.u32 s11, $0x3  }
0xe: {  	s16 =	sshrl.u32 s12, $0x3;
	s21 =	sshrl.u32 s14, $0x3;
	s13 =	simm.s32 @!p0 $0x1B1000  }
0xf: {  	s22 =	sshrl.u32 s17, $0x3;
	s23 =	sshrl.u32 s18, $0x3;
	s13 =	sadd.s32 s13, s0  }
0x10: {  	s28 =	sadd.s32 s17, s4;
	s29 =	sadd.s32 s18, s4;
	s2 =	sadd.s32 s13, s26  }
0x11: {  	s30 =	sadd.s32 s19, s4;
	s15 =	sadd.s32 s13, s15;
	[dreg:$0x5] =	wrdreg s2  }
0x12: {  	s31 =	sadd.s32 s20, s4;
	s16 =	sadd.s32 s13, s16;
	[dreg:$0x6] =	wrdreg s15  }
0x13: {  	s17 =	simm.s32 $0x2;
	s24 =	sadd.s32 s13, s21;
	[dreg:$0x7] =	wrdreg s16  }
0x14: {  	s18 =	simm.s32 $0x1F40;
	s25 =	sadd.s32 s13, s22;
	[dreg:$0x8] =	wrdreg s24  }
0x15: {  	s26 =	sadd.s32 s13, s23;
	s23 =	sadd.s32 $0x18F400, s8;
	[dreg:$0x9] =	wrdreg s25  }
0x16: {  	[dreg:$0xa] =	wrdreg s26;
	s15 =	sshrl.u32 s19, $0x3;
	s16 =	sshrl.u32 s20, $0x3  }
0x17: {  	[dreg:$0xf] =	wrdreg s23;
	s24 =	sadd.s32 $0x192600, s8;
	s25 =	sadd.s32 s7, s1  }
0x18: {  	s26 =	sadd.s32 s7, s3;
	s23 =	sadd.s32 s10, s4;
	s8 =	simm.s32 $0x3  }
0x19: {  	s19 =	simm.s32 $0x0;
	s2 =	sadd.s32 s13, s15;
	[dreg:$0x10] =	wrdreg s24  }
0x1a: {  	s21 =	sadd.s32 s13, s16;
	s15 =	sadd.s32 $0xC8C00, s0;
	[dreg:$0x11] =	wrdreg s25  }
0x1b: {  	s16 =	sadd.s32 $0x5600, s0;
	s0 =	sadd.s32 $0x18C200, s0;
	[dreg:$0x12] =	wrdreg s26  }
0x1c: {  	s24 =	sadd.s32 s11, s4;
	s25 =	sadd.s32 s12, s4;
	s26 =	sadd.s32 s14, s4  }
0x1d: {  	s11 =	simm.s32 $0x7D0;
	s12 =	simm.s32 $0xFA0;
	[dreg:$0xb] =	wrdreg s2  }
0x1e: {  	s14 =	simm.s32 $0x1;
	[dreg:$0xc] =	wrdreg s21;
	s2 =	sadd.s32 $0xC380, s10  }
0x1f: {  	[dreg:$0xe] =	wrdreg s0;
	s10 =	simm.s32 $0x2710;
	s22 =	sshrl.u32 s2, $0x3  }
0x20: {  	s0 =	sadd.s32 s2, s4;
	s2 =	smax.u32 s9, $0x1;
	s13 =	sadd.s32 s13, s22  }
0x21: {  	s9 =	simm.s32 $0x57F0;
	[dreg:$0xd] =	wrdreg s13;
	s13 =	simm.s32 $0x1770  }
.LBB2_1:
0x22: {  	s7 =	rddreg [dreg:$0xf];
	s20 =	simm.s32 $0x3F80  }
0x23: {  	[tilespmem:s20], [sflag:$0x3] =	stream.linear.gather [hbm4b:s7+s5], $0x1870, $0x38;
	[tilespmem:$0x17D30] =	vst v63  }
0x24: {  	_ =	swait.ge [sflag:s8], $0x1870  }
0x25: {  	[sflag:s8] =	ssyncset.done $0x0  }
0x26: {  	s22 =	rddreg [dreg:$0x11];
	[sflag:s8] =	ssyncadd.s32 $0xFFFFE790  }
0x27: {  	[spmem:s22] =	stream.linear.scatter [tilespmem:s20], [sflag:$0x3], $0x1870, $0x38;
	[tilespmem:$0x17D30] =	vst v63  }
0x28: {  	_ =	swait.ge [sflag:s8], $0x1870  }
0x29: {  	[sflag:s8] =	ssyncset.done $0x0  }
0x2a: {  	s20 =	rddreg [dreg:$0x10];
	[sflag:s8] =	ssyncadd.s32 $0xFFFFE790  }
0x2b: {  	[tilespmem:s9], [sflag:$0x3] =	stream.linear.gather [hbm4b:s20+s5], $0x1870, $0x38;
	[tilespmem:$0x17D30] =	vst v63  }
0x2c: {  	_ =	swait.ge [sflag:s8], $0x1870  }
0x2d: {  	[sflag:s8] =	ssyncset.done $0x0  }
0x2e: {  	s21 =	rddreg [dreg:$0x12];
	[sflag:s8] =	ssyncadd.s32 $0xFFFFE790  }
0x2f: {  	[spmem:s21] =	stream.linear.scatter [tilespmem:s9], [sflag:$0x3], $0x1870, $0x38;
	[tilespmem:$0x17D30] =	vst v63  }
0x30: {  	_ =	swait.ge [sflag:s8], $0x1870  }
0x31: {  	[sflag:s8] =	ssyncset.done $0x0  }
0x32: {  	s22 =	rddreg [dreg:$0xe];
	[sflag:s8] =	ssyncadd.s32 $0xFFFFE790  }
0x33: {  	[tilespmem:s10], [sflag:$0x3] =	stream.linear.gather [hbm4b:s22+s5], $0x1870, $0x38;
	[tilespmem:$0x17D30] =	vst v63  }
0x34: {  	_ =	swait.ge [sflag:s8], $0x1870  }
0x35: {  	[sflag:s8] =	ssyncset.done $0x0  }
0x36: {  	[sflag:s8] =	ssyncadd.s32 $0xFFFFE790  }
0x37: {  	[spmem:s23] =	stream.linear.scatter [tilespmem:s10], [sflag:$0x3], $0x1870, $0x38;
	[tilespmem:$0x17D30] =	vst v63  }
0x38: {  	_ =	swait.ge [sflag:s8], $0x1870  }
0x39: {  	[sflag:s8] =	ssyncset.done $0x0  }
0x3a: {  	[sflag:s8] =	ssyncadd.s32 $0xFFFFE790  }
0x3b: {  	[spmem:s24] =	stream.linear.scatter [tilespmem:s10], [sflag:$0x3], $0x1870, $0x38;
	[tilespmem:$0x17D30] =	vst v63  }
0x3c: {  	_ =	swait.ge [sflag:s8], $0x1870  }
0x3d: {  	[sflag:s8] =	ssyncset.done $0x0  }
0x3e: {  	[sflag:s8] =	ssyncadd.s32 $0xFFFFE790  }
0x3f: {  	[spmem:s25] =	stream.linear.scatter [tilespmem:s10], [sflag:$0x3], $0x1870, $0x38;
	[tilespmem:$0x17D30] =	vst v63  }
0x40: {  	_ =	swait.ge [sflag:s8], $0x1870  }
0x41: {  	[sflag:s8] =	ssyncset.done $0x0  }
0x42: {  	[sflag:s8] =	ssyncadd.s32 $0xFFFFE790  }
0x43: {  	[spmem:s26] =	stream.linear.scatter [tilespmem:s10], [sflag:$0x3], $0x1870, $0x38;
	[tilespmem:$0x17D30] =	vst v63  }
0x44: {  	_ =	swait.ge [sflag:s8], $0x1870  }
0x45: {  	[sflag:s8] =	ssyncset.done $0x0  }
0x46: {  	[sflag:s8] =	ssyncadd.s32 $0xFFFFE790  }
0x47: {  	[spmem:s28] =	stream.linear.scatter [tilespmem:s10], [sflag:$0x3], $0x1870, $0x38;
	[tilespmem:$0x17D30] =	vst v63  }
0x48: {  	_ =	swait.ge [sflag:s8], $0x1870  }
0x49: {  	[sflag:s8] =	ssyncset.done $0x0  }
0x4a: {  	[sflag:s8] =	ssyncadd.s32 $0xFFFFE790  }
0x4b: {  	[spmem:s29] =	stream.linear.scatter [tilespmem:s10], [sflag:$0x3], $0x1870, $0x38;
	[tilespmem:$0x17D30] =	vst v63  }
0x4c: {  	_ =	swait.ge [sflag:s8], $0x1870  }
0x4d: {  	[sflag:s8] =	ssyncset.done $0x0  }
0x4e: {  	[sflag:s8] =	ssyncadd.s32 $0xFFFFE790  }
0x4f: {  	[spmem:s30] =	stream.linear.scatter [tilespmem:s10], [sflag:$0x3], $0x1870, $0x38;
	[tilespmem:$0x17D30] =	vst v63  }
0x50: {  	_ =	swait.ge [sflag:s8], $0x1870  }
0x51: {  	[sflag:s8] =	ssyncset.done $0x0  }
0x52: {  	[sflag:s8] =	ssyncadd.s32 $0xFFFFE790  }
0x53: {  	[spmem:s31] =	stream.linear.scatter [tilespmem:s10], [sflag:$0x3], $0x1870, $0x38;
	[tilespmem:$0x17D30] =	vst v63  }
0x54: {  	_ =	swait.ge [sflag:s8], $0x1870  }
0x55: {  	[sflag:s8] =	ssyncset.done $0x0  }
0x56: {  	[sflag:s8] =	ssyncadd.s32 $0xFFFFE790  }
0x57: {  	[spmem:s0] =	stream.linear.scatter [tilespmem:s10], [sflag:$0x3], $0x1870, $0x38;
	[tilespmem:$0x17D30] =	vst v63  }
0x58: {  	_ =	swait.ge [sflag:s8], $0x1870  }
0x59: {  	[sflag:s8] =	ssyncset.done $0x0  }
0x5a: {  	[sflag:s8] =	ssyncadd.s32 $0xFFFFE790  }
0x5b: {  	s20 =	simm.s32 $0x0;
	[bflag:$0x0] =	sbarrier.arrive $0xFFFF  }
.LBB2_2:
0x5c: {  	s21 =	smul.u32 $0x7D0, s20;
	_ =	sdelay $0x1  }
0x5d: {  	s21 =	sadd.s32 s21, s6  }
0x5e: {  	s21 =	sshrl.u32 s21, $0x3  }
0x5f: {  	s7 =	simm.s32 $0x0;
	s22 =	sadd.s32 s15, s21  }
0x60: {  	[tilespmem:s7], [sflag:$0x3] =	stream.linear.gather [hbm4b:s22+s7], $0x7D0, $0x38;
	[tilespmem:$0x17D30] =	vst v63  }
0x61: {  	_ =	swait.ge [sflag:s8], $0x7D0  }
0x62: {  	[sflag:s8] =	ssyncset.done $0x0  }
0x63: {  	s21 =	sadd.s32 s16, s21;
	[sflag:s8] =	ssyncadd.s32 $0xFFFFF830  }
0x64: {  	[tilespmem:s11], [sflag:$0x3] =	stream.linear.gather [hbm4b:s21+s7], $0x7D0, $0x38;
	[tilespmem:$0x17D30] =	vst v63  }
0x65: {  	_ =	swait.ge [sflag:s8], $0x7D0  }
0x66: {  	[sflag:s8] =	ssyncset.done $0x0  }
0x67: {  	[sflag:s8] =	ssyncadd.s32 $0xFFFFF830  }
0x68: {  	[tilespmem:s12], [sflag:$0x1] =	stream.indirect.gather [spmem:s1], $0x1, s7, s11, $0xb8;
	[tilespmem:$0x17D30] =	vst v63  }
0x69: {  	_ = 	snop  }
0x6a: {  	[tilespmem:s13], [sflag:$0x2] =	stream.indirect.gather [spmem:s3], $0x1, s7, s11, $0xb8;
	[tilespmem:$0x17D30] =	vst v63  }
0x6b: {  	_ =	swait.ge [sflag:s14], $0x7D0  }
0x6c: {  	[sflag:s14] =	ssyncset.done $0x0  }
0x6d: {  	[sflag:s14] =	ssyncadd.s32 $0xFFFFF830  }
0x6e: {  	_ =	swait.ge [sflag:s17], $0x7D0  }
0x6f: {  	[sflag:s17] =	ssyncset.done $0x0  }
0x70: {  	s21 =	simm.s32 $0x0;
	[sflag:s17] =	ssyncadd.s32 $0xFFFFF830  }
0x71: {  	v0 =	vld [tilespmem:s21+$0x7D0]  }
0x72: {  	s22 =	simm.s32 $0x40;
	v1 =	vld [tilespmem:s21+$0x1770]  }
.LBB2_3:
0x73: {  	_ = 	snop  }
0x74: {  	p0 =	sne.s32 s22, $0x1F00  }
.Ltmp0:
0x75: {  	_ = 	snop;
	(pc) =	sbr.rel @p0 .LBB2_3-.Ltmp0, $4  }
0x76: {  	v2 =	vmul.u32 $0x9, v0  }
0x77: {  	s7 =	sshra.s32 s22, $0x2  }
0x78: {  	v0 =	vld [tilespmem:s7+$0x7D0];
	v2 =	vadd.s32 v1, v2  }
0x79: {  	s22 =	sadd.s32 $0x40, s22;
	v1 =	vld [tilespmem:s7+$0x1770];
	[tilespmem:s21+$0x1F40] =	vst v2;
	s21 =	smov.u32 s7  }
0x7a: {  	_ =	sdelay $0x2  }
0x7b: {  	v0 =	vmul.u32 $0x9, v0  }
0x7c: {  	s20 =	sadd.s32 $0x1, s20  }
0x7d: {  	p0 =	sne.s32 s20, $0x64;
	v0 =	vadd.s32 v1, v0  }
.Ltmp1:
0x7e: {  	[tilespmem:s21+$0x1F40] =	vst v0;
	(pc) =	sbr.rel @p0 .LBB2_2-.Ltmp1, $4  }
0x7f: {  	[spmem:s4] =	stream.indirect.scatter.add.f32 [tilespmem:s12], [sflag:$0x3], $0x1, s18, s11, $0xb8;
	[tilespmem:$0x17D30] =	vst v63  }
0x80: {  	_ =	swait.ge [sflag:s8], $0x7D0  }
0x81: {  	[sflag:s8] =	ssyncset.done $0x0  }
0x82: {  	[sflag:s8] =	ssyncadd.s32 $0xFFFFF830  }
0x83: {  	[bflag:$0x0] =	sbarrier.arrive $0xFFFF  }
0x84: {  	[tilespmem:s10], [sflag:$0x3] =	stream.linear.gather [spmem:s23], $0x1870, $0x38;
	[tilespmem:$0x17D30] =	vst v63  }
0x85: {  	_ =	swait.ge [sflag:s8], $0x1870  }
0x86: {  	[sflag:s8] =	ssyncset.done $0x0  }
0x87: {  	s7 =	rddreg [dreg:$0x5];
	[sflag:s8] =	ssyncadd.s32 $0xFFFFE790  }
0x88: {  	[hbm4b:s7+s5] =	stream.linear.scatter [tilespmem:s10], [sflag:$0x3], $0x1870, $0x38;
	[tilespmem:$0x17D30] =	vst v63  }
0x89: {  	_ =	swait.ge [sflag:s8], $0x1870  }
0x8a: {  	[sflag:s8] =	ssyncset.done $0x0  }
0x8b: {  	[sflag:s8] =	ssyncadd.s32 $0xFFFFE790  }
0x8c: {  	[tilespmem:s10], [sflag:$0x3] =	stream.linear.gather [spmem:s24], $0x1870, $0x38;
	[tilespmem:$0x17D30] =	vst v63  }
0x8d: {  	_ =	swait.ge [sflag:s8], $0x1870  }
0x8e: {  	[sflag:s8] =	ssyncset.done $0x0  }
0x8f: {  	s21 =	rddreg [dreg:$0x6];
	[sflag:s8] =	ssyncadd.s32 $0xFFFFE790  }
0x90: {  	[hbm4b:s21+s5] =	stream.linear.scatter [tilespmem:s10], [sflag:$0x3], $0x1870, $0x38;
	[tilespmem:$0x17D30] =	vst v63  }
0x91: {  	_ =	swait.ge [sflag:s8], $0x1870  }
0x92: {  	[sflag:s8] =	ssyncset.done $0x0  }
0x93: {  	[sflag:s8] =	ssyncadd.s32 $0xFFFFE790  }
0x94: {  	[tilespmem:s10], [sflag:$0x3] =	stream.linear.gather [spmem:s25], $0x1870, $0x38;
	[tilespmem:$0x17D30] =	vst v63  }
0x95: {  	_ =	swait.ge [sflag:s8], $0x1870  }
0x96: {  	[sflag:s8] =	ssyncset.done $0x0  }
0x97: {  	s22 =	rddreg [dreg:$0x7];
	[sflag:s8] =	ssyncadd.s32 $0xFFFFE790  }
0x98: {  	[hbm4b:s22+s5] =	stream.linear.scatter [tilespmem:s10], [sflag:$0x3], $0x1870, $0x38;
	[tilespmem:$0x17D30] =	vst v63  }
0x99: {  	_ =	swait.ge [sflag:s8], $0x1870  }
0x9a: {  	[sflag:s8] =	ssyncset.done $0x0  }
0x9b: {  	[sflag:s8] =	ssyncadd.s32 $0xFFFFE790  }
0x9c: {  	[tilespmem:s10], [sflag:$0x3] =	stream.linear.gather [spmem:s26], $0x1870, $0x38;
	[tilespmem:$0x17D30] =	vst v63  }
0x9d: {  	_ =	swait.ge [sflag:s8], $0x1870  }
0x9e: {  	[sflag:s8] =	ssyncset.done $0x0  }
0x9f: {  	s20 =	rddreg [dreg:$0x8];
	[sflag:s8] =	ssyncadd.s32 $0xFFFFE790  }
0xa0: {  	[hbm4b:s20+s5] =	stream.linear.scatter [tilespmem:s10], [sflag:$0x3], $0x1870, $0x38;
	[tilespmem:$0x17D30] =	vst v63  }
0xa1: {  	_ =	swait.ge [sflag:s8], $0x1870  }
0xa2: {  	[sflag:s8] =	ssyncset.done $0x0  }
0xa3: {  	[sflag:s8] =	ssyncadd.s32 $0xFFFFE790  }
0xa4: {  	[tilespmem:s10], [sflag:$0x3] =	stream.linear.gather [spmem:s28], $0x1870, $0x38;
	[tilespmem:$0x17D30] =	vst v63  }
0xa5: {  	_ =	swait.ge [sflag:s8], $0x1870  }
0xa6: {  	[sflag:s8] =	ssyncset.done $0x0  }
0xa7: {  	s21 =	rddreg [dreg:$0x9];
	[sflag:s8] =	ssyncadd.s32 $0xFFFFE790  }
0xa8: {  	[hbm4b:s21+s5] =	stream.linear.scatter [tilespmem:s10], [sflag:$0x3], $0x1870, $0x38;
	[tilespmem:$0x17D30] =	vst v63  }
0xa9: {  	_ =	swait.ge [sflag:s8], $0x1870  }
0xaa: {  	[sflag:s8] =	ssyncset.done $0x0  }
0xab: {  	[sflag:s8] =	ssyncadd.s32 $0xFFFFE790  }
0xac: {  	[tilespmem:s10], [sflag:$0x3] =	stream.linear.gather [spmem:s29], $0x1870, $0x38;
	[tilespmem:$0x17D30] =	vst v63  }
0xad: {  	_ =	swait.ge [sflag:s8], $0x1870  }
0xae: {  	[sflag:s8] =	ssyncset.done $0x0  }
0xaf: {  	s22 =	rddreg [dreg:$0xa];
	[sflag:s8] =	ssyncadd.s32 $0xFFFFE790  }
0xb0: {  	[hbm4b:s22+s5] =	stream.linear.scatter [tilespmem:s10], [sflag:$0x3], $0x1870, $0x38;
	[tilespmem:$0x17D30] =	vst v63  }
0xb1: {  	_ =	swait.ge [sflag:s8], $0x1870  }
0xb2: {  	[sflag:s8] =	ssyncset.done $0x0  }
0xb3: {  	[sflag:s8] =	ssyncadd.s32 $0xFFFFE790  }
0xb4: {  	[tilespmem:s10], [sflag:$0x3] =	stream.linear.gather [spmem:s30], $0x1870, $0x38;
	[tilespmem:$0x17D30] =	vst v63  }
0xb5: {  	_ =	swait.ge [sflag:s8], $0x1870  }
0xb6: {  	[sflag:s8] =	ssyncset.done $0x0  }
0xb7: {  	s20 =	rddreg [dreg:$0xb];
	[sflag:s8] =	ssyncadd.s32 $0xFFFFE790  }
0xb8: {  	[hbm4b:s20+s5] =	stream.linear.scatter [tilespmem:s10], [sflag:$0x3], $0x1870, $0x38;
	[tilespmem:$0x17D30] =	vst v63  }
0xb9: {  	_ =	swait.ge [sflag:s8], $0x1870  }
0xba: {  	[sflag:s8] =	ssyncset.done $0x0  }
0xbb: {  	[sflag:s8] =	ssyncadd.s32 $0xFFFFE790  }
0xbc: {  	[tilespmem:s10], [sflag:$0x3] =	stream.linear.gather [spmem:s31], $0x1870, $0x38;
	[tilespmem:$0x17D30] =	vst v63  }
0xbd: {  	_ =	swait.ge [sflag:s8], $0x1870  }
0xbe: {  	[sflag:s8] =	ssyncset.done $0x0  }
0xbf: {  	s21 =	rddreg [dreg:$0xc];
	[sflag:s8] =	ssyncadd.s32 $0xFFFFE790  }
0xc0: {  	[hbm4b:s21+s5] =	stream.linear.scatter [tilespmem:s10], [sflag:$0x3], $0x1870, $0x38;
	[tilespmem:$0x17D30] =	vst v63  }
0xc1: {  	_ =	swait.ge [sflag:s8], $0x1870  }
0xc2: {  	[sflag:s8] =	ssyncset.done $0x0  }
0xc3: {  	[sflag:s8] =	ssyncadd.s32 $0xFFFFE790  }
0xc4: {  	[tilespmem:s10], [sflag:$0x3] =	stream.linear.gather [spmem:s0], $0x1870, $0x38;
	[tilespmem:$0x17D30] =	vst v63  }
0xc5: {  	s19 =	sadd.s32 $0x1, s19;
	_ =	swait.ge [sflag:s8], $0x1870  }
0xc6: {  	p0 =	sne.s32 s19, s2;
	[sflag:s8] =	ssyncset.done $0x0  }
.Ltmp2:
0xc7: {  	s22 =	rddreg [dreg:$0xd];
	[sflag:s8] =	ssyncadd.s32 $0xFFFFE790;
	(pc) =	sbr.rel @p0 .LBB2_1-.Ltmp2, $4  }
0xc8: {  	[hbm4b:s22+s5] =	stream.linear.scatter [tilespmem:s10], [sflag:$0x3], $0x1870, $0x38;
	[tilespmem:$0x17D30] =	vst v63  }
0xc9: {  	_ =	swait.ge [sflag:s8], $0x1870  }
0xca: {  	[sflag:s8] =	ssyncset.done $0x0  }
0xcb: {  	[sflag:s8] =	ssyncadd.s32 $0xFFFFE790  }
0xcc: {  	_ =	sfence.sel $0x180000  }
0xcd: {  	[bflag:$0x0] =	sbarrier.arrive $0xFFFF  }
0xce: {  	_ =	strace $0x9000004A  }
0xcf: {  	s0 =	stileid.u32;
	[bflag:$0x2] =	sbarrier.arrive $0xFFFF  }
0xd0: {  	p0 =	sne.s32 s0, $0x0;
	s0 =	rddreg [dreg:$0x4]  }
0xd1: {  	s0 =	sadd.s32 @!p0 $0x100000, s0  }
0xd2: {  	[sflag:s0] =	ssyncadd.tile.s32 @!p0 $0x1;
	_ =	shalt  }
.Lfunc_end2:
_tile_overlayer_lowered:
.L_overlay_start_2:
0xd3: {  	(tag) =	ssettag $0x2  }
0xd4: {  	s0 =	rddreg [dreg:$0x0];
	s2 =	stileid.u32  }
0xd5: {  	s1 =	rddreg [dreg:$0x1];
	p0 =	sne.s32 s2, $0x0  }
0xd6: {  	s3 =	rddreg [dreg:$0x2];
	[bflag:$0x3] =	sbarrier.arrive $0xFFFF;
	s2 =	simm.s32 @!p0 $0x1C03  }
0xd7: {  	[timem:s3], [sflag:s2] =	dma.local @!p0 [hbm:s0], s1  }
0xd8: {  	s0 =	simm.s32 @!p0 $0x3  }
0xd9: {  	_ =	swait.ge @!p0 [sflag:s0], s1  }
0xda: {  	s1 =	ssub.s32 @!p0 $0x0, s1;
	[sflag:s0] =	ssyncset.done @!p0 $0x0  }
0xdb: {  	[sflag:s0] =	ssyncadd.s32 @!p0 s1  }
0xdc: {  	[bflag:$0x3] =	sbarrier.arrive $0xFFFF  }
0xdd: {  	_ =	shalt  }

// kernel: kernel.15.cloned.1.call-start
scs
__scs_entry_jumppad:
0x0: {  	(pc) =	sbr.rel $0x88, $3  }
0x1: {  	(tag) =	ssettag $0x0;
	lr =	simm.s32 $0x1  }
0x2: {  	[smem:$0x3F8D] =	sst lr;
	_ =	strace $0xD0000000  }
0x3: {  	_ = 	snop  }
0x4: {  	_ = 	snop  }
0x5: {  	_ = 	snop  }
0x6: {  	_ = 	snop  }
0x7: {  	_ = 	snop  }
__scs_overlays_trampoline_lowered:
0x8: {  	[smem:$0x3F9C] =	sst s0  }
0x9: {  	[smem:$0x3F9D] =	sst s1  }
0xa: {  	[smem:$0x3F9E] =	sst s2  }
0xb: {  	[smem:$0x3F9F] =	sst s3  }
0xc: {  	[smem:$0x3FA0] =	sst s4  }
0xd: {  	[smem:$0x3FA1] =	sst s5  }
0xe: {  	[smem:$0x3FA2] =	sst s6  }
0xf: {  	[smem:$0x3FA3] =	sst s7  }
0x10: {  	[smem:$0x3FA4] =	sst s8  }
0x11: {  	[smem:$0x3FA5] =	sst s9;
	s0 =	simm.s32 @!p0 $0x0  }
0x12: {  	s1 =	sld [smem:$0x3F8B];
	s0 =	simm.s32 @p0 $0x1  }
0x13: {  	[smem:$0x3FA6] =	sst s0;
	s0 =	simm.s32 @!p1 $0x0  }
0x14: {  	s2 =	sld [smem:$0x3F8A];
	s0 =	simm.s32 @p1 $0x1  }
0x15: {  	[smem:$0x3FA7] =	sst s0;
	s0 =	simm.s32 @!p2 $0x0  }
0x16: {  	s3 =	sld [smem:$0x3FDB];
	s0 =	simm.s32 @p2 $0x1  }
0x17: {  	s4 =	simm.s32 $0x1BF5;
	[smem:$0x3FA9] =	sst s0  }
0x18: {  	s0 =	sld [smem:$0x3F8C];
	_ =	swait.ge [sflag:s4], $0x0  }
0x19: {  	s7 =	sld [smem:$0x3F8D]  }
0x1a: {  	s8 =	sadd.s32 $0xFFFFE003, lr  }
0x1b: {  	s9 =	sadd.s32 $0xFFFFFEF7, lr;
	s5 =	simm.s32 $0xFFFFFFFF;
	p2 =	slt.u32 s8, $0xFFFFF086  }
0x1c: {  	p1 =	slt.u32 s9, $0xF7A;
	s5 =	simm.s32 @!p2 $0x0  }
0x1d: {  	s5 =	simm.s32 @p1 $0x1;
	p0 =	seq.s32 s7, s2  }
0x1e: {  	s7 =	smul.u32 @!p0 $0xF7A, s2;
	p2 =	seq.s32 @!p0 s5, $0x0  }
0x1f: {  	s9 =	smul.u32 $0xF7A, s1;
	s8 =	simm.s32 @!p0 $0x1BF5;
	p2 =	por !p2, p0  }
0x20: {  	[sflag:s8] =	ssyncset.s32 @!p0 $0xFFFFF086;
	s6 =	sadd.s32 @!p0 s3, s7;
	s7 =	simm.s32 @!p0 $0x108  }
0x21: {  	s3 =	sadd.s32 s3, s9;
	s6 =	sadd.s32 @!p0 $0x88, s6;
	s7 =	simm.s32 @p2 $0x1082  }
0x22: {  	[simem:s7], [sflag:s8] =	dma.local @!p0 [hbm:s6], $0xF7A  }
0x23: {  	s9 =	sor.u32 $0xD0000000, s2;
	s6 =	simm.s32 $0x108;
	_ =	swait.ge @!p0 [sflag:s8], $0x0  }
0x24: {  	s3 =	sadd.s32 $0x88, s3;
	s6 =	simm.s32 @!p1 $0x1082;
	[sflag:s4] =	ssyncset.s32 $0xFFFFF086  }
0x25: {  	[simem:s6], [sflag:s4] =	dma.local [hbm:s3], $0xF7A  }
0x26: {  	[smem:$0x3F8D] =	sst s1;
	(tag) =	ssettag s2;
	_ =	strace s9  }
0x27: {  	s1 =	sld [smem:$0x3F9D]  }
0x28: {  	s2 =	sld [smem:$0x3F9E]  }
0x29: {  	s4 =	sld [smem:$0x3FA0]  }
0x2a: {  	p0 =	seq.s32 s5, $0x0;
	s5 =	sld [smem:$0x3FA1]  }
0x2b: {  	s6 =	sld [smem:$0x3FA2]  }
0x2c: {  	s7 =	sld [smem:$0x3FA3]  }
0x2d: {  	s3 =	simm.s32 $0x108;
	s8 =	sld [smem:$0x3FA4]  }
0x2e: {  	s3 =	simm.s32 @!p0 $0x1082;
	s9 =	sld [smem:$0x3FA5]  }
0x2f: {  	lr =	sadd.s32 s0, s3;
	s0 =	sld [smem:$0x3F9C]  }
0x30: {  	s3 =	sld [smem:$0x3F9F]  }
0x31: {  	[smem:$0x3FA8] =	sst s10  }
0x32: {  	s10 =	sld [smem:$0x3FA6];
	_ =	sdelay $0x3  }
0x33: {  	p0 =	seq.s32 s10, $0x1;
	s10 =	sld [smem:$0x3FA8];
	_ =	sdelay $0x3  }
0x34: {  	[smem:$0x3FA8] =	sst s10  }
0x35: {  	s10 =	sld [smem:$0x3FA7];
	_ =	sdelay $0x3  }
0x36: {  	p1 =	seq.s32 s10, $0x1;
	s10 =	sld [smem:$0x3FA8];
	_ =	sdelay $0x3  }
0x37: {  	[smem:$0x3FA8] =	sst s10  }
0x38: {  	s10 =	sld [smem:$0x3FA9]  }
0x39: {  	_ = 	snop;
	(pc) =	sbr.ind lr, $3  }
0x3a: {  	_ = 	snop  }
0x3b: {  	_ = 	snop  }
0x3c: {  	p2 =	seq.s32 s10, $0x1;
	s10 =	sld [smem:$0x3FA8]  }
0x3d: {  	_ =	shalt  }
0x3e: {  	_ =	shalt  }
0x3f: {  	_ =	shalt  }
0x40: {  	_ =	shalt  }
0x41: {  	_ =	shalt  }
0x42: {  	_ =	shalt  }
0x43: {  	_ =	shalt  }
0x44: {  	_ =	shalt  }
0x45: {  	_ =	shalt  }
0x46: {  	_ =	shalt  }
0x47: {  	_ =	shalt  }
0x48: {  	_ =	shalt  }
0x49: {  	_ =	shalt  }
0x4a: {  	_ =	shalt  }
0x4b: {  	_ =	shalt  }
0x4c: {  	_ =	shalt  }
0x4d: {  	_ =	shalt  }
0x4e: {  	_ =	shalt  }
0x4f: {  	_ =	shalt  }
0x50: {  	_ =	shalt  }
0x51: {  	_ =	shalt  }
0x52: {  	_ =	shalt  }
0x53: {  	_ =	shalt  }
0x54: {  	_ =	shalt  }
0x55: {  	_ =	shalt  }
0x56: {  	_ =	shalt  }
0x57: {  	_ =	shalt  }
0x58: {  	_ =	shalt  }
0x59: {  	_ =	shalt  }
0x5a: {  	_ =	shalt  }
0x5b: {  	_ =	shalt  }
0x5c: {  	_ =	shalt  }
0x5d: {  	_ =	shalt  }
0x5e: {  	_ =	shalt  }
0x5f: {  	_ =	shalt  }
0x60: {  	_ =	shalt  }
0x61: {  	_ =	shalt  }
0x62: {  	_ =	shalt  }
0x63: {  	_ =	shalt  }
0x64: {  	_ =	shalt  }
0x65: {  	_ =	shalt  }
0x66: {  	_ =	shalt  }
0x67: {  	_ =	shalt  }
0x68: {  	_ =	shalt  }
0x69: {  	_ =	shalt  }
0x6a: {  	_ =	shalt  }
0x6b: {  	_ =	shalt  }
0x6c: {  	_ =	shalt  }
0x6d: {  	_ =	shalt  }
0x6e: {  	_ =	shalt  }
0x6f: {  	_ =	shalt  }
0x70: {  	_ =	shalt  }
0x71: {  	_ =	shalt  }
0x72: {  	_ =	shalt  }
0x73: {  	_ =	shalt  }
0x74: {  	_ =	shalt  }
0x75: {  	_ =	shalt  }
0x76: {  	_ =	shalt  }
0x77: {  	_ =	shalt  }
0x78: {  	_ =	shalt  }
0x79: {  	_ =	shalt  }
0x7a: {  	_ =	shalt  }
0x7b: {  	_ =	shalt  }
0x7c: {  	_ =	shalt  }
0x7d: {  	_ =	shalt  }
0x7e: {  	_ =	shalt  }
0x7f: {  	_ =	shalt  }
0x80: {  	_ =	shalt  }
0x81: {  	_ =	shalt  }
0x82: {  	_ =	shalt  }
0x83: {  	_ =	shalt  }
0x84: {  	_ =	shalt  }
0x85: {  	_ =	shalt  }
0x86: {  	_ =	shalt  }
0x87: {  	_ =	shalt  }
.Lfunc_end0:
.L_simem_size_0:
called_computation.2_lowered:
.L_overlay_start_0:
0x88: {  	s2 =	sld [smem:$0x3FD9]  }
0x89: {  	s3 =	sld [smem:$0x3FFE];
	_ =	sdelay $0x1  }
0x8a: {  	s1 =	srdreg.scid  }
0x8b: {  	s0 =	sand.u32 $0x1, s1  }
0x8c: {  	s14 =	sshll.u32 s0, $0xA;
	s2 =	sadd.s32 s3, s2  }
0x8d: {  	s2 =	sadd.s32 s2, s14  }
0x8e: {  	[smem:$0x3FB4] =	sst s2  }
0x8f: {  	_ = 	snop  }
0x90: {  	s2 =	sld [smem:$0x3FD0];
	_ =	sdelay $0x2  }
0x91: {  	s15 =	simm.s32 $0xA;
	s4 =	simm.s32 $0x10  }
0x92: {  	[smem:s4], [sflag:s15] =	dma.local [hbm:s2], $0x1  }
0x93: {  	_ =	swait.eq [sflag:s15], $0x1  }
0x94: {  	[sflag:s15] =	ssyncset.done $0x0  }
0x95: {  	[sflag:s15] =	ssyncadd.s32 $0xFFFFFFFF  }
0x96: {  	s16 =	sld [smem:$0x13];
	(tm) =	ssettm $0x1  }
0x97: {  	s17 =	sld [smem:$0x3FFB];
	_ =	sdelay $0x3  }
0x98: {  	_ =	strace s17  }
0x99: {  	s3 =	sld [smem:$0x3FFC];
	_ =	sdelay $0x3  }
0x9a: {  	_ =	strace s3  }
0x9b: {  	s3 =	sld [smem:$0x3FFD];
	_ =	sdelay $0x3  }
0x9c: {  	_ =	strace s3  }
0x9d: {  	_ =	strace $0x8FFFFFFF  }
0x9e: {  	s18 =	sld [smem:$0x3FDB];
	_ =	sdelay $0x1  }
0x9f: {  	s19 =	simm.s32 $_scs_section_size  }
0xa0: {  	s5 =	simm.s32 $_size__tile_overlayer_lowered;
	s6 =	simm.s32 $_tile_overlayer_lowered  }
0xa1: {  	s22 =	simm.s32 $0x1BFF;
	s21 =	sshll.u32 s6, $0x1;
	s3 =	sadd.s32 s19, s18  }
0xa2: {  	s7 =	simm.s32 $0x0;
	s20 =	sshll.u32 s5, $0x1;
	s5 =	sadd.s32 s21, s3  }
0xa3: {  	[timem:s7], [sflag:s22] =	dma.local [hbm:s5], s20  }
0xa4: {  	_ =	swait.ge [sflag:s22], s20  }
0xa5: {  	s4 =	ssub.s32 $0x0, s20;
	[sflag:s22] =	ssyncset.done $0x0  }
0xa6: {  	[sflag:s22] =	ssyncadd.s32 s4;
	_ =	sdelay $0x1  }
0xa7: {  	s23 =	simm.s32 $0x1B8B  }
0xa8: {  	_ =	swait.ge [sflag:s23], $0x1  }
0xa9: {  	[sflag:s23] =	ssyncset.done $0x0  }
0xaa: {  	s25 =	simm.s32 $0x1B8E;
	s24 =	sld [smem:$0x3FFE];
	[sflag:s23] =	ssyncadd.s32 $0xFFFFFFFF  }
0xab: {  	s26 =	simm.s32 $execute0_lowered;
	[smem:$0x3FD2] =	sst s25  }
0xac: {  	s5 =	sshll.u32 s26, $0x1;
	_ =	strace $0x8000004C;
	[dreg:$0x1] =	wrdreg $0xFFFFFFFF  }
0xad: {  	s28 =	simm.s32 $_size_execute0_lowered;
	s3 =	sadd.s32 s3, s5;
	[dreg:$0x0] =	wrdreg $0x0  }
0xae: {  	s5 =	sshll.u32 s28, $0x1;
	[dreg:$0x2] =	wrdreg s3  }
0xaf: {  	[dreg:$0x3] =	wrdreg s5  }
0xb0: {  	[dreg:$0x4] =	wrdreg $0xC0  }
0xb1: {  	_ =	task [dreg:s7], $0x5FFFF  }
0xb2: {  	[dreg:$0x1] =	wrdreg $0xFFFFFFFF  }
0xb3: {  	[dreg:$0x0] =	wrdreg $0x60  }
0xb4: {  	[dreg:$0x2] =	wrdreg s24  }
0xb5: {  	[dreg:$0x3] =	wrdreg s16  }
0xb6: {  	[dreg:$0x4] =	wrdreg $0x50B00  }
0xb7: {  	[dreg:$0x5] =	wrdreg $0x9  }
0xb8: {  	_ =	task.clear_ibuf [dreg:s7], $0x6FFFF;
	_ =	strace $0x9000004C  }
0xb9: {  	s29 =	simm.s32 $0x9;
	_ =	strace $0x8000004E  }
0xba: {  	_ =	swait.ge [sflag:s29], $0x1  }
0xbb: {  	[sflag:s29] =	ssyncadd.s32 $0xFFFFFFFF  }
0xbc: {  	_ =	strace $0x9000004E  }
0xbd: {  	_ =	sfence  }
0xbe: {  	s30 =	sld [smem:$0x0];
	_ =	sdelay $0x2  }
0xbf: {  	s31 =	sshll.u32 s1, $0xD;
	s1 =	sshrl.u32 s1, $0x2  }
0xc0: {  	s3 =	sand.u32 $0x4000, s31;
	s1 =	sadd.s32 s1, s30  }
0xc1: {  	s0 =	sor.u32 s3, s0;
	s1 =	sshll.u32 s1, $0x11  }
0xc2: {  	s0 =	sor.u32 s1, s0  }
0xc3: {  	s0 =	sadd.s32 $0x8F2B, s0  }
0xc4: {  	[sflag:s0] =	ssyncadd.remote.s32 $0x1  }
0xc5: {  	_ =	sfence.sel $0xFFFF  }
0xc6: {  	[dreg:$0x0] =	wrdreg $0xFFFFFFFF;
	(pc) =	sbr.abs _section_cstart, $3  }
0xc7: {  	[dreg:$0x1] =	wrdreg $0xFFFFFFFF  }
0xc8: {  	_ =	task.clear_ibuf [dreg:s7], $0x2FFFF;
	_ =	strace $0x9FFFFFFF  }
0xc9: {  	(tm) =	ssettm $0x7FFFFFFF  }
tec
execute0_lowered:
.L_overlay_start_1:
0x0: {  	(tag) =	ssettag $0x1  }
0x1: {  	s0 =	rddreg [dreg:$0x0]  }
0x2: {  	s2 =	rddreg [dreg:$0x2];
	s3 =	simm.s32 $0x0;
	s1 =	srdreg.scid  }
0x3: {  	s15 =	stileid.u32;
	[smem:$0x7FF] =	sst s3;
	s5 =	sadd.s32 $0x353800, s0  }
0x4: {  	s4 =	sadd.s32 $0xC8C00, s0;
	s6 =	sadd.s32 $0x18C200, s0;
	s10 =	smul.u32 $0x18700, s15  }
0x5: {  	s7 =	sadd.s32 $0x5600, s0;
	s11 =	sadd.s32 $0x3B5400, s0;
	s21 =	smul.u32 $0x61A80, s15  }
0x6: {  	s1 =	sand.u32 $0x1, s1;
	s0 =	sadd.s32 $0x384600, s0;
	s15 =	smul.u32 $0xC350, s15  }
0x7: {  	_ =	strace $0x8000004D;
	s8 =	ssub.s32 $0x2, s1;
	[dreg:$0x4] =	wrdreg s11  }
0x8: {  	[dreg:$0x5] =	wrdreg s0;
	p0 =	sne.s32 s1, $0x0;
	s9 =	sshrl.u32 s8, $0x1  }
0x9: {  	s11 =	sadd.s32 $0x1870, s10;
	s22 =	sadd.s32 $0x30E0, s10;
	s8 =	ssub.s32 s8, s9  }
0xa: {  	s12 =	sadd.s32 $0x4950, s10;
	s9 =	sadd.s32 s10, s2;
	[smem:$0x7FA] =	sst s8  }
0xb: {  	s13 =	sadd.s32 $0x61C0, s10;
	s18 =	sadd.s32 s11, s2;
	[smem:$0x7F6] =	sst s9  }
0xc: {  	s17 =	sadd.s32 $0x92A0, s10;
	s0 =	sshrl.u32 s11, $0x3;
	[smem:$0x7F7] =	sst s18  }
0xd: {  	s31 =	sadd.s32 s22, s2;
	s22 =	sshrl.u32 s22, $0x3;
	[dreg:$0xb] =	wrdreg s0  }
0xe: {  	s16 =	sadd.s32 $0x7A30, s10;
	s30 =	sadd.s32 s17, s2;
	[dreg:$0xc] =	wrdreg s22  }
0xf: {  	s1 =	sadd.s32 $0xC380, s10;
	s0 =	sshrl.u32 s16, $0x3;
	[dreg:$0x16] =	wrdreg s30  }
0x10: {  	s22 =	sadd.s32 s1, s2;
	s1 =	sshrl.u32 s1, $0x3;
	[dreg:$0xf] =	wrdreg s0  }
0x11: {  	s19 =	sadd.s32 $0x10CD0, s10;
	s20 =	sadd.s32 $0x12540, s10;
	[dreg:$0x13] =	wrdreg s1  }
0x12: {  	s8 =	sshrl.u32 s21, $0x3;
	s18 =	sadd.s32 s13, s2;
	[dreg:$0x12] =	wrdreg s22  }
0x13: {  	s21 =	sadd.s32 $0x13DB0, s10;
	s14 =	sadd.s32 s4, s8;
	[dreg:$0x19] =	wrdreg s18  }
0x14: {  	s25 =	sadd.s32 $0xC31E, s8;
	s8 =	sadd.s32 s7, s8;
	[dreg:$0x6] =	wrdreg s14  }
0x15: {  	s23 =	sadd.s32 $0x15620, s10;
	s28 =	sadd.s32 s21, s2;
	[dreg:$0x7] =	wrdreg s8  }
0x16: {  	s24 =	sadd.s32 $0x16E90, s10;
	s26 =	sadd.s32 s7, s25;
	[dreg:$0x1e] =	wrdreg s28  }
0x17: {  	s9 =	sadd.s32 s4, s25;
	s14 =	sadd.s32 s15, s7;
	[dreg:$0x8] =	wrdreg s26  }
0x18: {  	s15 =	sadd.s32 s15, s4;
	s25 =	sshrl.u32 s12, $0x3;
	[dreg:$0x9] =	wrdreg s9  }
0x19: {  	s4 =	sadd.s32 $0xAB10, s10;
	s8 =	sshrl.u32 s17, $0x3;
	[dreg:$0xd] =	wrdreg s25  }
0x1a: {  	s7 =	sadd.s32 $0xDBF0, s10;
	s17 =	sshrl.u32 s21, $0x3;
	[dreg:$0x10] =	wrdreg s8  }
0x1b: {  	s9 =	sadd.s32 $0xF460, s10;
	s10 =	sshrl.u32 s10, $0x3;
	[dreg:$0x1f] =	wrdreg s17  }
0x1c: {  	s29 =	sadd.s32 s12, s2;
	s26 =	sshrl.u32 s13, $0x3;
	[dreg:$0xa] =	wrdreg s10  }
0x1d: {  	s0 =	sadd.s32 s4, s2;
	s4 =	sshrl.u32 s4, $0x3;
	[dreg:$0xe] =	wrdreg s26  }
0x1e: {  	s25 =	sadd.s32 s16, s2;
	s11 =	sshrl.u32 s7, $0x3;
	[dreg:$0x11] =	wrdreg s4  }
0x1f: {  	s1 =	sadd.s32 s7, s2;
	s13 =	sshrl.u32 s19, $0x3;
	[dreg:$0x15] =	wrdreg s11  }
0x20: {  	s8 =	sadd.s32 s19, s2;
	s16 =	sshrl.u32 s20, $0x3;
	[dreg:$0x1b] =	wrdreg s13  }
0x21: {  	s19 =	sshrl.u32 s23, $0x3;
	s26 =	sadd.s32 s9, s2;
	[dreg:$0x1d] =	wrdreg s16  }
0x22: {  	s12 =	sshrl.u32 s9, $0x3;
	s9 =	sadd.s32 s20, s2;
	[smem:$0x7F8] =	sst s19  }
0x23: {  	s19 =	sadd.s32 s24, s2;
	s20 =	sshrl.u32 s24, $0x3;
	s24 =	sld [smem:$0x7FA]  }
0x24: {  	[dreg:$0x14] =	wrdreg s1  }
0x25: {  	s21 =	smov.u32 s31;
	[dreg:$0x17] =	wrdreg s25  }
0x26: {  	s31 =	simm.s32 $0x2;
	s7 =	simm.s32 $0x3;
	[dreg:$0x18] =	wrdreg s12  }
0x27: {  	s11 =	sadd.s32 s23, s2;
	s23 =	smov.u32 s29;
	[smem:$0x7F9] =	sst s20  }
.Ltmp0:
0x28: {  	s10 =	simm.s32 $0x190;
	[dreg:$0x1c] =	wrdreg s9;
	(pc) =	sbr.rel .LBB2_1-.Ltmp0, $4  }
0x29: {  	s16 =	simm.s32 $0x320;
	s29 =	simm.s32 $0x1;
	[smem:$0x7FC] =	sst s11  }
0x2a: {  	s13 =	simm.s32 $0x0;
	s12 =	simm.s32 $0x640;
	[dreg:$0x1a] =	wrdreg s23  }
0x2b: {  	s20 =	simm.s32 $0x4B0;
	[smem:$0x7FD] =	sst s19;
	s4 =	smax.u32 s24, $0x1  }
0x2c: {  	s24 =	simm.s32 $0x1F40;
	[smem:$0x7FB] =	sst s4;
	s4 =	simm.s32 $0x3840  }
.LBB2_7:
0x2d: {  	s19 =	sadd.s32 $0xC31E, s21;
	[sflag:s7] =	ssyncadd.s32 $0xFFFFE700  }
0x2e: {  	[tilespmem:s16], [sflag:$0x3] =	stream.linear.gather [hbm4b:s19+s3], $0x190, $0x38;
	[tilespmem:$0x1D7B0] =	vst v63  }
0x2f: {  	_ =	swait.ge [sflag:s7], $0x190  }
0x30: {  	s17 =	sadd.s32 s17, s14;
	[sflag:s7] =	ssyncset.done $0x0  }
0x31: {  	s26 =	sadd.s32 $0xC31E, s17;
	[sflag:s7] =	ssyncadd.s32 $0xFFFFFE70  }
0x32: {  	[tilespmem:s20], [sflag:$0x3] =	stream.linear.gather [hbm4b:s26+s3], $0x190, $0x38;
	[tilespmem:$0x1D7B0] =	vst v63  }
0x33: {  	_ =	swait.ge [sflag:s7], $0x190  }
0x34: {  	[sflag:s7] =	ssyncset.done $0x0  }
0x35: {  	[sflag:s7] =	ssyncadd.s32 $0xFFFFFE70  }
0x36: {  	[tilespmem:s24], [sflag:$0x2] =	stream.indirect.gather [hbm4b:s6+s10], $0x10, s16, s10, $0xb8;
	[tilespmem:$0x1D7B0] =	vst v63  }
0x37: {  	_ =	swait.ge [sflag:s29], $0x1900  }
0x38: {  	[sflag:s29] =	ssyncset.done $0x0  }
0x39: {  	[sflag:s29] =	ssyncadd.s32 $0xFFFFE700  }
0x3a: {  	[spmem:s2] =	stream.indirect.scatter.add.f32 [tilespmem:s12], [sflag:$0x3], $0x10, s10, s10, $0xb8;
	[tilespmem:$0x1D7B0] =	vst v63  }
0x3b: {  	_ =	swait.ge [sflag:s7], $0x1900  }
0x3c: {  	[sflag:s7] =	ssyncset.done $0x0  }
0x3d: {  	s28 =	sadd.s32 $0xC350, s21;
	[sflag:s7] =	ssyncadd.s32 $0xFFFFE700  }
0x3e: {  	[tilespmem:s3], [sflag:$0x3] =	stream.linear.gather [hbm4b:s28+s3], $0x190, $0x38;
	[tilespmem:$0x1D7B0] =	vst v63  }
0x3f: {  	_ =	swait.ge [sflag:s7], $0x190  }
0x40: {  	[sflag:s7] =	ssyncset.done $0x0  }
0x41: {  	s17 =	sadd.s32 $0xC350, s17;
	[sflag:s7] =	ssyncadd.s32 $0xFFFFFE70  }
0x42: {  	[tilespmem:s10], [sflag:$0x3] =	stream.linear.gather [hbm4b:s17+s3], $0x190, $0x38;
	[tilespmem:$0x1D7B0] =	vst v63  }
0x43: {  	_ =	swait.ge [sflag:s7], $0x190  }
0x44: {  	[sflag:s7] =	ssyncset.done $0x0  }
0x45: {  	[sflag:s7] =	ssyncadd.s32 $0xFFFFFE70  }
0x46: {  	[tilespmem:s12], [sflag:$0x1] =	stream.indirect.gather [hbm4b:s6+s10], $0x10, s3, s10, $0xb8;
	[tilespmem:$0x1D7B0] =	vst v63  }
0x47: {  	_ =	swait.ge [sflag:s31], $0x1900  }
0x48: {  	[sflag:s31] =	ssyncset.done $0x0  }
0x49: {  	[sflag:s31] =	ssyncadd.s32 $0xFFFFE700  }
0x4a: {  	[spmem:s2] =	stream.indirect.scatter.add.f32 [tilespmem:s24], [sflag:$0x3], $0x10, s20, s10, $0xb8;
	[tilespmem:$0x1D7B0] =	vst v63  }
0x4b: {  	s8 =	smov.u32 s18;
	_ =	swait.ge [sflag:s7], $0x1900  }
0x4c: {  	s19 =	smov.u32 s6;
	[sflag:s7] =	ssyncset.done $0x0;
	s17 =	rddreg [dreg:$0x5]  }
0x4d: {  	s26 =	smov.u32 s22;
	s13 =	sld [smem:$0x7F5];
	[sflag:s7] =	ssyncadd.s32 $0xFFFFE700  }
.LBB2_8:
0x4e: {  	s21 =	rddreg [dreg:$0x9]  }
0x4f: {  	[tilespmem:s16], [sflag:$0x3] =	stream.linear.gather [hbm4b:s21+s3], $0x190, $0x38;
	[tilespmem:$0x1D7B0] =	vst v63  }
0x50: {  	_ =	swait.ge [sflag:s7], $0x190  }
0x51: {  	[sflag:s7] =	ssyncset.done $0x0  }
0x52: {  	s18 =	rddreg [dreg:$0x8];
	[sflag:s7] =	ssyncadd.s32 $0xFFFFFE70  }
0x53: {  	[tilespmem:s20], [sflag:$0x3] =	stream.linear.gather [hbm4b:s18+s3], $0x190, $0x38;
	[tilespmem:$0x1D7B0] =	vst v63  }
0x54: {  	_ =	swait.ge [sflag:s7], $0x190  }
0x55: {  	[sflag:s7] =	ssyncset.done $0x0  }
0x56: {  	[sflag:s7] =	ssyncadd.s32 $0xFFFFFE70  }
0x57: {  	[tilespmem:s24], [sflag:$0x2] =	stream.indirect.gather [hbm4b:s19+s10], $0x10, s16, s10, $0xb8;
	[tilespmem:$0x1D7B0] =	vst v63  }
0x58: {  	_ =	swait.ge [sflag:s29], $0x1900  }
0x59: {  	[sflag:s29] =	ssyncset.done $0x0  }
0x5a: {  	[sflag:s29] =	ssyncadd.s32 $0xFFFFE700  }
0x5b: {  	[spmem:s2] =	stream.indirect.scatter.add.f32 [tilespmem:s12], [sflag:$0x3], $0x10, s10, s10, $0xb8;
	[tilespmem:$0x1D7B0] =	vst v63  }
0x5c: {  	_ =	swait.ge [sflag:s7], $0x1900  }
0x5d: {  	[sflag:s7] =	ssyncset.done $0x0  }
0x5e: {  	[sflag:s7] =	ssyncadd.s32 $0xFFFFE700  }
0x5f: {  	_ =	swait.ge [sflag:s31], $0x1900  }
0x60: {  	[sflag:s31] =	ssyncset.done $0x0  }
0x61: {  	[sflag:s31] =	ssyncadd.s32 $0xFFFFE700  }
0x62: {  	[spmem:s2] =	stream.indirect.scatter.add.f32 [tilespmem:s24], [sflag:$0x3], $0x10, s20, s10, $0xb8;
	[tilespmem:$0x1D7B0] =	vst v63  }
0x63: {  	_ =	swait.ge [sflag:s7], $0x1900  }
0x64: {  	[sflag:s7] =	ssyncset.done $0x0  }
0x65: {  	[sflag:s7] =	ssyncadd.s32 $0xFFFFE700  }
0x66: {  	[bflag:$0x0] =	sbarrier.arrive $0xFFFF  }
0x67: {  	[tilespmem:s4], [sflag:$0x3] =	stream.linear.gather [spmem:s30], $0x1870, $0x38;
	[tilespmem:$0x1D7B0] =	vst v63  }
0x68: {  	_ =	swait.ge [sflag:s7], $0x1870  }
0x69: {  	[sflag:s7] =	ssyncset.done $0x0;
	s21 =	rddreg [dreg:$0xa]  }
0x6a: {  	s19 =	sadd.s32 s17, s21;
	[sflag:s7] =	ssyncadd.s32 $0xFFFFE790  }
0x6b: {  	[hbm4b:s19+s3] =	stream.linear.scatter [tilespmem:s4], [sflag:$0x3], $0x1870, $0x38;
	[tilespmem:$0x1D7B0] =	vst v63  }
0x6c: {  	_ =	swait.ge [sflag:s7], $0x1870  }
0x6d: {  	s0 =	sld [smem:$0x7F7]  }
0x6e: {  	[sflag:s7] =	ssyncset.done $0x0  }
0x6f: {  	[sflag:s7] =	ssyncadd.s32 $0xFFFFE790  }
0x70: {  	[tilespmem:s4], [sflag:$0x3] =	stream.linear.gather [spmem:s0], $0x1870, $0x38;
	[tilespmem:$0x1D7B0] =	vst v63  }
0x71: {  	_ =	swait.ge [sflag:s7], $0x1870  }
0x72: {  	[sflag:s7] =	ssyncset.done $0x0;
	s22 =	rddreg [dreg:$0xb]  }
0x73: {  	[sflag:s7] =	ssyncadd.s32 $0xFFFFE790;
	s23 =	sadd.s32 s17, s22  }
0x74: {  	[hbm4b:s23+s3] =	stream.linear.scatter [tilespmem:s4], [sflag:$0x3], $0x1870, $0x38;
	[tilespmem:$0x1D7B0] =	vst v63  }
0x75: {  	_ =	swait.ge [sflag:s7], $0x1870  }
0x76: {  	[sflag:s7] =	ssyncset.done $0x0  }
0x77: {  	[sflag:s7] =	ssyncadd.s32 $0xFFFFE790  }
0x78: {  	[tilespmem:s4], [sflag:$0x3] =	stream.linear.gather [spmem:s1], $0x1870, $0x38;
	[tilespmem:$0x1D7B0] =	vst v63  }
0x79: {  	_ =	swait.ge [sflag:s7], $0x1870  }
0x7a: {  	[sflag:s7] =	ssyncset.done $0x0;
	s25 =	rddreg [dreg:$0xc]  }
0x7b: {  	s21 =	smov.u32 s1;
	[sflag:s7] =	ssyncadd.s32 $0xFFFFE790;
	s1 =	sadd.s32 s17, s25  }
0x7c: {  	[hbm4b:s1+s3] =	stream.linear.scatter [tilespmem:s4], [sflag:$0x3], $0x1870, $0x38;
	[tilespmem:$0x1D7B0] =	vst v63  }
0x7d: {  	_ =	swait.ge [sflag:s7], $0x1870  }
0x7e: {  	[sflag:s7] =	ssyncset.done $0x0  }
0x7f: {  	s23 =	rddreg [dreg:$0x1a];
	[sflag:s7] =	ssyncadd.s32 $0xFFFFE790  }
0x80: {  	[tilespmem:s4], [sflag:$0x3] =	stream.linear.gather [spmem:s23], $0x1870, $0x38;
	[tilespmem:$0x1D7B0] =	vst v63  }
0x81: {  	_ =	swait.ge [sflag:s7], $0x1870  }
0x82: {  	[sflag:s7] =	ssyncset.done $0x0;
	s11 =	rddreg [dreg:$0xd]  }
0x83: {  	[sflag:s7] =	ssyncadd.s32 $0xFFFFE790;
	s18 =	sadd.s32 s17, s11  }
0x84: {  	[hbm4b:s18+s3] =	stream.linear.scatter [tilespmem:s4], [sflag:$0x3], $0x1870, $0x38;
	[tilespmem:$0x1D7B0] =	vst v63  }
0x85: {  	_ =	swait.ge [sflag:s7], $0x1870  }
0x86: {  	[sflag:s7] =	ssyncset.done $0x0  }
0x87: {  	s22 =	rddreg [dreg:$0x19];
	[sflag:s7] =	ssyncadd.s32 $0xFFFFE790  }
0x88: {  	[tilespmem:s4], [sflag:$0x3] =	stream.linear.gather [spmem:s22], $0x1870, $0x38;
	[tilespmem:$0x1D7B0] =	vst v63  }
0x89: {  	_ =	swait.ge [sflag:s7], $0x1870  }
0x8a: {  	[sflag:s7] =	ssyncset.done $0x0;
	s25 =	rddreg [dreg:$0xe]  }
0x8b: {  	[sflag:s7] =	ssyncadd.s32 $0xFFFFE790;
	s1 =	sadd.s32 s17, s25  }
0x8c: {  	[hbm4b:s1+s3] =	stream.linear.scatter [tilespmem:s4], [sflag:$0x3], $0x1870, $0x38;
	[tilespmem:$0x1D7B0] =	vst v63  }
0x8d: {  	_ =	swait.ge [sflag:s7], $0x1870  }
0x8e: {  	[sflag:s7] =	ssyncset.done $0x0  }
0x8f: {  	s25 =	rddreg [dreg:$0x17];
	[sflag:s7] =	ssyncadd.s32 $0xFFFFE790  }
0x90: {  	[tilespmem:s4], [sflag:$0x3] =	stream.linear.gather [spmem:s25], $0x1870, $0x38;
	[tilespmem:$0x1D7B0] =	vst v63  }
0x91: {  	_ =	swait.ge [sflag:s7], $0x1870  }
0x92: {  	[sflag:s7] =	ssyncset.done $0x0;
	s11 =	rddreg [dreg:$0xf]  }
0x93: {  	[sflag:s7] =	ssyncadd.s32 $0xFFFFE790;
	s18 =	sadd.s32 s17, s11  }
0x94: {  	[hbm4b:s18+s3] =	stream.linear.scatter [tilespmem:s4], [sflag:$0x3], $0x1870, $0x38;
	[tilespmem:$0x1D7B0] =	vst v63  }
0x95: {  	_ =	swait.ge [sflag:s7], $0x1870  }
0x96: {  	[sflag:s7] =	ssyncset.done $0x0  }
0x97: {  	s30 =	rddreg [dreg:$0x16];
	[sflag:s7] =	ssyncadd.s32 $0xFFFFE790  }
0x98: {  	[tilespmem:s4], [sflag:$0x3] =	stream.linear.gather [spmem:s30], $0x1870, $0x38;
	[tilespmem:$0x1D7B0] =	vst v63  }
0x99: {  	_ =	swait.ge [sflag:s7], $0x1870  }
0x9a: {  	[sflag:s7] =	ssyncset.done $0x0;
	s22 =	rddreg [dreg:$0x10]  }
0x9b: {  	[sflag:s7] =	ssyncadd.s32 $0xFFFFE790;
	s1 =	sadd.s32 s17, s22  }
0x9c: {  	[hbm4b:s1+s3] =	stream.linear.scatter [tilespmem:s4], [sflag:$0x3], $0x1870, $0x38;
	[tilespmem:$0x1D7B0] =	vst v63  }
0x9d: {  	_ =	swait.ge [sflag:s7], $0x1870  }
0x9e: {  	[sflag:s7] =	ssyncset.done $0x0  }
0x9f: {  	[sflag:s7] =	ssyncadd.s32 $0xFFFFE790  }
0xa0: {  	[tilespmem:s4], [sflag:$0x3] =	stream.linear.gather [spmem:s9], $0x1870, $0x38;
	[tilespmem:$0x1D7B0] =	vst v63  }
0xa1: {  	_ =	swait.ge [sflag:s7], $0x1870  }
0xa2: {  	[sflag:s7] =	ssyncset.done $0x0;
	s11 =	rddreg [dreg:$0x11]  }
0xa3: {  	[sflag:s7] =	ssyncadd.s32 $0xFFFFE790;
	s18 =	sadd.s32 s17, s11  }
0xa4: {  	[hbm4b:s18+s3] =	stream.linear.scatter [tilespmem:s4], [sflag:$0x3], $0x1870, $0x38;
	[tilespmem:$0x1D7B0] =	vst v63  }
0xa5: {  	_ =	swait.ge [sflag:s7], $0x1870  }
0xa6: {  	[sflag:s7] =	ssyncset.done $0x0  }
0xa7: {  	s22 =	rddreg [dreg:$0x12];
	[sflag:s7] =	ssyncadd.s32 $0xFFFFE790  }
0xa8: {  	[tilespmem:s4], [sflag:$0x3] =	stream.linear.gather [spmem:s22], $0x1870, $0x38;
	[tilespmem:$0x1D7B0] =	vst v63  }
0xa9: {  	_ =	swait.ge [sflag:s7], $0x1870  }
0xaa: {  	[sflag:s7] =	ssyncset.done $0x0;
	s19 =	rddreg [dreg:$0x13]  }
0xab: {  	[sflag:s7] =	ssyncadd.s32 $0xFFFFE790;
	s1 =	sadd.s32 s17, s19  }
0xac: {  	[hbm4b:s1+s3] =	stream.linear.scatter [tilespmem:s4], [sflag:$0x3], $0x1870, $0x38;
	[tilespmem:$0x1D7B0] =	vst v63  }
0xad: {  	_ =	swait.ge [sflag:s7], $0x1870  }
0xae: {  	[sflag:s7] =	ssyncset.done $0x0  }
0xaf: {  	s1 =	rddreg [dreg:$0x14];
	[sflag:s7] =	ssyncadd.s32 $0xFFFFE790  }
0xb0: {  	[tilespmem:s4], [sflag:$0x3] =	stream.linear.gather [spmem:s1], $0x1870, $0x38;
	[tilespmem:$0x1D7B0] =	vst v63  }
0xb1: {  	_ =	swait.ge [sflag:s7], $0x1870  }
0xb2: {  	[sflag:s7] =	ssyncset.done $0x0;
	s11 =	rddreg [dreg:$0x15]  }
0xb3: {  	[sflag:s7] =	ssyncadd.s32 $0xFFFFE790;
	s18 =	sadd.s32 s17, s11  }
0xb4: {  	[hbm4b:s18+s3] =	stream.linear.scatter [tilespmem:s4], [sflag:$0x3], $0x1870, $0x38;
	[tilespmem:$0x1D7B0] =	vst v63  }
0xb5: {  	_ =	swait.ge [sflag:s7], $0x1870  }
0xb6: {  	[sflag:s7] =	ssyncset.done $0x0  }
0xb7: {  	[sflag:s7] =	ssyncadd.s32 $0xFFFFE790  }
0xb8: {  	[tilespmem:s4], [sflag:$0x3] =	stream.linear.gather [spmem:s26], $0x1870, $0x38;
	[tilespmem:$0x1D7B0] =	vst v63  }
0xb9: {  	_ =	swait.ge [sflag:s7], $0x1870  }
0xba: {  	[sflag:s7] =	ssyncset.done $0x0;
	s19 =	rddreg [dreg:$0x18]  }
0xbb: {  	[sflag:s7] =	ssyncadd.s32 $0xFFFFE790;
	s0 =	sadd.s32 s17, s19  }
0xbc: {  	[hbm4b:s0+s3] =	stream.linear.scatter [tilespmem:s4], [sflag:$0x3], $0x1870, $0x38;
	[tilespmem:$0x1D7B0] =	vst v63  }
0xbd: {  	_ =	swait.ge [sflag:s7], $0x1870  }
0xbe: {  	[sflag:s7] =	ssyncset.done $0x0  }
0xbf: {  	[sflag:s7] =	ssyncadd.s32 $0xFFFFE790  }
0xc0: {  	[tilespmem:s4], [sflag:$0x3] =	stream.linear.gather [spmem:s8], $0x1870, $0x38;
	[tilespmem:$0x1D7B0] =	vst v63  }
0xc1: {  	_ =	swait.ge [sflag:s7], $0x1870  }
0xc2: {  	[sflag:s7] =	ssyncset.done $0x0;
	s11 =	rddreg [dreg:$0x1b]  }
0xc3: {  	[sflag:s7] =	ssyncadd.s32 $0xFFFFE790;
	s18 =	sadd.s32 s17, s11  }
0xc4: {  	[hbm4b:s18+s3] =	stream.linear.scatter [tilespmem:s4], [sflag:$0x3], $0x1870, $0x38;
	[tilespmem:$0x1D7B0] =	vst v63  }
0xc5: {  	_ =	swait.ge [sflag:s7], $0x1870  }
0xc6: {  	[sflag:s7] =	ssyncset.done $0x0  }
0xc7: {  	s18 =	smov.u32 s9;
	s9 =	rddreg [dreg:$0x1c];
	[sflag:s7] =	ssyncadd.s32 $0xFFFFE790  }
0xc8: {  	[tilespmem:s4], [sflag:$0x3] =	stream.linear.gather [spmem:s9], $0x1870, $0x38;
	[tilespmem:$0x1D7B0] =	vst v63  }
0xc9: {  	_ =	swait.ge [sflag:s7], $0x1870  }
0xca: {  	[sflag:s7] =	ssyncset.done $0x0;
	s19 =	rddreg [dreg:$0x1d]  }
0xcb: {  	[sflag:s7] =	ssyncadd.s32 $0xFFFFE790;
	s11 =	sadd.s32 s17, s19  }
0xcc: {  	[hbm4b:s11+s3] =	stream.linear.scatter [tilespmem:s4], [sflag:$0x3], $0x1870, $0x38;
	[tilespmem:$0x1D7B0] =	vst v63  }
0xcd: {  	_ =	swait.ge [sflag:s7], $0x1870  }
0xce: {  	[sflag:s7] =	ssyncset.done $0x0  }
0xcf: {  	s28 =	rddreg [dreg:$0x1e];
	[sflag:s7] =	ssyncadd.s32 $0xFFFFE790  }
0xd0: {  	[tilespmem:s4], [sflag:$0x3] =	stream.linear.gather [spmem:s28], $0x1870, $0x38;
	[tilespmem:$0x1D7B0] =	vst v63  }
0xd1: {  	_ =	swait.ge [sflag:s7], $0x1870  }
0xd2: {  	[sflag:s7] =	ssyncset.done $0x0;
	s19 =	rddreg [dreg:$0x1f]  }
0xd3: {  	[sflag:s7] =	ssyncadd.s32 $0xFFFFE790;
	s11 =	sadd.s32 s17, s19  }
0xd4: {  	[hbm4b:s11+s3] =	stream.linear.scatter [tilespmem:s4], [sflag:$0x3], $0x1870, $0x38;
	[tilespmem:$0x1D7B0] =	vst v63  }
0xd5: {  	_ =	swait.ge [sflag:s7], $0x1870  }
0xd6: {  	s11 =	sld [smem:$0x7FC]  }
0xd7: {  	[sflag:s7] =	ssyncset.done $0x0  }
0xd8: {  	[sflag:s7] =	ssyncadd.s32 $0xFFFFE790  }
0xd9: {  	[tilespmem:s4], [sflag:$0x3] =	stream.linear.gather [spmem:s11], $0x1870, $0x38;
	[tilespmem:$0x1D7B0] =	vst v63  }
0xda: {  	_ =	swait.ge [sflag:s7], $0x1870  }
0xdb: {  	s19 =	sld [smem:$0x7F8];
	_ =	sdelay $0x1  }
0xdc: {  	[sflag:s7] =	ssyncset.done $0x0  }
0xdd: {  	[sflag:s7] =	ssyncadd.s32 $0xFFFFE790;
	s0 =	sadd.s32 s17, s19  }
0xde: {  	[hbm4b:s0+s3] =	stream.linear.scatter [tilespmem:s4], [sflag:$0x3], $0x1870, $0x38;
	[tilespmem:$0x1D7B0] =	vst v63  }
0xdf: {  	_ =	swait.ge [sflag:s7], $0x1870  }
0xe0: {  	s19 =	sld [smem:$0x7FD]  }
0xe1: {  	[sflag:s7] =	ssyncset.done $0x0  }
0xe2: {  	[sflag:s7] =	ssyncadd.s32 $0xFFFFE790  }
0xe3: {  	[tilespmem:s4], [sflag:$0x3] =	stream.linear.gather [spmem:s19], $0x1870, $0x38;
	[tilespmem:$0x1D7B0] =	vst v63  }
0xe4: {  	_ =	swait.ge [sflag:s7], $0x1870  }
0xe5: {  	s0 =	sld [smem:$0x7F9];
	_ =	sdelay $0x1  }
0xe6: {  	[sflag:s7] =	ssyncset.done $0x0  }
0xe7: {  	[sflag:s7] =	ssyncadd.s32 $0xFFFFE790;
	s0 =	sadd.s32 s17, s0  }
0xe8: {  	[hbm4b:s0+s3] =	stream.linear.scatter [tilespmem:s4], [sflag:$0x3], $0x1870, $0x38;
	[tilespmem:$0x1D7B0] =	vst v63  }
0xe9: {  	_ =	swait.ge [sflag:s7], $0x1870  }
0xea: {  	s17 =	sld [smem:$0x7FB];
	_ =	sdelay $0x1  }
0xeb: {  	s13 =	sadd.s32 $0x1, s13  }
0xec: {  	p1 =	sne.s32 s13, s17  }
.Ltmp1:
0xed: {  	_ = 	snop;
	(pc) =	sbr.rel @!p1 .LBB2_9-.Ltmp1, $3  }
0xee: {  	_ =	sdelay $0x1  }
0xef: {  	[sflag:s7] =	ssyncset.done $0x0  }
0xf0: {  	s0 =	smov.u32 s18;
	s18 =	rddreg [dreg:$0x19];
	[sflag:s7] =	ssyncadd.s32 $0xFFFFE790  }
.LBB2_1:
0xf1: {  	[smem:$0x7F5] =	sst s13  }
0xf2: {  	s17 =	rddreg [dreg:$0x1]  }
0xf3: {  	[tilespmem:s4], [sflag:$0x3] =	stream.linear.gather [hbm4b:s17+s3], $0x1870, $0x38;
	[tilespmem:$0x1D7B0] =	vst v63  }
0xf4: {  	_ =	swait.ge [sflag:s7], $0x1870  }
0xf5: {  	s13 =	smov.u32 s19;
	s19 =	smov.u32 s25;
	s25 =	sld [smem:$0x7F6]  }
0xf6: {  	[sflag:s7] =	ssyncset.done $0x0  }
0xf7: {  	[sflag:s7] =	ssyncadd.s32 $0xFFFFE790  }
0xf8: {  	[spmem:s25] =	stream.linear.scatter [tilespmem:s4], [sflag:$0x3], $0x1870, $0x38;
	[tilespmem:$0x1D7B0] =	vst v63  }
0xf9: {  	s17 =	smov.u32 s18;
	_ =	swait.ge [sflag:s7], $0x1870  }
0xfa: {  	s18 =	smov.u32 s30;
	s30 =	smov.u32 s25;
	s25 =	sld [smem:$0x7F7]  }
0xfb: {  	[sflag:s7] =	ssyncset.done $0x0  }
0xfc: {  	[sflag:s7] =	ssyncadd.s32 $0xFFFFE790  }
0xfd: {  	[spmem:s25] =	stream.linear.scatter [tilespmem:s4], [sflag:$0x3], $0x1870, $0x38;
	[tilespmem:$0x1D7B0] =	vst v63  }
0xfe: {  	_ =	swait.ge [sflag:s7], $0x1870  }
0xff: {  	[sflag:s7] =	ssyncset.done $0x0  }
0x100: {  	[sflag:s7] =	ssyncadd.s32 $0xFFFFE790  }
0x101: {  	[spmem:s21] =	stream.linear.scatter [tilespmem:s4], [sflag:$0x3], $0x1870, $0x38;
	[tilespmem:$0x1D7B0] =	vst v63  }
0x102: {  	_ =	swait.ge [sflag:s7], $0x1870  }
0x103: {  	[sflag:s7] =	ssyncset.done $0x0  }
0x104: {  	[sflag:s7] =	ssyncadd.s32 $0xFFFFE790  }
0x105: {  	[spmem:s23] =	stream.linear.scatter [tilespmem:s4], [sflag:$0x3], $0x1870, $0x38;
	[tilespmem:$0x1D7B0] =	vst v63  }
0x106: {  	_ =	swait.ge [sflag:s7], $0x1870  }
0x107: {  	[sflag:s7] =	ssyncset.done $0x0  }
0x108: {  	[sflag:s7] =	ssyncadd.s32 $0xFFFFE790  }
0x109: {  	[spmem:s17] =	stream.linear.scatter [tilespmem:s4], [sflag:$0x3], $0x1870, $0x38;
	[tilespmem:$0x1D7B0] =	vst v63  }
0x10a: {  	_ =	swait.ge [sflag:s7], $0x1870  }
0x10b: {  	[sflag:s7] =	ssyncset.done $0x0  }
0x10c: {  	[sflag:s7] =	ssyncadd.s32 $0xFFFFE790  }
0x10d: {  	[spmem:s19] =	stream.linear.scatter [tilespmem:s4], [sflag:$0x3], $0x1870, $0x38;
	[tilespmem:$0x1D7B0] =	vst v63  }
0x10e: {  	_ =	swait.ge [sflag:s7], $0x1870  }
0x10f: {  	[sflag:s7] =	ssyncset.done $0x0  }
0x110: {  	[sflag:s7] =	ssyncadd.s32 $0xFFFFE790  }
0x111: {  	[spmem:s18] =	stream.linear.scatter [tilespmem:s4], [sflag:$0x3], $0x1870, $0x38;
	[tilespmem:$0x1D7B0] =	vst v63  }
0x112: {  	_ =	swait.ge [sflag:s7], $0x1870  }
0x113: {  	[sflag:s7] =	ssyncset.done $0x0  }
0x114: {  	[sflag:s7] =	ssyncadd.s32 $0xFFFFE790  }
0x115: {  	[spmem:s0] =	stream.linear.scatter [tilespmem:s4], [sflag:$0x3], $0x1870, $0x38;
	[tilespmem:$0x1D7B0] =	vst v63  }
0x116: {  	_ =	swait.ge [sflag:s7], $0x1870  }
0x117: {  	[sflag:s7] =	ssyncset.done $0x0  }
0x118: {  	[sflag:s7] =	ssyncadd.s32 $0xFFFFE790  }
0x119: {  	[spmem:s22] =	stream.linear.scatter [tilespmem:s4], [sflag:$0x3], $0x1870, $0x38;
	[tilespmem:$0x1D7B0] =	vst v63  }
0x11a: {  	_ =	swait.ge [sflag:s7], $0x1870  }
0x11b: {  	[sflag:s7] =	ssyncset.done $0x0  }
0x11c: {  	s25 =	smov.u32 s1;
	[sflag:s7] =	ssyncadd.s32 $0xFFFFE790  }
0x11d: {  	[spmem:s25] =	stream.linear.scatter [tilespmem:s4], [sflag:$0x3], $0x1870, $0x38;
	[tilespmem:$0x1D7B0] =	vst v63  }
0x11e: {  	_ =	swait.ge [sflag:s7], $0x1870  }
0x11f: {  	[sflag:s7] =	ssyncset.done $0x0  }
0x120: {  	[sflag:s7] =	ssyncadd.s32 $0xFFFFE790  }
0x121: {  	[spmem:s26] =	stream.linear.scatter [tilespmem:s4], [sflag:$0x3], $0x1870, $0x38;
	[tilespmem:$0x1D7B0] =	vst v63  }
0x122: {  	_ =	swait.ge [sflag:s7], $0x1870  }
0x123: {  	[sflag:s7] =	ssyncset.done $0x0  }
0x124: {  	[sflag:s7] =	ssyncadd.s32 $0xFFFFE790  }
0x125: {  	[spmem:s8] =	stream.linear.scatter [tilespmem:s4], [sflag:$0x3], $0x1870, $0x38;
	[tilespmem:$0x1D7B0] =	vst v63  }
0x126: {  	_ =	swait.ge [sflag:s7], $0x1870  }
0x127: {  	[sflag:s7] =	ssyncset.done $0x0  }
0x128: {  	[sflag:s7] =	ssyncadd.s32 $0xFFFFE790  }
0x129: {  	[spmem:s9] =	stream.linear.scatter [tilespmem:s4], [sflag:$0x3], $0x1870, $0x38;
	[tilespmem:$0x1D7B0] =	vst v63  }
0x12a: {  	_ =	swait.ge [sflag:s7], $0x1870  }
0x12b: {  	[sflag:s7] =	ssyncset.done $0x0  }
0x12c: {  	[sflag:s7] =	ssyncadd.s32 $0xFFFFE790  }
0x12d: {  	[spmem:s28] =	stream.linear.scatter [tilespmem:s4], [sflag:$0x3], $0x1870, $0x38;
	[tilespmem:$0x1D7B0] =	vst v63  }
0x12e: {  	_ =	swait.ge [sflag:s7], $0x1870  }
0x12f: {  	[sflag:s7] =	ssyncset.done $0x0  }
0x130: {  	[sflag:s7] =	ssyncadd.s32 $0xFFFFE790  }
0x131: {  	[spmem:s11] =	stream.linear.scatter [tilespmem:s4], [sflag:$0x3], $0x1870, $0x38;
	[tilespmem:$0x1D7B0] =	vst v63  }
0x132: {  	_ =	swait.ge [sflag:s7], $0x1870  }
0x133: {  	[sflag:s7] =	ssyncset.done $0x0  }
0x134: {  	[sflag:s7] =	ssyncadd.s32 $0xFFFFE790  }
0x135: {  	[spmem:s13] =	stream.linear.scatter [tilespmem:s4], [sflag:$0x3], $0x1870, $0x38;
	[tilespmem:$0x1D7B0] =	vst v63  }
0x136: {  	_ =	swait.ge [sflag:s7], $0x1870  }
0x137: {  	[sflag:s7] =	ssyncset.done $0x0  }
0x138: {  	[sflag:s7] =	ssyncadd.s32 $0xFFFFE790  }
0x139: {  	[bflag:$0x0] =	sbarrier.arrive $0xFFFF  }
0x13a: {  	s22 =	smov.u32 s26;
	s26 =	rddreg [dreg:$0x6]  }
0x13b: {  	[tilespmem:s3], [sflag:$0x3] =	stream.linear.gather [hbm4b:s26+s3], $0x190, $0x38;
	[tilespmem:$0x1D7B0] =	vst v63  }
0x13c: {  	_ =	swait.ge [sflag:s7], $0x190  }
0x13d: {  	[sflag:s7] =	ssyncset.done $0x0  }
.Ltmp2:
0x13e: {  	s28 =	rddreg [dreg:$0x7];
	[sflag:s7] =	ssyncadd.s32 $0xFFFFFE70;
	(pc) =	sbr.rel @p0 .LBB2_5-.Ltmp2, $4  }
0x13f: {  	[tilespmem:s10], [sflag:$0x3] =	stream.linear.gather [hbm4b:s28+s3], $0x190, $0x38;
	[tilespmem:$0x1D7B0] =	vst v63  }
0x140: {  	_ =	swait.ge [sflag:s7], $0x190  }
0x141: {  	s1 =	smov.u32 s21;
	[sflag:s7] =	ssyncset.done $0x0  }
0x142: {  	s18 =	smov.u32 s8;
	s9 =	smov.u32 s0;
	[sflag:s7] =	ssyncadd.s32 $0xFFFFFE70  }
0x143: {  	[tilespmem:s12], [sflag:$0x1] =	stream.indirect.gather [hbm4b:s5+s10], $0x10, s3, s10, $0xb8;
	[tilespmem:$0x1D7B0] =	vst v63  }
0x144: {  	s17 =	sadd.s32 $0xFFFF3D14, s15  }
0x145: {  	s19 =	sadd.s32 $0xC31E, s17  }
0x146: {  	[tilespmem:s16], [sflag:$0x3] =	stream.linear.gather [hbm4b:s19+s3], $0x190, $0x38;
	[tilespmem:$0x1D7B0] =	vst v63  }
0x147: {  	_ =	swait.ge [sflag:s7], $0x190  }
0x148: {  	s26 =	sadd.s32 $0xFFFF3D14, s14;
	[sflag:s7] =	ssyncset.done $0x0  }
0x149: {  	s21 =	sadd.s32 $0xC31E, s26;
	[sflag:s7] =	ssyncadd.s32 $0xFFFFFE70  }
0x14a: {  	[tilespmem:s20], [sflag:$0x3] =	stream.linear.gather [hbm4b:s21+s3], $0x190, $0x38;
	[tilespmem:$0x1D7B0] =	vst v63  }
0x14b: {  	_ =	swait.ge [sflag:s7], $0x190  }
0x14c: {  	[sflag:s7] =	ssyncset.done $0x0  }
0x14d: {  	[sflag:s7] =	ssyncadd.s32 $0xFFFFFE70  }
0x14e: {  	[tilespmem:s24], [sflag:$0x2] =	stream.indirect.gather [hbm4b:s5+s10], $0x10, s16, s10, $0xb8;
	[tilespmem:$0x1D7B0] =	vst v63  }
0x14f: {  	_ =	swait.ge [sflag:s29], $0x1900  }
0x150: {  	[sflag:s29] =	ssyncset.done $0x0  }
0x151: {  	[sflag:s29] =	ssyncadd.s32 $0xFFFFE700  }
0x152: {  	[spmem:s2] =	stream.indirect.scatter.add.f32 [tilespmem:s12], [sflag:$0x3], $0x10, s10, s10, $0xb8;
	[tilespmem:$0x1D7B0] =	vst v63  }
0x153: {  	_ =	swait.ge [sflag:s7], $0x1900  }
0x154: {  	[sflag:s7] =	ssyncset.done $0x0  }
0x155: {  	s17 =	sadd.s32 $0xC350, s17;
	[sflag:s7] =	ssyncadd.s32 $0xFFFFE700  }
0x156: {  	[tilespmem:s3], [sflag:$0x3] =	stream.linear.gather [hbm4b:s17+s3], $0x190, $0x38;
	[tilespmem:$0x1D7B0] =	vst v63  }
0x157: {  	_ =	swait.ge [sflag:s7], $0x190  }
0x158: {  	[sflag:s7] =	ssyncset.done $0x0  }
0x159: {  	s28 =	sadd.s32 $0xC350, s26;
	[sflag:s7] =	ssyncadd.s32 $0xFFFFFE70  }
0x15a: {  	[tilespmem:s10], [sflag:$0x3] =	stream.linear.gather [hbm4b:s28+s3], $0x190, $0x38;
	[tilespmem:$0x1D7B0] =	vst v63  }
0x15b: {  	_ =	swait.ge [sflag:s7], $0x190  }
0x15c: {  	[sflag:s7] =	ssyncset.done $0x0  }
0x15d: {  	[sflag:s7] =	ssyncadd.s32 $0xFFFFFE70  }
0x15e: {  	[tilespmem:s12], [sflag:$0x1] =	stream.indirect.gather [hbm4b:s5+s10], $0x10, s3, s10, $0xb8;
	[tilespmem:$0x1D7B0] =	vst v63  }
0x15f: {  	_ =	swait.ge [sflag:s31], $0x1900  }
0x160: {  	[sflag:s31] =	ssyncset.done $0x0  }
0x161: {  	[sflag:s31] =	ssyncadd.s32 $0xFFFFE700  }
0x162: {  	[spmem:s2] =	stream.indirect.scatter.add.f32 [tilespmem:s24], [sflag:$0x3], $0x10, s20, s10, $0xb8;
	[tilespmem:$0x1D7B0] =	vst v63  }
0x163: {  	s19 =	simm.s32 $0xFFFF3DDC;
	_ =	swait.ge [sflag:s7], $0x1900  }
0x164: {  	s21 =	sadd.s32 $0xFFFF3D78, s15;
	s17 =	simm.s32 $0xFFFF3D78;
	[sflag:s7] =	ssyncset.done $0x0  }
.LBB2_3:
0x165: {  	s25 =	sadd.s32 $0xC31E, s21  }
0x166: {  	[sflag:s7] =	ssyncadd.s32 $0xFFFFE700;
	s28 =	smov.u32 s19;
	s23 =	sadd.s32 $0x64, s19  }
0x167: {  	[tilespmem:s16], [sflag:$0x3] =	stream.linear.gather [hbm4b:s25+s3], $0x190, $0x38;
	[tilespmem:$0x1D7B0] =	vst v63  }
0x168: {  	p1 =	seq.s32 s19, $0xFFFFFF9C;
	_ =	swait.ge [sflag:s7], $0x190  }
0x169: {  	s19 =	sadd.s32 s17, s14;
	s17 =	smov.u32 s28;
	[sflag:s7] =	ssyncset.done $0x0  }
0x16a: {  	s25 =	sadd.s32 $0xC31E, s19;
	[sflag:s7] =	ssyncadd.s32 $0xFFFFFE70  }
0x16b: {  	[tilespmem:s20], [sflag:$0x3] =	stream.linear.gather [hbm4b:s25+s3], $0x190, $0x38;
	[tilespmem:$0x1D7B0] =	vst v63  }
0x16c: {  	_ =	swait.ge [sflag:s7], $0x190  }
0x16d: {  	[sflag:s7] =	ssyncset.done $0x0  }
0x16e: {  	[sflag:s7] =	ssyncadd.s32 $0xFFFFFE70  }
0x16f: {  	[tilespmem:s24], [sflag:$0x2] =	stream.indirect.gather [hbm4b:s5+s10], $0x10, s16, s10, $0xb8;
	[tilespmem:$0x1D7B0] =	vst v63  }
0x170: {  	_ =	swait.ge [sflag:s29], $0x1900  }
0x171: {  	[sflag:s29] =	ssyncset.done $0x0  }
0x172: {  	[sflag:s29] =	ssyncadd.s32 $0xFFFFE700  }
0x173: {  	[spmem:s2] =	stream.indirect.scatter.add.f32 [tilespmem:s12], [sflag:$0x3], $0x10, s10, s10, $0xb8;
	[tilespmem:$0x1D7B0] =	vst v63  }
0x174: {  	_ =	swait.ge [sflag:s7], $0x1900  }
0x175: {  	[sflag:s7] =	ssyncset.done $0x0  }
0x176: {  	s21 =	sadd.s32 $0xC350, s21;
	[sflag:s7] =	ssyncadd.s32 $0xFFFFE700  }
0x177: {  	[tilespmem:s3], [sflag:$0x3] =	stream.linear.gather [hbm4b:s21+s3], $0x190, $0x38;
	[tilespmem:$0x1D7B0] =	vst v63  }
0x178: {  	_ =	swait.ge [sflag:s7], $0x190  }
0x179: {  	[sflag:s7] =	ssyncset.done $0x0  }
0x17a: {  	s19 =	sadd.s32 $0xC350, s19;
	[sflag:s7] =	ssyncadd.s32 $0xFFFFFE70  }
0x17b: {  	[tilespmem:s10], [sflag:$0x3] =	stream.linear.gather [hbm4b:s19+s3], $0x190, $0x38;
	[tilespmem:$0x1D7B0] =	vst v63  }
0x17c: {  	_ =	swait.ge [sflag:s7], $0x190  }
0x17d: {  	[sflag:s7] =	ssyncset.done $0x0  }
0x17e: {  	[sflag:s7] =	ssyncadd.s32 $0xFFFFFE70  }
0x17f: {  	[tilespmem:s12], [sflag:$0x1] =	stream.indirect.gather [hbm4b:s5+s10], $0x10, s3, s10, $0xb8;
	[tilespmem:$0x1D7B0] =	vst v63  }
0x180: {  	_ =	swait.ge [sflag:s31], $0x1900  }
.Ltmp3:
0x181: {  	[sflag:s31] =	ssyncset.done $0x0;
	(pc) =	sbr.rel @!p1 .LBB2_3-.Ltmp3, $4  }
0x182: {  	[sflag:s31] =	ssyncadd.s32 $0xFFFFE700  }
0x183: {  	[spmem:s2] =	stream.indirect.scatter.add.f32 [tilespmem:s24], [sflag:$0x3], $0x10, s20, s10, $0xb8;
	[tilespmem:$0x1D7B0] =	vst v63  }
0x184: {  	_ =	swait.ge [sflag:s7], $0x1900  }
0x185: {  	s21 =	sadd.s32 s17, s15;
	s19 =	smov.u32 s23;
	[sflag:s7] =	ssyncset.done $0x0  }
0x186: {  	s19 =	sadd.s32 $0xC31E, s21;
	[sflag:s7] =	ssyncadd.s32 $0xFFFFE700  }
0x187: {  	[tilespmem:s16], [sflag:$0x3] =	stream.linear.gather [hbm4b:s19+s3], $0x190, $0x38;
	[tilespmem:$0x1D7B0] =	vst v63  }
0x188: {  	_ =	swait.ge [sflag:s7], $0x190  }
0x189: {  	s17 =	sadd.s32 s17, s14;
	[sflag:s7] =	ssyncset.done $0x0  }
0x18a: {  	s26 =	sadd.s32 $0xC31E, s17;
	[sflag:s7] =	ssyncadd.s32 $0xFFFFFE70  }
0x18b: {  	[tilespmem:s20], [sflag:$0x3] =	stream.linear.gather [hbm4b:s26+s3], $0x190, $0x38;
	[tilespmem:$0x1D7B0] =	vst v63  }
0x18c: {  	_ =	swait.ge [sflag:s7], $0x190  }
0x18d: {  	[sflag:s7] =	ssyncset.done $0x0  }
0x18e: {  	[sflag:s7] =	ssyncadd.s32 $0xFFFFFE70  }
0x18f: {  	[tilespmem:s24], [sflag:$0x2] =	stream.indirect.gather [hbm4b:s5+s10], $0x10, s16, s10, $0xb8;
	[tilespmem:$0x1D7B0] =	vst v63  }
0x190: {  	_ =	swait.ge [sflag:s29], $0x1900  }
0x191: {  	[sflag:s29] =	ssyncset.done $0x0  }
0x192: {  	[sflag:s29] =	ssyncadd.s32 $0xFFFFE700  }
0x193: {  	[spmem:s2] =	stream.indirect.scatter.add.f32 [tilespmem:s12], [sflag:$0x3], $0x10, s10, s10, $0xb8;
	[tilespmem:$0x1D7B0] =	vst v63  }
0x194: {  	_ =	swait.ge [sflag:s7], $0x1900  }
0x195: {  	[sflag:s7] =	ssyncset.done $0x0  }
0x196: {  	s28 =	sadd.s32 $0xC350, s21;
	[sflag:s7] =	ssyncadd.s32 $0xFFFFE700  }
0x197: {  	[tilespmem:s3], [sflag:$0x3] =	stream.linear.gather [hbm4b:s28+s3], $0x190, $0x38;
	[tilespmem:$0x1D7B0] =	vst v63  }
0x198: {  	_ =	swait.ge [sflag:s7], $0x190  }
0x199: {  	[sflag:s7] =	ssyncset.done $0x0  }
0x19a: {  	s17 =	sadd.s32 $0xC350, s17;
	[sflag:s7] =	ssyncadd.s32 $0xFFFFFE70  }
0x19b: {  	[tilespmem:s10], [sflag:$0x3] =	stream.linear.gather [hbm4b:s17+s3], $0x190, $0x38;
	[tilespmem:$0x1D7B0] =	vst v63  }
0x19c: {  	_ =	swait.ge [sflag:s7], $0x190  }
0x19d: {  	[sflag:s7] =	ssyncset.done $0x0  }
0x19e: {  	[sflag:s7] =	ssyncadd.s32 $0xFFFFFE70  }
0x19f: {  	[tilespmem:s12], [sflag:$0x1] =	stream.indirect.gather [hbm4b:s5+s10], $0x10, s3, s10, $0xb8;
	[tilespmem:$0x1D7B0] =	vst v63  }
0x1a0: {  	_ =	swait.ge [sflag:s31], $0x1900  }
0x1a1: {  	[sflag:s31] =	ssyncset.done $0x0  }
.Ltmp4:
0x1a2: {  	[sflag:s31] =	ssyncadd.s32 $0xFFFFE700;
	(pc) =	sbr.rel .LBB2_8-.Ltmp4, $4  }
0x1a3: {  	[spmem:s2] =	stream.indirect.scatter.add.f32 [tilespmem:s24], [sflag:$0x3], $0x10, s20, s10, $0xb8;
	[tilespmem:$0x1D7B0] =	vst v63  }
0x1a4: {  	s8 =	smov.u32 s18;
	_ =	swait.ge [sflag:s7], $0x1900  }
0x1a5: {  	s19 =	smov.u32 s5;
	[sflag:s7] =	ssyncset.done $0x0;
	s17 =	rddreg [dreg:$0x4]  }
0x1a6: {  	s26 =	smov.u32 s22;
	s13 =	sld [smem:$0x7F5];
	[sflag:s7] =	ssyncadd.s32 $0xFFFFE700  }
.LBB2_5:
0x1a7: {  	[tilespmem:s12], [sflag:$0x1] =	stream.indirect.gather [hbm4b:s6+s10], $0x10, s3, s10, $0xb8;
	[tilespmem:$0x1D7B0] =	vst v63  }
0x1a8: {  	s17 =	sadd.s32 $0xFFFF3D14, s15  }
0x1a9: {  	s19 =	sadd.s32 $0xC31E, s17  }
0x1aa: {  	[tilespmem:s16], [sflag:$0x3] =	stream.linear.gather [hbm4b:s19+s3], $0x190, $0x38;
	[tilespmem:$0x1D7B0] =	vst v63  }
0x1ab: {  	_ =	swait.ge [sflag:s7], $0x190  }
0x1ac: {  	s26 =	sadd.s32 $0xFFFF3D14, s14;
	[sflag:s7] =	ssyncset.done $0x0  }
0x1ad: {  	s21 =	sadd.s32 $0xC31E, s26;
	[sflag:s7] =	ssyncadd.s32 $0xFFFFFE70  }
0x1ae: {  	[tilespmem:s20], [sflag:$0x3] =	stream.linear.gather [hbm4b:s21+s3], $0x190, $0x38;
	[tilespmem:$0x1D7B0] =	vst v63  }
0x1af: {  	_ =	swait.ge [sflag:s7], $0x190  }
0x1b0: {  	[sflag:s7] =	ssyncset.done $0x0  }
0x1b1: {  	[sflag:s7] =	ssyncadd.s32 $0xFFFFFE70  }
0x1b2: {  	[tilespmem:s24], [sflag:$0x2] =	stream.indirect.gather [hbm4b:s6+s10], $0x10, s16, s10, $0xb8;
	[tilespmem:$0x1D7B0] =	vst v63  }
0x1b3: {  	_ =	swait.ge [sflag:s29], $0x1900  }
0x1b4: {  	[sflag:s29] =	ssyncset.done $0x0  }
0x1b5: {  	[sflag:s29] =	ssyncadd.s32 $0xFFFFE700  }
0x1b6: {  	[spmem:s2] =	stream.indirect.scatter.add.f32 [tilespmem:s12], [sflag:$0x3], $0x10, s10, s10, $0xb8;
	[tilespmem:$0x1D7B0] =	vst v63  }
0x1b7: {  	_ =	swait.ge [sflag:s7], $0x1900  }
0x1b8: {  	[sflag:s7] =	ssyncset.done $0x0  }
0x1b9: {  	s17 =	sadd.s32 $0xC350, s17;
	[sflag:s7] =	ssyncadd.s32 $0xFFFFE700  }
0x1ba: {  	[tilespmem:s3], [sflag:$0x3] =	stream.linear.gather [hbm4b:s17+s3], $0x190, $0x38;
	[tilespmem:$0x1D7B0] =	vst v63  }
0x1bb: {  	_ =	swait.ge [sflag:s7], $0x190  }
0x1bc: {  	[sflag:s7] =	ssyncset.done $0x0  }
0x1bd: {  	s28 =	sadd.s32 $0xC350, s26;
	[sflag:s7] =	ssyncadd.s32 $0xFFFFFE70  }
0x1be: {  	[tilespmem:s10], [sflag:$0x3] =	stream.linear.gather [hbm4b:s28+s3], $0x190, $0x38;
	[tilespmem:$0x1D7B0] =	vst v63  }
0x1bf: {  	_ =	swait.ge [sflag:s7], $0x190  }
0x1c0: {  	[sflag:s7] =	ssyncset.done $0x0  }
0x1c1: {  	[sflag:s7] =	ssyncadd.s32 $0xFFFFFE70  }
0x1c2: {  	[tilespmem:s12], [sflag:$0x1] =	stream.indirect.gather [hbm4b:s6+s10], $0x10, s3, s10, $0xb8;
	[tilespmem:$0x1D7B0] =	vst v63  }
0x1c3: {  	_ =	swait.ge [sflag:s31], $0x1900  }
0x1c4: {  	[sflag:s31] =	ssyncset.done $0x0  }
0x1c5: {  	[sflag:s31] =	ssyncadd.s32 $0xFFFFE700  }
0x1c6: {  	[spmem:s2] =	stream.indirect.scatter.add.f32 [tilespmem:s24], [sflag:$0x3], $0x10, s20, s10, $0xb8;
	[tilespmem:$0x1D7B0] =	vst v63  }
0x1c7: {  	s23 =	simm.s32 $0xFFFF3DDC;
	_ =	swait.ge [sflag:s7], $0x1900  }
0x1c8: {  	s21 =	sadd.s32 $0xFFFF3D78, s15;
	s17 =	simm.s32 $0xFFFF3D78;
	[sflag:s7] =	ssyncset.done $0x0  }
.LBB2_6:
0x1c9: {  	s25 =	sadd.s32 $0xC31E, s21  }
0x1ca: {  	[sflag:s7] =	ssyncadd.s32 $0xFFFFE700;
	s28 =	smov.u32 s23;
	s19 =	sadd.s32 $0x64, s23  }
0x1cb: {  	[tilespmem:s16], [sflag:$0x3] =	stream.linear.gather [hbm4b:s25+s3], $0x190, $0x38;
	[tilespmem:$0x1D7B0] =	vst v63  }
0x1cc: {  	p1 =	sne.s32 s23, $0xFFFFFF9C;
	_ =	swait.ge [sflag:s7], $0x190  }
0x1cd: {  	s23 =	sadd.s32 s17, s14;
	s17 =	smov.u32 s28;
	[sflag:s7] =	ssyncset.done $0x0  }
0x1ce: {  	s25 =	sadd.s32 $0xC31E, s23;
	[sflag:s7] =	ssyncadd.s32 $0xFFFFFE70  }
0x1cf: {  	[tilespmem:s20], [sflag:$0x3] =	stream.linear.gather [hbm4b:s25+s3], $0x190, $0x38;
	[tilespmem:$0x1D7B0] =	vst v63  }
0x1d0: {  	_ =	swait.ge [sflag:s7], $0x190  }
0x1d1: {  	[sflag:s7] =	ssyncset.done $0x0  }
0x1d2: {  	[sflag:s7] =	ssyncadd.s32 $0xFFFFFE70  }
0x1d3: {  	[tilespmem:s24], [sflag:$0x2] =	stream.indirect.gather [hbm4b:s6+s10], $0x10, s16, s10, $0xb8;
	[tilespmem:$0x1D7B0] =	vst v63  }
0x1d4: {  	_ =	swait.ge [sflag:s29], $0x1900  }
0x1d5: {  	[sflag:s29] =	ssyncset.done $0x0  }
0x1d6: {  	[sflag:s29] =	ssyncadd.s32 $0xFFFFE700  }
0x1d7: {  	[spmem:s2] =	stream.indirect.scatter.add.f32 [tilespmem:s12], [sflag:$0x3], $0x10, s10, s10, $0xb8;
	[tilespmem:$0x1D7B0] =	vst v63  }
0x1d8: {  	_ =	swait.ge [sflag:s7], $0x1900  }
0x1d9: {  	[sflag:s7] =	ssyncset.done $0x0  }
0x1da: {  	s21 =	sadd.s32 $0xC350, s21;
	[sflag:s7] =	ssyncadd.s32 $0xFFFFE700  }
0x1db: {  	[tilespmem:s3], [sflag:$0x3] =	stream.linear.gather [hbm4b:s21+s3], $0x190, $0x38;
	[tilespmem:$0x1D7B0] =	vst v63  }
0x1dc: {  	_ =	swait.ge [sflag:s7], $0x190  }
0x1dd: {  	[sflag:s7] =	ssyncset.done $0x0  }
0x1de: {  	s21 =	sadd.s32 $0xC350, s23;
	[sflag:s7] =	ssyncadd.s32 $0xFFFFFE70  }
0x1df: {  	[tilespmem:s10], [sflag:$0x3] =	stream.linear.gather [hbm4b:s21+s3], $0x190, $0x38;
	[tilespmem:$0x1D7B0] =	vst v63  }
0x1e0: {  	_ =	swait.ge [sflag:s7], $0x190  }
0x1e1: {  	[sflag:s7] =	ssyncset.done $0x0  }
0x1e2: {  	[sflag:s7] =	ssyncadd.s32 $0xFFFFFE70  }
0x1e3: {  	[tilespmem:s12], [sflag:$0x1] =	stream.indirect.gather [hbm4b:s6+s10], $0x10, s3, s10, $0xb8;
	[tilespmem:$0x1D7B0] =	vst v63  }
0x1e4: {  	_ =	swait.ge [sflag:s31], $0x1900  }
.Ltmp5:
0x1e5: {  	[sflag:s31] =	ssyncset.done $0x0;
	(pc) =	sbr.rel @p1 .LBB2_6-.Ltmp5, $4  }
0x1e6: {  	[sflag:s31] =	ssyncadd.s32 $0xFFFFE700  }
0x1e7: {  	[spmem:s2] =	stream.indirect.scatter.add.f32 [tilespmem:s24], [sflag:$0x3], $0x10, s20, s10, $0xb8;
	[tilespmem:$0x1D7B0] =	vst v63  }
0x1e8: {  	_ =	swait.ge [sflag:s7], $0x1900  }
0x1e9: {  	s23 =	smov.u32 s19;
	s21 =	sadd.s32 s17, s15;
	[sflag:s7] =	ssyncset.done $0x0  }
.Ltmp6:
0x1ea: {  	_ = 	snop;
	(pc) =	sbr.rel .LBB2_7-.Ltmp6, $1  }
0x1eb: {  	_ =	sdelay $0x3  }
.LBB2_9:
0x1ec: {  	_ =	sfence.sel $0x180000  }
0x1ed: {  	[bflag:$0x0] =	sbarrier.arrive $0xFFFF  }
0x1ee: {  	_ =	strace $0x9000004D  }
0x1ef: {  	s0 =	stileid.u32;
	[bflag:$0x2] =	sbarrier.arrive $0xFFFF  }
0x1f0: {  	p0 =	sne.s32 s0, $0x0;
	s0 =	rddreg [dreg:$0x3]  }
0x1f1: {  	s0 =	sadd.s32 @!p0 $0x100000, s0  }
0x1f2: {  	[sflag:s0] =	ssyncadd.tile.s32 @!p0 $0x1;
	_ =	shalt  }
.Lfunc_end2:
_tile_overlayer_lowered:
.L_overlay_start_2:
0x1f3: {  	(tag) =	ssettag $0x2  }
0x1f4: {  	s0 =	rddreg [dreg:$0x0];
	s2 =	stileid.u32  }
0x1f5: {  	s1 =	rddreg [dreg:$0x1];
	p0 =	sne.s32 s2, $0x0  }
0x1f6: {  	s3 =	rddreg [dreg:$0x2];
	[bflag:$0x3] =	sbarrier.arrive $0xFFFF;
	s2 =	simm.s32 @!p0 $0x1C03  }
0x1f7: {  	[timem:s3], [sflag:s2] =	dma.local @!p0 [hbm:s0], s1  }
0x1f8: {  	s0 =	simm.s32 @!p0 $0x3  }
0x1f9: {  	_ =	swait.ge @!p0 [sflag:s0], s1  }
0x1fa: {  	s1 =	ssub.s32 @!p0 $0x0, s1;
	[sflag:s0] =	ssyncset.done @!p0 $0x0  }
0x1fb: {  	[sflag:s0] =	ssyncadd.s32 @!p0 s1  }
0x1fc: {  	[bflag:$0x3] =	sbarrier.arrive $0xFFFF  }
0x1fd: {  	_ =	shalt  }

// kernel: kernel.9.cloned.1.call-start
scs
__scs_entry_jumppad:
0x0: {  	(pc) =	sbr.rel $0x88, $3  }
0x1: {  	(tag) =	ssettag $0x0;
	lr =	simm.s32 $0x1  }
0x2: {  	[smem:$0x3F8D] =	sst lr;
	_ =	strace $0xD0000000  }
0x3: {  	_ = 	snop  }
0x4: {  	_ = 	snop  }
0x5: {  	_ = 	snop  }
0x6: {  	_ = 	snop  }
0x7: {  	_ = 	snop  }
__scs_overlays_trampoline_lowered:
0x8: {  	[smem:$0x3F9C] =	sst s0  }
0x9: {  	[smem:$0x3F9D] =	sst s1  }
0xa: {  	[smem:$0x3F9E] =	sst s2  }
0xb: {  	[smem:$0x3F9F] =	sst s3  }
0xc: {  	[smem:$0x3FA0] =	sst s4  }
0xd: {  	[smem:$0x3FA1] =	sst s5  }
0xe: {  	[smem:$0x3FA2] =	sst s6  }
0xf: {  	[smem:$0x3FA3] =	sst s7  }
0x10: {  	[smem:$0x3FA4] =	sst s8  }
0x11: {  	[smem:$0x3FA5] =	sst s9;
	s0 =	simm.s32 @!p0 $0x0  }
0x12: {  	s1 =	sld [smem:$0x3F8B];
	s0 =	simm.s32 @p0 $0x1  }
0x13: {  	[smem:$0x3FA6] =	sst s0;
	s0 =	simm.s32 @!p1 $0x0  }
0x14: {  	s2 =	sld [smem:$0x3F8A];
	s0 =	simm.s32 @p1 $0x1  }
0x15: {  	[smem:$0x3FA7] =	sst s0;
	s0 =	simm.s32 @!p2 $0x0  }
0x16: {  	s3 =	sld [smem:$0x3FDB];
	s0 =	simm.s32 @p2 $0x1  }
0x17: {  	s4 =	simm.s32 $0x1BF5;
	[smem:$0x3FA9] =	sst s0  }
0x18: {  	s0 =	sld [smem:$0x3F8C];
	_ =	swait.ge [sflag:s4], $0x0  }
0x19: {  	s7 =	sld [smem:$0x3F8D]  }
0x1a: {  	s8 =	sadd.s32 $0xFFFFE003, lr  }
0x1b: {  	s9 =	sadd.s32 $0xFFFFFEF7, lr;
	s5 =	simm.s32 $0xFFFFFFFF;
	p2 =	slt.u32 s8, $0xFFFFF086  }
0x1c: {  	p1 =	slt.u32 s9, $0xF7A;
	s5 =	simm.s32 @!p2 $0x0  }
0x1d: {  	s5 =	simm.s32 @p1 $0x1;
	p0 =	seq.s32 s7, s2  }
0x1e: {  	s7 =	smul.u32 @!p0 $0xF7A, s2;
	p2 =	seq.s32 @!p0 s5, $0x0  }
0x1f: {  	s9 =	smul.u32 $0xF7A, s1;
	s8 =	simm.s32 @!p0 $0x1BF5;
	p2 =	por !p2, p0  }
0x20: {  	[sflag:s8] =	ssyncset.s32 @!p0 $0xFFFFF086;
	s6 =	sadd.s32 @!p0 s3, s7;
	s7 =	simm.s32 @!p0 $0x108  }
0x21: {  	s3 =	sadd.s32 s3, s9;
	s6 =	sadd.s32 @!p0 $0x88, s6;
	s7 =	simm.s32 @p2 $0x1082  }
0x22: {  	[simem:s7], [sflag:s8] =	dma.local @!p0 [hbm:s6], $0xF7A  }
0x23: {  	s9 =	sor.u32 $0xD0000000, s2;
	s6 =	simm.s32 $0x108;
	_ =	swait.ge @!p0 [sflag:s8], $0x0  }
0x24: {  	s3 =	sadd.s32 $0x88, s3;
	s6 =	simm.s32 @!p1 $0x1082;
	[sflag:s4] =	ssyncset.s32 $0xFFFFF086  }
0x25: {  	[simem:s6], [sflag:s4] =	dma.local [hbm:s3], $0xF7A  }
0x26: {  	[smem:$0x3F8D] =	sst s1;
	(tag) =	ssettag s2;
	_ =	strace s9  }
0x27: {  	s1 =	sld [smem:$0x3F9D]  }
0x28: {  	s2 =	sld [smem:$0x3F9E]  }
0x29: {  	s4 =	sld [smem:$0x3FA0]  }
0x2a: {  	p0 =	seq.s32 s5, $0x0;
	s5 =	sld [smem:$0x3FA1]  }
0x2b: {  	s6 =	sld [smem:$0x3FA2]  }
0x2c: {  	s7 =	sld [smem:$0x3FA3]  }
0x2d: {  	s3 =	simm.s32 $0x108;
	s8 =	sld [smem:$0x3FA4]  }
0x2e: {  	s3 =	simm.s32 @!p0 $0x1082;
	s9 =	sld [smem:$0x3FA5]  }
0x2f: {  	lr =	sadd.s32 s0, s3;
	s0 =	sld [smem:$0x3F9C]  }
0x30: {  	s3 =	sld [smem:$0x3F9F]  }
0x31: {  	[smem:$0x3FA8] =	sst s10  }
0x32: {  	s10 =	sld [smem:$0x3FA6];
	_ =	sdelay $0x3  }
0x33: {  	p0 =	seq.s32 s10, $0x1;
	s10 =	sld [smem:$0x3FA8];
	_ =	sdelay $0x3  }
0x34: {  	[smem:$0x3FA8] =	sst s10  }
0x35: {  	s10 =	sld [smem:$0x3FA7];
	_ =	sdelay $0x3  }
0x36: {  	p1 =	seq.s32 s10, $0x1;
	s10 =	sld [smem:$0x3FA8];
	_ =	sdelay $0x3  }
0x37: {  	[smem:$0x3FA8] =	sst s10  }
0x38: {  	s10 =	sld [smem:$0x3FA9]  }
0x39: {  	_ = 	snop;
	(pc) =	sbr.ind lr, $3  }
0x3a: {  	_ = 	snop  }
0x3b: {  	_ = 	snop  }
0x3c: {  	p2 =	seq.s32 s10, $0x1;
	s10 =	sld [smem:$0x3FA8]  }
0x3d: {  	_ =	shalt  }
0x3e: {  	_ =	shalt  }
0x3f: {  	_ =	shalt  }
0x40: {  	_ =	shalt  }
0x41: {  	_ =	shalt  }
0x42: {  	_ =	shalt  }
0x43: {  	_ =	shalt  }
0x44: {  	_ =	shalt  }
0x45: {  	_ =	shalt  }
0x46: {  	_ =	shalt  }
0x47: {  	_ =	shalt  }
0x48: {  	_ =	shalt  }
0x49: {  	_ =	shalt  }
0x4a: {  	_ =	shalt  }
0x4b: {  	_ =	shalt  }
0x4c: {  	_ =	shalt  }
0x4d: {  	_ =	shalt  }
0x4e: {  	_ =	shalt  }
0x4f: {  	_ =	shalt  }
0x50: {  	_ =	shalt  }
0x51: {  	_ =	shalt  }
0x52: {  	_ =	shalt  }
0x53: {  	_ =	shalt  }
0x54: {  	_ =	shalt  }
0x55: {  	_ =	shalt  }
0x56: {  	_ =	shalt  }
0x57: {  	_ =	shalt  }
0x58: {  	_ =	shalt  }
0x59: {  	_ =	shalt  }
0x5a: {  	_ =	shalt  }
0x5b: {  	_ =	shalt  }
0x5c: {  	_ =	shalt  }
0x5d: {  	_ =	shalt  }
0x5e: {  	_ =	shalt  }
0x5f: {  	_ =	shalt  }
0x60: {  	_ =	shalt  }
0x61: {  	_ =	shalt  }
0x62: {  	_ =	shalt  }
0x63: {  	_ =	shalt  }
0x64: {  	_ =	shalt  }
0x65: {  	_ =	shalt  }
0x66: {  	_ =	shalt  }
0x67: {  	_ =	shalt  }
0x68: {  	_ =	shalt  }
0x69: {  	_ =	shalt  }
0x6a: {  	_ =	shalt  }
0x6b: {  	_ =	shalt  }
0x6c: {  	_ =	shalt  }
0x6d: {  	_ =	shalt  }
0x6e: {  	_ =	shalt  }
0x6f: {  	_ =	shalt  }
0x70: {  	_ =	shalt  }
0x71: {  	_ =	shalt  }
0x72: {  	_ =	shalt  }
0x73: {  	_ =	shalt  }
0x74: {  	_ =	shalt  }
0x75: {  	_ =	shalt  }
0x76: {  	_ =	shalt  }
0x77: {  	_ =	shalt  }
0x78: {  	_ =	shalt  }
0x79: {  	_ =	shalt  }
0x7a: {  	_ =	shalt  }
0x7b: {  	_ =	shalt  }
0x7c: {  	_ =	shalt  }
0x7d: {  	_ =	shalt  }
0x7e: {  	_ =	shalt  }
0x7f: {  	_ =	shalt  }
0x80: {  	_ =	shalt  }
0x81: {  	_ =	shalt  }
0x82: {  	_ =	shalt  }
0x83: {  	_ =	shalt  }
0x84: {  	_ =	shalt  }
0x85: {  	_ =	shalt  }
0x86: {  	_ =	shalt  }
0x87: {  	_ =	shalt  }
.Lfunc_end0:
.L_simem_size_0:
called_computation_lowered:
.L_overlay_start_0:
0x88: {  	s2 =	sld [smem:$0x3FD9]  }
0x89: {  	s3 =	sld [smem:$0x3FFE];
	_ =	sdelay $0x1  }
0x8a: {  	s1 =	srdreg.scid  }
0x8b: {  	s0 =	sand.u32 $0x1, s1  }
0x8c: {  	s14 =	sshll.u32 s0, $0xA;
	s2 =	sadd.s32 s3, s2  }
0x8d: {  	s2 =	sadd.s32 s2, s14  }
0x8e: {  	[smem:$0x3FB4] =	sst s2  }
0x8f: {  	_ = 	snop  }
0x90: {  	s2 =	sld [smem:$0x3FD0];
	_ =	sdelay $0x2  }
0x91: {  	s15 =	simm.s32 $0xA;
	s4 =	simm.s32 $0x10  }
0x92: {  	[smem:s4], [sflag:s15] =	dma.local [hbm:s2], $0x1  }
0x93: {  	_ =	swait.eq [sflag:s15], $0x1  }
0x94: {  	[sflag:s15] =	ssyncset.done $0x0  }
0x95: {  	[sflag:s15] =	ssyncadd.s32 $0xFFFFFFFF  }
0x96: {  	s16 =	sld [smem:$0x14];
	(tm) =	ssettm $0x1  }
0x97: {  	s17 =	sld [smem:$0x3FFB];
	_ =	sdelay $0x3  }
0x98: {  	_ =	strace s17  }
0x99: {  	s3 =	sld [smem:$0x3FFC];
	_ =	sdelay $0x3  }
0x9a: {  	_ =	strace s3  }
0x9b: {  	s3 =	sld [smem:$0x3FFD];
	_ =	sdelay $0x3  }
0x9c: {  	_ =	strace s3  }
0x9d: {  	_ =	strace $0x8FFFFFFF  }
0x9e: {  	s18 =	sld [smem:$0x3FDB];
	_ =	sdelay $0x1  }
0x9f: {  	s19 =	simm.s32 $_scs_section_size  }
0xa0: {  	s5 =	simm.s32 $_size__tile_overlayer_lowered;
	s6 =	simm.s32 $_tile_overlayer_lowered  }
0xa1: {  	s22 =	simm.s32 $0x1BFF;
	s21 =	sshll.u32 s6, $0x1;
	s3 =	sadd.s32 s19, s18  }
0xa2: {  	s7 =	simm.s32 $0x0;
	s20 =	sshll.u32 s5, $0x1;
	s5 =	sadd.s32 s21, s3  }
0xa3: {  	[timem:s7], [sflag:s22] =	dma.local [hbm:s5], s20  }
0xa4: {  	_ =	swait.ge [sflag:s22], s20  }
0xa5: {  	s4 =	ssub.s32 $0x0, s20;
	[sflag:s22] =	ssyncset.done $0x0  }
0xa6: {  	[sflag:s22] =	ssyncadd.s32 s4;
	_ =	sdelay $0x1  }
0xa7: {  	s23 =	simm.s32 $0x1B8B  }
0xa8: {  	_ =	swait.ge [sflag:s23], $0x1  }
0xa9: {  	[sflag:s23] =	ssyncset.done $0x0  }
0xaa: {  	s25 =	simm.s32 $0x1B8E;
	s24 =	sld [smem:$0x3FFE];
	[sflag:s23] =	ssyncadd.s32 $0xFFFFFFFF  }
0xab: {  	s26 =	simm.s32 $execute0_lowered;
	[smem:$0x3FD2] =	sst s25  }
0xac: {  	s5 =	sshll.u32 s26, $0x1;
	_ =	strace $0x80000046;
	[dreg:$0x1] =	wrdreg $0xFFFFFFFF  }
0xad: {  	s28 =	simm.s32 $_size_execute0_lowered;
	s3 =	sadd.s32 s3, s5;
	[dreg:$0x0] =	wrdreg $0x0  }
0xae: {  	s5 =	sshll.u32 s28, $0x1;
	[dreg:$0x2] =	wrdreg s3  }
0xaf: {  	[dreg:$0x3] =	wrdreg s5  }
0xb0: {  	[dreg:$0x4] =	wrdreg $0xC0  }
0xb1: {  	_ =	task [dreg:s7], $0x5FFFF  }
0xb2: {  	[dreg:$0x1] =	wrdreg $0xFFFFFFFF  }
0xb3: {  	[dreg:$0x0] =	wrdreg $0x60  }
0xb4: {  	[dreg:$0x2] =	wrdreg s24  }
0xb5: {  	[dreg:$0x3] =	wrdreg s16  }
0xb6: {  	[dreg:$0x4] =	wrdreg $0x28100  }
0xb7: {  	[dreg:$0x5] =	wrdreg $0x9  }
0xb8: {  	_ =	task.clear_ibuf [dreg:s7], $0x6FFFF;
	_ =	strace $0x90000046  }
0xb9: {  	s29 =	simm.s32 $0x9;
	_ =	strace $0x80000048  }
0xba: {  	_ =	swait.ge [sflag:s29], $0x1  }
0xbb: {  	[sflag:s29] =	ssyncadd.s32 $0xFFFFFFFF  }
0xbc: {  	_ =	strace $0x90000048  }
0xbd: {  	_ =	sfence  }
0xbe: {  	s30 =	sld [smem:$0x0];
	_ =	sdelay $0x2  }
0xbf: {  	s31 =	sshll.u32 s1, $0xD;
	s1 =	sshrl.u32 s1, $0x2  }
0xc0: {  	s3 =	sand.u32 $0x4000, s31;
	s1 =	sadd.s32 s1, s30  }
0xc1: {  	s0 =	sor.u32 s3, s0;
	s1 =	sshll.u32 s1, $0x11  }
0xc2: {  	s0 =	sor.u32 s1, s0  }
0xc3: {  	s0 =	sadd.s32 $0x8F2B, s0  }
0xc4: {  	[sflag:s0] =	ssyncadd.remote.s32 $0x1  }
0xc5: {  	_ =	sfence.sel $0xFFFF  }
0xc6: {  	[dreg:$0x0] =	wrdreg $0xFFFFFFFF;
	(pc) =	sbr.abs _section_cstart, $3  }
0xc7: {  	[dreg:$0x1] =	wrdreg $0xFFFFFFFF  }
0xc8: {  	_ =	task.clear_ibuf [dreg:s7], $0x2FFFF;
	_ =	strace $0x9FFFFFFF  }
0xc9: {  	(tm) =	ssettm $0x7FFFFFFF  }
tec
execute0_lowered:
.L_overlay_start_1:
0x0: {  	(tag) =	ssettag $0x1  }
0x1: {  	s5 =	rddreg [dreg:$0x0]  }
0x2: {  	s2 =	rddreg [dreg:$0x1];
	s0 =	srdreg.scid  }
0x3: {  	s3 =	rddreg [dreg:$0x2];
	s1 =	stileid.u32;
	s4 =	simm.s32 $0x0  }
0x4: {  	s6 =	sand.u32 $0x1, s0;
	s0 =	rddreg [dreg:$0x3];
	s8 =	smul.u32 $0x30D40, s1  }
0x5: {  	s13 =	simm.s32 $0x0;
	[smem:$0x7FF] =	sst s4;
	s9 =	smul.u32 $0x1870, s1  }
0x6: {  	s7 =	smul.u32 $0x30D400, s6;
	_ =	strace $0x80000047;
	s30 =	ssub.s32 $0x2, s6  }
0x7: {  	p0 =	seq.s32 s6, $0x1;
	s10 =	sshrl.u32 s9, $0x3;
	s11 =	sshrl.u32 s30, $0x1  }
0x8: {  	s6 =	sadd.s32 s9, s3;
	s7 =	sadd.s32 s8, s7;
	s10 =	sadd.s32 s10, s5  }
0x9: {  	s31 =	ssub.s32 s30, s11;
	s8 =	simm.s32 $0x192600;
	s7 =	sshrl.u32 s7, $0x3  }
0xa: {  	s11 =	simm.s32 $0x1;
	s8 =	simm.s32 @!p0 $0x18F400;
	s12 =	sadd.s32 s7, s5  }
0xb: {  	s5 =	sadd.s32 $0x18C200, s10;
	s7 =	smax.u32 s31, $0x1;
	s8 =	sadd.s32 s8, s10  }
0xc: {  	s10 =	simm.s32 $0xFA0;
	s9 =	sadd.s32 $0x5600, s12;
	s12 =	simm.s32 $0x7D0  }
.LBB2_1:
0xd: {  	[tilespmem:s10], [sflag:$0x1] =	stream.linear.gather [hbm4b:s5+s4], $0x1870, $0x38;
	[tilespmem:$0x4080] =	vst v63  }
0xe: {  	_ =	swait.ge [sflag:s11], $0x1870  }
0xf: {  	[sflag:s11] =	ssyncset.done $0x0  }
0x10: {  	[sflag:s11] =	ssyncadd.s32 $0xFFFFE790  }
0x11: {  	[spmem:s6] =	stream.linear.scatter [tilespmem:s10], [sflag:$0x1], $0x1870, $0x38;
	[tilespmem:$0x4080] =	vst v63  }
0x12: {  	_ =	swait.ge [sflag:s11], $0x1870  }
0x13: {  	[sflag:s11] =	ssyncset.done $0x0  }
0x14: {  	[sflag:s11] =	ssyncadd.s32 $0xFFFFE790  }
0x15: {  	[tilespmem:s12], [sflag:$0x1] =	stream.linear.gather [hbm4b:s2+s4], $0x7D0, $0x38;
	[tilespmem:$0x4080] =	vst v63  }
0x16: {  	_ =	swait.ge [sflag:s11], $0x7D0  }
0x17: {  	[sflag:s11] =	ssyncset.done $0x0  }
0x18: {  	[sflag:s11] =	ssyncadd.s32 $0xFFFFF830  }
0x19: {  	s14 =	sadd.s32 $0x0, s9;
	[bflag:$0x0] =	sbarrier.arrive $0xFFFF  }
0x1a: {  	[tilespmem:s4], [sflag:$0x1] =	stream.linear.gather [hbm4b:s14+s4], $0x7D0, $0x38;
	[tilespmem:$0x4080] =	vst v63  }
0x1b: {  	_ =	swait.ge [sflag:s11], $0x7D0  }
0x1c: {  	[sflag:s11] =	ssyncset.done $0x0  }
0x1d: {  	[sflag:s11] =	ssyncadd.s32 $0xFFFFF830  }
0x1e: {  	[spmem:s3] =	stream.indirect.scatter.add.f32 [tilespmem:s12], [sflag:$0x1], $0x1, s4, s12, $0xb8;
	[tilespmem:$0x4080] =	vst v63  }
0x1f: {  	_ =	swait.ge [sflag:s11], $0x7D0  }
0x20: {  	s15 =	simm.s32 $0x1F4;
	s14 =	simm.s32 $0xFA;
	[sflag:s11] =	ssyncset.done $0x0  }
.LBB2_2:
0x21: {  	s16 =	sadd.s32 s14, s9  }
0x22: {  	[sflag:s11] =	ssyncadd.s32 $0xFFFFF830;
	s14 =	smov.u32 s15;
	s17 =	sadd.s32 $0xFA, s15  }
0x23: {  	[tilespmem:s4], [sflag:$0x1] =	stream.linear.gather [hbm4b:s16+s4], $0x7D0, $0x38;
	[tilespmem:$0x4080] =	vst v63  }
0x24: {  	p0 =	sne.s32 s15, $0x60AE;
	_ =	swait.ge [sflag:s11], $0x7D0  }
.Ltmp0:
0x25: {  	[sflag:s11] =	ssyncset.done $0x0;
	(pc) =	sbr.rel @p0 .LBB2_2-.Ltmp0, $4  }
0x26: {  	[sflag:s11] =	ssyncadd.s32 $0xFFFFF830  }
0x27: {  	[spmem:s3] =	stream.indirect.scatter.add.f32 [tilespmem:s12], [sflag:$0x1], $0x1, s4, s12, $0xb8;
	[tilespmem:$0x4080] =	vst v63  }
0x28: {  	_ =	swait.ge [sflag:s11], $0x7D0  }
0x29: {  	s15 =	smov.u32 s17;
	[sflag:s11] =	ssyncset.done $0x0  }
0x2a: {  	s14 =	sadd.s32 s14, s9;
	[sflag:s11] =	ssyncadd.s32 $0xFFFFF830  }
0x2b: {  	[tilespmem:s4], [sflag:$0x1] =	stream.linear.gather [hbm4b:s14+s4], $0x7D0, $0x38;
	[tilespmem:$0x4080] =	vst v63  }
0x2c: {  	_ =	swait.ge [sflag:s11], $0x7D0  }
0x2d: {  	[sflag:s11] =	ssyncset.done $0x0  }
0x2e: {  	[sflag:s11] =	ssyncadd.s32 $0xFFFFF830  }
0x2f: {  	[spmem:s3] =	stream.indirect.scatter.add.f32 [tilespmem:s12], [sflag:$0x1], $0x1, s4, s12, $0xb8;
	[tilespmem:$0x4080] =	vst v63  }
0x30: {  	_ =	swait.ge [sflag:s11], $0x7D0  }
0x31: {  	[sflag:s11] =	ssyncset.done $0x0  }
0x32: {  	[sflag:s11] =	ssyncadd.s32 $0xFFFFF830  }
0x33: {  	[bflag:$0x0] =	sbarrier.arrive $0xFFFF  }
0x34: {  	[tilespmem:s10], [sflag:$0x1] =	stream.linear.gather [spmem:s6], $0x1870, $0x38;
	[tilespmem:$0x4080] =	vst v63  }
0x35: {  	s13 =	sadd.s32 $0x1, s13;
	_ =	swait.ge [sflag:s11], $0x1870  }
0x36: {  	p0 =	sne.s32 s13, s7;
	[sflag:s11] =	ssyncset.done $0x0  }
.Ltmp1:
0x37: {  	[sflag:s11] =	ssyncadd.s32 $0xFFFFE790;
	(pc) =	sbr.rel @p0 .LBB2_1-.Ltmp1, $4  }
0x38: {  	[hbm4b:s8+s4] =	stream.linear.scatter [tilespmem:s10], [sflag:$0x1], $0x1870, $0x38;
	[tilespmem:$0x4080] =	vst v63  }
0x39: {  	_ =	swait.ge [sflag:s11], $0x1870  }
0x3a: {  	[sflag:s11] =	ssyncset.done $0x0  }
0x3b: {  	[sflag:s11] =	ssyncadd.s32 $0xFFFFE790  }
0x3c: {  	_ =	sfence.sel $0x180000  }
0x3d: {  	[bflag:$0x0] =	sbarrier.arrive $0xFFFF  }
0x3e: {  	p0 =	sne.s32 s1, $0x0;
	_ =	strace $0x90000047  }
0x3f: {  	s0 =	sadd.s32 @!p0 $0x100000, s0;
	[bflag:$0x2] =	sbarrier.arrive $0xFFFF  }
0x40: {  	[sflag:s0] =	ssyncadd.tile.s32 @!p0 $0x1;
	_ =	shalt  }
.Lfunc_end2:
_tile_overlayer_lowered:
.L_overlay_start_2:
0x41: {  	(tag) =	ssettag $0x2  }
0x42: {  	s0 =	rddreg [dreg:$0x0];
	s2 =	stileid.u32  }
0x43: {  	s1 =	rddreg [dreg:$0x1];
	p0 =	sne.s32 s2, $0x0  }
0x44: {  	s3 =	rddreg [dreg:$0x2];
	[bflag:$0x3] =	sbarrier.arrive $0xFFFF;
	s2 =	simm.s32 @!p0 $0x1C01  }
0x45: {  	[timem:s3], [sflag:s2] =	dma.local @!p0 [hbm:s0], s1  }
0x46: {  	s0 =	simm.s32 @!p0 $0x1  }
0x47: {  	_ =	swait.ge @!p0 [sflag:s0], s1  }
0x48: {  	s1 =	ssub.s32 @!p0 $0x0, s1;
	[sflag:s0] =	ssyncset.done @!p0 $0x0  }
0x49: {  	[sflag:s0] =	ssyncadd.s32 @!p0 s1  }
0x4a: {  	[bflag:$0x3] =	sbarrier.arrive $0xFFFF  }
0x4b: {  	_ =	shalt  }

</sc_bundles>
